<compile_context>
chip_gen: v7x
topology: tpu7x:2x2x1
jax: 0.10.2.dev20260603
libtpu: 0.0.44.dev20260713+nightly
codegen_flags: <defaults>
</compile_context>

<pallas_src>
import jax
import jax.numpy as jnp
from jax import lax
from jax.experimental import pallas as pl
from jax.experimental.pallas import tpu as pltpu
from jax.experimental.pallas import tpu_sc as plsc

_B = 16384
_D = 32
_NC, _NS = 2, 16
_NW = _NC * _NS
_BPW = _B // _NW
_NT = 8


def _sc_gather(idx, tables):
    mesh = plsc.VectorSubcoreMesh(core_axis_name="c", subcore_axis_name="s")

    def body(idx_hbm, t0, t1, t2, t3, t4, t5, t6, t7, out_hbm, idx_v,
             rows_v, sem):
        tabs = (t0, t1, t2, t3, t4, t5, t6, t7)
        wid = lax.axis_index("s") * _NC + lax.axis_index("c")
        pltpu.sync_copy(idx_hbm.at[wid], idx_v)
        for t in range(_NT):

            def grp(g, carry, t=t):
                base = g * 16
                v = idx_v[t, pl.ds(base, 16)]
                if t == 0 or t >= 4:
                    for k in range(16):
                        pltpu.async_copy(tabs[t].at[pl.ds(v[k], 1)],
                                         rows_v.at[pl.ds(base + k, 1)], sem)
                else:
                    tiv = lax.shift_right_logical(v, 3)
                    siv = lax.bitwise_and(v, 7)
                    for k in range(16):
                        pltpu.async_copy(tabs[t].at[tiv[k], siv[k]],
                                         rows_v.at[base + k], sem)
                return carry

            lax.fori_loop(0, _BPW // 16, grp, 0)
            pltpu.make_async_copy(out_hbm.at[t, wid], rows_v, sem).wait()
            pltpu.sync_copy(rows_v, out_hbm.at[t, wid])

    f = pl.kernel(
        body,
        out_type=jax.ShapeDtypeStruct((_NT, _NW, _BPW, _D), jnp.float32),
        mesh=mesh,
        scratch_types=[
            pltpu.VMEM((_NT, _BPW), jnp.int32),
            pltpu.VMEM((_BPW, _D), jnp.float32),
            pltpu.SemaphoreType.DMA,
        ],
    )
    return f(idx, *tables)


def _mlp_body(parts_ref, feat_ref, cl_ref, w1_ref, b1_ref, w2_ref, b2_ref,
              w3_ref, b3_ref, wf_ref, bf_ref, out_ref):
    p = parts_ref[...]
    cl = cl_ref[...]
    w1 = w1_ref[...]
    gmf = p[0] * p[1]

    acc = jnp.dot(p[2], w1[0:32], preferred_element_type=jnp.float32)
    acc += jnp.dot(p[3], w1[32:64], preferred_element_type=jnp.float32)
    acc += jnp.dot(p[4], w1[64:96], preferred_element_type=jnp.float32)
    for j in range(3):
        m = (cl[:, j:j + 1] != 0).astype(jnp.float32)
        acc += jnp.dot(p[5 + j] * m, w1[96 + 32 * j:128 + 32 * j],
                       preferred_element_type=jnp.float32)
    acc += jnp.dot(feat_ref[...], w1[192:194],
                   preferred_element_type=jnp.float32)
    h = jnp.maximum(acc + b1_ref[...], 0.0)
    h = jnp.maximum(
        jnp.dot(h, w2_ref[...], preferred_element_type=jnp.float32)
        + b2_ref[...], 0.0)
    h = jnp.maximum(
        jnp.dot(h, w3_ref[...], preferred_element_type=jnp.float32)
        + b3_ref[...], 0.0)
    wf = wf_ref[...]
    z = (jnp.dot(gmf, wf[0:32], preferred_element_type=jnp.float32)
         + jnp.dot(h, wf[32:64], preferred_element_type=jnp.float32)
         + bf_ref[...])
    out_ref[...] = 1.0 / (1.0 + jnp.exp(-z))


def _tc_mlp(parts, features, cat_levels, w1, b1, w2, b2, w3, b3, wf, bf):
    bs = 2048
    return pl.pallas_call(
        _mlp_body,
        grid=(_B // bs,),
        in_specs=[
            pl.BlockSpec((_NT, bs, _D), lambda i: (0, i, 0)),
            pl.BlockSpec((bs, 2), lambda i: (i, 0)),
            pl.BlockSpec((bs, 3), lambda i: (i, 0)),
            pl.BlockSpec((194, 128), lambda i: (0, 0)),
            pl.BlockSpec((128,), lambda i: (0,)),
            pl.BlockSpec((128, 64), lambda i: (0, 0)),
            pl.BlockSpec((64,), lambda i: (0,)),
            pl.BlockSpec((64, 32), lambda i: (0, 0)),
            pl.BlockSpec((32,), lambda i: (0,)),
            pl.BlockSpec((64, 1), lambda i: (0, 0)),
            pl.BlockSpec((1,), lambda i: (0,)),
        ],
        out_specs=pl.BlockSpec((bs, 1), lambda i: (i, 0)),
        out_shape=jax.ShapeDtypeStruct((_B, 1), jnp.float32),
    )(parts, features, cat_levels, w1, b1, w2, b2, w3, b3, wf, bf)


def kernel(customer, product, seller, features, cat_levels, cust_gmf,
           prod_gmf, cust_mlp, prod_mlp, seller_mlp, cat0, cat1, cat2, W1, b1,
           W2, b2, W3, b3, Wf, bf):
    idx8 = jnp.stack([
        customer, product, customer, product, seller,
        cat_levels[:, 0], cat_levels[:, 1], cat_levels[:, 2]
    ]).astype(jnp.int32)
    idx = idx8.reshape(_NT, _NW, _BPW).transpose(1, 0, 2)
    tabs = [cust_gmf, prod_gmf, cust_mlp, prod_mlp, seller_mlp, cat0, cat1,
            cat2]
    tabs3 = [tabs[0]] + [t.reshape(t.shape[0] // 8, 8, _D)
                         for t in tabs[1:4]] + tabs[4:]
    parts = _sc_gather(idx, tabs3)
    parts = parts.reshape(_NT, _B, _D)
    out = _tc_mlp(parts, features, cat_levels.astype(jnp.int32), W1, b1, W2,
                  b2, W3, b3, Wf, bf)
    return out.reshape(_B)

# --- scband reference (transcript-rebuilt; emitter-appended) ---
"""Pipeline reference for scband-neu-mf-19851338842118 (READ-ONLY COPY).

The authoritative reference and input builder live on the scoring server;
editing this copy changes nothing except your own understanding.
"""

import jax, jax.numpy as jnp
import numpy as np

NUM_CUSTOMERS = 1000000
NUM_PRODUCTS = 1000000
NUM_SELLERS = 100000
CAT_VOCABS = [1000, 10000, 100000]
EMBED = 32
B = 16384
NUM_FEAT = 2


def setup_inputs(seed: int = 0):
    key = jax.random.key(seed)
    ks = jax.random.split(key, 24)
    inp = {}
    inp['customer'] = jax.random.randint(ks[0], (B,), 0, NUM_CUSTOMERS)
    inp['product'] = jax.random.randint(ks[1], (B,), 0, NUM_PRODUCTS)
    inp['seller'] = jax.random.randint(ks[2], (B,), 0, NUM_SELLERS)
    inp['features'] = jax.random.normal(ks[3], (B, NUM_FEAT), dtype=jnp.float32)
    inp['cat_levels'] = jax.random.randint(ks[4], (B, 3), 0, 1000)
    def emb(k, n):
        return jax.random.normal(k, (n, EMBED), dtype=jnp.float32) * 0.01
    inp['cust_gmf'] = emb(ks[5], NUM_CUSTOMERS)
    inp['prod_gmf'] = emb(ks[6], NUM_PRODUCTS)
    inp['cust_mlp'] = emb(ks[7], NUM_CUSTOMERS)
    inp['prod_mlp'] = emb(ks[8], NUM_PRODUCTS)
    inp['seller_mlp'] = emb(ks[9], NUM_SELLERS)
    inp['cat0'] = emb(ks[10], CAT_VOCABS[0])
    inp['cat1'] = emb(ks[11], CAT_VOCABS[1])
    inp['cat2'] = emb(ks[12], CAT_VOCABS[2])
    d_in = EMBED * 6 + NUM_FEAT
    inp['W1'] = jax.random.normal(ks[13], (d_in, 128), dtype=jnp.float32) * 0.05
    inp['b1'] = jnp.zeros((128,), dtype=jnp.float32)
    inp['W2'] = jax.random.normal(ks[14], (128, 64), dtype=jnp.float32) * 0.05
    inp['b2'] = jnp.zeros((64,), dtype=jnp.float32)
    inp['W3'] = jax.random.normal(ks[15], (64, 32), dtype=jnp.float32) * 0.05
    inp['b3'] = jnp.zeros((32,), dtype=jnp.float32)
    inp['Wf'] = jax.random.normal(ks[16], (EMBED + 32, 1), dtype=jnp.float32) * 0.05
    inp['bf'] = jnp.zeros((1,), dtype=jnp.float32)
    return inp


def reference(customer, product, seller, features, cat_levels, cust_gmf, prod_gmf, cust_mlp, prod_mlp, seller_mlp, cat0, cat1, cat2, W1, b1, W2, b2, W3, b3, Wf, bf):
    gmf = cust_gmf[customer] * prod_gmf[product]
    c0 = cat0.at[0].set(0.0)[cat_levels[:, 0]]
    c1 = cat1.at[0].set(0.0)[cat_levels[:, 1]]
    c2 = cat2.at[0].set(0.0)[cat_levels[:, 2]]
    mlp_in = jnp.concatenate([cust_mlp[customer], prod_mlp[product], seller_mlp[seller], c0, c1, c2, features], axis=1)
    h = jnp.maximum(mlp_in @ W1 + b1, 0.0)
    h = jnp.maximum(h @ W2 + b2, 0.0)
    h = jnp.maximum(h @ W3 + b3, 0.0)
    combined = jnp.concatenate([gmf, h], axis=1)
    out = jax.nn.sigmoid(combined @ Wf + bf)
    return out.squeeze()

if __name__ == "__main__":
    import jax
    _d = setup_inputs()
    print(jax.jit(kernel)(*tuple(_d.values())))

</pallas_src>

<mosaic_0001>
#map = affine_map<(d0, d1) -> (0, 0, 0)>
#map1 = affine_map<(d0, d1) -> (0, 0)>
#map2 = affine_map<(d0, d1) -> (0, 0, 0, 0)>
module attributes {stable_mosaic.version = 14 : i64} {
  func.func @body(%arg0: i32, %arg1: i32, %arg2: memref<32x8x512xi32, #tpu.memory_space<hbm>>, %arg3: memref<1000000x32xf32, #tpu.memory_space<hbm>>, %arg4: memref<125000x8x32xf32, #tpu.memory_space<hbm>>, %arg5: memref<125000x8x32xf32, #tpu.memory_space<hbm>>, %arg6: memref<125000x8x32xf32, #tpu.memory_space<hbm>>, %arg7: memref<100000x32xf32, #tpu.memory_space<hbm>>, %arg8: memref<1000x32xf32, #tpu.memory_space<hbm>>, %arg9: memref<10000x32xf32, #tpu.memory_space<hbm>>, %arg10: memref<100000x32xf32, #tpu.memory_space<hbm>>, %arg11: memref<8x32x512x32xf32, #tpu.memory_space<hbm>>, %arg12: memref<8x512xi32, #tpu.memory_space<vmem>>, %arg13: memref<512x32xf32, #tpu.memory_space<vmem>>, %arg14: memref<!tpu.dma_semaphore, #tpu.memory_space<semaphore_mem>>) attributes {dimension_semantics = [#tpu.dimension_semantics<core_parallel>, #tpu.dimension_semantics<subcore_parallel>], iteration_bounds = array<i64: 2, 16>, scalar_prefetch = 0 : i64, scratch_operands = 3 : i64, tpu.core_type = #tpu.core_type<sc_vector_subcore>, window_params = [{transform_indices = #map}, {transform_indices = #map1}, {transform_indices = #map}, {transform_indices = #map}, {transform_indices = #map}, {transform_indices = #map1}, {transform_indices = #map1}, {transform_indices = #map1}, {transform_indices = #map1}, {transform_indices = #map2}]} {
    %mul3A = arith.constant 2 : i32
    %mul3A_0 = arith.muli %arg1, %mul3A : i32
    %add3A = arith.addi %mul3A_0, %arg0 : i32
    "tpu.region"() ({
      %run_scoped3A_126 = tpu.sem_alloc : memref<!tpu.dma_semaphore, #tpu.memory_space<semaphore_mem>>
      %dma_start3A = arith.constant 0 : i32
      %dma_start3A_127 = arith.constant 0 : i32
      %dma_start3A_128 = tpu.memref_slice %arg2[%add3A, %dma_start3A, %dma_start3A_127] : memref<32x8x512xi32, #tpu.memory_space<hbm>> -> memref<1x8x512xi32, #tpu.memory_space<hbm>>
      %dma_start3A_129 = tpu.memref_squeeze %dma_start3A_128 : memref<1x8x512xi32, #tpu.memory_space<hbm>> -> memref<8x512xi32, #tpu.memory_space<hbm>>
      %dma_start3A_130 = arith.constant 0 : i32
      %dma_start3A_131 = arith.constant 0 : i32
      %dma_start3A_132 = tpu.memref_slice %arg2[%add3A, %dma_start3A_130, %dma_start3A_131] : memref<32x8x512xi32, #tpu.memory_space<hbm>> -> memref<1x8x512xi32, #tpu.memory_space<hbm>>
      %dma_start3A_133 = tpu.memref_squeeze %dma_start3A_132 : memref<1x8x512xi32, #tpu.memory_space<hbm>> -> memref<8x512xi32, #tpu.memory_space<hbm>>
      tpu.enqueue_dma source(%dma_start3A_133 : memref<8x512xi32, #tpu.memory_space<hbm>>) target(%arg12 : memref<8x512xi32, #tpu.memory_space<vmem>>) target_semaphore(%run_scoped3A_126 : memref<!tpu.dma_semaphore, #tpu.memory_space<semaphore_mem>>)
      %dma_wait3A_134 = arith.constant 0 : i32
      %dma_wait3A_135 = arith.constant 0 : i32
      %dma_wait3A_136 = tpu.memref_slice %arg2[%add3A, %dma_wait3A_134, %dma_wait3A_135] : memref<32x8x512xi32, #tpu.memory_space<hbm>> -> memref<1x8x512xi32, #tpu.memory_space<hbm>>
      %dma_wait3A_137 = tpu.memref_squeeze %dma_wait3A_136 : memref<1x8x512xi32, #tpu.memory_space<hbm>> -> memref<8x512xi32, #tpu.memory_space<hbm>>
      %dma_wait3A_138 = arith.constant 0 : i32
      %dma_wait3A_139 = arith.constant 0 : i32
      %dma_wait3A_140 = tpu.memref_slice %arg2[%add3A, %dma_wait3A_138, %dma_wait3A_139] : memref<32x8x512xi32, #tpu.memory_space<hbm>> -> memref<1x8x512xi32, #tpu.memory_space<hbm>>
      %dma_wait3A_141 = tpu.memref_squeeze %dma_wait3A_140 : memref<1x8x512xi32, #tpu.memory_space<hbm>> -> memref<8x512xi32, #tpu.memory_space<hbm>>
      tpu.wait_dma2 semaphore(%run_scoped3A_126 : memref<!tpu.dma_semaphore, #tpu.memory_space<semaphore_mem>>) src(%dma_wait3A_141 : memref<8x512xi32, #tpu.memory_space<hbm>>) dst(%arg12 : memref<8x512xi32, #tpu.memory_space<vmem>>)
      tpu.yield
    }) : () -> ()
    %scan3A = arith.constant 0 : i32
    %scan3A_1 = arith.constant 0 : i32
    %scan3A_2 = arith.constant 32 : i32
    %scan3A_3 = arith.addi %scan3A_1, %scan3A_2 : i32
    %scan3A_4 = arith.constant 1 : i32
    scf.for %scan3A_126 = %scan3A_1 to %scan3A_3 step %scan3A_4  : i32 {
      %mul3A_127 = arith.constant 16 : i32
      %mul3A_128 = arith.muli %scan3A_126, %mul3A_127 : i32
      %get3A = arith.constant 0 : i32
      %get3A_129 = arith.index_cast %get3A : i32 to index
      %get3A_130 = arith.index_cast %mul3A_128 : i32 to index
      %get3A_131 = tpu.vector_load %arg12[%get3A_129, %get3A_130] {strides = array<i32>} : memref<8x512xi32, #tpu.memory_space<vmem>>, vector<1x16xi32>,
      %get3A_132 = vector.shape_cast %get3A_131 : vector<1x16xi32> to vector<16xi32>
      %slice3A = vector.extract_strided_slice %get3A_132 {offsets = [0], sizes = [1], strides = [1]} : vector<16xi32> to vector<1xi32>
      %squeeze3A = vector.extract %slice3A[0] : i32 from vector<1xi32>
      %add3A_133 = arith.constant 0 : i32
      %add3A_134 = arith.addi %mul3A_128, %add3A_133 : i32
      %dma_start3A = arith.constant 0 : i32
      %dma_start3A_135 = tpu.memref_slice %arg13[%add3A_134, %dma_start3A] : memref<512x32xf32, #tpu.memory_space<vmem>> -> memref<1x32xf32, #tpu.memory_space<vmem>>
      %dma_start3A_136 = arith.constant 0 : i32
      %dma_start3A_137 = tpu.memref_slice %arg3[%squeeze3A, %dma_start3A_136] : memref<1000000x32xf32, #tpu.memory_space<hbm>> -> memref<1x32xf32, #tpu.memory_space<hbm>>
      %dma_start3A_138 = arith.constant 0 : i32
      %dma_start3A_139 = tpu.memref_slice %arg13[%add3A_134, %dma_start3A_138] : memref<512x32xf32, #tpu.memory_space<vmem>> -> memref<1x32xf32, #tpu.memory_space<vmem>>
      %dma_start3A_140 = arith.constant 0 : i32
      %dma_start3A_141 = tpu.memref_slice %arg3[%squeeze3A, %dma_start3A_140] : memref<1000000x32xf32, #tpu.memory_space<hbm>> -> memref<1x32xf32, #tpu.memory_space<hbm>>
      tpu.enqueue_dma source(%dma_start3A_141 : memref<1x32xf32, #tpu.memory_space<hbm>>) target(%dma_start3A_139 : memref<1x32xf32, #tpu.memory_space<vmem>>) target_semaphore(%arg14 : memref<!tpu.dma_semaphore, #tpu.memory_space<semaphore_mem>>)
      %slice3A_142 = vector.extract_strided_slice %get3A_132 {offsets = [1], sizes = [1], strides = [1]} : vector<16xi32> to vector<1xi32>
      %squeeze3A_143 = vector.extract %slice3A_142[0] : i32 from vector<1xi32>
      %add3A_144 = arith.constant 1 : i32
      %add3A_145 = arith.addi %mul3A_128, %add3A_144 : i32
      %dma_start3A_146 = arith.constant 0 : i32
      %dma_start3A_147 = tpu.memref_slice %arg13[%add3A_145, %dma_start3A_146] : memref<512x32xf32, #tpu.memory_space<vmem>> -> memref<1x32xf32, #tpu.memory_space<vmem>>
      %dma_start3A_148 = arith.constant 0 : i32
      %dma_start3A_149 = tpu.memref_slice %arg3[%squeeze3A_143, %dma_start3A_148] : memref<1000000x32xf32, #tpu.memory_space<hbm>> -> memref<1x32xf32, #tpu.memory_space<hbm>>
      %dma_start3A_150 = arith.constant 0 : i32
      %dma_start3A_151 = tpu.memref_slice %arg13[%add3A_145, %dma_start3A_150] : memref<512x32xf32, #tpu.memory_space<vmem>> -> memref<1x32xf32, #tpu.memory_space<vmem>>
      %dma_start3A_152 = arith.constant 0 : i32
      %dma_start3A_153 = tpu.memref_slice %arg3[%squeeze3A_143, %dma_start3A_152] : memref<1000000x32xf32, #tpu.memory_space<hbm>> -> memref<1x32xf32, #tpu.memory_space<hbm>>
      tpu.enqueue_dma source(%dma_start3A_153 : memref<1x32xf32, #tpu.memory_space<hbm>>) target(%dma_start3A_151 : memref<1x32xf32, #tpu.memory_space<vmem>>) target_semaphore(%arg14 : memref<!tpu.dma_semaphore, #tpu.memory_space<semaphore_mem>>)
      %slice3A_154 = vector.extract_strided_slice %get3A_132 {offsets = [2], sizes = [1], strides = [1]} : vector<16xi32> to vector<1xi32>
      %squeeze3A_155 = vector.extract %slice3A_154[0] : i32 from vector<1xi32>
      %add3A_156 = arith.constant 2 : i32
      %add3A_157 = arith.addi %mul3A_128, %add3A_156 : i32
      %dma_start3A_158 = arith.constant 0 : i32
      %dma_start3A_159 = tpu.memref_slice %arg13[%add3A_157, %dma_start3A_158] : memref<512x32xf32, #tpu.memory_space<vmem>> -> memref<1x32xf32, #tpu.memory_space<vmem>>
      %dma_start3A_160 = arith.constant 0 : i32
      %dma_start3A_161 = tpu.memref_slice %arg3[%squeeze3A_155, %dma_start3A_160] : memref<1000000x32xf32, #tpu.memory_space<hbm>> -> memref<1x32xf32, #tpu.memory_space<hbm>>
      %dma_start3A_162 = arith.constant 0 : i32
      %dma_start3A_163 = tpu.memref_slice %arg13[%add3A_157, %dma_start3A_162] : memref<512x32xf32, #tpu.memory_space<vmem>> -> memref<1x32xf32, #tpu.memory_space<vmem>>
      %dma_start3A_164 = arith.constant 0 : i32
      %dma_start3A_165 = tpu.memref_slice %arg3[%squeeze3A_155, %dma_start3A_164] : memref<1000000x32xf32, #tpu.memory_space<hbm>> -> memref<1x32xf32, #tpu.memory_space<hbm>>
      tpu.enqueue_dma source(%dma_start3A_165 : memref<1x32xf32, #tpu.memory_space<hbm>>) target(%dma_start3A_163 : memref<1x32xf32, #tpu.memory_space<vmem>>) target_semaphore(%arg14 : memref<!tpu.dma_semaphore, #tpu.memory_space<semaphore_mem>>)
      %slice3A_166 = vector.extract_strided_slice %get3A_132 {offsets = [3], sizes = [1], strides = [1]} : vector<16xi32> to vector<1xi32>
      %squeeze3A_167 = vector.extract %slice3A_166[0] : i32 from vector<1xi32>
      %add3A_168 = arith.constant 3 : i32
      %add3A_169 = arith.addi %mul3A_128, %add3A_168 : i32
      %dma_start3A_170 = arith.constant 0 : i32
      %dma_start3A_171 = tpu.memref_slice %arg13[%add3A_169, %dma_start3A_170] : memref<512x32xf32, #tpu.memory_space<vmem>> -> memref<1x32xf32, #tpu.memory_space<vmem>>
      %dma_start3A_172 = arith.constant 0 : i32
      %dma_start3A_173 = tpu.memref_slice %arg3[%squeeze3A_167, %dma_start3A_172] : memref<1000000x32xf32, #tpu.memory_space<hbm>> -> memref<1x32xf32, #tpu.memory_space<hbm>>
      %dma_start3A_174 = arith.constant 0 : i32
      %dma_start3A_175 = tpu.memref_slice %arg13[%add3A_169, %dma_start3A_174] : memref<512x32xf32, #tpu.memory_space<vmem>> -> memref<1x32xf32, #tpu.memory_space<vmem>>
      %dma_start3A_176 = arith.constant 0 : i32
      %dma_start3A_177 = tpu.memref_slice %arg3[%squeeze3A_167, %dma_start3A_176] : memref<1000000x32xf32, #tpu.memory_space<hbm>> -> memref<1x32xf32, #tpu.memory_space<hbm>>
      tpu.enqueue_dma source(%dma_start3A_177 : memref<1x32xf32, #tpu.memory_space<hbm>>) target(%dma_start3A_175 : memref<1x32xf32, #tpu.memory_space<vmem>>) target_semaphore(%arg14 : memref<!tpu.dma_semaphore, #tpu.memory_space<semaphore_mem>>)
      %slice3A_178 = vector.extract_strided_slice %get3A_132 {offsets = [4], sizes = [1], strides = [1]} : vector<16xi32> to vector<1xi32>
      %squeeze3A_179 = vector.extract %slice3A_178[0] : i32 from vector<1xi32>
      %add3A_180 = arith.constant 4 : i32
      %add3A_181 = arith.addi %mul3A_128, %add3A_180 : i32
      %dma_start3A_182 = arith.constant 0 : i32
      %dma_start3A_183 = tpu.memref_slice %arg13[%add3A_181, %dma_start3A_182] : memref<512x32xf32, #tpu.memory_space<vmem>> -> memref<1x32xf32, #tpu.memory_space<vmem>>
      %dma_start3A_184 = arith.constant 0 : i32
      %dma_start3A_185 = tpu.memref_slice %arg3[%squeeze3A_179, %dma_start3A_184] : memref<1000000x32xf32, #tpu.memory_space<hbm>> -> memref<1x32xf32, #tpu.memory_space<hbm>>
      %dma_start3A_186 = arith.constant 0 : i32
      %dma_start3A_187 = tpu.memref_slice %arg13[%add3A_181, %dma_start3A_186] : memref<512x32xf32, #tpu.memory_space<vmem>> -> memref<1x32xf32, #tpu.memory_space<vmem>>
      %dma_start3A_188 = arith.constant 0 : i32
      %dma_start3A_189 = tpu.memref_slice %arg3[%squeeze3A_179, %dma_start3A_188] : memref<1000000x32xf32, #tpu.memory_space<hbm>> -> memref<1x32xf32, #tpu.memory_space<hbm>>
      tpu.enqueue_dma source(%dma_start3A_189 : memref<1x32xf32, #tpu.memory_space<hbm>>) target(%dma_start3A_187 : memref<1x32xf32, #tpu.memory_space<vmem>>) target_semaphore(%arg14 : memref<!tpu.dma_semaphore, #tpu.memory_space<semaphore_mem>>)
      %slice3A_190 = vector.extract_strided_slice %get3A_132 {offsets = [5], sizes = [1], strides = [1]} : vector<16xi32> to vector<1xi32>
      %squeeze3A_191 = vector.extract %slice3A_190[0] : i32 from vector<1xi32>
      %add3A_192 = arith.constant 5 : i32
      %add3A_193 = arith.addi %mul3A_128, %add3A_192 : i32
      %dma_start3A_194 = arith.constant 0 : i32
      %dma_start3A_195 = tpu.memref_slice %arg13[%add3A_193, %dma_start3A_194] : memref<512x32xf32, #tpu.memory_space<vmem>> -> memref<1x32xf32, #tpu.memory_space<vmem>>
      %dma_start3A_196 = arith.constant 0 : i32
      %dma_start3A_197 = tpu.memref_slice %arg3[%squeeze3A_191, %dma_start3A_196] : memref<1000000x32xf32, #tpu.memory_space<hbm>> -> memref<1x32xf32, #tpu.memory_space<hbm>>
      %dma_start3A_198 = arith.constant 0 : i32
      %dma_start3A_199 = tpu.memref_slice %arg13[%add3A_193, %dma_start3A_198] : memref<512x32xf32, #tpu.memory_space<vmem>> -> memref<1x32xf32, #tpu.memory_space<vmem>>
      %dma_start3A_200 = arith.constant 0 : i32
      %dma_start3A_201 = tpu.memref_slice %arg3[%squeeze3A_191, %dma_start3A_200] : memref<1000000x32xf32, #tpu.memory_space<hbm>> -> memref<1x32xf32, #tpu.memory_space<hbm>>
      tpu.enqueue_dma source(%dma_start3A_201 : memref<1x32xf32, #tpu.memory_space<hbm>>) target(%dma_start3A_199 : memref<1x32xf32, #tpu.memory_space<vmem>>) target_semaphore(%arg14 : memref<!tpu.dma_semaphore, #tpu.memory_space<semaphore_mem>>)
      %slice3A_202 = vector.extract_strided_slice %get3A_132 {offsets = [6], sizes = [1], strides = [1]} : vector<16xi32> to vector<1xi32>
      %squeeze3A_203 = vector.extract %slice3A_202[0] : i32 from vector<1xi32>
      %add3A_204 = arith.constant 6 : i32
      %add3A_205 = arith.addi %mul3A_128, %add3A_204 : i32
      %dma_start3A_206 = arith.constant 0 : i32
      %dma_start3A_207 = tpu.memref_slice %arg13[%add3A_205, %dma_start3A_206] : memref<512x32xf32, #tpu.memory_space<vmem>> -> memref<1x32xf32, #tpu.memory_space<vmem>>
      %dma_start3A_208 = arith.constant 0 : i32
      %dma_start3A_209 = tpu.memref_slice %arg3[%squeeze3A_203, %dma_start3A_208] : memref<1000000x32xf32, #tpu.memory_space<hbm>> -> memref<1x32xf32, #tpu.memory_space<hbm>>
      %dma_start3A_210 = arith.constant 0 : i32
      %dma_start3A_211 = tpu.memref_slice %arg13[%add3A_205, %dma_start3A_210] : memref<512x32xf32, #tpu.memory_space<vmem>> -> memref<1x32xf32, #tpu.memory_space<vmem>>
      %dma_start3A_212 = arith.constant 0 : i32
      %dma_start3A_213 = tpu.memref_slice %arg3[%squeeze3A_203, %dma_start3A_212] : memref<1000000x32xf32, #tpu.memory_space<hbm>> -> memref<1x32xf32, #tpu.memory_space<hbm>>
      tpu.enqueue_dma source(%dma_start3A_213 : memref<1x32xf32, #tpu.memory_space<hbm>>) target(%dma_start3A_211 : memref<1x32xf32, #tpu.memory_space<vmem>>) target_semaphore(%arg14 : memref<!tpu.dma_semaphore, #tpu.memory_space<semaphore_mem>>)
      %slice3A_214 = vector.extract_strided_slice %get3A_132 {offsets = [7], sizes = [1], strides = [1]} : vector<16xi32> to vector<1xi32>
      %squeeze3A_215 = vector.extract %slice3A_214[0] : i32 from vector<1xi32>
      %add3A_216 = arith.constant 7 : i32
      %add3A_217 = arith.addi %mul3A_128, %add3A_216 : i32
      %dma_start3A_218 = arith.constant 0 : i32
      %dma_start3A_219 = tpu.memref_slice %arg13[%add3A_217, %dma_start3A_218] : memref<512x32xf32, #tpu.memory_space<vmem>> -> memref<1x32xf32, #tpu.memory_space<vmem>>
      %dma_start3A_220 = arith.constant 0 : i32
      %dma_start3A_221 = tpu.memref_slice %arg3[%squeeze3A_215, %dma_start3A_220] : memref<1000000x32xf32, #tpu.memory_space<hbm>> -> memref<1x32xf32, #tpu.memory_space<hbm>>
      %dma_start3A_222 = arith.constant 0 : i32
      %dma_start3A_223 = tpu.memref_slice %arg13[%add3A_217, %dma_start3A_222] : memref<512x32xf32, #tpu.memory_space<vmem>> -> memref<1x32xf32, #tpu.memory_space<vmem>>
      %dma_start3A_224 = arith.constant 0 : i32
      %dma_start3A_225 = tpu.memref_slice %arg3[%squeeze3A_215, %dma_start3A_224] : memref<1000000x32xf32, #tpu.memory_space<hbm>> -> memref<1x32xf32, #tpu.memory_space<hbm>>
      tpu.enqueue_dma source(%dma_start3A_225 : memref<1x32xf32, #tpu.memory_space<hbm>>) target(%dma_start3A_223 : memref<1x32xf32, #tpu.memory_space<vmem>>) target_semaphore(%arg14 : memref<!tpu.dma_semaphore, #tpu.memory_space<semaphore_mem>>)
      %slice3A_226 = vector.extract_strided_slice %get3A_132 {offsets = [8], sizes = [1], strides = [1]} : vector<16xi32> to vector<1xi32>
      %squeeze3A_227 = vector.extract %slice3A_226[0] : i32 from vector<1xi32>
      %add3A_228 = arith.constant 8 : i32
      %add3A_229 = arith.addi %mul3A_128, %add3A_228 : i32
      %dma_start3A_230 = arith.constant 0 : i32
      %dma_start3A_231 = tpu.memref_slice %arg13[%add3A_229, %dma_start3A_230] : memref<512x32xf32, #tpu.memory_space<vmem>> -> memref<1x32xf32, #tpu.memory_space<vmem>>
      %dma_start3A_232 = arith.constant 0 : i32
      %dma_start3A_233 = tpu.memref_slice %arg3[%squeeze3A_227, %dma_start3A_232] : memref<1000000x32xf32, #tpu.memory_space<hbm>> -> memref<1x32xf32, #tpu.memory_space<hbm>>
      %dma_start3A_234 = arith.constant 0 : i32
      %dma_start3A_235 = tpu.memref_slice %arg13[%add3A_229, %dma_start3A_234] : memref<512x32xf32, #tpu.memory_space<vmem>> -> memref<1x32xf32, #tpu.memory_space<vmem>>
      %dma_start3A_236 = arith.constant 0 : i32
      %dma_start3A_237 = tpu.memref_slice %arg3[%squeeze3A_227, %dma_start3A_236] : memref<1000000x32xf32, #tpu.memory_space<hbm>> -> memref<1x32xf32, #tpu.memory_space<hbm>>
      tpu.enqueue_dma source(%dma_start3A_237 : memref<1x32xf32, #tpu.memory_space<hbm>>) target(%dma_start3A_235 : memref<1x32xf32, #tpu.memory_space<vmem>>) target_semaphore(%arg14 : memref<!tpu.dma_semaphore, #tpu.memory_space<semaphore_mem>>)
      %slice3A_238 = vector.extract_strided_slice %get3A_132 {offsets = [9], sizes = [1], strides = [1]} : vector<16xi32> to vector<1xi32>
      %squeeze3A_239 = vector.extract %slice3A_238[0] : i32 from vector<1xi32>
      %add3A_240 = arith.constant 9 : i32
      %add3A_241 = arith.addi %mul3A_128, %add3A_240 : i32
      %dma_start3A_242 = arith.constant 0 : i32
      %dma_start3A_243 = tpu.memref_slice %arg13[%add3A_241, %dma_start3A_242] : memref<512x32xf32, #tpu.memory_space<vmem>> -> memref<1x32xf32, #tpu.memory_space<vmem>>
      %dma_start3A_244 = arith.constant 0 : i32
      %dma_start3A_245 = tpu.memref_slice %arg3[%squeeze3A_239, %dma_start3A_244] : memref<1000000x32xf32, #tpu.memory_space<hbm>> -> memref<1x32xf32, #tpu.memory_space<hbm>>
      %dma_start3A_246 = arith.constant 0 : i32
      %dma_start3A_247 = tpu.memref_slice %arg13[%add3A_241, %dma_start3A_246] : memref<512x32xf32, #tpu.memory_space<vmem>> -> memref<1x32xf32, #tpu.memory_space<vmem>>
      %dma_start3A_248 = arith.constant 0 : i32
      %dma_start3A_249 = tpu.memref_slice %arg3[%squeeze3A_239, %dma_start3A_248] : memref<1000000x32xf32, #tpu.memory_space<hbm>> -> memref<1x32xf32, #tpu.memory_space<hbm>>
      tpu.enqueue_dma source(%dma_start3A_249 : memref<1x32xf32, #tpu.memory_space<hbm>>) target(%dma_start3A_247 : memref<1x32xf32, #tpu.memory_space<vmem>>) target_semaphore(%arg14 : memref<!tpu.dma_semaphore, #tpu.memory_space<semaphore_mem>>)
      %slice3A_250 = vector.extract_strided_slice %get3A_132 {offsets = [10], sizes = [1], strides = [1]} : vector<16xi32> to vector<1xi32>
      %squeeze3A_251 = vector.extract %slice3A_250[0] : i32 from vector<1xi32>
      %add3A_252 = arith.constant 10 : i32
      %add3A_253 = arith.addi %mul3A_128, %add3A_252 : i32
      %dma_start3A_254 = arith.constant 0 : i32
      %dma_start3A_255 = tpu.memref_slice %arg13[%add3A_253, %dma_start3A_254] : memref<512x32xf32, #tpu.memory_space<vmem>> -> memref<1x32xf32, #tpu.memory_space<vmem>>
      %dma_start3A_256 = arith.constant 0 : i32
      %dma_start3A_257 = tpu.memref_slice %arg3[%squeeze3A_251, %dma_start3A_256] : memref<1000000x32xf32, #tpu.memory_space<hbm>> -> memref<1x32xf32, #tpu.memory_space<hbm>>
      %dma_start3A_258 = arith.constant 0 : i32
      %dma_start3A_259 = tpu.memref_slice %arg13[%add3A_253, %dma_start3A_258] : memref<512x32xf32, #tpu.memory_space<vmem>> -> memref<1x32xf32, #tpu.memory_space<vmem>>
      %dma_start3A_260 = arith.constant 0 : i32
      %dma_start3A_261 = tpu.memref_slice %arg3[%squeeze3A_251, %dma_start3A_260] : memref<1000000x32xf32, #tpu.memory_space<hbm>> -> memref<1x32xf32, #tpu.memory_space<hbm>>
      tpu.enqueue_dma source(%dma_start3A_261 : memref<1x32xf32, #tpu.memory_space<hbm>>) target(%dma_start3A_259 : memref<1x32xf32, #tpu.memory_space<vmem>>) target_semaphore(%arg14 : memref<!tpu.dma_semaphore, #tpu.memory_space<semaphore_mem>>)
      %slice3A_262 = vector.extract_strided_slice %get3A_132 {offsets = [11], sizes = [1], strides = [1]} : vector<16xi32> to vector<1xi32>
      %squeeze3A_263 = vector.extract %slice3A_262[0] : i32 from vector<1xi32>
      %add3A_264 = arith.constant 11 : i32
      %add3A_265 = arith.addi %mul3A_128, %add3A_264 : i32
      %dma_start3A_266 = arith.constant 0 : i32
      %dma_start3A_267 = tpu.memref_slice %arg13[%add3A_265, %dma_start3A_266] : memref<512x32xf32, #tpu.memory_space<vmem>> -> memref<1x32xf32, #tpu.memory_space<vmem>>
      %dma_start3A_268 = arith.constant 0 : i32
      %dma_start3A_269 = tpu.memref_slice %arg3[%squeeze3A_263, %dma_start3A_268] : memref<1000000x32xf32, #tpu.memory_space<hbm>> -> memref<1x32xf32, #tpu.memory_space<hbm>>
      %dma_start3A_270 = arith.constant 0 : i32
      %dma_start3A_271 = tpu.memref_slice %arg13[%add3A_265, %dma_start3A_270] : memref<512x32xf32, #tpu.memory_space<vmem>> -> memref<1x32xf32, #tpu.memory_space<vmem>>
      %dma_start3A_272 = arith.constant 0 : i32
      %dma_start3A_273 = tpu.memref_slice %arg3[%squeeze3A_263, %dma_start3A_272] : memref<1000000x32xf32, #tpu.memory_space<hbm>> -> memref<1x32xf32, #tpu.memory_space<hbm>>
      tpu.enqueue_dma source(%dma_start3A_273 : memref<1x32xf32, #tpu.memory_space<hbm>>) target(%dma_start3A_271 : memref<1x32xf32, #tpu.memory_space<vmem>>) target_semaphore(%arg14 : memref<!tpu.dma_semaphore, #tpu.memory_space<semaphore_mem>>)
      %slice3A_274 = vector.extract_strided_slice %get3A_132 {offsets = [12], sizes = [1], strides = [1]} : vector<16xi32> to vector<1xi32>
      %squeeze3A_275 = vector.extract %slice3A_274[0] : i32 from vector<1xi32>
      %add3A_276 = arith.constant 12 : i32
      %add3A_277 = arith.addi %mul3A_128, %add3A_276 : i32
      %dma_start3A_278 = arith.constant 0 : i32
      %dma_start3A_279 = tpu.memref_slice %arg13[%add3A_277, %dma_start3A_278] : memref<512x32xf32, #tpu.memory_space<vmem>> -> memref<1x32xf32, #tpu.memory_space<vmem>>
      %dma_start3A_280 = arith.constant 0 : i32
      %dma_start3A_281 = tpu.memref_slice %arg3[%squeeze3A_275, %dma_start3A_280] : memref<1000000x32xf32, #tpu.memory_space<hbm>> -> memref<1x32xf32, #tpu.memory_space<hbm>>
      %dma_start3A_282 = arith.constant 0 : i32
      %dma_start3A_283 = tpu.memref_slice %arg13[%add3A_277, %dma_start3A_282] : memref<512x32xf32, #tpu.memory_space<vmem>> -> memref<1x32xf32, #tpu.memory_space<vmem>>
      %dma_start3A_284 = arith.constant 0 : i32
      %dma_start3A_285 = tpu.memref_slice %arg3[%squeeze3A_275, %dma_start3A_284] : memref<1000000x32xf32, #tpu.memory_space<hbm>> -> memref<1x32xf32, #tpu.memory_space<hbm>>
      tpu.enqueue_dma source(%dma_start3A_285 : memref<1x32xf32, #tpu.memory_space<hbm>>) target(%dma_start3A_283 : memref<1x32xf32, #tpu.memory_space<vmem>>) target_semaphore(%arg14 : memref<!tpu.dma_semaphore, #tpu.memory_space<semaphore_mem>>)
      %slice3A_286 = vector.extract_strided_slice %get3A_132 {offsets = [13], sizes = [1], strides = [1]} : vector<16xi32> to vector<1xi32>
      %squeeze3A_287 = vector.extract %slice3A_286[0] : i32 from vector<1xi32>
      %add3A_288 = arith.constant 13 : i32
      %add3A_289 = arith.addi %mul3A_128, %add3A_288 : i32
      %dma_start3A_290 = arith.constant 0 : i32
      %dma_start3A_291 = tpu.memref_slice %arg13[%add3A_289, %dma_start3A_290] : memref<512x32xf32, #tpu.memory_space<vmem>> -> memref<1x32xf32, #tpu.memory_space<vmem>>
      %dma_start3A_292 = arith.constant 0 : i32
      %dma_start3A_293 = tpu.memref_slice %arg3[%squeeze3A_287, %dma_start3A_292] : memref<1000000x32xf32, #tpu.memory_space<hbm>> -> memref<1x32xf32, #tpu.memory_space<hbm>>
      %dma_start3A_294 = arith.constant 0 : i32
      %dma_start3A_295 = tpu.memref_slice %arg13[%add3A_289, %dma_start3A_294] : memref<512x32xf32, #tpu.memory_space<vmem>> -> memref<1x32xf32, #tpu.memory_space<vmem>>
      %dma_start3A_296 = arith.constant 0 : i32
      %dma_start3A_297 = tpu.memref_slice %arg3[%squeeze3A_287, %dma_start3A_296] : memref<1000000x32xf32, #tpu.memory_space<hbm>> -> memref<1x32xf32, #tpu.memory_space<hbm>>
      tpu.enqueue_dma source(%dma_start3A_297 : memref<1x32xf32, #tpu.memory_space<hbm>>) target(%dma_start3A_295 : memref<1x32xf32, #tpu.memory_space<vmem>>) target_semaphore(%arg14 : memref<!tpu.dma_semaphore, #tpu.memory_space<semaphore_mem>>)
      %slice3A_298 = vector.extract_strided_slice %get3A_132 {offsets = [14], sizes = [1], strides = [1]} : vector<16xi32> to vector<1xi32>
      %squeeze3A_299 = vector.extract %slice3A_298[0] : i32 from vector<1xi32>
      %add3A_300 = arith.constant 14 : i32
      %add3A_301 = arith.addi %mul3A_128, %add3A_300 : i32
      %dma_start3A_302 = arith.constant 0 : i32
      %dma_start3A_303 = tpu.memref_slice %arg13[%add3A_301, %dma_start3A_302] : memref<512x32xf32, #tpu.memory_space<vmem>> -> memref<1x32xf32, #tpu.memory_space<vmem>>
      %dma_start3A_304 = arith.constant 0 : i32
      %dma_start3A_305 = tpu.memref_slice %arg3[%squeeze3A_299, %dma_start3A_304] : memref<1000000x32xf32, #tpu.memory_space<hbm>> -> memref<1x32xf32, #tpu.memory_space<hbm>>
      %dma_start3A_306 = arith.constant 0 : i32
      %dma_start3A_307 = tpu.memref_slice %arg13[%add3A_301, %dma_start3A_306] : memref<512x32xf32, #tpu.memory_space<vmem>> -> memref<1x32xf32, #tpu.memory_space<vmem>>
      %dma_start3A_308 = arith.constant 0 : i32
      %dma_start3A_309 = tpu.memref_slice %arg3[%squeeze3A_299, %dma_start3A_308] : memref<1000000x32xf32, #tpu.memory_space<hbm>> -> memref<1x32xf32, #tpu.memory_space<hbm>>
      tpu.enqueue_dma source(%dma_start3A_309 : memref<1x32xf32, #tpu.memory_space<hbm>>) target(%dma_start3A_307 : memref<1x32xf32, #tpu.memory_space<vmem>>) target_semaphore(%arg14 : memref<!tpu.dma_semaphore, #tpu.memory_space<semaphore_mem>>)
      %slice3A_310 = vector.extract_strided_slice %get3A_132 {offsets = [15], sizes = [1], strides = [1]} : vector<16xi32> to vector<1xi32>
      %squeeze3A_311 = vector.extract %slice3A_310[0] : i32 from vector<1xi32>
      %add3A_312 = arith.constant 15 : i32
      %add3A_313 = arith.addi %mul3A_128, %add3A_312 : i32
      %dma_start3A_314 = arith.constant 0 : i32
      %dma_start3A_315 = tpu.memref_slice %arg13[%add3A_313, %dma_start3A_314] : memref<512x32xf32, #tpu.memory_space<vmem>> -> memref<1x32xf32, #tpu.memory_space<vmem>>
      %dma_start3A_316 = arith.constant 0 : i32
      %dma_start3A_317 = tpu.memref_slice %arg3[%squeeze3A_311, %dma_start3A_316] : memref<1000000x32xf32, #tpu.memory_space<hbm>> -> memref<1x32xf32, #tpu.memory_space<hbm>>
      %dma_start3A_318 = arith.constant 0 : i32
      %dma_start3A_319 = tpu.memref_slice %arg13[%add3A_313, %dma_start3A_318] : memref<512x32xf32, #tpu.memory_space<vmem>> -> memref<1x32xf32, #tpu.memory_space<vmem>>
      %dma_start3A_320 = arith.constant 0 : i32
      %dma_start3A_321 = tpu.memref_slice %arg3[%squeeze3A_311, %dma_start3A_320] : memref<1000000x32xf32, #tpu.memory_space<hbm>> -> memref<1x32xf32, #tpu.memory_space<hbm>>
      tpu.enqueue_dma source(%dma_start3A_321 : memref<1x32xf32, #tpu.memory_space<hbm>>) target(%dma_start3A_319 : memref<1x32xf32, #tpu.memory_space<vmem>>) target_semaphore(%arg14 : memref<!tpu.dma_semaphore, #tpu.memory_space<semaphore_mem>>)
    }
    %scan3A_5 = arith.constant 32 : i32
    %dma_wait3A = arith.constant 0 : i32
    %dma_wait3A_6 = arith.constant 0 : i32
    %dma_wait3A_7 = arith.constant 0 : i32
    %dma_wait3A_8 = tpu.memref_slice %arg11[%dma_wait3A, %add3A, %dma_wait3A_6, %dma_wait3A_7] : memref<8x32x512x32xf32, #tpu.memory_space<hbm>> -> memref<1x1x512x32xf32, #tpu.memory_space<hbm>>
    %dma_wait3A_9 = tpu.memref_squeeze %dma_wait3A_8 : memref<1x1x512x32xf32, #tpu.memory_space<hbm>> -> memref<512x32xf32, #tpu.memory_space<hbm>>
    %dma_wait3A_10 = arith.constant 0 : i32
    %dma_wait3A_11 = arith.constant 0 : i32
    %dma_wait3A_12 = tpu.memref_slice %arg11[%dma_wait3A, %add3A, %dma_wait3A_10, %dma_wait3A_11] : memref<8x32x512x32xf32, #tpu.memory_space<hbm>> -> memref<1x1x512x32xf32, #tpu.memory_space<hbm>>
    %dma_wait3A_13 = tpu.memref_squeeze %dma_wait3A_12 : memref<1x1x512x32xf32, #tpu.memory_space<hbm>> -> memref<512x32xf32, #tpu.memory_space<hbm>>
    tpu.wait_dma2 semaphore(%arg14 : memref<!tpu.dma_semaphore, #tpu.memory_space<semaphore_mem>>) src(%dma_wait3A_13 : memref<512x32xf32, #tpu.memory_space<hbm>>) dst(%arg13 : memref<512x32xf32, #tpu.memory_space<vmem>>)
    %run_scoped3A = arith.constant 0 : i32
    "tpu.region"() ({
      %run_scoped3A_126 = tpu.sem_alloc : memref<!tpu.dma_semaphore, #tpu.memory_space<semaphore_mem>>
      %dma_start3A = arith.constant 0 : i32
      %dma_start3A_127 = arith.constant 0 : i32
      %dma_start3A_128 = tpu.memref_slice %arg11[%run_scoped3A, %add3A, %dma_start3A, %dma_start3A_127] : memref<8x32x512x32xf32, #tpu.memory_space<hbm>> -> memref<1x1x512x32xf32, #tpu.memory_space<hbm>>
      %dma_start3A_129 = tpu.memref_squeeze %dma_start3A_128 : memref<1x1x512x32xf32, #tpu.memory_space<hbm>> -> memref<512x32xf32, #tpu.memory_space<hbm>>
      %dma_start3A_130 = arith.constant 0 : i32
      %dma_start3A_131 = arith.constant 0 : i32
      %dma_start3A_132 = tpu.memref_slice %arg11[%run_scoped3A, %add3A, %dma_start3A_130, %dma_start3A_131] : memref<8x32x512x32xf32, #tpu.memory_space<hbm>> -> memref<1x1x512x32xf32, #tpu.memory_space<hbm>>
      %dma_start3A_133 = tpu.memref_squeeze %dma_start3A_132 : memref<1x1x512x32xf32, #tpu.memory_space<hbm>> -> memref<512x32xf32, #tpu.memory_space<hbm>>
      tpu.enqueue_dma source(%arg13 : memref<512x32xf32, #tpu.memory_space<vmem>>) target(%dma_start3A_133 : memref<512x32xf32, #tpu.memory_space<hbm>>) target_semaphore(%run_scoped3A_126 : memref<!tpu.dma_semaphore, #tpu.memory_space<semaphore_mem>>)
      %dma_wait3A_134 = arith.constant 0 : i32
      %dma_wait3A_135 = arith.constant 0 : i32
      %dma_wait3A_136 = tpu.memref_slice %arg11[%run_scoped3A, %add3A, %dma_wait3A_134, %dma_wait3A_135] : memref<8x32x512x32xf32, #tpu.memory_space<hbm>> -> memref<1x1x512x32xf32, #tpu.memory_space<hbm>>
      %dma_wait3A_137 = tpu.memref_squeeze %dma_wait3A_136 : memref<1x1x512x32xf32, #tpu.memory_space<hbm>> -> memref<512x32xf32, #tpu.memory_space<hbm>>
      %dma_wait3A_138 = arith.constant 0 : i32
      %dma_wait3A_139 = arith.constant 0 : i32
      %dma_wait3A_140 = tpu.memref_slice %arg11[%run_scoped3A, %add3A, %dma_wait3A_138, %dma_wait3A_139] : memref<8x32x512x32xf32, #tpu.memory_space<hbm>> -> memref<1x1x512x32xf32, #tpu.memory_space<hbm>>
      %dma_wait3A_141 = tpu.memref_squeeze %dma_wait3A_140 : memref<1x1x512x32xf32, #tpu.memory_space<hbm>> -> memref<512x32xf32, #tpu.memory_space<hbm>>
      tpu.wait_dma2 semaphore(%run_scoped3A_126 : memref<!tpu.dma_semaphore, #tpu.memory_space<semaphore_mem>>) src(%arg13 : memref<512x32xf32, #tpu.memory_space<vmem>>) dst(%dma_wait3A_141 : memref<512x32xf32, #tpu.memory_space<hbm>>)
      tpu.yield
    }) : () -> ()
    %scan3A_14 = arith.constant 0 : i32
    %scan3A_15 = arith.constant 0 : i32
    %scan3A_16 = arith.constant 32 : i32
    %scan3A_17 = arith.addi %scan3A_15, %scan3A_16 : i32
    %scan3A_18 = arith.constant 1 : i32
    scf.for %scan3A_126 = %scan3A_15 to %scan3A_17 step %scan3A_18  : i32 {
      %mul3A_127 = arith.constant 16 : i32
      %mul3A_128 = arith.muli %scan3A_126, %mul3A_127 : i32
      %get3A = arith.constant 1 : i32
      %get3A_129 = arith.index_cast %get3A : i32 to index
      %get3A_130 = arith.index_cast %mul3A_128 : i32 to index
      %get3A_131 = tpu.vector_load %arg12[%get3A_129, %get3A_130] {strides = array<i32>} : memref<8x512xi32, #tpu.memory_space<vmem>>, vector<1x16xi32>,
      %get3A_132 = vector.shape_cast %get3A_131 : vector<1x16xi32> to vector<16xi32>
      %shift_right_logical3A = arith.constant 3 : i32
      %shift_right_logical3A_133 = vector.broadcast %shift_right_logical3A : i32 to vector<16xi32>
      %shift_right_logical3A_134 = arith.shrui %get3A_132, %shift_right_logical3A_133 : vector<16xi32>
      %and3A = arith.constant 7 : i32
      %and3A_135 = vector.broadcast %and3A : i32 to vector<16xi32>
      %and3A_136 = arith.andi %get3A_132, %and3A_135 : vector<16xi32>
      %slice3A = vector.extract_strided_slice %shift_right_logical3A_134 {offsets = [0], sizes = [1], strides = [1]} : vector<16xi32> to vector<1xi32>
      %squeeze3A = vector.extract %slice3A[0] : i32 from vector<1xi32>
      %slice3A_137 = vector.extract_strided_slice %and3A_136 {offsets = [0], sizes = [1], strides = [1]} : vector<16xi32> to vector<1xi32>
      %squeeze3A_138 = vector.extract %slice3A_137[0] : i32 from vector<1xi32>
      %add3A_139 = arith.constant 0 : i32
      %add3A_140 = arith.addi %mul3A_128, %add3A_139 : i32
      %dma_start3A = arith.constant 0 : i32
      %dma_start3A_141 = tpu.memref_slice %arg13[%add3A_140, %dma_start3A] : memref<512x32xf32, #tpu.memory_space<vmem>> -> memref<1x32xf32, #tpu.memory_space<vmem>>
      %dma_start3A_142 = tpu.memref_squeeze %dma_start3A_141 : memref<1x32xf32, #tpu.memory_space<vmem>> -> memref<32xf32, #tpu.memory_space<vmem>>
      %dma_start3A_143 = arith.constant 0 : i32
      %dma_start3A_144 = tpu.memref_slice %arg4[%squeeze3A, %squeeze3A_138, %dma_start3A_143] : memref<125000x8x32xf32, #tpu.memory_space<hbm>> -> memref<1x1x32xf32, #tpu.memory_space<hbm>>
      %dma_start3A_145 = tpu.memref_squeeze %dma_start3A_144 : memref<1x1x32xf32, #tpu.memory_space<hbm>> -> memref<32xf32, #tpu.memory_space<hbm>>
      %dma_start3A_146 = arith.constant 0 : i32
      %dma_start3A_147 = tpu.memref_slice %arg13[%add3A_140, %dma_start3A_146] : memref<512x32xf32, #tpu.memory_space<vmem>> -> memref<1x32xf32, #tpu.memory_space<vmem>>
      %dma_start3A_148 = tpu.memref_squeeze %dma_start3A_147 : memref<1x32xf32, #tpu.memory_space<vmem>> -> memref<32xf32, #tpu.memory_space<vmem>>
      %dma_start3A_149 = arith.constant 0 : i32
      %dma_start3A_150 = tpu.memref_slice %arg4[%squeeze3A, %squeeze3A_138, %dma_start3A_149] : memref<125000x8x32xf32, #tpu.memory_space<hbm>> -> memref<1x1x32xf32, #tpu.memory_space<hbm>>
      %dma_start3A_151 = tpu.memref_squeeze %dma_start3A_150 : memref<1x1x32xf32, #tpu.memory_space<hbm>> -> memref<32xf32, #tpu.memory_space<hbm>>
      tpu.enqueue_dma source(%dma_start3A_151 : memref<32xf32, #tpu.memory_space<hbm>>) target(%dma_start3A_148 : memref<32xf32, #tpu.memory_space<vmem>>) target_semaphore(%arg14 : memref<!tpu.dma_semaphore, #tpu.memory_space<semaphore_mem>>)
      %slice3A_152 = vector.extract_strided_slice %shift_right_logical3A_134 {offsets = [1], sizes = [1], strides = [1]} : vector<16xi32> to vector<1xi32>
      %squeeze3A_153 = vector.extract %slice3A_152[0] : i32 from vector<1xi32>
      %slice3A_154 = vector.extract_strided_slice %and3A_136 {offsets = [1], sizes = [1], strides = [1]} : vector<16xi32> to vector<1xi32>
      %squeeze3A_155 = vector.extract %slice3A_154[0] : i32 from vector<1xi32>
      %add3A_156 = arith.constant 1 : i32
      %add3A_157 = arith.addi %mul3A_128, %add3A_156 : i32
      %dma_start3A_158 = arith.constant 0 : i32
      %dma_start3A_159 = tpu.memref_slice %arg13[%add3A_157, %dma_start3A_158] : memref<512x32xf32, #tpu.memory_space<vmem>> -> memref<1x32xf32, #tpu.memory_space<vmem>>
      %dma_start3A_160 = tpu.memref_squeeze %dma_start3A_159 : memref<1x32xf32, #tpu.memory_space<vmem>> -> memref<32xf32, #tpu.memory_space<vmem>>
      %dma_start3A_161 = arith.constant 0 : i32
      %dma_start3A_162 = tpu.memref_slice %arg4[%squeeze3A_153, %squeeze3A_155, %dma_start3A_161] : memref<125000x8x32xf32, #tpu.memory_space<hbm>> -> memref<1x1x32xf32, #tpu.memory_space<hbm>>
      %dma_start3A_163 = tpu.memref_squeeze %dma_start3A_162 : memref<1x1x32xf32, #tpu.memory_space<hbm>> -> memref<32xf32, #tpu.memory_space<hbm>>
      %dma_start3A_164 = arith.constant 0 : i32
      %dma_start3A_165 = tpu.memref_slice %arg13[%add3A_157, %dma_start3A_164] : memref<512x32xf32, #tpu.memory_space<vmem>> -> memref<1x32xf32, #tpu.memory_space<vmem>>
      %dma_start3A_166 = tpu.memref_squeeze %dma_start3A_165 : memref<1x32xf32, #tpu.memory_space<vmem>> -> memref<32xf32, #tpu.memory_space<vmem>>
      %dma_start3A_167 = arith.constant 0 : i32
      %dma_start3A_168 = tpu.memref_slice %arg4[%squeeze3A_153, %squeeze3A_155, %dma_start3A_167] : memref<125000x8x32xf32, #tpu.memory_space<hbm>> -> memref<1x1x32xf32, #tpu.memory_space<hbm>>
      %dma_start3A_169 = tpu.memref_squeeze %dma_start3A_168 : memref<1x1x32xf32, #tpu.memory_space<hbm>> -> memref<32xf32, #tpu.memory_space<hbm>>
      tpu.enqueue_dma source(%dma_start3A_169 : memref<32xf32, #tpu.memory_space<hbm>>) target(%dma_start3A_166 : memref<32xf32, #tpu.memory_space<vmem>>) target_semaphore(%arg14 : memref<!tpu.dma_semaphore, #tpu.memory_space<semaphore_mem>>)
      %slice3A_170 = vector.extract_strided_slice %shift_right_logical3A_134 {offsets = [2], sizes = [1], strides = [1]} : vector<16xi32> to vector<1xi32>
      %squeeze3A_171 = vector.extract %slice3A_170[0] : i32 from vector<1xi32>
      %slice3A_172 = vector.extract_strided_slice %and3A_136 {offsets = [2], sizes = [1], strides = [1]} : vector<16xi32> to vector<1xi32>
      %squeeze3A_173 = vector.extract %slice3A_172[0] : i32 from vector<1xi32>
      %add3A_174 = arith.constant 2 : i32
      %add3A_175 = arith.addi %mul3A_128, %add3A_174 : i32
      %dma_start3A_176 = arith.constant 0 : i32
      %dma_start3A_177 = tpu.memref_slice %arg13[%add3A_175, %dma_start3A_176] : memref<512x32xf32, #tpu.memory_space<vmem>> -> memref<1x32xf32, #tpu.memory_space<vmem>>
      %dma_start3A_178 = tpu.memref_squeeze %dma_start3A_177 : memref<1x32xf32, #tpu.memory_space<vmem>> -> memref<32xf32, #tpu.memory_space<vmem>>
      %dma_start3A_179 = arith.constant 0 : i32
      %dma_start3A_180 = tpu.memref_slice %arg4[%squeeze3A_171, %squeeze3A_173, %dma_start3A_179] : memref<125000x8x32xf32, #tpu.memory_space<hbm>> -> memref<1x1x32xf32, #tpu.memory_space<hbm>>
      %dma_start3A_181 = tpu.memref_squeeze %dma_start3A_180 : memref<1x1x32xf32, #tpu.memory_space<hbm>> -> memref<32xf32, #tpu.memory_space<hbm>>
      %dma_start3A_182 = arith.constant 0 : i32
      %dma_start3A_183 = tpu.memref_slice %arg13[%add3A_175, %dma_start3A_182] : memref<512x32xf32, #tpu.memory_space<vmem>> -> memref<1x32xf32, #tpu.memory_space<vmem>>
      %dma_start3A_184 = tpu.memref_squeeze %dma_start3A_183 : memref<1x32xf32, #tpu.memory_space<vmem>> -> memref<32xf32, #tpu.memory_space<vmem>>
      %dma_start3A_185 = arith.constant 0 : i32
      %dma_start3A_186 = tpu.memref_slice %arg4[%squeeze3A_171, %squeeze3A_173, %dma_start3A_185] : memref<125000x8x32xf32, #tpu.memory_space<hbm>> -> memref<1x1x32xf32, #tpu.memory_space<hbm>>
      %dma_start3A_187 = tpu.memref_squeeze %dma_start3A_186 : memref<1x1x32xf32, #tpu.memory_space<hbm>> -> memref<32xf32, #tpu.memory_space<hbm>>
      tpu.enqueue_dma source(%dma_start3A_187 : memref<32xf32, #tpu.memory_space<hbm>>) target(%dma_start3A_184 : memref<32xf32, #tpu.memory_space<vmem>>) target_semaphore(%arg14 : memref<!tpu.dma_semaphore, #tpu.memory_space<semaphore_mem>>)
      %slice3A_188 = vector.extract_strided_slice %shift_right_logical3A_134 {offsets = [3], sizes = [1], strides = [1]} : vector<16xi32> to vector<1xi32>
      %squeeze3A_189 = vector.extract %slice3A_188[0] : i32 from vector<1xi32>
      %slice3A_190 = vector.extract_strided_slice %and3A_136 {offsets = [3], sizes = [1], strides = [1]} : vector<16xi32> to vector<1xi32>
      %squeeze3A_191 = vector.extract %slice3A_190[0] : i32 from vector<1xi32>
      %add3A_192 = arith.constant 3 : i32
      %add3A_193 = arith.addi %mul3A_128, %add3A_192 : i32
      %dma_start3A_194 = arith.constant 0 : i32
      %dma_start3A_195 = tpu.memref_slice %arg13[%add3A_193, %dma_start3A_194] : memref<512x32xf32, #tpu.memory_space<vmem>> -> memref<1x32xf32, #tpu.memory_space<vmem>>
      %dma_start3A_196 = tpu.memref_squeeze %dma_start3A_195 : memref<1x32xf32, #tpu.memory_space<vmem>> -> memref<32xf32, #tpu.memory_space<vmem>>
      %dma_start3A_197 = arith.constant 0 : i32
      %dma_start3A_198 = tpu.memref_slice %arg4[%squeeze3A_189, %squeeze3A_191, %dma_start3A_197] : memref<125000x8x32xf32, #tpu.memory_space<hbm>> -> memref<1x1x32xf32, #tpu.memory_space<hbm>>
      %dma_start3A_199 = tpu.memref_squeeze %dma_start3A_198 : memref<1x1x32xf32, #tpu.memory_space<hbm>> -> memref<32xf32, #tpu.memory_space<hbm>>
      %dma_start3A_200 = arith.constant 0 : i32
      %dma_start3A_201 = tpu.memref_slice %arg13[%add3A_193, %dma_start3A_200] : memref<512x32xf32, #tpu.memory_space<vmem>> -> memref<1x32xf32, #tpu.memory_space<vmem>>
      %dma_start3A_202 = tpu.memref_squeeze %dma_start3A_201 : memref<1x32xf32, #tpu.memory_space<vmem>> -> memref<32xf32, #tpu.memory_space<vmem>>
      %dma_start3A_203 = arith.constant 0 : i32
      %dma_start3A_204 = tpu.memref_slice %arg4[%squeeze3A_189, %squeeze3A_191, %dma_start3A_203] : memref<125000x8x32xf32, #tpu.memory_space<hbm>> -> memref<1x1x32xf32, #tpu.memory_space<hbm>>
      %dma_start3A_205 = tpu.memref_squeeze %dma_start3A_204 : memref<1x1x32xf32, #tpu.memory_space<hbm>> -> memref<32xf32, #tpu.memory_space<hbm>>
      tpu.enqueue_dma source(%dma_start3A_205 : memref<32xf32, #tpu.memory_space<hbm>>) target(%dma_start3A_202 : memref<32xf32, #tpu.memory_space<vmem>>) target_semaphore(%arg14 : memref<!tpu.dma_semaphore, #tpu.memory_space<semaphore_mem>>)
      %slice3A_206 = vector.extract_strided_slice %shift_right_logical3A_134 {offsets = [4], sizes = [1], strides = [1]} : vector<16xi32> to vector<1xi32>
      %squeeze3A_207 = vector.extract %slice3A_206[0] : i32 from vector<1xi32>
      %slice3A_208 = vector.extract_strided_slice %and3A_136 {offsets = [4], sizes = [1], strides = [1]} : vector<16xi32> to vector<1xi32>
      %squeeze3A_209 = vector.extract %slice3A_208[0] : i32 from vector<1xi32>
      %add3A_210 = arith.constant 4 : i32
      %add3A_211 = arith.addi %mul3A_128, %add3A_210 : i32
      %dma_start3A_212 = arith.constant 0 : i32
      %dma_start3A_213 = tpu.memref_slice %arg13[%add3A_211, %dma_start3A_212] : memref<512x32xf32, #tpu.memory_space<vmem>> -> memref<1x32xf32, #tpu.memory_space<vmem>>
      %dma_start3A_214 = tpu.memref_squeeze %dma_start3A_213 : memref<1x32xf32, #tpu.memory_space<vmem>> -> memref<32xf32, #tpu.memory_space<vmem>>
      %dma_start3A_215 = arith.constant 0 : i32
      %dma_start3A_216 = tpu.memref_slice %arg4[%squeeze3A_207, %squeeze3A_209, %dma_start3A_215] : memref<125000x8x32xf32, #tpu.memory_space<hbm>> -> memref<1x1x32xf32, #tpu.memory_space<hbm>>
      %dma_start3A_217 = tpu.memref_squeeze %dma_start3A_216 : memref<1x1x32xf32, #tpu.memory_space<hbm>> -> memref<32xf32, #tpu.memory_space<hbm>>
      %dma_start3A_218 = arith.constant 0 : i32
      %dma_start3A_219 = tpu.memref_slice %arg13[%add3A_211, %dma_start3A_218] : memref<512x32xf32, #tpu.memory_space<vmem>> -> memref<1x32xf32, #tpu.memory_space<vmem>>
      %dma_start3A_220 = tpu.memref_squeeze %dma_start3A_219 : memref<1x32xf32, #tpu.memory_space<vmem>> -> memref<32xf32, #tpu.memory_space<vmem>>
      %dma_start3A_221 = arith.constant 0 : i32
      %dma_start3A_222 = tpu.memref_slice %arg4[%squeeze3A_207, %squeeze3A_209, %dma_start3A_221] : memref<125000x8x32xf32, #tpu.memory_space<hbm>> -> memref<1x1x32xf32, #tpu.memory_space<hbm>>
      %dma_start3A_223 = tpu.memref_squeeze %dma_start3A_222 : memref<1x1x32xf32, #tpu.memory_space<hbm>> -> memref<32xf32, #tpu.memory_space<hbm>>
      tpu.enqueue_dma source(%dma_start3A_223 : memref<32xf32, #tpu.memory_space<hbm>>) target(%dma_start3A_220 : memref<32xf32, #tpu.memory_space<vmem>>) target_semaphore(%arg14 : memref<!tpu.dma_semaphore, #tpu.memory_space<semaphore_mem>>)
      %slice3A_224 = vector.extract_strided_slice %shift_right_logical3A_134 {offsets = [5], sizes = [1], strides = [1]} : vector<16xi32> to vector<1xi32>
      %squeeze3A_225 = vector.extract %slice3A_224[0] : i32 from vector<1xi32>
      %slice3A_226 = vector.extract_strided_slice %and3A_136 {offsets = [5], sizes = [1], strides = [1]} : vector<16xi32> to vector<1xi32>
      %squeeze3A_227 = vector.extract %slice3A_226[0] : i32 from vector<1xi32>
      %add3A_228 = arith.constant 5 : i32
      %add3A_229 = arith.addi %mul3A_128, %add3A_228 : i32
      %dma_start3A_230 = arith.constant 0 : i32
      %dma_start3A_231 = tpu.memref_slice %arg13[%add3A_229, %dma_start3A_230] : memref<512x32xf32, #tpu.memory_space<vmem>> -> memref<1x32xf32, #tpu.memory_space<vmem>>
      %dma_start3A_232 = tpu.memref_squeeze %dma_start3A_231 : memref<1x32xf32, #tpu.memory_space<vmem>> -> memref<32xf32, #tpu.memory_space<vmem>>
      %dma_start3A_233 = arith.constant 0 : i32
      %dma_start3A_234 = tpu.memref_slice %arg4[%squeeze3A_225, %squeeze3A_227, %dma_start3A_233] : memref<125000x8x32xf32, #tpu.memory_space<hbm>> -> memref<1x1x32xf32, #tpu.memory_space<hbm>>
      %dma_start3A_235 = tpu.memref_squeeze %dma_start3A_234 : memref<1x1x32xf32, #tpu.memory_space<hbm>> -> memref<32xf32, #tpu.memory_space<hbm>>
      %dma_start3A_236 = arith.constant 0 : i32
      %dma_start3A_237 = tpu.memref_slice %arg13[%add3A_229, %dma_start3A_236] : memref<512x32xf32, #tpu.memory_space<vmem>> -> memref<1x32xf32, #tpu.memory_space<vmem>>
      %dma_start3A_238 = tpu.memref_squeeze %dma_start3A_237 : memref<1x32xf32, #tpu.memory_space<vmem>> -> memref<32xf32, #tpu.memory_space<vmem>>
      %dma_start3A_239 = arith.constant 0 : i32
      %dma_start3A_240 = tpu.memref_slice %arg4[%squeeze3A_225, %squeeze3A_227, %dma_start3A_239] : memref<125000x8x32xf32, #tpu.memory_space<hbm>> -> memref<1x1x32xf32, #tpu.memory_space<hbm>>
      %dma_start3A_241 = tpu.memref_squeeze %dma_start3A_240 : memref<1x1x32xf32, #tpu.memory_space<hbm>> -> memref<32xf32, #tpu.memory_space<hbm>>
      tpu.enqueue_dma source(%dma_start3A_241 : memref<32xf32, #tpu.memory_space<hbm>>) target(%dma_start3A_238 : memref<32xf32, #tpu.memory_space<vmem>>) target_semaphore(%arg14 : memref<!tpu.dma_semaphore, #tpu.memory_space<semaphore_mem>>)
      %slice3A_242 = vector.extract_strided_slice %shift_right_logical3A_134 {offsets = [6], sizes = [1], strides = [1]} : vector<16xi32> to vector<1xi32>
      %squeeze3A_243 = vector.extract %slice3A_242[0] : i32 from vector<1xi32>
      %slice3A_244 = vector.extract_strided_slice %and3A_136 {offsets = [6], sizes = [1], strides = [1]} : vector<16xi32> to vector<1xi32>
      %squeeze3A_245 = vector.extract %slice3A_244[0] : i32 from vector<1xi32>
      %add3A_246 = arith.constant 6 : i32
      %add3A_247 = arith.addi %mul3A_128, %add3A_246 : i32
      %dma_start3A_248 = arith.constant 0 : i32
      %dma_start3A_249 = tpu.memref_slice %arg13[%add3A_247, %dma_start3A_248] : memref<512x32xf32, #tpu.memory_space<vmem>> -> memref<1x32xf32, #tpu.memory_space<vmem>>
      %dma_start3A_250 = tpu.memref_squeeze %dma_start3A_249 : memref<1x32xf32, #tpu.memory_space<vmem>> -> memref<32xf32, #tpu.memory_space<vmem>>
      %dma_start3A_251 = arith.constant 0 : i32
      %dma_start3A_252 = tpu.memref_slice %arg4[%squeeze3A_243, %squeeze3A_245, %dma_start3A_251] : memref<125000x8x32xf32, #tpu.memory_space<hbm>> -> memref<1x1x32xf32, #tpu.memory_space<hbm>>
      %dma_start3A_253 = tpu.memref_squeeze %dma_start3A_252 : memref<1x1x32xf32, #tpu.memory_space<hbm>> -> memref<32xf32, #tpu.memory_space<hbm>>
      %dma_start3A_254 = arith.constant 0 : i32
      %dma_start3A_255 = tpu.memref_slice %arg13[%add3A_247, %dma_start3A_254] : memref<512x32xf32, #tpu.memory_space<vmem>> -> memref<1x32xf32, #tpu.memory_space<vmem>>
      %dma_start3A_256 = tpu.memref_squeeze %dma_start3A_255 : memref<1x32xf32, #tpu.memory_space<vmem>> -> memref<32xf32, #tpu.memory_space<vmem>>
      %dma_start3A_257 = arith.constant 0 : i32
      %dma_start3A_258 = tpu.memref_slice %arg4[%squeeze3A_243, %squeeze3A_245, %dma_start3A_257] : memref<125000x8x32xf32, #tpu.memory_space<hbm>> -> memref<1x1x32xf32, #tpu.memory_space<hbm>>
      %dma_start3A_259 = tpu.memref_squeeze %dma_start3A_258 : memref<1x1x32xf32, #tpu.memory_space<hbm>> -> memref<32xf32, #tpu.memory_space<hbm>>
      tpu.enqueue_dma source(%dma_start3A_259 : memref<32xf32, #tpu.memory_space<hbm>>) target(%dma_start3A_256 : memref<32xf32, #tpu.memory_space<vmem>>) target_semaphore(%arg14 : memref<!tpu.dma_semaphore, #tpu.memory_space<semaphore_mem>>)
      %slice3A_260 = vector.extract_strided_slice %shift_right_logical3A_134 {offsets = [7], sizes = [1], strides = [1]} : vector<16xi32> to vector<1xi32>
      %squeeze3A_261 = vector.extract %slice3A_260[0] : i32 from vector<1xi32>
      %slice3A_262 = vector.extract_strided_slice %and3A_136 {offsets = [7], sizes = [1], strides = [1]} : vector<16xi32> to vector<1xi32>
      %squeeze3A_263 = vector.extract %slice3A_262[0] : i32 from vector<1xi32>
      %add3A_264 = arith.constant 7 : i32
      %add3A_265 = arith.addi %mul3A_128, %add3A_264 : i32
      %dma_start3A_266 = arith.constant 0 : i32
      %dma_start3A_267 = tpu.memref_slice %arg13[%add3A_265, %dma_start3A_266] : memref<512x32xf32, #tpu.memory_space<vmem>> -> memref<1x32xf32, #tpu.memory_space<vmem>>
      %dma_start3A_268 = tpu.memref_squeeze %dma_start3A_267 : memref<1x32xf32, #tpu.memory_space<vmem>> -> memref<32xf32, #tpu.memory_space<vmem>>
      %dma_start3A_269 = arith.constant 0 : i32
      %dma_start3A_270 = tpu.memref_slice %arg4[%squeeze3A_261, %squeeze3A_263, %dma_start3A_269] : memref<125000x8x32xf32, #tpu.memory_space<hbm>> -> memref<1x1x32xf32, #tpu.memory_space<hbm>>
      %dma_start3A_271 = tpu.memref_squeeze %dma_start3A_270 : memref<1x1x32xf32, #tpu.memory_space<hbm>> -> memref<32xf32, #tpu.memory_space<hbm>>
      %dma_start3A_272 = arith.constant 0 : i32
      %dma_start3A_273 = tpu.memref_slice %arg13[%add3A_265, %dma_start3A_272] : memref<512x32xf32, #tpu.memory_space<vmem>> -> memref<1x32xf32, #tpu.memory_space<vmem>>
      %dma_start3A_274 = tpu.memref_squeeze %dma_start3A_273 : memref<1x32xf32, #tpu.memory_space<vmem>> -> memref<32xf32, #tpu.memory_space<vmem>>
      %dma_start3A_275 = arith.constant 0 : i32
      %dma_start3A_276 = tpu.memref_slice %arg4[%squeeze3A_261, %squeeze3A_263, %dma_start3A_275] : memref<125000x8x32xf32, #tpu.memory_space<hbm>> -> memref<1x1x32xf32, #tpu.memory_space<hbm>>
      %dma_start3A_277 = tpu.memref_squeeze %dma_start3A_276 : memref<1x1x32xf32, #tpu.memory_space<hbm>> -> memref<32xf32, #tpu.memory_space<hbm>>
      tpu.enqueue_dma source(%dma_start3A_277 : memref<32xf32, #tpu.memory_space<hbm>>) target(%dma_start3A_274 : memref<32xf32, #tpu.memory_space<vmem>>) target_semaphore(%arg14 : memref<!tpu.dma_semaphore, #tpu.memory_space<semaphore_mem>>)
      %slice3A_278 = vector.extract_strided_slice %shift_right_logical3A_134 {offsets = [8], sizes = [1], strides = [1]} : vector<16xi32> to vector<1xi32>
      %squeeze3A_279 = vector.extract %slice3A_278[0] : i32 from vector<1xi32>
      %slice3A_280 = vector.extract_strided_slice %and3A_136 {offsets = [8], sizes = [1], strides = [1]} : vector<16xi32> to vector<1xi32>
      %squeeze3A_281 = vector.extract %slice3A_280[0] : i32 from vector<1xi32>
      %add3A_282 = arith.constant 8 : i32
      %add3A_283 = arith.addi %mul3A_128, %add3A_282 : i32
      %dma_start3A_284 = arith.constant 0 : i32
      %dma_start3A_285 = tpu.memref_slice %arg13[%add3A_283, %dma_start3A_284] : memref<512x32xf32, #tpu.memory_space<vmem>> -> memref<1x32xf32, #tpu.memory_space<vmem>>
      %dma_start3A_286 = tpu.memref_squeeze %dma_start3A_285 : memref<1x32xf32, #tpu.memory_space<vmem>> -> memref<32xf32, #tpu.memory_space<vmem>>
      %dma_start3A_287 = arith.constant 0 : i32
      %dma_start3A_288 = tpu.memref_slice %arg4[%squeeze3A_279, %squeeze3A_281, %dma_start3A_287] : memref<125000x8x32xf32, #tpu.memory_space<hbm>> -> memref<1x1x32xf32, #tpu.memory_space<hbm>>
      %dma_start3A_289 = tpu.memref_squeeze %dma_start3A_288 : memref<1x1x32xf32, #tpu.memory_space<hbm>> -> memref<32xf32, #tpu.memory_space<hbm>>
      %dma_start3A_290 = arith.constant 0 : i32
      %dma_start3A_291 = tpu.memref_slice %arg13[%add3A_283, %dma_start3A_290] : memref<512x32xf32, #tpu.memory_space<vmem>> -> memref<1x32xf32, #tpu.memory_space<vmem>>
      %dma_start3A_292 = tpu.memref_squeeze %dma_start3A_291 : memref<1x32xf32, #tpu.memory_space<vmem>> -> memref<32xf32, #tpu.memory_space<vmem>>
      %dma_start3A_293 = arith.constant 0 : i32
      %dma_start3A_294 = tpu.memref_slice %arg4[%squeeze3A_279, %squeeze3A_281, %dma_start3A_293] : memref<125000x8x32xf32, #tpu.memory_space<hbm>> -> memref<1x1x32xf32, #tpu.memory_space<hbm>>
      %dma_start3A_295 = tpu.memref_squeeze %dma_start3A_294 : memref<1x1x32xf32, #tpu.memory_space<hbm>> -> memref<32xf32, #tpu.memory_space<hbm>>
      tpu.enqueue_dma source(%dma_start3A_295 : memref<32xf32, #tpu.memory_space<hbm>>) target(%dma_start3A_292 : memref<32xf32, #tpu.memory_space<vmem>>) target_semaphore(%arg14 : memref<!tpu.dma_semaphore, #tpu.memory_space<semaphore_mem>>)
      %slice3A_296 = vector.extract_strided_slice %shift_right_logical3A_134 {offsets = [9], sizes = [1], strides = [1]} : vector<16xi32> to vector<1xi32>
      %squeeze3A_297 = vector.extract %slice3A_296[0] : i32 from vector<1xi32>
      %slice3A_298 = vector.extract_strided_slice %and3A_136 {offsets = [9], sizes = [1], strides = [1]} : vector<16xi32> to vector<1xi32>
      %squeeze3A_299 = vector.extract %slice3A_298[0] : i32 from vector<1xi32>
      %add3A_300 = arith.constant 9 : i32
      %add3A_301 = arith.addi %mul3A_128, %add3A_300 : i32
      %dma_start3A_302 = arith.constant 0 : i32
      %dma_start3A_303 = tpu.memref_slice %arg13[%add3A_301, %dma_start3A_302] : memref<512x32xf32, #tpu.memory_space<vmem>> -> memref<1x32xf32, #tpu.memory_space<vmem>>
      %dma_start3A_304 = tpu.memref_squeeze %dma_start3A_303 : memref<1x32xf32, #tpu.memory_space<vmem>> -> memref<32xf32, #tpu.memory_space<vmem>>
      %dma_start3A_305 = arith.constant 0 : i32
      %dma_start3A_306 = tpu.memref_slice %arg4[%squeeze3A_297, %squeeze3A_299, %dma_start3A_305] : memref<125000x8x32xf32, #tpu.memory_space<hbm>> -> memref<1x1x32xf32, #tpu.memory_space<hbm>>
      %dma_start3A_307 = tpu.memref_squeeze %dma_start3A_306 : memref<1x1x32xf32, #tpu.memory_space<hbm>> -> memref<32xf32, #tpu.memory_space<hbm>>
      %dma_start3A_308 = arith.constant 0 : i32
      %dma_start3A_309 = tpu.memref_slice %arg13[%add3A_301, %dma_start3A_308] : memref<512x32xf32, #tpu.memory_space<vmem>> -> memref<1x32xf32, #tpu.memory_space<vmem>>
      %dma_start3A_310 = tpu.memref_squeeze %dma_start3A_309 : memref<1x32xf32, #tpu.memory_space<vmem>> -> memref<32xf32, #tpu.memory_space<vmem>>
      %dma_start3A_311 = arith.constant 0 : i32
      %dma_start3A_312 = tpu.memref_slice %arg4[%squeeze3A_297, %squeeze3A_299, %dma_start3A_311] : memref<125000x8x32xf32, #tpu.memory_space<hbm>> -> memref<1x1x32xf32, #tpu.memory_space<hbm>>
      %dma_start3A_313 = tpu.memref_squeeze %dma_start3A_312 : memref<1x1x32xf32, #tpu.memory_space<hbm>> -> memref<32xf32, #tpu.memory_space<hbm>>
      tpu.enqueue_dma source(%dma_start3A_313 : memref<32xf32, #tpu.memory_space<hbm>>) target(%dma_start3A_310 : memref<32xf32, #tpu.memory_space<vmem>>) target_semaphore(%arg14 : memref<!tpu.dma_semaphore, #tpu.memory_space<semaphore_mem>>)
      %slice3A_314 = vector.extract_strided_slice %shift_right_logical3A_134 {offsets = [10], sizes = [1], strides = [1]} : vector<16xi32> to vector<1xi32>
      %squeeze3A_315 = vector.extract %slice3A_314[0] : i32 from vector<1xi32>
      %slice3A_316 = vector.extract_strided_slice %and3A_136 {offsets = [10], sizes = [1], strides = [1]} : vector<16xi32> to vector<1xi32>
      %squeeze3A_317 = vector.extract %slice3A_316[0] : i32 from vector<1xi32>
      %add3A_318 = arith.constant 10 : i32
      %add3A_319 = arith.addi %mul3A_128, %add3A_318 : i32
      %dma_start3A_320 = arith.constant 0 : i32
      %dma_start3A_321 = tpu.memref_slice %arg13[%add3A_319, %dma_start3A_320] : memref<512x32xf32, #tpu.memory_space<vmem>> -> memref<1x32xf32, #tpu.memory_space<vmem>>
      %dma_start3A_322 = tpu.memref_squeeze %dma_start3A_321 : memref<1x32xf32, #tpu.memory_space<vmem>> -> memref<32xf32, #tpu.memory_space<vmem>>
      %dma_start3A_323 = arith.constant 0 : i32
      %dma_start3A_324 = tpu.memref_slice %arg4[%squeeze3A_315, %squeeze3A_317, %dma_start3A_323] : memref<125000x8x32xf32, #tpu.memory_space<hbm>> -> memref<1x1x32xf32, #tpu.memory_space<hbm>>
      %dma_start3A_325 = tpu.memref_squeeze %dma_start3A_324 : memref<1x1x32xf32, #tpu.memory_space<hbm>> -> memref<32xf32, #tpu.memory_space<hbm>>
      %dma_start3A_326 = arith.constant 0 : i32
      %dma_start3A_327 = tpu.memref_slice %arg13[%add3A_319, %dma_start3A_326] : memref<512x32xf32, #tpu.memory_space<vmem>> -> memref<1x32xf32, #tpu.memory_space<vmem>>
      %dma_start3A_328 = tpu.memref_squeeze %dma_start3A_327 : memref<1x32xf32, #tpu.memory_space<vmem>> -> memref<32xf32, #tpu.memory_space<vmem>>
      %dma_start3A_329 = arith.constant 0 : i32
      %dma_start3A_330 = tpu.memref_slice %arg4[%squeeze3A_315, %squeeze3A_317, %dma_start3A_329] : memref<125000x8x32xf32, #tpu.memory_space<hbm>> -> memref<1x1x32xf32, #tpu.memory_space<hbm>>
      %dma_start3A_331 = tpu.memref_squeeze %dma_start3A_330 : memref<1x1x32xf32, #tpu.memory_space<hbm>> -> memref<32xf32, #tpu.memory_space<hbm>>
      tpu.enqueue_dma source(%dma_start3A_331 : memref<32xf32, #tpu.memory_space<hbm>>) target(%dma_start3A_328 : memref<32xf32, #tpu.memory_space<vmem>>) target_semaphore(%arg14 : memref<!tpu.dma_semaphore, #tpu.memory_space<semaphore_mem>>)
      %slice3A_332 = vector.extract_strided_slice %shift_right_logical3A_134 {offsets = [11], sizes = [1], strides = [1]} : vector<16xi32> to vector<1xi32>
      %squeeze3A_333 = vector.extract %slice3A_332[0] : i32 from vector<1xi32>
      %slice3A_334 = vector.extract_strided_slice %and3A_136 {offsets = [11], sizes = [1], strides = [1]} : vector<16xi32> to vector<1xi32>
      %squeeze3A_335 = vector.extract %slice3A_334[0] : i32 from vector<1xi32>
      %add3A_336 = arith.constant 11 : i32
      %add3A_337 = arith.addi %mul3A_128, %add3A_336 : i32
      %dma_start3A_338 = arith.constant 0 : i32
      %dma_start3A_339 = tpu.memref_slice %arg13[%add3A_337, %dma_start3A_338] : memref<512x32xf32, #tpu.memory_space<vmem>> -> memref<1x32xf32, #tpu.memory_space<vmem>>
      %dma_start3A_340 = tpu.memref_squeeze %dma_start3A_339 : memref<1x32xf32, #tpu.memory_space<vmem>> -> memref<32xf32, #tpu.memory_space<vmem>>
      %dma_start3A_341 = arith.constant 0 : i32
      %dma_start3A_342 = tpu.memref_slice %arg4[%squeeze3A_333, %squeeze3A_335, %dma_start3A_341] : memref<125000x8x32xf32, #tpu.memory_space<hbm>> -> memref<1x1x32xf32, #tpu.memory_space<hbm>>
      %dma_start3A_343 = tpu.memref_squeeze %dma_start3A_342 : memref<1x1x32xf32, #tpu.memory_space<hbm>> -> memref<32xf32, #tpu.memory_space<hbm>>
      %dma_start3A_344 = arith.constant 0 : i32
      %dma_start3A_345 = tpu.memref_slice %arg13[%add3A_337, %dma_start3A_344] : memref<512x32xf32, #tpu.memory_space<vmem>> -> memref<1x32xf32, #tpu.memory_space<vmem>>
      %dma_start3A_346 = tpu.memref_squeeze %dma_start3A_345 : memref<1x32xf32, #tpu.memory_space<vmem>> -> memref<32xf32, #tpu.memory_space<vmem>>
      %dma_start3A_347 = arith.constant 0 : i32
      %dma_start3A_348 = tpu.memref_slice %arg4[%squeeze3A_333, %squeeze3A_335, %dma_start3A_347] : memref<125000x8x32xf32, #tpu.memory_space<hbm>> -> memref<1x1x32xf32, #tpu.memory_space<hbm>>
      %dma_start3A_349 = tpu.memref_squeeze %dma_start3A_348 : memref<1x1x32xf32, #tpu.memory_space<hbm>> -> memref<32xf32, #tpu.memory_space<hbm>>
      tpu.enqueue_dma source(%dma_start3A_349 : memref<32xf32, #tpu.memory_space<hbm>>) target(%dma_start3A_346 : memref<32xf32, #tpu.memory_space<vmem>>) target_semaphore(%arg14 : memref<!tpu.dma_semaphore, #tpu.memory_space<semaphore_mem>>)
      %slice3A_350 = vector.extract_strided_slice %shift_right_logical3A_134 {offsets = [12], sizes = [1], strides = [1]} : vector<16xi32> to vector<1xi32>
      %squeeze3A_351 = vector.extract %slice3A_350[0] : i32 from vector<1xi32>
      %slice3A_352 = vector.extract_strided_slice %and3A_136 {offsets = [12], sizes = [1], strides = [1]} : vector<16xi32> to vector<1xi32>
      %squeeze3A_353 = vector.extract %slice3A_352[0] : i32 from vector<1xi32>
      %add3A_354 = arith.constant 12 : i32
      %add3A_355 = arith.addi %mul3A_128, %add3A_354 : i32
      %dma_start3A_356 = arith.constant 0 : i32
      %dma_start3A_357 = tpu.memref_slice %arg13[%add3A_355, %dma_start3A_356] : memref<512x32xf32, #tpu.memory_space<vmem>> -> memref<1x32xf32, #tpu.memory_space<vmem>>
      %dma_start3A_358 = tpu.memref_squeeze %dma_start3A_357 : memref<1x32xf32, #tpu.memory_space<vmem>> -> memref<32xf32, #tpu.memory_space<vmem>>
      %dma_start3A_359 = arith.constant 0 : i32
      %dma_start3A_360 = tpu.memref_slice %arg4[%squeeze3A_351, %squeeze3A_353, %dma_start3A_359] : memref<125000x8x32xf32, #tpu.memory_space<hbm>> -> memref<1x1x32xf32, #tpu.memory_space<hbm>>
      %dma_start3A_361 = tpu.memref_squeeze %dma_start3A_360 : memref<1x1x32xf32, #tpu.memory_space<hbm>> -> memref<32xf32, #tpu.memory_space<hbm>>
      %dma_start3A_362 = arith.constant 0 : i32
      %dma_start3A_363 = tpu.memref_slice %arg13[%add3A_355, %dma_start3A_362] : memref<512x32xf32, #tpu.memory_space<vmem>> -> memref<1x32xf32, #tpu.memory_space<vmem>>
      %dma_start3A_364 = tpu.memref_squeeze %dma_start3A_363 : memref<1x32xf32, #tpu.memory_space<vmem>> -> memref<32xf32, #tpu.memory_space<vmem>>
      %dma_start3A_365 = arith.constant 0 : i32
      %dma_start3A_366 = tpu.memref_slice %arg4[%squeeze3A_351, %squeeze3A_353, %dma_start3A_365] : memref<125000x8x32xf32, #tpu.memory_space<hbm>> -> memref<1x1x32xf32, #tpu.memory_space<hbm>>
      %dma_start3A_367 = tpu.memref_squeeze %dma_start3A_366 : memref<1x1x32xf32, #tpu.memory_space<hbm>> -> memref<32xf32, #tpu.memory_space<hbm>>
      tpu.enqueue_dma source(%dma_start3A_367 : memref<32xf32, #tpu.memory_space<hbm>>) target(%dma_start3A_364 : memref<32xf32, #tpu.memory_space<vmem>>) target_semaphore(%arg14 : memref<!tpu.dma_semaphore, #tpu.memory_space<semaphore_mem>>)
      %slice3A_368 = vector.extract_strided_slice %shift_right_logical3A_134 {offsets = [13], sizes = [1], strides = [1]} : vector<16xi32> to vector<1xi32>
      %squeeze3A_369 = vector.extract %slice3A_368[0] : i32 from vector<1xi32>
      %slice3A_370 = vector.extract_strided_slice %and3A_136 {offsets = [13], sizes = [1], strides = [1]} : vector<16xi32> to vector<1xi32>
      %squeeze3A_371 = vector.extract %slice3A_370[0] : i32 from vector<1xi32>
      %add3A_372 = arith.constant 13 : i32
      %add3A_373 = arith.addi %mul3A_128, %add3A_372 : i32
      %dma_start3A_374 = arith.constant 0 : i32
      %dma_start3A_375 = tpu.memref_slice %arg13[%add3A_373, %dma_start3A_374] : memref<512x32xf32, #tpu.memory_space<vmem>> -> memref<1x32xf32, #tpu.memory_space<vmem>>
      %dma_start3A_376 = tpu.memref_squeeze %dma_start3A_375 : memref<1x32xf32, #tpu.memory_space<vmem>> -> memref<32xf32, #tpu.memory_space<vmem>>
      %dma_start3A_377 = arith.constant 0 : i32
      %dma_start3A_378 = tpu.memref_slice %arg4[%squeeze3A_369, %squeeze3A_371, %dma_start3A_377] : memref<125000x8x32xf32, #tpu.memory_space<hbm>> -> memref<1x1x32xf32, #tpu.memory_space<hbm>>
      %dma_start3A_379 = tpu.memref_squeeze %dma_start3A_378 : memref<1x1x32xf32, #tpu.memory_space<hbm>> -> memref<32xf32, #tpu.memory_space<hbm>>
      %dma_start3A_380 = arith.constant 0 : i32
      %dma_start3A_381 = tpu.memref_slice %arg13[%add3A_373, %dma_start3A_380] : memref<512x32xf32, #tpu.memory_space<vmem>> -> memref<1x32xf32, #tpu.memory_space<vmem>>
      %dma_start3A_382 = tpu.memref_squeeze %dma_start3A_381 : memref<1x32xf32, #tpu.memory_space<vmem>> -> memref<32xf32, #tpu.memory_space<vmem>>
      %dma_start3A_383 = arith.constant 0 : i32
      %dma_start3A_384 = tpu.memref_slice %arg4[%squeeze3A_369, %squeeze3A_371, %dma_start3A_383] : memref<125000x8x32xf32, #tpu.memory_space<hbm>> -> memref<1x1x32xf32, #tpu.memory_space<hbm>>
      %dma_start3A_385 = tpu.memref_squeeze %dma_start3A_384 : memref<1x1x32xf32, #tpu.memory_space<hbm>> -> memref<32xf32, #tpu.memory_space<hbm>>
      tpu.enqueue_dma source(%dma_start3A_385 : memref<32xf32, #tpu.memory_space<hbm>>) target(%dma_start3A_382 : memref<32xf32, #tpu.memory_space<vmem>>) target_semaphore(%arg14 : memref<!tpu.dma_semaphore, #tpu.memory_space<semaphore_mem>>)
      %slice3A_386 = vector.extract_strided_slice %shift_right_logical3A_134 {offsets = [14], sizes = [1], strides = [1]} : vector<16xi32> to vector<1xi32>
      %squeeze3A_387 = vector.extract %slice3A_386[0] : i32 from vector<1xi32>
      %slice3A_388 = vector.extract_strided_slice %and3A_136 {offsets = [14], sizes = [1], strides = [1]} : vector<16xi32> to vector<1xi32>
      %squeeze3A_389 = vector.extract %slice3A_388[0] : i32 from vector<1xi32>
      %add3A_390 = arith.constant 14 : i32
      %add3A_391 = arith.addi %mul3A_128, %add3A_390 : i32
      %dma_start3A_392 = arith.constant 0 : i32
      %dma_start3A_393 = tpu.memref_slice %arg13[%add3A_391, %dma_start3A_392] : memref<512x32xf32, #tpu.memory_space<vmem>> -> memref<1x32xf32, #tpu.memory_space<vmem>>
      %dma_start3A_394 = tpu.memref_squeeze %dma_start3A_393 : memref<1x32xf32, #tpu.memory_space<vmem>> -> memref<32xf32, #tpu.memory_space<vmem>>
      %dma_start3A_395 = arith.constant 0 : i32
      %dma_start3A_396 = tpu.memref_slice %arg4[%squeeze3A_387, %squeeze3A_389, %dma_start3A_395] : memref<125000x8x32xf32, #tpu.memory_space<hbm>> -> memref<1x1x32xf32, #tpu.memory_space<hbm>>
      %dma_start3A_397 = tpu.memref_squeeze %dma_start3A_396 : memref<1x1x32xf32, #tpu.memory_space<hbm>> -> memref<32xf32, #tpu.memory_space<hbm>>
      %dma_start3A_398 = arith.constant 0 : i32
      %dma_start3A_399 = tpu.memref_slice %arg13[%add3A_391, %dma_start3A_398] : memref<512x32xf32, #tpu.memory_space<vmem>> -> memref<1x32xf32, #tpu.memory_space<vmem>>
      %dma_start3A_400 = tpu.memref_squeeze %dma_start3A_399 : memref<1x32xf32, #tpu.memory_space<vmem>> -> memref<32xf32, #tpu.memory_space<vmem>>
      %dma_start3A_401 = arith.constant 0 : i32
      %dma_start3A_402 = tpu.memref_slice %arg4[%squeeze3A_387, %squeeze3A_389, %dma_start3A_401] : memref<125000x8x32xf32, #tpu.memory_space<hbm>> -> memref<1x1x32xf32, #tpu.memory_space<hbm>>
      %dma_start3A_403 = tpu.memref_squeeze %dma_start3A_402 : memref<1x1x32xf32, #tpu.memory_space<hbm>> -> memref<32xf32, #tpu.memory_space<hbm>>
      tpu.enqueue_dma source(%dma_start3A_403 : memref<32xf32, #tpu.memory_space<hbm>>) target(%dma_start3A_400 : memref<32xf32, #tpu.memory_space<vmem>>) target_semaphore(%arg14 : memref<!tpu.dma_semaphore, #tpu.memory_space<semaphore_mem>>)
      %slice3A_404 = vector.extract_strided_slice %shift_right_logical3A_134 {offsets = [15], sizes = [1], strides = [1]} : vector<16xi32> to vector<1xi32>
      %squeeze3A_405 = vector.extract %slice3A_404[0] : i32 from vector<1xi32>
      %slice3A_406 = vector.extract_strided_slice %and3A_136 {offsets = [15], sizes = [1], strides = [1]} : vector<16xi32> to vector<1xi32>
      %squeeze3A_407 = vector.extract %slice3A_406[0] : i32 from vector<1xi32>
      %add3A_408 = arith.constant 15 : i32
      %add3A_409 = arith.addi %mul3A_128, %add3A_408 : i32
      %dma_start3A_410 = arith.constant 0 : i32
      %dma_start3A_411 = tpu.memref_slice %arg13[%add3A_409, %dma_start3A_410] : memref<512x32xf32, #tpu.memory_space<vmem>> -> memref<1x32xf32, #tpu.memory_space<vmem>>
      %dma_start3A_412 = tpu.memref_squeeze %dma_start3A_411 : memref<1x32xf32, #tpu.memory_space<vmem>> -> memref<32xf32, #tpu.memory_space<vmem>>
      %dma_start3A_413 = arith.constant 0 : i32
      %dma_start3A_414 = tpu.memref_slice %arg4[%squeeze3A_405, %squeeze3A_407, %dma_start3A_413] : memref<125000x8x32xf32, #tpu.memory_space<hbm>> -> memref<1x1x32xf32, #tpu.memory_space<hbm>>
      %dma_start3A_415 = tpu.memref_squeeze %dma_start3A_414 : memref<1x1x32xf32, #tpu.memory_space<hbm>> -> memref<32xf32, #tpu.memory_space<hbm>>
      %dma_start3A_416 = arith.constant 0 : i32
      %dma_start3A_417 = tpu.memref_slice %arg13[%add3A_409, %dma_start3A_416] : memref<512x32xf32, #tpu.memory_space<vmem>> -> memref<1x32xf32, #tpu.memory_space<vmem>>
      %dma_start3A_418 = tpu.memref_squeeze %dma_start3A_417 : memref<1x32xf32, #tpu.memory_space<vmem>> -> memref<32xf32, #tpu.memory_space<vmem>>
      %dma_start3A_419 = arith.constant 0 : i32
      %dma_start3A_420 = tpu.memref_slice %arg4[%squeeze3A_405, %squeeze3A_407, %dma_start3A_419] : memref<125000x8x32xf32, #tpu.memory_space<hbm>> -> memref<1x1x32xf32, #tpu.memory_space<hbm>>
      %dma_start3A_421 = tpu.memref_squeeze %dma_start3A_420 : memref<1x1x32xf32, #tpu.memory_space<hbm>> -> memref<32xf32, #tpu.memory_space<hbm>>
      tpu.enqueue_dma source(%dma_start3A_421 : memref<32xf32, #tpu.memory_space<hbm>>) target(%dma_start3A_418 : memref<32xf32, #tpu.memory_space<vmem>>) target_semaphore(%arg14 : memref<!tpu.dma_semaphore, #tpu.memory_space<semaphore_mem>>)
    }
    %scan3A_19 = arith.constant 32 : i32
    %dma_wait3A_20 = arith.constant 1 : i32
    %dma_wait3A_21 = arith.constant 0 : i32
    %dma_wait3A_22 = arith.constant 0 : i32
    %dma_wait3A_23 = tpu.memref_slice %arg11[%dma_wait3A_20, %add3A, %dma_wait3A_21, %dma_wait3A_22] : memref<8x32x512x32xf32, #tpu.memory_space<hbm>> -> memref<1x1x512x32xf32, #tpu.memory_space<hbm>>
    %dma_wait3A_24 = tpu.memref_squeeze %dma_wait3A_23 : memref<1x1x512x32xf32, #tpu.memory_space<hbm>> -> memref<512x32xf32, #tpu.memory_space<hbm>>
    %dma_wait3A_25 = arith.constant 0 : i32
    %dma_wait3A_26 = arith.constant 0 : i32
    %dma_wait3A_27 = tpu.memref_slice %arg11[%dma_wait3A_20, %add3A, %dma_wait3A_25, %dma_wait3A_26] : memref<8x32x512x32xf32, #tpu.memory_space<hbm>> -> memref<1x1x512x32xf32, #tpu.memory_space<hbm>>
    %dma_wait3A_28 = tpu.memref_squeeze %dma_wait3A_27 : memref<1x1x512x32xf32, #tpu.memory_space<hbm>> -> memref<512x32xf32, #tpu.memory_space<hbm>>
    tpu.wait_dma2 semaphore(%arg14 : memref<!tpu.dma_semaphore, #tpu.memory_space<semaphore_mem>>) src(%dma_wait3A_28 : memref<512x32xf32, #tpu.memory_space<hbm>>) dst(%arg13 : memref<512x32xf32, #tpu.memory_space<vmem>>)
    %run_scoped3A_29 = arith.constant 1 : i32
    "tpu.region"() ({
      %run_scoped3A_126 = tpu.sem_alloc : memref<!tpu.dma_semaphore, #tpu.memory_space<semaphore_mem>>
      %dma_start3A = arith.constant 0 : i32
      %dma_start3A_127 = arith.constant 0 : i32
      %dma_start3A_128 = tpu.memref_slice %arg11[%run_scoped3A_29, %add3A, %dma_start3A, %dma_start3A_127] : memref<8x32x512x32xf32, #tpu.memory_space<hbm>> -> memref<1x1x512x32xf32, #tpu.memory_space<hbm>>
      %dma_start3A_129 = tpu.memref_squeeze %dma_start3A_128 : memref<1x1x512x32xf32, #tpu.memory_space<hbm>> -> memref<512x32xf32, #tpu.memory_space<hbm>>
      %dma_start3A_130 = arith.constant 0 : i32
      %dma_start3A_131 = arith.constant 0 : i32
      %dma_start3A_132 = tpu.memref_slice %arg11[%run_scoped3A_29, %add3A, %dma_start3A_130, %dma_start3A_131] : memref<8x32x512x32xf32, #tpu.memory_space<hbm>> -> memref<1x1x512x32xf32, #tpu.memory_space<hbm>>
      %dma_start3A_133 = tpu.memref_squeeze %dma_start3A_132 : memref<1x1x512x32xf32, #tpu.memory_space<hbm>> -> memref<512x32xf32, #tpu.memory_space<hbm>>
      tpu.enqueue_dma source(%arg13 : memref<512x32xf32, #tpu.memory_space<vmem>>) target(%dma_start3A_133 : memref<512x32xf32, #tpu.memory_space<hbm>>) target_semaphore(%run_scoped3A_126 : memref<!tpu.dma_semaphore, #tpu.memory_space<semaphore_mem>>)
      %dma_wait3A_134 = arith.constant 0 : i32
      %dma_wait3A_135 = arith.constant 0 : i32
      %dma_wait3A_136 = tpu.memref_slice %arg11[%run_scoped3A_29, %add3A, %dma_wait3A_134, %dma_wait3A_135] : memref<8x32x512x32xf32, #tpu.memory_space<hbm>> -> memref<1x1x512x32xf32, #tpu.memory_space<hbm>>
      %dma_wait3A_137 = tpu.memref_squeeze %dma_wait3A_136 : memref<1x1x512x32xf32, #tpu.memory_space<hbm>> -> memref<512x32xf32, #tpu.memory_space<hbm>>
      %dma_wait3A_138 = arith.constant 0 : i32
      %dma_wait3A_139 = arith.constant 0 : i32
      %dma_wait3A_140 = tpu.memref_slice %arg11[%run_scoped3A_29, %add3A, %dma_wait3A_138, %dma_wait3A_139] : memref<8x32x512x32xf32, #tpu.memory_space<hbm>> -> memref<1x1x512x32xf32, #tpu.memory_space<hbm>>
      %dma_wait3A_141 = tpu.memref_squeeze %dma_wait3A_140 : memref<1x1x512x32xf32, #tpu.memory_space<hbm>> -> memref<512x32xf32, #tpu.memory_space<hbm>>
      tpu.wait_dma2 semaphore(%run_scoped3A_126 : memref<!tpu.dma_semaphore, #tpu.memory_space<semaphore_mem>>) src(%arg13 : memref<512x32xf32, #tpu.memory_space<vmem>>) dst(%dma_wait3A_141 : memref<512x32xf32, #tpu.memory_space<hbm>>)
      tpu.yield
    }) : () -> ()
    %scan3A_30 = arith.constant 0 : i32
    %scan3A_31 = arith.constant 0 : i32
    %scan3A_32 = arith.constant 32 : i32
    %scan3A_33 = arith.addi %scan3A_31, %scan3A_32 : i32
    %scan3A_34 = arith.constant 1 : i32
    scf.for %scan3A_126 = %scan3A_31 to %scan3A_33 step %scan3A_34  : i32 {
      %mul3A_127 = arith.constant 16 : i32
      %mul3A_128 = arith.muli %scan3A_126, %mul3A_127 : i32
      %get3A = arith.constant 2 : i32
      %get3A_129 = arith.index_cast %get3A : i32 to index
      %get3A_130 = arith.index_cast %mul3A_128 : i32 to index
      %get3A_131 = tpu.vector_load %arg12[%get3A_129, %get3A_130] {strides = array<i32>} : memref<8x512xi32, #tpu.memory_space<vmem>>, vector<1x16xi32>,
      %get3A_132 = vector.shape_cast %get3A_131 : vector<1x16xi32> to vector<16xi32>
      %shift_right_logical3A = arith.constant 3 : i32
      %shift_right_logical3A_133 = vector.broadcast %shift_right_logical3A : i32 to vector<16xi32>
      %shift_right_logical3A_134 = arith.shrui %get3A_132, %shift_right_logical3A_133 : vector<16xi32>
      %and3A = arith.constant 7 : i32
      %and3A_135 = vector.broadcast %and3A : i32 to vector<16xi32>
      %and3A_136 = arith.andi %get3A_132, %and3A_135 : vector<16xi32>
      %slice3A = vector.extract_strided_slice %shift_right_logical3A_134 {offsets = [0], sizes = [1], strides = [1]} : vector<16xi32> to vector<1xi32>
      %squeeze3A = vector.extract %slice3A[0] : i32 from vector<1xi32>
      %slice3A_137 = vector.extract_strided_slice %and3A_136 {offsets = [0], sizes = [1], strides = [1]} : vector<16xi32> to vector<1xi32>
      %squeeze3A_138 = vector.extract %slice3A_137[0] : i32 from vector<1xi32>
      %add3A_139 = arith.constant 0 : i32
      %add3A_140 = arith.addi %mul3A_128, %add3A_139 : i32
      %dma_start3A = arith.constant 0 : i32
      %dma_start3A_141 = tpu.memref_slice %arg13[%add3A_140, %dma_start3A] : memref<512x32xf32, #tpu.memory_space<vmem>> -> memref<1x32xf32, #tpu.memory_space<vmem>>
      %dma_start3A_142 = tpu.memref_squeeze %dma_start3A_141 : memref<1x32xf32, #tpu.memory_space<vmem>> -> memref<32xf32, #tpu.memory_space<vmem>>
      %dma_start3A_143 = arith.constant 0 : i32
      %dma_start3A_144 = tpu.memref_slice %arg5[%squeeze3A, %squeeze3A_138, %dma_start3A_143] : memref<125000x8x32xf32, #tpu.memory_space<hbm>> -> memref<1x1x32xf32, #tpu.memory_space<hbm>>
      %dma_start3A_145 = tpu.memref_squeeze %dma_start3A_144 : memref<1x1x32xf32, #tpu.memory_space<hbm>> -> memref<32xf32, #tpu.memory_space<hbm>>
      %dma_start3A_146 = arith.constant 0 : i32
      %dma_start3A_147 = tpu.memref_slice %arg13[%add3A_140, %dma_start3A_146] : memref<512x32xf32, #tpu.memory_space<vmem>> -> memref<1x32xf32, #tpu.memory_space<vmem>>
      %dma_start3A_148 = tpu.memref_squeeze %dma_start3A_147 : memref<1x32xf32, #tpu.memory_space<vmem>> -> memref<32xf32, #tpu.memory_space<vmem>>
      %dma_start3A_149 = arith.constant 0 : i32
      %dma_start3A_150 = tpu.memref_slice %arg5[%squeeze3A, %squeeze3A_138, %dma_start3A_149] : memref<125000x8x32xf32, #tpu.memory_space<hbm>> -> memref<1x1x32xf32, #tpu.memory_space<hbm>>
      %dma_start3A_151 = tpu.memref_squeeze %dma_start3A_150 : memref<1x1x32xf32, #tpu.memory_space<hbm>> -> memref<32xf32, #tpu.memory_space<hbm>>
      tpu.enqueue_dma source(%dma_start3A_151 : memref<32xf32, #tpu.memory_space<hbm>>) target(%dma_start3A_148 : memref<32xf32, #tpu.memory_space<vmem>>) target_semaphore(%arg14 : memref<!tpu.dma_semaphore, #tpu.memory_space<semaphore_mem>>)
      %slice3A_152 = vector.extract_strided_slice %shift_right_logical3A_134 {offsets = [1], sizes = [1], strides = [1]} : vector<16xi32> to vector<1xi32>
      %squeeze3A_153 = vector.extract %slice3A_152[0] : i32 from vector<1xi32>
      %slice3A_154 = vector.extract_strided_slice %and3A_136 {offsets = [1], sizes = [1], strides = [1]} : vector<16xi32> to vector<1xi32>
      %squeeze3A_155 = vector.extract %slice3A_154[0] : i32 from vector<1xi32>
      %add3A_156 = arith.constant 1 : i32
      %add3A_157 = arith.addi %mul3A_128, %add3A_156 : i32
      %dma_start3A_158 = arith.constant 0 : i32
      %dma_start3A_159 = tpu.memref_slice %arg13[%add3A_157, %dma_start3A_158] : memref<512x32xf32, #tpu.memory_space<vmem>> -> memref<1x32xf32, #tpu.memory_space<vmem>>
      %dma_start3A_160 = tpu.memref_squeeze %dma_start3A_159 : memref<1x32xf32, #tpu.memory_space<vmem>> -> memref<32xf32, #tpu.memory_space<vmem>>
      %dma_start3A_161 = arith.constant 0 : i32
      %dma_start3A_162 = tpu.memref_slice %arg5[%squeeze3A_153, %squeeze3A_155, %dma_start3A_161] : memref<125000x8x32xf32, #tpu.memory_space<hbm>> -> memref<1x1x32xf32, #tpu.memory_space<hbm>>
      %dma_start3A_163 = tpu.memref_squeeze %dma_start3A_162 : memref<1x1x32xf32, #tpu.memory_space<hbm>> -> memref<32xf32, #tpu.memory_space<hbm>>
      %dma_start3A_164 = arith.constant 0 : i32
      %dma_start3A_165 = tpu.memref_slice %arg13[%add3A_157, %dma_start3A_164] : memref<512x32xf32, #tpu.memory_space<vmem>> -> memref<1x32xf32, #tpu.memory_space<vmem>>
      %dma_start3A_166 = tpu.memref_squeeze %dma_start3A_165 : memref<1x32xf32, #tpu.memory_space<vmem>> -> memref<32xf32, #tpu.memory_space<vmem>>
      %dma_start3A_167 = arith.constant 0 : i32
      %dma_start3A_168 = tpu.memref_slice %arg5[%squeeze3A_153, %squeeze3A_155, %dma_start3A_167] : memref<125000x8x32xf32, #tpu.memory_space<hbm>> -> memref<1x1x32xf32, #tpu.memory_space<hbm>>
      %dma_start3A_169 = tpu.memref_squeeze %dma_start3A_168 : memref<1x1x32xf32, #tpu.memory_space<hbm>> -> memref<32xf32, #tpu.memory_space<hbm>>
      tpu.enqueue_dma source(%dma_start3A_169 : memref<32xf32, #tpu.memory_space<hbm>>) target(%dma_start3A_166 : memref<32xf32, #tpu.memory_space<vmem>>) target_semaphore(%arg14 : memref<!tpu.dma_semaphore, #tpu.memory_space<semaphore_mem>>)
      %slice3A_170 = vector.extract_strided_slice %shift_right_logical3A_134 {offsets = [2], sizes = [1], strides = [1]} : vector<16xi32> to vector<1xi32>
      %squeeze3A_171 = vector.extract %slice3A_170[0] : i32 from vector<1xi32>
      %slice3A_172 = vector.extract_strided_slice %and3A_136 {offsets = [2], sizes = [1], strides = [1]} : vector<16xi32> to vector<1xi32>
      %squeeze3A_173 = vector.extract %slice3A_172[0] : i32 from vector<1xi32>
      %add3A_174 = arith.constant 2 : i32
      %add3A_175 = arith.addi %mul3A_128, %add3A_174 : i32
      %dma_start3A_176 = arith.constant 0 : i32
      %dma_start3A_177 = tpu.memref_slice %arg13[%add3A_175, %dma_start3A_176] : memref<512x32xf32, #tpu.memory_space<vmem>> -> memref<1x32xf32, #tpu.memory_space<vmem>>
      %dma_start3A_178 = tpu.memref_squeeze %dma_start3A_177 : memref<1x32xf32, #tpu.memory_space<vmem>> -> memref<32xf32, #tpu.memory_space<vmem>>
      %dma_start3A_179 = arith.constant 0 : i32
      %dma_start3A_180 = tpu.memref_slice %arg5[%squeeze3A_171, %squeeze3A_173, %dma_start3A_179] : memref<125000x8x32xf32, #tpu.memory_space<hbm>> -> memref<1x1x32xf32, #tpu.memory_space<hbm>>
      %dma_start3A_181 = tpu.memref_squeeze %dma_start3A_180 : memref<1x1x32xf32, #tpu.memory_space<hbm>> -> memref<32xf32, #tpu.memory_space<hbm>>
      %dma_start3A_182 = arith.constant 0 : i32
      %dma_start3A_183 = tpu.memref_slice %arg13[%add3A_175, %dma_start3A_182] : memref<512x32xf32, #tpu.memory_space<vmem>> -> memref<1x32xf32, #tpu.memory_space<vmem>>
      %dma_start3A_184 = tpu.memref_squeeze %dma_start3A_183 : memref<1x32xf32, #tpu.memory_space<vmem>> -> memref<32xf32, #tpu.memory_space<vmem>>
      %dma_start3A_185 = arith.constant 0 : i32
      %dma_start3A_186 = tpu.memref_slice %arg5[%squeeze3A_171, %squeeze3A_173, %dma_start3A_185] : memref<125000x8x32xf32, #tpu.memory_space<hbm>> -> memref<1x1x32xf32, #tpu.memory_space<hbm>>
      %dma_start3A_187 = tpu.memref_squeeze %dma_start3A_186 : memref<1x1x32xf32, #tpu.memory_space<hbm>> -> memref<32xf32, #tpu.memory_space<hbm>>
      tpu.enqueue_dma source(%dma_start3A_187 : memref<32xf32, #tpu.memory_space<hbm>>) target(%dma_start3A_184 : memref<32xf32, #tpu.memory_space<vmem>>) target_semaphore(%arg14 : memref<!tpu.dma_semaphore, #tpu.memory_space<semaphore_mem>>)
      %slice3A_188 = vector.extract_strided_slice %shift_right_logical3A_134 {offsets = [3], sizes = [1], strides = [1]} : vector<16xi32> to vector<1xi32>
      %squeeze3A_189 = vector.extract %slice3A_188[0] : i32 from vector<1xi32>
      %slice3A_190 = vector.extract_strided_slice %and3A_136 {offsets = [3], sizes = [1], strides = [1]} : vector<16xi32> to vector<1xi32>
      %squeeze3A_191 = vector.extract %slice3A_190[0] : i32 from vector<1xi32>
      %add3A_192 = arith.constant 3 : i32
      %add3A_193 = arith.addi %mul3A_128, %add3A_192 : i32
      %dma_start3A_194 = arith.constant 0 : i32
      %dma_start3A_195 = tpu.memref_slice %arg13[%add3A_193, %dma_start3A_194] : memref<512x32xf32, #tpu.memory_space<vmem>> -> memref<1x32xf32, #tpu.memory_space<vmem>>
      %dma_start3A_196 = tpu.memref_squeeze %dma_start3A_195 : memref<1x32xf32, #tpu.memory_space<vmem>> -> memref<32xf32, #tpu.memory_space<vmem>>
      %dma_start3A_197 = arith.constant 0 : i32
      %dma_start3A_198 = tpu.memref_slice %arg5[%squeeze3A_189, %squeeze3A_191, %dma_start3A_197] : memref<125000x8x32xf32, #tpu.memory_space<hbm>> -> memref<1x1x32xf32, #tpu.memory_space<hbm>>
      %dma_start3A_199 = tpu.memref_squeeze %dma_start3A_198 : memref<1x1x32xf32, #tpu.memory_space<hbm>> -> memref<32xf32, #tpu.memory_space<hbm>>
      %dma_start3A_200 = arith.constant 0 : i32
      %dma_start3A_201 = tpu.memref_slice %arg13[%add3A_193, %dma_start3A_200] : memref<512x32xf32, #tpu.memory_space<vmem>> -> memref<1x32xf32, #tpu.memory_space<vmem>>
      %dma_start3A_202 = tpu.memref_squeeze %dma_start3A_201 : memref<1x32xf32, #tpu.memory_space<vmem>> -> memref<32xf32, #tpu.memory_space<vmem>>
      %dma_start3A_203 = arith.constant 0 : i32
      %dma_start3A_204 = tpu.memref_slice %arg5[%squeeze3A_189, %squeeze3A_191, %dma_start3A_203] : memref<125000x8x32xf32, #tpu.memory_space<hbm>> -> memref<1x1x32xf32, #tpu.memory_space<hbm>>
      %dma_start3A_205 = tpu.memref_squeeze %dma_start3A_204 : memref<1x1x32xf32, #tpu.memory_space<hbm>> -> memref<32xf32, #tpu.memory_space<hbm>>
      tpu.enqueue_dma source(%dma_start3A_205 : memref<32xf32, #tpu.memory_space<hbm>>) target(%dma_start3A_202 : memref<32xf32, #tpu.memory_space<vmem>>) target_semaphore(%arg14 : memref<!tpu.dma_semaphore, #tpu.memory_space<semaphore_mem>>)
      %slice3A_206 = vector.extract_strided_slice %shift_right_logical3A_134 {offsets = [4], sizes = [1], strides = [1]} : vector<16xi32> to vector<1xi32>
      %squeeze3A_207 = vector.extract %slice3A_206[0] : i32 from vector<1xi32>
      %slice3A_208 = vector.extract_strided_slice %and3A_136 {offsets = [4], sizes = [1], strides = [1]} : vector<16xi32> to vector<1xi32>
      %squeeze3A_209 = vector.extract %slice3A_208[0] : i32 from vector<1xi32>
      %add3A_210 = arith.constant 4 : i32
      %add3A_211 = arith.addi %mul3A_128, %add3A_210 : i32
      %dma_start3A_212 = arith.constant 0 : i32
      %dma_start3A_213 = tpu.memref_slice %arg13[%add3A_211, %dma_start3A_212] : memref<512x32xf32, #tpu.memory_space<vmem>> -> memref<1x32xf32, #tpu.memory_space<vmem>>
      %dma_start3A_214 = tpu.memref_squeeze %dma_start3A_213 : memref<1x32xf32, #tpu.memory_space<vmem>> -> memref<32xf32, #tpu.memory_space<vmem>>
      %dma_start3A_215 = arith.constant 0 : i32
      %dma_start3A_216 = tpu.memref_slice %arg5[%squeeze3A_207, %squeeze3A_209, %dma_start3A_215] : memref<125000x8x32xf32, #tpu.memory_space<hbm>> -> memref<1x1x32xf32, #tpu.memory_space<hbm>>
      %dma_start3A_217 = tpu.memref_squeeze %dma_start3A_216 : memref<1x1x32xf32, #tpu.memory_space<hbm>> -> memref<32xf32, #tpu.memory_space<hbm>>
      %dma_start3A_218 = arith.constant 0 : i32
      %dma_start3A_219 = tpu.memref_slice %arg13[%add3A_211, %dma_start3A_218] : memref<512x32xf32, #tpu.memory_space<vmem>> -> memref<1x32xf32, #tpu.memory_space<vmem>>
      %dma_start3A_220 = tpu.memref_squeeze %dma_start3A_219 : memref<1x32xf32, #tpu.memory_space<vmem>> -> memref<32xf32, #tpu.memory_space<vmem>>
      %dma_start3A_221 = arith.constant 0 : i32
      %dma_start3A_222 = tpu.memref_slice %arg5[%squeeze3A_207, %squeeze3A_209, %dma_start3A_221] : memref<125000x8x32xf32, #tpu.memory_space<hbm>> -> memref<1x1x32xf32, #tpu.memory_space<hbm>>
      %dma_start3A_223 = tpu.memref_squeeze %dma_start3A_222 : memref<1x1x32xf32, #tpu.memory_space<hbm>> -> memref<32xf32, #tpu.memory_space<hbm>>
      tpu.enqueue_dma source(%dma_start3A_223 : memref<32xf32, #tpu.memory_space<hbm>>) target(%dma_start3A_220 : memref<32xf32, #tpu.memory_space<vmem>>) target_semaphore(%arg14 : memref<!tpu.dma_semaphore, #tpu.memory_space<semaphore_mem>>)
      %slice3A_224 = vector.extract_strided_slice %shift_right_logical3A_134 {offsets = [5], sizes = [1], strides = [1]} : vector<16xi32> to vector<1xi32>
      %squeeze3A_225 = vector.extract %slice3A_224[0] : i32 from vector<1xi32>
      %slice3A_226 = vector.extract_strided_slice %and3A_136 {offsets = [5], sizes = [1], strides = [1]} : vector<16xi32> to vector<1xi32>
      %squeeze3A_227 = vector.extract %slice3A_226[0] : i32 from vector<1xi32>
      %add3A_228 = arith.constant 5 : i32
      %add3A_229 = arith.addi %mul3A_128, %add3A_228 : i32
      %dma_start3A_230 = arith.constant 0 : i32
      %dma_start3A_231 = tpu.memref_slice %arg13[%add3A_229, %dma_start3A_230] : memref<512x32xf32, #tpu.memory_space<vmem>> -> memref<1x32xf32, #tpu.memory_space<vmem>>
      %dma_start3A_232 = tpu.memref_squeeze %dma_start3A_231 : memref<1x32xf32, #tpu.memory_space<vmem>> -> memref<32xf32, #tpu.memory_space<vmem>>
      %dma_start3A_233 = arith.constant 0 : i32
      %dma_start3A_234 = tpu.memref_slice %arg5[%squeeze3A_225, %squeeze3A_227, %dma_start3A_233] : memref<125000x8x32xf32, #tpu.memory_space<hbm>> -> memref<1x1x32xf32, #tpu.memory_space<hbm>>
      %dma_start3A_235 = tpu.memref_squeeze %dma_start3A_234 : memref<1x1x32xf32, #tpu.memory_space<hbm>> -> memref<32xf32, #tpu.memory_space<hbm>>
      %dma_start3A_236 = arith.constant 0 : i32
      %dma_start3A_237 = tpu.memref_slice %arg13[%add3A_229, %dma_start3A_236] : memref<512x32xf32, #tpu.memory_space<vmem>> -> memref<1x32xf32, #tpu.memory_space<vmem>>
      %dma_start3A_238 = tpu.memref_squeeze %dma_start3A_237 : memref<1x32xf32, #tpu.memory_space<vmem>> -> memref<32xf32, #tpu.memory_space<vmem>>
      %dma_start3A_239 = arith.constant 0 : i32
      %dma_start3A_240 = tpu.memref_slice %arg5[%squeeze3A_225, %squeeze3A_227, %dma_start3A_239] : memref<125000x8x32xf32, #tpu.memory_space<hbm>> -> memref<1x1x32xf32, #tpu.memory_space<hbm>>
      %dma_start3A_241 = tpu.memref_squeeze %dma_start3A_240 : memref<1x1x32xf32, #tpu.memory_space<hbm>> -> memref<32xf32, #tpu.memory_space<hbm>>
      tpu.enqueue_dma source(%dma_start3A_241 : memref<32xf32, #tpu.memory_space<hbm>>) target(%dma_start3A_238 : memref<32xf32, #tpu.memory_space<vmem>>) target_semaphore(%arg14 : memref<!tpu.dma_semaphore, #tpu.memory_space<semaphore_mem>>)
      %slice3A_242 = vector.extract_strided_slice %shift_right_logical3A_134 {offsets = [6], sizes = [1], strides = [1]} : vector<16xi32> to vector<1xi32>
      %squeeze3A_243 = vector.extract %slice3A_242[0] : i32 from vector<1xi32>
      %slice3A_244 = vector.extract_strided_slice %and3A_136 {offsets = [6], sizes = [1], strides = [1]} : vector<16xi32> to vector<1xi32>
      %squeeze3A_245 = vector.extract %slice3A_244[0] : i32 from vector<1xi32>
      %add3A_246 = arith.constant 6 : i32
      %add3A_247 = arith.addi %mul3A_128, %add3A_246 : i32
      %dma_start3A_248 = arith.constant 0 : i32
      %dma_start3A_249 = tpu.memref_slice %arg13[%add3A_247, %dma_start3A_248] : memref<512x32xf32, #tpu.memory_space<vmem>> -> memref<1x32xf32, #tpu.memory_space<vmem>>
      %dma_start3A_250 = tpu.memref_squeeze %dma_start3A_249 : memref<1x32xf32, #tpu.memory_space<vmem>> -> memref<32xf32, #tpu.memory_space<vmem>>
      %dma_start3A_251 = arith.constant 0 : i32
      %dma_start3A_252 = tpu.memref_slice %arg5[%squeeze3A_243, %squeeze3A_245, %dma_start3A_251] : memref<125000x8x32xf32, #tpu.memory_space<hbm>> -> memref<1x1x32xf32, #tpu.memory_space<hbm>>
      %dma_start3A_253 = tpu.memref_squeeze %dma_start3A_252 : memref<1x1x32xf32, #tpu.memory_space<hbm>> -> memref<32xf32, #tpu.memory_space<hbm>>
      %dma_start3A_254 = arith.constant 0 : i32
      %dma_start3A_255 = tpu.memref_slice %arg13[%add3A_247, %dma_start3A_254] : memref<512x32xf32, #tpu.memory_space<vmem>> -> memref<1x32xf32, #tpu.memory_space<vmem>>
      %dma_start3A_256 = tpu.memref_squeeze %dma_start3A_255 : memref<1x32xf32, #tpu.memory_space<vmem>> -> memref<32xf32, #tpu.memory_space<vmem>>
      %dma_start3A_257 = arith.constant 0 : i32
      %dma_start3A_258 = tpu.memref_slice %arg5[%squeeze3A_243, %squeeze3A_245, %dma_start3A_257] : memref<125000x8x32xf32, #tpu.memory_space<hbm>> -> memref<1x1x32xf32, #tpu.memory_space<hbm>>
      %dma_start3A_259 = tpu.memref_squeeze %dma_start3A_258 : memref<1x1x32xf32, #tpu.memory_space<hbm>> -> memref<32xf32, #tpu.memory_space<hbm>>
      tpu.enqueue_dma source(%dma_start3A_259 : memref<32xf32, #tpu.memory_space<hbm>>) target(%dma_start3A_256 : memref<32xf32, #tpu.memory_space<vmem>>) target_semaphore(%arg14 : memref<!tpu.dma_semaphore, #tpu.memory_space<semaphore_mem>>)
      %slice3A_260 = vector.extract_strided_slice %shift_right_logical3A_134 {offsets = [7], sizes = [1], strides = [1]} : vector<16xi32> to vector<1xi32>
      %squeeze3A_261 = vector.extract %slice3A_260[0] : i32 from vector<1xi32>
      %slice3A_262 = vector.extract_strided_slice %and3A_136 {offsets = [7], sizes = [1], strides = [1]} : vector<16xi32> to vector<1xi32>
      %squeeze3A_263 = vector.extract %slice3A_262[0] : i32 from vector<1xi32>
      %add3A_264 = arith.constant 7 : i32
      %add3A_265 = arith.addi %mul3A_128, %add3A_264 : i32
      %dma_start3A_266 = arith.constant 0 : i32
      %dma_start3A_267 = tpu.memref_slice %arg13[%add3A_265, %dma_start3A_266] : memref<512x32xf32, #tpu.memory_space<vmem>> -> memref<1x32xf32, #tpu.memory_space<vmem>>
      %dma_start3A_268 = tpu.memref_squeeze %dma_start3A_267 : memref<1x32xf32, #tpu.memory_space<vmem>> -> memref<32xf32, #tpu.memory_space<vmem>>
      %dma_start3A_269 = arith.constant 0 : i32
      %dma_start3A_270 = tpu.memref_slice %arg5[%squeeze3A_261, %squeeze3A_263, %dma_start3A_269] : memref<125000x8x32xf32, #tpu.memory_space<hbm>> -> memref<1x1x32xf32, #tpu.memory_space<hbm>>
      %dma_start3A_271 = tpu.memref_squeeze %dma_start3A_270 : memref<1x1x32xf32, #tpu.memory_space<hbm>> -> memref<32xf32, #tpu.memory_space<hbm>>
      %dma_start3A_272 = arith.constant 0 : i32
      %dma_start3A_273 = tpu.memref_slice %arg13[%add3A_265, %dma_start3A_272] : memref<512x32xf32, #tpu.memory_space<vmem>> -> memref<1x32xf32, #tpu.memory_space<vmem>>
      %dma_start3A_274 = tpu.memref_squeeze %dma_start3A_273 : memref<1x32xf32, #tpu.memory_space<vmem>> -> memref<32xf32, #tpu.memory_space<vmem>>
      %dma_start3A_275 = arith.constant 0 : i32
      %dma_start3A_276 = tpu.memref_slice %arg5[%squeeze3A_261, %squeeze3A_263, %dma_start3A_275] : memref<125000x8x32xf32, #tpu.memory_space<hbm>> -> memref<1x1x32xf32, #tpu.memory_space<hbm>>
      %dma_start3A_277 = tpu.memref_squeeze %dma_start3A_276 : memref<1x1x32xf32, #tpu.memory_space<hbm>> -> memref<32xf32, #tpu.memory_space<hbm>>
      tpu.enqueue_dma source(%dma_start3A_277 : memref<32xf32, #tpu.memory_space<hbm>>) target(%dma_start3A_274 : memref<32xf32, #tpu.memory_space<vmem>>) target_semaphore(%arg14 : memref<!tpu.dma_semaphore, #tpu.memory_space<semaphore_mem>>)
      %slice3A_278 = vector.extract_strided_slice %shift_right_logical3A_134 {offsets = [8], sizes = [1], strides = [1]} : vector<16xi32> to vector<1xi32>
      %squeeze3A_279 = vector.extract %slice3A_278[0] : i32 from vector<1xi32>
      %slice3A_280 = vector.extract_strided_slice %and3A_136 {offsets = [8], sizes = [1], strides = [1]} : vector<16xi32> to vector<1xi32>
      %squeeze3A_281 = vector.extract %slice3A_280[0] : i32 from vector<1xi32>
      %add3A_282 = arith.constant 8 : i32
      %add3A_283 = arith.addi %mul3A_128, %add3A_282 : i32
      %dma_start3A_284 = arith.constant 0 : i32
      %dma_start3A_285 = tpu.memref_slice %arg13[%add3A_283, %dma_start3A_284] : memref<512x32xf32, #tpu.memory_space<vmem>> -> memref<1x32xf32, #tpu.memory_space<vmem>>
      %dma_start3A_286 = tpu.memref_squeeze %dma_start3A_285 : memref<1x32xf32, #tpu.memory_space<vmem>> -> memref<32xf32, #tpu.memory_space<vmem>>
      %dma_start3A_287 = arith.constant 0 : i32
      %dma_start3A_288 = tpu.memref_slice %arg5[%squeeze3A_279, %squeeze3A_281, %dma_start3A_287] : memref<125000x8x32xf32, #tpu.memory_space<hbm>> -> memref<1x1x32xf32, #tpu.memory_space<hbm>>
      %dma_start3A_289 = tpu.memref_squeeze %dma_start3A_288 : memref<1x1x32xf32, #tpu.memory_space<hbm>> -> memref<32xf32, #tpu.memory_space<hbm>>
      %dma_start3A_290 = arith.constant 0 : i32
      %dma_start3A_291 = tpu.memref_slice %arg13[%add3A_283, %dma_start3A_290] : memref<512x32xf32, #tpu.memory_space<vmem>> -> memref<1x32xf32, #tpu.memory_space<vmem>>
      %dma_start3A_292 = tpu.memref_squeeze %dma_start3A_291 : memref<1x32xf32, #tpu.memory_space<vmem>> -> memref<32xf32, #tpu.memory_space<vmem>>
      %dma_start3A_293 = arith.constant 0 : i32
      %dma_start3A_294 = tpu.memref_slice %arg5[%squeeze3A_279, %squeeze3A_281, %dma_start3A_293] : memref<125000x8x32xf32, #tpu.memory_space<hbm>> -> memref<1x1x32xf32, #tpu.memory_space<hbm>>
      %dma_start3A_295 = tpu.memref_squeeze %dma_start3A_294 : memref<1x1x32xf32, #tpu.memory_space<hbm>> -> memref<32xf32, #tpu.memory_space<hbm>>
      tpu.enqueue_dma source(%dma_start3A_295 : memref<32xf32, #tpu.memory_space<hbm>>) target(%dma_start3A_292 : memref<32xf32, #tpu.memory_space<vmem>>) target_semaphore(%arg14 : memref<!tpu.dma_semaphore, #tpu.memory_space<semaphore_mem>>)
      %slice3A_296 = vector.extract_strided_slice %shift_right_logical3A_134 {offsets = [9], sizes = [1], strides = [1]} : vector<16xi32> to vector<1xi32>
      %squeeze3A_297 = vector.extract %slice3A_296[0] : i32 from vector<1xi32>
      %slice3A_298 = vector.extract_strided_slice %and3A_136 {offsets = [9], sizes = [1], strides = [1]} : vector<16xi32> to vector<1xi32>
      %squeeze3A_299 = vector.extract %slice3A_298[0] : i32 from vector<1xi32>
      %add3A_300 = arith.constant 9 : i32
      %add3A_301 = arith.addi %mul3A_128, %add3A_300 : i32
      %dma_start3A_302 = arith.constant 0 : i32
      %dma_start3A_303 = tpu.memref_slice %arg13[%add3A_301, %dma_start3A_302] : memref<512x32xf32, #tpu.memory_space<vmem>> -> memref<1x32xf32, #tpu.memory_space<vmem>>
      %dma_start3A_304 = tpu.memref_squeeze %dma_start3A_303 : memref<1x32xf32, #tpu.memory_space<vmem>> -> memref<32xf32, #tpu.memory_space<vmem>>
      %dma_start3A_305 = arith.constant 0 : i32
      %dma_start3A_306 = tpu.memref_slice %arg5[%squeeze3A_297, %squeeze3A_299, %dma_start3A_305] : memref<125000x8x32xf32, #tpu.memory_space<hbm>> -> memref<1x1x32xf32, #tpu.memory_space<hbm>>
      %dma_start3A_307 = tpu.memref_squeeze %dma_start3A_306 : memref<1x1x32xf32, #tpu.memory_space<hbm>> -> memref<32xf32, #tpu.memory_space<hbm>>
      %dma_start3A_308 = arith.constant 0 : i32
      %dma_start3A_309 = tpu.memref_slice %arg13[%add3A_301, %dma_start3A_308] : memref<512x32xf32, #tpu.memory_space<vmem>> -> memref<1x32xf32, #tpu.memory_space<vmem>>
      %dma_start3A_310 = tpu.memref_squeeze %dma_start3A_309 : memref<1x32xf32, #tpu.memory_space<vmem>> -> memref<32xf32, #tpu.memory_space<vmem>>
      %dma_start3A_311 = arith.constant 0 : i32
      %dma_start3A_312 = tpu.memref_slice %arg5[%squeeze3A_297, %squeeze3A_299, %dma_start3A_311] : memref<125000x8x32xf32, #tpu.memory_space<hbm>> -> memref<1x1x32xf32, #tpu.memory_space<hbm>>
      %dma_start3A_313 = tpu.memref_squeeze %dma_start3A_312 : memref<1x1x32xf32, #tpu.memory_space<hbm>> -> memref<32xf32, #tpu.memory_space<hbm>>
      tpu.enqueue_dma source(%dma_start3A_313 : memref<32xf32, #tpu.memory_space<hbm>>) target(%dma_start3A_310 : memref<32xf32, #tpu.memory_space<vmem>>) target_semaphore(%arg14 : memref<!tpu.dma_semaphore, #tpu.memory_space<semaphore_mem>>)
      %slice3A_314 = vector.extract_strided_slice %shift_right_logical3A_134 {offsets = [10], sizes = [1], strides = [1]} : vector<16xi32> to vector<1xi32>
      %squeeze3A_315 = vector.extract %slice3A_314[0] : i32 from vector<1xi32>
      %slice3A_316 = vector.extract_strided_slice %and3A_136 {offsets = [10], sizes = [1], strides = [1]} : vector<16xi32> to vector<1xi32>
      %squeeze3A_317 = vector.extract %slice3A_316[0] : i32 from vector<1xi32>
      %add3A_318 = arith.constant 10 : i32
      %add3A_319 = arith.addi %mul3A_128, %add3A_318 : i32
      %dma_start3A_320 = arith.constant 0 : i32
      %dma_start3A_321 = tpu.memref_slice %arg13[%add3A_319, %dma_start3A_320] : memref<512x32xf32, #tpu.memory_space<vmem>> -> memref<1x32xf32, #tpu.memory_space<vmem>>
      %dma_start3A_322 = tpu.memref_squeeze %dma_start3A_321 : memref<1x32xf32, #tpu.memory_space<vmem>> -> memref<32xf32, #tpu.memory_space<vmem>>
      %dma_start3A_323 = arith.constant 0 : i32
      %dma_start3A_324 = tpu.memref_slice %arg5[%squeeze3A_315, %squeeze3A_317, %dma_start3A_323] : memref<125000x8x32xf32, #tpu.memory_space<hbm>> -> memref<1x1x32xf32, #tpu.memory_space<hbm>>
      %dma_start3A_325 = tpu.memref_squeeze %dma_start3A_324 : memref<1x1x32xf32, #tpu.memory_space<hbm>> -> memref<32xf32, #tpu.memory_space<hbm>>
      %dma_start3A_326 = arith.constant 0 : i32
      %dma_start3A_327 = tpu.memref_slice %arg13[%add3A_319, %dma_start3A_326] : memref<512x32xf32, #tpu.memory_space<vmem>> -> memref<1x32xf32, #tpu.memory_space<vmem>>
      %dma_start3A_328 = tpu.memref_squeeze %dma_start3A_327 : memref<1x32xf32, #tpu.memory_space<vmem>> -> memref<32xf32, #tpu.memory_space<vmem>>
      %dma_start3A_329 = arith.constant 0 : i32
      %dma_start3A_330 = tpu.memref_slice %arg5[%squeeze3A_315, %squeeze3A_317, %dma_start3A_329] : memref<125000x8x32xf32, #tpu.memory_space<hbm>> -> memref<1x1x32xf32, #tpu.memory_space<hbm>>
      %dma_start3A_331 = tpu.memref_squeeze %dma_start3A_330 : memref<1x1x32xf32, #tpu.memory_space<hbm>> -> memref<32xf32, #tpu.memory_space<hbm>>
      tpu.enqueue_dma source(%dma_start3A_331 : memref<32xf32, #tpu.memory_space<hbm>>) target(%dma_start3A_328 : memref<32xf32, #tpu.memory_space<vmem>>) target_semaphore(%arg14 : memref<!tpu.dma_semaphore, #tpu.memory_space<semaphore_mem>>)
      %slice3A_332 = vector.extract_strided_slice %shift_right_logical3A_134 {offsets = [11], sizes = [1], strides = [1]} : vector<16xi32> to vector<1xi32>
      %squeeze3A_333 = vector.extract %slice3A_332[0] : i32 from vector<1xi32>
      %slice3A_334 = vector.extract_strided_slice %and3A_136 {offsets = [11], sizes = [1], strides = [1]} : vector<16xi32> to vector<1xi32>
      %squeeze3A_335 = vector.extract %slice3A_334[0] : i32 from vector<1xi32>
      %add3A_336 = arith.constant 11 : i32
      %add3A_337 = arith.addi %mul3A_128, %add3A_336 : i32
      %dma_start3A_338 = arith.constant 0 : i32
      %dma_start3A_339 = tpu.memref_slice %arg13[%add3A_337, %dma_start3A_338] : memref<512x32xf32, #tpu.memory_space<vmem>> -> memref<1x32xf32, #tpu.memory_space<vmem>>
      %dma_start3A_340 = tpu.memref_squeeze %dma_start3A_339 : memref<1x32xf32, #tpu.memory_space<vmem>> -> memref<32xf32, #tpu.memory_space<vmem>>
      %dma_start3A_341 = arith.constant 0 : i32
      %dma_start3A_342 = tpu.memref_slice %arg5[%squeeze3A_333, %squeeze3A_335, %dma_start3A_341] : memref<125000x8x32xf32, #tpu.memory_space<hbm>> -> memref<1x1x32xf32, #tpu.memory_space<hbm>>
      %dma_start3A_343 = tpu.memref_squeeze %dma_start3A_342 : memref<1x1x32xf32, #tpu.memory_space<hbm>> -> memref<32xf32, #tpu.memory_space<hbm>>
      %dma_start3A_344 = arith.constant 0 : i32
      %dma_start3A_345 = tpu.memref_slice %arg13[%add3A_337, %dma_start3A_344] : memref<512x32xf32, #tpu.memory_space<vmem>> -> memref<1x32xf32, #tpu.memory_space<vmem>>
      %dma_start3A_346 = tpu.memref_squeeze %dma_start3A_345 : memref<1x32xf32, #tpu.memory_space<vmem>> -> memref<32xf32, #tpu.memory_space<vmem>>
      %dma_start3A_347 = arith.constant 0 : i32
      %dma_start3A_348 = tpu.memref_slice %arg5[%squeeze3A_333, %squeeze3A_335, %dma_start3A_347] : memref<125000x8x32xf32, #tpu.memory_space<hbm>> -> memref<1x1x32xf32, #tpu.memory_space<hbm>>
      %dma_start3A_349 = tpu.memref_squeeze %dma_start3A_348 : memref<1x1x32xf32, #tpu.memory_space<hbm>> -> memref<32xf32, #tpu.memory_space<hbm>>
      tpu.enqueue_dma source(%dma_start3A_349 : memref<32xf32, #tpu.memory_space<hbm>>) target(%dma_start3A_346 : memref<32xf32, #tpu.memory_space<vmem>>) target_semaphore(%arg14 : memref<!tpu.dma_semaphore, #tpu.memory_space<semaphore_mem>>)
      %slice3A_350 = vector.extract_strided_slice %shift_right_logical3A_134 {offsets = [12], sizes = [1], strides = [1]} : vector<16xi32> to vector<1xi32>
      %squeeze3A_351 = vector.extract %slice3A_350[0] : i32 from vector<1xi32>
      %slice3A_352 = vector.extract_strided_slice %and3A_136 {offsets = [12], sizes = [1], strides = [1]} : vector<16xi32> to vector<1xi32>
      %squeeze3A_353 = vector.extract %slice3A_352[0] : i32 from vector<1xi32>
      %add3A_354 = arith.constant 12 : i32
      %add3A_355 = arith.addi %mul3A_128, %add3A_354 : i32
      %dma_start3A_356 = arith.constant 0 : i32
      %dma_start3A_357 = tpu.memref_slice %arg13[%add3A_355, %dma_start3A_356] : memref<512x32xf32, #tpu.memory_space<vmem>> -> memref<1x32xf32, #tpu.memory_space<vmem>>
      %dma_start3A_358 = tpu.memref_squeeze %dma_start3A_357 : memref<1x32xf32, #tpu.memory_space<vmem>> -> memref<32xf32, #tpu.memory_space<vmem>>
      %dma_start3A_359 = arith.constant 0 : i32
      %dma_start3A_360 = tpu.memref_slice %arg5[%squeeze3A_351, %squeeze3A_353, %dma_start3A_359] : memref<125000x8x32xf32, #tpu.memory_space<hbm>> -> memref<1x1x32xf32, #tpu.memory_space<hbm>>
      %dma_start3A_361 = tpu.memref_squeeze %dma_start3A_360 : memref<1x1x32xf32, #tpu.memory_space<hbm>> -> memref<32xf32, #tpu.memory_space<hbm>>
      %dma_start3A_362 = arith.constant 0 : i32
      %dma_start3A_363 = tpu.memref_slice %arg13[%add3A_355, %dma_start3A_362] : memref<512x32xf32, #tpu.memory_space<vmem>> -> memref<1x32xf32, #tpu.memory_space<vmem>>
      %dma_start3A_364 = tpu.memref_squeeze %dma_start3A_363 : memref<1x32xf32, #tpu.memory_space<vmem>> -> memref<32xf32, #tpu.memory_space<vmem>>
      %dma_start3A_365 = arith.constant 0 : i32
      %dma_start3A_366 = tpu.memref_slice %arg5[%squeeze3A_351, %squeeze3A_353, %dma_start3A_365] : memref<125000x8x32xf32, #tpu.memory_space<hbm>> -> memref<1x1x32xf32, #tpu.memory_space<hbm>>
      %dma_start3A_367 = tpu.memref_squeeze %dma_start3A_366 : memref<1x1x32xf32, #tpu.memory_space<hbm>> -> memref<32xf32, #tpu.memory_space<hbm>>
      tpu.enqueue_dma source(%dma_start3A_367 : memref<32xf32, #tpu.memory_space<hbm>>) target(%dma_start3A_364 : memref<32xf32, #tpu.memory_space<vmem>>) target_semaphore(%arg14 : memref<!tpu.dma_semaphore, #tpu.memory_space<semaphore_mem>>)
      %slice3A_368 = vector.extract_strided_slice %shift_right_logical3A_134 {offsets = [13], sizes = [1], strides = [1]} : vector<16xi32> to vector<1xi32>
      %squeeze3A_369 = vector.extract %slice3A_368[0] : i32 from vector<1xi32>
      %slice3A_370 = vector.extract_strided_slice %and3A_136 {offsets = [13], sizes = [1], strides = [1]} : vector<16xi32> to vector<1xi32>
      %squeeze3A_371 = vector.extract %slice3A_370[0] : i32 from vector<1xi32>
      %add3A_372 = arith.constant 13 : i32
      %add3A_373 = arith.addi %mul3A_128, %add3A_372 : i32
      %dma_start3A_374 = arith.constant 0 : i32
      %dma_start3A_375 = tpu.memref_slice %arg13[%add3A_373, %dma_start3A_374] : memref<512x32xf32, #tpu.memory_space<vmem>> -> memref<1x32xf32, #tpu.memory_space<vmem>>
      %dma_start3A_376 = tpu.memref_squeeze %dma_start3A_375 : memref<1x32xf32, #tpu.memory_space<vmem>> -> memref<32xf32, #tpu.memory_space<vmem>>
      %dma_start3A_377 = arith.constant 0 : i32
      %dma_start3A_378 = tpu.memref_slice %arg5[%squeeze3A_369, %squeeze3A_371, %dma_start3A_377] : memref<125000x8x32xf32, #tpu.memory_space<hbm>> -> memref<1x1x32xf32, #tpu.memory_space<hbm>>
      %dma_start3A_379 = tpu.memref_squeeze %dma_start3A_378 : memref<1x1x32xf32, #tpu.memory_space<hbm>> -> memref<32xf32, #tpu.memory_space<hbm>>
      %dma_start3A_380 = arith.constant 0 : i32
      %dma_start3A_381 = tpu.memref_slice %arg13[%add3A_373, %dma_start3A_380] : memref<512x32xf32, #tpu.memory_space<vmem>> -> memref<1x32xf32, #tpu.memory_space<vmem>>
      %dma_start3A_382 = tpu.memref_squeeze %dma_start3A_381 : memref<1x32xf32, #tpu.memory_space<vmem>> -> memref<32xf32, #tpu.memory_space<vmem>>
      %dma_start3A_383 = arith.constant 0 : i32
      %dma_start3A_384 = tpu.memref_slice %arg5[%squeeze3A_369, %squeeze3A_371, %dma_start3A_383] : memref<125000x8x32xf32, #tpu.memory_space<hbm>> -> memref<1x1x32xf32, #tpu.memory_space<hbm>>
      %dma_start3A_385 = tpu.memref_squeeze %dma_start3A_384 : memref<1x1x32xf32, #tpu.memory_space<hbm>> -> memref<32xf32, #tpu.memory_space<hbm>>
      tpu.enqueue_dma source(%dma_start3A_385 : memref<32xf32, #tpu.memory_space<hbm>>) target(%dma_start3A_382 : memref<32xf32, #tpu.memory_space<vmem>>) target_semaphore(%arg14 : memref<!tpu.dma_semaphore, #tpu.memory_space<semaphore_mem>>)
      %slice3A_386 = vector.extract_strided_slice %shift_right_logical3A_134 {offsets = [14], sizes = [1], strides = [1]} : vector<16xi32> to vector<1xi32>
      %squeeze3A_387 = vector.extract %slice3A_386[0] : i32 from vector<1xi32>
      %slice3A_388 = vector.extract_strided_slice %and3A_136 {offsets = [14], sizes = [1], strides = [1]} : vector<16xi32> to vector<1xi32>
      %squeeze3A_389 = vector.extract %slice3A_388[0] : i32 from vector<1xi32>
      %add3A_390 = arith.constant 14 : i32
      %add3A_391 = arith.addi %mul3A_128, %add3A_390 : i32
      %dma_start3A_392 = arith.constant 0 : i32
      %dma_start3A_393 = tpu.memref_slice %arg13[%add3A_391, %dma_start3A_392] : memref<512x32xf32, #tpu.memory_space<vmem>> -> memref<1x32xf32, #tpu.memory_space<vmem>>
      %dma_start3A_394 = tpu.memref_squeeze %dma_start3A_393 : memref<1x32xf32, #tpu.memory_space<vmem>> -> memref<32xf32, #tpu.memory_space<vmem>>
      %dma_start3A_395 = arith.constant 0 : i32
      %dma_start3A_396 = tpu.memref_slice %arg5[%squeeze3A_387, %squeeze3A_389, %dma_start3A_395] : memref<125000x8x32xf32, #tpu.memory_space<hbm>> -> memref<1x1x32xf32, #tpu.memory_space<hbm>>
      %dma_start3A_397 = tpu.memref_squeeze %dma_start3A_396 : memref<1x1x32xf32, #tpu.memory_space<hbm>> -> memref<32xf32, #tpu.memory_space<hbm>>
      %dma_start3A_398 = arith.constant 0 : i32
      %dma_start3A_399 = tpu.memref_slice %arg13[%add3A_391, %dma_start3A_398] : memref<512x32xf32, #tpu.memory_space<vmem>> -> memref<1x32xf32, #tpu.memory_space<vmem>>
      %dma_start3A_400 = tpu.memref_squeeze %dma_start3A_399 : memref<1x32xf32, #tpu.memory_space<vmem>> -> memref<32xf32, #tpu.memory_space<vmem>>
      %dma_start3A_401 = arith.constant 0 : i32
      %dma_start3A_402 = tpu.memref_slice %arg5[%squeeze3A_387, %squeeze3A_389, %dma_start3A_401] : memref<125000x8x32xf32, #tpu.memory_space<hbm>> -> memref<1x1x32xf32, #tpu.memory_space<hbm>>
      %dma_start3A_403 = tpu.memref_squeeze %dma_start3A_402 : memref<1x1x32xf32, #tpu.memory_space<hbm>> -> memref<32xf32, #tpu.memory_space<hbm>>
      tpu.enqueue_dma source(%dma_start3A_403 : memref<32xf32, #tpu.memory_space<hbm>>) target(%dma_start3A_400 : memref<32xf32, #tpu.memory_space<vmem>>) target_semaphore(%arg14 : memref<!tpu.dma_semaphore, #tpu.memory_space<semaphore_mem>>)
      %slice3A_404 = vector.extract_strided_slice %shift_right_logical3A_134 {offsets = [15], sizes = [1], strides = [1]} : vector<16xi32> to vector<1xi32>
      %squeeze3A_405 = vector.extract %slice3A_404[0] : i32 from vector<1xi32>
      %slice3A_406 = vector.extract_strided_slice %and3A_136 {offsets = [15], sizes = [1], strides = [1]} : vector<16xi32> to vector<1xi32>
      %squeeze3A_407 = vector.extract %slice3A_406[0] : i32 from vector<1xi32>
      %add3A_408 = arith.constant 15 : i32
      %add3A_409 = arith.addi %mul3A_128, %add3A_408 : i32
      %dma_start3A_410 = arith.constant 0 : i32
      %dma_start3A_411 = tpu.memref_slice %arg13[%add3A_409, %dma_start3A_410] : memref<512x32xf32, #tpu.memory_space<vmem>> -> memref<1x32xf32, #tpu.memory_space<vmem>>
      %dma_start3A_412 = tpu.memref_squeeze %dma_start3A_411 : memref<1x32xf32, #tpu.memory_space<vmem>> -> memref<32xf32, #tpu.memory_space<vmem>>
      %dma_start3A_413 = arith.constant 0 : i32
      %dma_start3A_414 = tpu.memref_slice %arg5[%squeeze3A_405, %squeeze3A_407, %dma_start3A_413] : memref<125000x8x32xf32, #tpu.memory_space<hbm>> -> memref<1x1x32xf32, #tpu.memory_space<hbm>>
      %dma_start3A_415 = tpu.memref_squeeze %dma_start3A_414 : memref<1x1x32xf32, #tpu.memory_space<hbm>> -> memref<32xf32, #tpu.memory_space<hbm>>
      %dma_start3A_416 = arith.constant 0 : i32
      %dma_start3A_417 = tpu.memref_slice %arg13[%add3A_409, %dma_start3A_416] : memref<512x32xf32, #tpu.memory_space<vmem>> -> memref<1x32xf32, #tpu.memory_space<vmem>>
      %dma_start3A_418 = tpu.memref_squeeze %dma_start3A_417 : memref<1x32xf32, #tpu.memory_space<vmem>> -> memref<32xf32, #tpu.memory_space<vmem>>
      %dma_start3A_419 = arith.constant 0 : i32
      %dma_start3A_420 = tpu.memref_slice %arg5[%squeeze3A_405, %squeeze3A_407, %dma_start3A_419] : memref<125000x8x32xf32, #tpu.memory_space<hbm>> -> memref<1x1x32xf32, #tpu.memory_space<hbm>>
      %dma_start3A_421 = tpu.memref_squeeze %dma_start3A_420 : memref<1x1x32xf32, #tpu.memory_space<hbm>> -> memref<32xf32, #tpu.memory_space<hbm>>
      tpu.enqueue_dma source(%dma_start3A_421 : memref<32xf32, #tpu.memory_space<hbm>>) target(%dma_start3A_418 : memref<32xf32, #tpu.memory_space<vmem>>) target_semaphore(%arg14 : memref<!tpu.dma_semaphore, #tpu.memory_space<semaphore_mem>>)
    }
    %scan3A_35 = arith.constant 32 : i32
    %dma_wait3A_36 = arith.constant 2 : i32
    %dma_wait3A_37 = arith.constant 0 : i32
    %dma_wait3A_38 = arith.constant 0 : i32
    %dma_wait3A_39 = tpu.memref_slice %arg11[%dma_wait3A_36, %add3A, %dma_wait3A_37, %dma_wait3A_38] : memref<8x32x512x32xf32, #tpu.memory_space<hbm>> -> memref<1x1x512x32xf32, #tpu.memory_space<hbm>>
    %dma_wait3A_40 = tpu.memref_squeeze %dma_wait3A_39 : memref<1x1x512x32xf32, #tpu.memory_space<hbm>> -> memref<512x32xf32, #tpu.memory_space<hbm>>
    %dma_wait3A_41 = arith.constant 0 : i32
    %dma_wait3A_42 = arith.constant 0 : i32
    %dma_wait3A_43 = tpu.memref_slice %arg11[%dma_wait3A_36, %add3A, %dma_wait3A_41, %dma_wait3A_42] : memref<8x32x512x32xf32, #tpu.memory_space<hbm>> -> memref<1x1x512x32xf32, #tpu.memory_space<hbm>>
    %dma_wait3A_44 = tpu.memref_squeeze %dma_wait3A_43 : memref<1x1x512x32xf32, #tpu.memory_space<hbm>> -> memref<512x32xf32, #tpu.memory_space<hbm>>
    tpu.wait_dma2 semaphore(%arg14 : memref<!tpu.dma_semaphore, #tpu.memory_space<semaphore_mem>>) src(%dma_wait3A_44 : memref<512x32xf32, #tpu.memory_space<hbm>>) dst(%arg13 : memref<512x32xf32, #tpu.memory_space<vmem>>)
    %run_scoped3A_45 = arith.constant 2 : i32
    "tpu.region"() ({
      %run_scoped3A_126 = tpu.sem_alloc : memref<!tpu.dma_semaphore, #tpu.memory_space<semaphore_mem>>
      %dma_start3A = arith.constant 0 : i32
      %dma_start3A_127 = arith.constant 0 : i32
      %dma_start3A_128 = tpu.memref_slice %arg11[%run_scoped3A_45, %add3A, %dma_start3A, %dma_start3A_127] : memref<8x32x512x32xf32, #tpu.memory_space<hbm>> -> memref<1x1x512x32xf32, #tpu.memory_space<hbm>>
      %dma_start3A_129 = tpu.memref_squeeze %dma_start3A_128 : memref<1x1x512x32xf32, #tpu.memory_space<hbm>> -> memref<512x32xf32, #tpu.memory_space<hbm>>
      %dma_start3A_130 = arith.constant 0 : i32
      %dma_start3A_131 = arith.constant 0 : i32
      %dma_start3A_132 = tpu.memref_slice %arg11[%run_scoped3A_45, %add3A, %dma_start3A_130, %dma_start3A_131] : memref<8x32x512x32xf32, #tpu.memory_space<hbm>> -> memref<1x1x512x32xf32, #tpu.memory_space<hbm>>
      %dma_start3A_133 = tpu.memref_squeeze %dma_start3A_132 : memref<1x1x512x32xf32, #tpu.memory_space<hbm>> -> memref<512x32xf32, #tpu.memory_space<hbm>>
      tpu.enqueue_dma source(%arg13 : memref<512x32xf32, #tpu.memory_space<vmem>>) target(%dma_start3A_133 : memref<512x32xf32, #tpu.memory_space<hbm>>) target_semaphore(%run_scoped3A_126 : memref<!tpu.dma_semaphore, #tpu.memory_space<semaphore_mem>>)
      %dma_wait3A_134 = arith.constant 0 : i32
      %dma_wait3A_135 = arith.constant 0 : i32
      %dma_wait3A_136 = tpu.memref_slice %arg11[%run_scoped3A_45, %add3A, %dma_wait3A_134, %dma_wait3A_135] : memref<8x32x512x32xf32, #tpu.memory_space<hbm>> -> memref<1x1x512x32xf32, #tpu.memory_space<hbm>>
      %dma_wait3A_137 = tpu.memref_squeeze %dma_wait3A_136 : memref<1x1x512x32xf32, #tpu.memory_space<hbm>> -> memref<512x32xf32, #tpu.memory_space<hbm>>
      %dma_wait3A_138 = arith.constant 0 : i32
      %dma_wait3A_139 = arith.constant 0 : i32
      %dma_wait3A_140 = tpu.memref_slice %arg11[%run_scoped3A_45, %add3A, %dma_wait3A_138, %dma_wait3A_139] : memref<8x32x512x32xf32, #tpu.memory_space<hbm>> -> memref<1x1x512x32xf32, #tpu.memory_space<hbm>>
      %dma_wait3A_141 = tpu.memref_squeeze %dma_wait3A_140 : memref<1x1x512x32xf32, #tpu.memory_space<hbm>> -> memref<512x32xf32, #tpu.memory_space<hbm>>
      tpu.wait_dma2 semaphore(%run_scoped3A_126 : memref<!tpu.dma_semaphore, #tpu.memory_space<semaphore_mem>>) src(%arg13 : memref<512x32xf32, #tpu.memory_space<vmem>>) dst(%dma_wait3A_141 : memref<512x32xf32, #tpu.memory_space<hbm>>)
      tpu.yield
    }) : () -> ()
    %scan3A_46 = arith.constant 0 : i32
    %scan3A_47 = arith.constant 0 : i32
    %scan3A_48 = arith.constant 32 : i32
    %scan3A_49 = arith.addi %scan3A_47, %scan3A_48 : i32
    %scan3A_50 = arith.constant 1 : i32
    scf.for %scan3A_126 = %scan3A_47 to %scan3A_49 step %scan3A_50  : i32 {
      %mul3A_127 = arith.constant 16 : i32
      %mul3A_128 = arith.muli %scan3A_126, %mul3A_127 : i32
      %get3A = arith.constant 3 : i32
      %get3A_129 = arith.index_cast %get3A : i32 to index
      %get3A_130 = arith.index_cast %mul3A_128 : i32 to index
      %get3A_131 = tpu.vector_load %arg12[%get3A_129, %get3A_130] {strides = array<i32>} : memref<8x512xi32, #tpu.memory_space<vmem>>, vector<1x16xi32>,
      %get3A_132 = vector.shape_cast %get3A_131 : vector<1x16xi32> to vector<16xi32>
      %shift_right_logical3A = arith.constant 3 : i32
      %shift_right_logical3A_133 = vector.broadcast %shift_right_logical3A : i32 to vector<16xi32>
      %shift_right_logical3A_134 = arith.shrui %get3A_132, %shift_right_logical3A_133 : vector<16xi32>
      %and3A = arith.constant 7 : i32
      %and3A_135 = vector.broadcast %and3A : i32 to vector<16xi32>
      %and3A_136 = arith.andi %get3A_132, %and3A_135 : vector<16xi32>
      %slice3A = vector.extract_strided_slice %shift_right_logical3A_134 {offsets = [0], sizes = [1], strides = [1]} : vector<16xi32> to vector<1xi32>
      %squeeze3A = vector.extract %slice3A[0] : i32 from vector<1xi32>
      %slice3A_137 = vector.extract_strided_slice %and3A_136 {offsets = [0], sizes = [1], strides = [1]} : vector<16xi32> to vector<1xi32>
      %squeeze3A_138 = vector.extract %slice3A_137[0] : i32 from vector<1xi32>
      %add3A_139 = arith.constant 0 : i32
      %add3A_140 = arith.addi %mul3A_128, %add3A_139 : i32
      %dma_start3A = arith.constant 0 : i32
      %dma_start3A_141 = tpu.memref_slice %arg13[%add3A_140, %dma_start3A] : memref<512x32xf32, #tpu.memory_space<vmem>> -> memref<1x32xf32, #tpu.memory_space<vmem>>
      %dma_start3A_142 = tpu.memref_squeeze %dma_start3A_141 : memref<1x32xf32, #tpu.memory_space<vmem>> -> memref<32xf32, #tpu.memory_space<vmem>>
      %dma_start3A_143 = arith.constant 0 : i32
      %dma_start3A_144 = tpu.memref_slice %arg6[%squeeze3A, %squeeze3A_138, %dma_start3A_143] : memref<125000x8x32xf32, #tpu.memory_space<hbm>> -> memref<1x1x32xf32, #tpu.memory_space<hbm>>
      %dma_start3A_145 = tpu.memref_squeeze %dma_start3A_144 : memref<1x1x32xf32, #tpu.memory_space<hbm>> -> memref<32xf32, #tpu.memory_space<hbm>>
      %dma_start3A_146 = arith.constant 0 : i32
      %dma_start3A_147 = tpu.memref_slice %arg13[%add3A_140, %dma_start3A_146] : memref<512x32xf32, #tpu.memory_space<vmem>> -> memref<1x32xf32, #tpu.memory_space<vmem>>
      %dma_start3A_148 = tpu.memref_squeeze %dma_start3A_147 : memref<1x32xf32, #tpu.memory_space<vmem>> -> memref<32xf32, #tpu.memory_space<vmem>>
      %dma_start3A_149 = arith.constant 0 : i32
      %dma_start3A_150 = tpu.memref_slice %arg6[%squeeze3A, %squeeze3A_138, %dma_start3A_149] : memref<125000x8x32xf32, #tpu.memory_space<hbm>> -> memref<1x1x32xf32, #tpu.memory_space<hbm>>
      %dma_start3A_151 = tpu.memref_squeeze %dma_start3A_150 : memref<1x1x32xf32, #tpu.memory_space<hbm>> -> memref<32xf32, #tpu.memory_space<hbm>>
      tpu.enqueue_dma source(%dma_start3A_151 : memref<32xf32, #tpu.memory_space<hbm>>) target(%dma_start3A_148 : memref<32xf32, #tpu.memory_space<vmem>>) target_semaphore(%arg14 : memref<!tpu.dma_semaphore, #tpu.memory_space<semaphore_mem>>)
      %slice3A_152 = vector.extract_strided_slice %shift_right_logical3A_134 {offsets = [1], sizes = [1], strides = [1]} : vector<16xi32> to vector<1xi32>
      %squeeze3A_153 = vector.extract %slice3A_152[0] : i32 from vector<1xi32>
      %slice3A_154 = vector.extract_strided_slice %and3A_136 {offsets = [1], sizes = [1], strides = [1]} : vector<16xi32> to vector<1xi32>
      %squeeze3A_155 = vector.extract %slice3A_154[0] : i32 from vector<1xi32>
      %add3A_156 = arith.constant 1 : i32
      %add3A_157 = arith.addi %mul3A_128, %add3A_156 : i32
      %dma_start3A_158 = arith.constant 0 : i32
      %dma_start3A_159 = tpu.memref_slice %arg13[%add3A_157, %dma_start3A_158] : memref<512x32xf32, #tpu.memory_space<vmem>> -> memref<1x32xf32, #tpu.memory_space<vmem>>
      %dma_start3A_160 = tpu.memref_squeeze %dma_start3A_159 : memref<1x32xf32, #tpu.memory_space<vmem>> -> memref<32xf32, #tpu.memory_space<vmem>>
      %dma_start3A_161 = arith.constant 0 : i32
      %dma_start3A_162 = tpu.memref_slice %arg6[%squeeze3A_153, %squeeze3A_155, %dma_start3A_161] : memref<125000x8x32xf32, #tpu.memory_space<hbm>> -> memref<1x1x32xf32, #tpu.memory_space<hbm>>
      %dma_start3A_163 = tpu.memref_squeeze %dma_start3A_162 : memref<1x1x32xf32, #tpu.memory_space<hbm>> -> memref<32xf32, #tpu.memory_space<hbm>>
      %dma_start3A_164 = arith.constant 0 : i32
      %dma_start3A_165 = tpu.memref_slice %arg13[%add3A_157, %dma_start3A_164] : memref<512x32xf32, #tpu.memory_space<vmem>> -> memref<1x32xf32, #tpu.memory_space<vmem>>
      %dma_start3A_166 = tpu.memref_squeeze %dma_start3A_165 : memref<1x32xf32, #tpu.memory_space<vmem>> -> memref<32xf32, #tpu.memory_space<vmem>>
      %dma_start3A_167 = arith.constant 0 : i32
      %dma_start3A_168 = tpu.memref_slice %arg6[%squeeze3A_153, %squeeze3A_155, %dma_start3A_167] : memref<125000x8x32xf32, #tpu.memory_space<hbm>> -> memref<1x1x32xf32, #tpu.memory_space<hbm>>
      %dma_start3A_169 = tpu.memref_squeeze %dma_start3A_168 : memref<1x1x32xf32, #tpu.memory_space<hbm>> -> memref<32xf32, #tpu.memory_space<hbm>>
      tpu.enqueue_dma source(%dma_start3A_169 : memref<32xf32, #tpu.memory_space<hbm>>) target(%dma_start3A_166 : memref<32xf32, #tpu.memory_space<vmem>>) target_semaphore(%arg14 : memref<!tpu.dma_semaphore, #tpu.memory_space<semaphore_mem>>)
      %slice3A_170 = vector.extract_strided_slice %shift_right_logical3A_134 {offsets = [2], sizes = [1], strides = [1]} : vector<16xi32> to vector<1xi32>
      %squeeze3A_171 = vector.extract %slice3A_170[0] : i32 from vector<1xi32>
      %slice3A_172 = vector.extract_strided_slice %and3A_136 {offsets = [2], sizes = [1], strides = [1]} : vector<16xi32> to vector<1xi32>
      %squeeze3A_173 = vector.extract %slice3A_172[0] : i32 from vector<1xi32>
      %add3A_174 = arith.constant 2 : i32
      %add3A_175 = arith.addi %mul3A_128, %add3A_174 : i32
      %dma_start3A_176 = arith.constant 0 : i32
      %dma_start3A_177 = tpu.memref_slice %arg13[%add3A_175, %dma_start3A_176] : memref<512x32xf32, #tpu.memory_space<vmem>> -> memref<1x32xf32, #tpu.memory_space<vmem>>
      %dma_start3A_178 = tpu.memref_squeeze %dma_start3A_177 : memref<1x32xf32, #tpu.memory_space<vmem>> -> memref<32xf32, #tpu.memory_space<vmem>>
      %dma_start3A_179 = arith.constant 0 : i32
      %dma_start3A_180 = tpu.memref_slice %arg6[%squeeze3A_171, %squeeze3A_173, %dma_start3A_179] : memref<125000x8x32xf32, #tpu.memory_space<hbm>> -> memref<1x1x32xf32, #tpu.memory_space<hbm>>
      %dma_start3A_181 = tpu.memref_squeeze %dma_start3A_180 : memref<1x1x32xf32, #tpu.memory_space<hbm>> -> memref<32xf32, #tpu.memory_space<hbm>>
      %dma_start3A_182 = arith.constant 0 : i32
      %dma_start3A_183 = tpu.memref_slice %arg13[%add3A_175, %dma_start3A_182] : memref<512x32xf32, #tpu.memory_space<vmem>> -> memref<1x32xf32, #tpu.memory_space<vmem>>
      %dma_start3A_184 = tpu.memref_squeeze %dma_start3A_183 : memref<1x32xf32, #tpu.memory_space<vmem>> -> memref<32xf32, #tpu.memory_space<vmem>>
      %dma_start3A_185 = arith.constant 0 : i32
      %dma_start3A_186 = tpu.memref_slice %arg6[%squeeze3A_171, %squeeze3A_173, %dma_start3A_185] : memref<125000x8x32xf32, #tpu.memory_space<hbm>> -> memref<1x1x32xf32, #tpu.memory_space<hbm>>
      %dma_start3A_187 = tpu.memref_squeeze %dma_start3A_186 : memref<1x1x32xf32, #tpu.memory_space<hbm>> -> memref<32xf32, #tpu.memory_space<hbm>>
      tpu.enqueue_dma source(%dma_start3A_187 : memref<32xf32, #tpu.memory_space<hbm>>) target(%dma_start3A_184 : memref<32xf32, #tpu.memory_space<vmem>>) target_semaphore(%arg14 : memref<!tpu.dma_semaphore, #tpu.memory_space<semaphore_mem>>)
      %slice3A_188 = vector.extract_strided_slice %shift_right_logical3A_134 {offsets = [3], sizes = [1], strides = [1]} : vector<16xi32> to vector<1xi32>
      %squeeze3A_189 = vector.extract %slice3A_188[0] : i32 from vector<1xi32>
      %slice3A_190 = vector.extract_strided_slice %and3A_136 {offsets = [3], sizes = [1], strides = [1]} : vector<16xi32> to vector<1xi32>
      %squeeze3A_191 = vector.extract %slice3A_190[0] : i32 from vector<1xi32>
      %add3A_192 = arith.constant 3 : i32
      %add3A_193 = arith.addi %mul3A_128, %add3A_192 : i32
      %dma_start3A_194 = arith.constant 0 : i32
      %dma_start3A_195 = tpu.memref_slice %arg13[%add3A_193, %dma_start3A_194] : memref<512x32xf32, #tpu.memory_space<vmem>> -> memref<1x32xf32, #tpu.memory_space<vmem>>
      %dma_start3A_196 = tpu.memref_squeeze %dma_start3A_195 : memref<1x32xf32, #tpu.memory_space<vmem>> -> memref<32xf32, #tpu.memory_space<vmem>>
      %dma_start3A_197 = arith.constant 0 : i32
      %dma_start3A_198 = tpu.memref_slice %arg6[%squeeze3A_189, %squeeze3A_191, %dma_start3A_197] : memref<125000x8x32xf32, #tpu.memory_space<hbm>> -> memref<1x1x32xf32, #tpu.memory_space<hbm>>
      %dma_start3A_199 = tpu.memref_squeeze %dma_start3A_198 : memref<1x1x32xf32, #tpu.memory_space<hbm>> -> memref<32xf32, #tpu.memory_space<hbm>>
      %dma_start3A_200 = arith.constant 0 : i32
      %dma_start3A_201 = tpu.memref_slice %arg13[%add3A_193, %dma_start3A_200] : memref<512x32xf32, #tpu.memory_space<vmem>> -> memref<1x32xf32, #tpu.memory_space<vmem>>
      %dma_start3A_202 = tpu.memref_squeeze %dma_start3A_201 : memref<1x32xf32, #tpu.memory_space<vmem>> -> memref<32xf32, #tpu.memory_space<vmem>>
      %dma_start3A_203 = arith.constant 0 : i32
      %dma_start3A_204 = tpu.memref_slice %arg6[%squeeze3A_189, %squeeze3A_191, %dma_start3A_203] : memref<125000x8x32xf32, #tpu.memory_space<hbm>> -> memref<1x1x32xf32, #tpu.memory_space<hbm>>
      %dma_start3A_205 = tpu.memref_squeeze %dma_start3A_204 : memref<1x1x32xf32, #tpu.memory_space<hbm>> -> memref<32xf32, #tpu.memory_space<hbm>>
      tpu.enqueue_dma source(%dma_start3A_205 : memref<32xf32, #tpu.memory_space<hbm>>) target(%dma_start3A_202 : memref<32xf32, #tpu.memory_space<vmem>>) target_semaphore(%arg14 : memref<!tpu.dma_semaphore, #tpu.memory_space<semaphore_mem>>)
      %slice3A_206 = vector.extract_strided_slice %shift_right_logical3A_134 {offsets = [4], sizes = [1], strides = [1]} : vector<16xi32> to vector<1xi32>
      %squeeze3A_207 = vector.extract %slice3A_206[0] : i32 from vector<1xi32>
      %slice3A_208 = vector.extract_strided_slice %and3A_136 {offsets = [4], sizes = [1], strides = [1]} : vector<16xi32> to vector<1xi32>
      %squeeze3A_209 = vector.extract %slice3A_208[0] : i32 from vector<1xi32>
      %add3A_210 = arith.constant 4 : i32
      %add3A_211 = arith.addi %mul3A_128, %add3A_210 : i32
      %dma_start3A_212 = arith.constant 0 : i32
      %dma_start3A_213 = tpu.memref_slice %arg13[%add3A_211, %dma_start3A_212] : memref<512x32xf32, #tpu.memory_space<vmem>> -> memref<1x32xf32, #tpu.memory_space<vmem>>
      %dma_start3A_214 = tpu.memref_squeeze %dma_start3A_213 : memref<1x32xf32, #tpu.memory_space<vmem>> -> memref<32xf32, #tpu.memory_space<vmem>>
      %dma_start3A_215 = arith.constant 0 : i32
      %dma_start3A_216 = tpu.memref_slice %arg6[%squeeze3A_207, %squeeze3A_209, %dma_start3A_215] : memref<125000x8x32xf32, #tpu.memory_space<hbm>> -> memref<1x1x32xf32, #tpu.memory_space<hbm>>
      %dma_start3A_217 = tpu.memref_squeeze %dma_start3A_216 : memref<1x1x32xf32, #tpu.memory_space<hbm>> -> memref<32xf32, #tpu.memory_space<hbm>>
      %dma_start3A_218 = arith.constant 0 : i32
      %dma_start3A_219 = tpu.memref_slice %arg13[%add3A_211, %dma_start3A_218] : memref<512x32xf32, #tpu.memory_space<vmem>> -> memref<1x32xf32, #tpu.memory_space<vmem>>
      %dma_start3A_220 = tpu.memref_squeeze %dma_start3A_219 : memref<1x32xf32, #tpu.memory_space<vmem>> -> memref<32xf32, #tpu.memory_space<vmem>>
      %dma_start3A_221 = arith.constant 0 : i32
      %dma_start3A_222 = tpu.memref_slice %arg6[%squeeze3A_207, %squeeze3A_209, %dma_start3A_221] : memref<125000x8x32xf32, #tpu.memory_space<hbm>> -> memref<1x1x32xf32, #tpu.memory_space<hbm>>
      %dma_start3A_223 = tpu.memref_squeeze %dma_start3A_222 : memref<1x1x32xf32, #tpu.memory_space<hbm>> -> memref<32xf32, #tpu.memory_space<hbm>>
      tpu.enqueue_dma source(%dma_start3A_223 : memref<32xf32, #tpu.memory_space<hbm>>) target(%dma_start3A_220 : memref<32xf32, #tpu.memory_space<vmem>>) target_semaphore(%arg14 : memref<!tpu.dma_semaphore, #tpu.memory_space<semaphore_mem>>)
      %slice3A_224 = vector.extract_strided_slice %shift_right_logical3A_134 {offsets = [5], sizes = [1], strides = [1]} : vector<16xi32> to vector<1xi32>
      %squeeze3A_225 = vector.extract %slice3A_224[0] : i32 from vector<1xi32>
      %slice3A_226 = vector.extract_strided_slice %and3A_136 {offsets = [5], sizes = [1], strides = [1]} : vector<16xi32> to vector<1xi32>
      %squeeze3A_227 = vector.extract %slice3A_226[0] : i32 from vector<1xi32>
      %add3A_228 = arith.constant 5 : i32
      %add3A_229 = arith.addi %mul3A_128, %add3A_228 : i32
      %dma_start3A_230 = arith.constant 0 : i32
      %dma_start3A_231 = tpu.memref_slice %arg13[%add3A_229, %dma_start3A_230] : memref<512x32xf32, #tpu.memory_space<vmem>> -> memref<1x32xf32, #tpu.memory_space<vmem>>
      %dma_start3A_232 = tpu.memref_squeeze %dma_start3A_231 : memref<1x32xf32, #tpu.memory_space<vmem>> -> memref<32xf32, #tpu.memory_space<vmem>>
      %dma_start3A_233 = arith.constant 0 : i32
      %dma_start3A_234 = tpu.memref_slice %arg6[%squeeze3A_225, %squeeze3A_227, %dma_start3A_233] : memref<125000x8x32xf32, #tpu.memory_space<hbm>> -> memref<1x1x32xf32, #tpu.memory_space<hbm>>
      %dma_start3A_235 = tpu.memref_squeeze %dma_start3A_234 : memref<1x1x32xf32, #tpu.memory_space<hbm>> -> memref<32xf32, #tpu.memory_space<hbm>>
      %dma_start3A_236 = arith.constant 0 : i32
      %dma_start3A_237 = tpu.memref_slice %arg13[%add3A_229, %dma_start3A_236] : memref<512x32xf32, #tpu.memory_space<vmem>> -> memref<1x32xf32, #tpu.memory_space<vmem>>
      %dma_start3A_238 = tpu.memref_squeeze %dma_start3A_237 : memref<1x32xf32, #tpu.memory_space<vmem>> -> memref<32xf32, #tpu.memory_space<vmem>>
      %dma_start3A_239 = arith.constant 0 : i32
      %dma_start3A_240 = tpu.memref_slice %arg6[%squeeze3A_225, %squeeze3A_227, %dma_start3A_239] : memref<125000x8x32xf32, #tpu.memory_space<hbm>> -> memref<1x1x32xf32, #tpu.memory_space<hbm>>
      %dma_start3A_241 = tpu.memref_squeeze %dma_start3A_240 : memref<1x1x32xf32, #tpu.memory_space<hbm>> -> memref<32xf32, #tpu.memory_space<hbm>>
      tpu.enqueue_dma source(%dma_start3A_241 : memref<32xf32, #tpu.memory_space<hbm>>) target(%dma_start3A_238 : memref<32xf32, #tpu.memory_space<vmem>>) target_semaphore(%arg14 : memref<!tpu.dma_semaphore, #tpu.memory_space<semaphore_mem>>)
      %slice3A_242 = vector.extract_strided_slice %shift_right_logical3A_134 {offsets = [6], sizes = [1], strides = [1]} : vector<16xi32> to vector<1xi32>
      %squeeze3A_243 = vector.extract %slice3A_242[0] : i32 from vector<1xi32>
      %slice3A_244 = vector.extract_strided_slice %and3A_136 {offsets = [6], sizes = [1], strides = [1]} : vector<16xi32> to vector<1xi32>
      %squeeze3A_245 = vector.extract %slice3A_244[0] : i32 from vector<1xi32>
      %add3A_246 = arith.constant 6 : i32
      %add3A_247 = arith.addi %mul3A_128, %add3A_246 : i32
      %dma_start3A_248 = arith.constant 0 : i32
      %dma_start3A_249 = tpu.memref_slice %arg13[%add3A_247, %dma_start3A_248] : memref<512x32xf32, #tpu.memory_space<vmem>> -> memref<1x32xf32, #tpu.memory_space<vmem>>
      %dma_start3A_250 = tpu.memref_squeeze %dma_start3A_249 : memref<1x32xf32, #tpu.memory_space<vmem>> -> memref<32xf32, #tpu.memory_space<vmem>>
      %dma_start3A_251 = arith.constant 0 : i32
      %dma_start3A_252 = tpu.memref_slice %arg6[%squeeze3A_243, %squeeze3A_245, %dma_start3A_251] : memref<125000x8x32xf32, #tpu.memory_space<hbm>> -> memref<1x1x32xf32, #tpu.memory_space<hbm>>
      %dma_start3A_253 = tpu.memref_squeeze %dma_start3A_252 : memref<1x1x32xf32, #tpu.memory_space<hbm>> -> memref<32xf32, #tpu.memory_space<hbm>>
      %dma_start3A_254 = arith.constant 0 : i32
      %dma_start3A_255 = tpu.memref_slice %arg13[%add3A_247, %dma_start3A_254] : memref<512x32xf32, #tpu.memory_space<vmem>> -> memref<1x32xf32, #tpu.memory_space<vmem>>
      %dma_start3A_256 = tpu.memref_squeeze %dma_start3A_255 : memref<1x32xf32, #tpu.memory_space<vmem>> -> memref<32xf32, #tpu.memory_space<vmem>>
      %dma_start3A_257 = arith.constant 0 : i32
      %dma_start3A_258 = tpu.memref_slice %arg6[%squeeze3A_243, %squeeze3A_245, %dma_start3A_257] : memref<125000x8x32xf32, #tpu.memory_space<hbm>> -> memref<1x1x32xf32, #tpu.memory_space<hbm>>
      %dma_start3A_259 = tpu.memref_squeeze %dma_start3A_258 : memref<1x1x32xf32, #tpu.memory_space<hbm>> -> memref<32xf32, #tpu.memory_space<hbm>>
      tpu.enqueue_dma source(%dma_start3A_259 : memref<32xf32, #tpu.memory_space<hbm>>) target(%dma_start3A_256 : memref<32xf32, #tpu.memory_space<vmem>>) target_semaphore(%arg14 : memref<!tpu.dma_semaphore, #tpu.memory_space<semaphore_mem>>)
      %slice3A_260 = vector.extract_strided_slice %shift_right_logical3A_134 {offsets = [7], sizes = [1], strides = [1]} : vector<16xi32> to vector<1xi32>
      %squeeze3A_261 = vector.extract %slice3A_260[0] : i32 from vector<1xi32>
      %slice3A_262 = vector.extract_strided_slice %and3A_136 {offsets = [7], sizes = [1], strides = [1]} : vector<16xi32> to vector<1xi32>
      %squeeze3A_263 = vector.extract %slice3A_262[0] : i32 from vector<1xi32>
      %add3A_264 = arith.constant 7 : i32
      %add3A_265 = arith.addi %mul3A_128, %add3A_264 : i32
      %dma_start3A_266 = arith.constant 0 : i32
      %dma_start3A_267 = tpu.memref_slice %arg13[%add3A_265, %dma_start3A_266] : memref<512x32xf32, #tpu.memory_space<vmem>> -> memref<1x32xf32, #tpu.memory_space<vmem>>
      %dma_start3A_268 = tpu.memref_squeeze %dma_start3A_267 : memref<1x32xf32, #tpu.memory_space<vmem>> -> memref<32xf32, #tpu.memory_space<vmem>>
      %dma_start3A_269 = arith.constant 0 : i32
      %dma_start3A_270 = tpu.memref_slice %arg6[%squeeze3A_261, %squeeze3A_263, %dma_start3A_269] : memref<125000x8x32xf32, #tpu.memory_space<hbm>> -> memref<1x1x32xf32, #tpu.memory_space<hbm>>
      %dma_start3A_271 = tpu.memref_squeeze %dma_start3A_270 : memref<1x1x32xf32, #tpu.memory_space<hbm>> -> memref<32xf32, #tpu.memory_space<hbm>>
      %dma_start3A_272 = arith.constant 0 : i32
      %dma_start3A_273 = tpu.memref_slice %arg13[%add3A_265, %dma_start3A_272] : memref<512x32xf32, #tpu.memory_space<vmem>> -> memref<1x32xf32, #tpu.memory_space<vmem>>
      %dma_start3A_274 = tpu.memref_squeeze %dma_start3A_273 : memref<1x32xf32, #tpu.memory_space<vmem>> -> memref<32xf32, #tpu.memory_space<vmem>>
      %dma_start3A_275 = arith.constant 0 : i32
      %dma_start3A_276 = tpu.memref_slice %arg6[%squeeze3A_261, %squeeze3A_263, %dma_start3A_275] : memref<125000x8x32xf32, #tpu.memory_space<hbm>> -> memref<1x1x32xf32, #tpu.memory_space<hbm>>
      %dma_start3A_277 = tpu.memref_squeeze %dma_start3A_276 : memref<1x1x32xf32, #tpu.memory_space<hbm>> -> memref<32xf32, #tpu.memory_space<hbm>>
      tpu.enqueue_dma source(%dma_start3A_277 : memref<32xf32, #tpu.memory_space<hbm>>) target(%dma_start3A_274 : memref<32xf32, #tpu.memory_space<vmem>>) target_semaphore(%arg14 : memref<!tpu.dma_semaphore, #tpu.memory_space<semaphore_mem>>)
      %slice3A_278 = vector.extract_strided_slice %shift_right_logical3A_134 {offsets = [8], sizes = [1], strides = [1]} : vector<16xi32> to vector<1xi32>
      %squeeze3A_279 = vector.extract %slice3A_278[0] : i32 from vector<1xi32>
      %slice3A_280 = vector.extract_strided_slice %and3A_136 {offsets = [8], sizes = [1], strides = [1]} : vector<16xi32> to vector<1xi32>
      %squeeze3A_281 = vector.extract %slice3A_280[0] : i32 from vector<1xi32>
      %add3A_282 = arith.constant 8 : i32
      %add3A_283 = arith.addi %mul3A_128, %add3A_282 : i32
      %dma_start3A_284 = arith.constant 0 : i32
      %dma_start3A_285 = tpu.memref_slice %arg13[%add3A_283, %dma_start3A_284] : memref<512x32xf32, #tpu.memory_space<vmem>> -> memref<1x32xf32, #tpu.memory_space<vmem>>
      %dma_start3A_286 = tpu.memref_squeeze %dma_start3A_285 : memref<1x32xf32, #tpu.memory_space<vmem>> -> memref<32xf32, #tpu.memory_space<vmem>>
      %dma_start3A_287 = arith.constant 0 : i32
      %dma_start3A_288 = tpu.memref_slice %arg6[%squeeze3A_279, %squeeze3A_281, %dma_start3A_287] : memref<125000x8x32xf32, #tpu.memory_space<hbm>> -> memref<1x1x32xf32, #tpu.memory_space<hbm>>
      %dma_start3A_289 = tpu.memref_squeeze %dma_start3A_288 : memref<1x1x32xf32, #tpu.memory_space<hbm>> -> memref<32xf32, #tpu.memory_space<hbm>>
      %dma_start3A_290 = arith.constant 0 : i32
      %dma_start3A_291 = tpu.memref_slice %arg13[%add3A_283, %dma_start3A_290] : memref<512x32xf32, #tpu.memory_space<vmem>> -> memref<1x32xf32, #tpu.memory_space<vmem>>
      %dma_start3A_292 = tpu.memref_squeeze %dma_start3A_291 : memref<1x32xf32, #tpu.memory_space<vmem>> -> memref<32xf32, #tpu.memory_space<vmem>>
      %dma_start3A_293 = arith.constant 0 : i32
      %dma_start3A_294 = tpu.memref_slice %arg6[%squeeze3A_279, %squeeze3A_281, %dma_start3A_293] : memref<125000x8x32xf32, #tpu.memory_space<hbm>> -> memref<1x1x32xf32, #tpu.memory_space<hbm>>
      %dma_start3A_295 = tpu.memref_squeeze %dma_start3A_294 : memref<1x1x32xf32, #tpu.memory_space<hbm>> -> memref<32xf32, #tpu.memory_space<hbm>>
      tpu.enqueue_dma source(%dma_start3A_295 : memref<32xf32, #tpu.memory_space<hbm>>) target(%dma_start3A_292 : memref<32xf32, #tpu.memory_space<vmem>>) target_semaphore(%arg14 : memref<!tpu.dma_semaphore, #tpu.memory_space<semaphore_mem>>)
      %slice3A_296 = vector.extract_strided_slice %shift_right_logical3A_134 {offsets = [9], sizes = [1], strides = [1]} : vector<16xi32> to vector<1xi32>
      %squeeze3A_297 = vector.extract %slice3A_296[0] : i32 from vector<1xi32>
      %slice3A_298 = vector.extract_strided_slice %and3A_136 {offsets = [9], sizes = [1], strides = [1]} : vector<16xi32> to vector<1xi32>
      %squeeze3A_299 = vector.extract %slice3A_298[0] : i32 from vector<1xi32>
      %add3A_300 = arith.constant 9 : i32
      %add3A_301 = arith.addi %mul3A_128, %add3A_300 : i32
      %dma_start3A_302 = arith.constant 0 : i32
      %dma_start3A_303 = tpu.memref_slice %arg13[%add3A_301, %dma_start3A_302] : memref<512x32xf32, #tpu.memory_space<vmem>> -> memref<1x32xf32, #tpu.memory_space<vmem>>
      %dma_start3A_304 = tpu.memref_squeeze %dma_start3A_303 : memref<1x32xf32, #tpu.memory_space<vmem>> -> memref<32xf32, #tpu.memory_space<vmem>>
      %dma_start3A_305 = arith.constant 0 : i32
      %dma_start3A_306 = tpu.memref_slice %arg6[%squeeze3A_297, %squeeze3A_299, %dma_start3A_305] : memref<125000x8x32xf32, #tpu.memory_space<hbm>> -> memref<1x1x32xf32, #tpu.memory_space<hbm>>
      %dma_start3A_307 = tpu.memref_squeeze %dma_start3A_306 : memref<1x1x32xf32, #tpu.memory_space<hbm>> -> memref<32xf32, #tpu.memory_space<hbm>>
      %dma_start3A_308 = arith.constant 0 : i32
      %dma_start3A_309 = tpu.memref_slice %arg13[%add3A_301, %dma_start3A_308] : memref<512x32xf32, #tpu.memory_space<vmem>> -> memref<1x32xf32, #tpu.memory_space<vmem>>
      %dma_start3A_310 = tpu.memref_squeeze %dma_start3A_309 : memref<1x32xf32, #tpu.memory_space<vmem>> -> memref<32xf32, #tpu.memory_space<vmem>>
      %dma_start3A_311 = arith.constant 0 : i32
      %dma_start3A_312 = tpu.memref_slice %arg6[%squeeze3A_297, %squeeze3A_299, %dma_start3A_311] : memref<125000x8x32xf32, #tpu.memory_space<hbm>> -> memref<1x1x32xf32, #tpu.memory_space<hbm>>
      %dma_start3A_313 = tpu.memref_squeeze %dma_start3A_312 : memref<1x1x32xf32, #tpu.memory_space<hbm>> -> memref<32xf32, #tpu.memory_space<hbm>>
      tpu.enqueue_dma source(%dma_start3A_313 : memref<32xf32, #tpu.memory_space<hbm>>) target(%dma_start3A_310 : memref<32xf32, #tpu.memory_space<vmem>>) target_semaphore(%arg14 : memref<!tpu.dma_semaphore, #tpu.memory_space<semaphore_mem>>)
      %slice3A_314 = vector.extract_strided_slice %shift_right_logical3A_134 {offsets = [10], sizes = [1], strides = [1]} : vector<16xi32> to vector<1xi32>
      %squeeze3A_315 = vector.extract %slice3A_314[0] : i32 from vector<1xi32>
      %slice3A_316 = vector.extract_strided_slice %and3A_136 {offsets = [10], sizes = [1], strides = [1]} : vector<16xi32> to vector<1xi32>
      %squeeze3A_317 = vector.extract %slice3A_316[0] : i32 from vector<1xi32>
      %add3A_318 = arith.constant 10 : i32
      %add3A_319 = arith.addi %mul3A_128, %add3A_318 : i32
      %dma_start3A_320 = arith.constant 0 : i32
      %dma_start3A_321 = tpu.memref_slice %arg13[%add3A_319, %dma_start3A_320] : memref<512x32xf32, #tpu.memory_space<vmem>> -> memref<1x32xf32, #tpu.memory_space<vmem>>
      %dma_start3A_322 = tpu.memref_squeeze %dma_start3A_321 : memref<1x32xf32, #tpu.memory_space<vmem>> -> memref<32xf32, #tpu.memory_space<vmem>>
      %dma_start3A_323 = arith.constant 0 : i32
      %dma_start3A_324 = tpu.memref_slice %arg6[%squeeze3A_315, %squeeze3A_317, %dma_start3A_323] : memref<125000x8x32xf32, #tpu.memory_space<hbm>> -> memref<1x1x32xf32, #tpu.memory_space<hbm>>
      %dma_start3A_325 = tpu.memref_squeeze %dma_start3A_324 : memref<1x1x32xf32, #tpu.memory_space<hbm>> -> memref<32xf32, #tpu.memory_space<hbm>>
      %dma_start3A_326 = arith.constant 0 : i32
      %dma_start3A_327 = tpu.memref_slice %arg13[%add3A_319, %dma_start3A_326] : memref<512x32xf32, #tpu.memory_space<vmem>> -> memref<1x32xf32, #tpu.memory_space<vmem>>
      %dma_start3A_328 = tpu.memref_squeeze %dma_start3A_327 : memref<1x32xf32, #tpu.memory_space<vmem>> -> memref<32xf32, #tpu.memory_space<vmem>>
      %dma_start3A_329 = arith.constant 0 : i32
      %dma_start3A_330 = tpu.memref_slice %arg6[%squeeze3A_315, %squeeze3A_317, %dma_start3A_329] : memref<125000x8x32xf32, #tpu.memory_space<hbm>> -> memref<1x1x32xf32, #tpu.memory_space<hbm>>
      %dma_start3A_331 = tpu.memref_squeeze %dma_start3A_330 : memref<1x1x32xf32, #tpu.memory_space<hbm>> -> memref<32xf32, #tpu.memory_space<hbm>>
      tpu.enqueue_dma source(%dma_start3A_331 : memref<32xf32, #tpu.memory_space<hbm>>) target(%dma_start3A_328 : memref<32xf32, #tpu.memory_space<vmem>>) target_semaphore(%arg14 : memref<!tpu.dma_semaphore, #tpu.memory_space<semaphore_mem>>)
      %slice3A_332 = vector.extract_strided_slice %shift_right_logical3A_134 {offsets = [11], sizes = [1], strides = [1]} : vector<16xi32> to vector<1xi32>
      %squeeze3A_333 = vector.extract %slice3A_332[0] : i32 from vector<1xi32>
      %slice3A_334 = vector.extract_strided_slice %and3A_136 {offsets = [11], sizes = [1], strides = [1]} : vector<16xi32> to vector<1xi32>
      %squeeze3A_335 = vector.extract %slice3A_334[0] : i32 from vector<1xi32>
      %add3A_336 = arith.constant 11 : i32
      %add3A_337 = arith.addi %mul3A_128, %add3A_336 : i32
      %dma_start3A_338 = arith.constant 0 : i32
      %dma_start3A_339 = tpu.memref_slice %arg13[%add3A_337, %dma_start3A_338] : memref<512x32xf32, #tpu.memory_space<vmem>> -> memref<1x32xf32, #tpu.memory_space<vmem>>
      %dma_start3A_340 = tpu.memref_squeeze %dma_start3A_339 : memref<1x32xf32, #tpu.memory_space<vmem>> -> memref<32xf32, #tpu.memory_space<vmem>>
      %dma_start3A_341 = arith.constant 0 : i32
      %dma_start3A_342 = tpu.memref_slice %arg6[%squeeze3A_333, %squeeze3A_335, %dma_start3A_341] : memref<125000x8x32xf32, #tpu.memory_space<hbm>> -> memref<1x1x32xf32, #tpu.memory_space<hbm>>
      %dma_start3A_343 = tpu.memref_squeeze %dma_start3A_342 : memref<1x1x32xf32, #tpu.memory_space<hbm>> -> memref<32xf32, #tpu.memory_space<hbm>>
      %dma_start3A_344 = arith.constant 0 : i32
      %dma_start3A_345 = tpu.memref_slice %arg13[%add3A_337, %dma_start3A_344] : memref<512x32xf32, #tpu.memory_space<vmem>> -> memref<1x32xf32, #tpu.memory_space<vmem>>
      %dma_start3A_346 = tpu.memref_squeeze %dma_start3A_345 : memref<1x32xf32, #tpu.memory_space<vmem>> -> memref<32xf32, #tpu.memory_space<vmem>>
      %dma_start3A_347 = arith.constant 0 : i32
      %dma_start3A_348 = tpu.memref_slice %arg6[%squeeze3A_333, %squeeze3A_335, %dma_start3A_347] : memref<125000x8x32xf32, #tpu.memory_space<hbm>> -> memref<1x1x32xf32, #tpu.memory_space<hbm>>
      %dma_start3A_349 = tpu.memref_squeeze %dma_start3A_348 : memref<1x1x32xf32, #tpu.memory_space<hbm>> -> memref<32xf32, #tpu.memory_space<hbm>>
      tpu.enqueue_dma source(%dma_start3A_349 : memref<32xf32, #tpu.memory_space<hbm>>) target(%dma_start3A_346 : memref<32xf32, #tpu.memory_space<vmem>>) target_semaphore(%arg14 : memref<!tpu.dma_semaphore, #tpu.memory_space<semaphore_mem>>)
      %slice3A_350 = vector.extract_strided_slice %shift_right_logical3A_134 {offsets = [12], sizes = [1], strides = [1]} : vector<16xi32> to vector<1xi32>
      %squeeze3A_351 = vector.extract %slice3A_350[0] : i32 from vector<1xi32>
      %slice3A_352 = vector.extract_strided_slice %and3A_136 {offsets = [12], sizes = [1], strides = [1]} : vector<16xi32> to vector<1xi32>
      %squeeze3A_353 = vector.extract %slice3A_352[0] : i32 from vector<1xi32>
      %add3A_354 = arith.constant 12 : i32
      %add3A_355 = arith.addi %mul3A_128, %add3A_354 : i32
      %dma_start3A_356 = arith.constant 0 : i32
      %dma_start3A_357 = tpu.memref_slice %arg13[%add3A_355, %dma_start3A_356] : memref<512x32xf32, #tpu.memory_space<vmem>> -> memref<1x32xf32, #tpu.memory_space<vmem>>
      %dma_start3A_358 = tpu.memref_squeeze %dma_start3A_357 : memref<1x32xf32, #tpu.memory_space<vmem>> -> memref<32xf32, #tpu.memory_space<vmem>>
      %dma_start3A_359 = arith.constant 0 : i32
      %dma_start3A_360 = tpu.memref_slice %arg6[%squeeze3A_351, %squeeze3A_353, %dma_start3A_359] : memref<125000x8x32xf32, #tpu.memory_space<hbm>> -> memref<1x1x32xf32, #tpu.memory_space<hbm>>
      %dma_start3A_361 = tpu.memref_squeeze %dma_start3A_360 : memref<1x1x32xf32, #tpu.memory_space<hbm>> -> memref<32xf32, #tpu.memory_space<hbm>>
      %dma_start3A_362 = arith.constant 0 : i32
      %dma_start3A_363 = tpu.memref_slice %arg13[%add3A_355, %dma_start3A_362] : memref<512x32xf32, #tpu.memory_space<vmem>> -> memref<1x32xf32, #tpu.memory_space<vmem>>
      %dma_start3A_364 = tpu.memref_squeeze %dma_start3A_363 : memref<1x32xf32, #tpu.memory_space<vmem>> -> memref<32xf32, #tpu.memory_space<vmem>>
      %dma_start3A_365 = arith.constant 0 : i32
      %dma_start3A_366 = tpu.memref_slice %arg6[%squeeze3A_351, %squeeze3A_353, %dma_start3A_365] : memref<125000x8x32xf32, #tpu.memory_space<hbm>> -> memref<1x1x32xf32, #tpu.memory_space<hbm>>
      %dma_start3A_367 = tpu.memref_squeeze %dma_start3A_366 : memref<1x1x32xf32, #tpu.memory_space<hbm>> -> memref<32xf32, #tpu.memory_space<hbm>>
      tpu.enqueue_dma source(%dma_start3A_367 : memref<32xf32, #tpu.memory_space<hbm>>) target(%dma_start3A_364 : memref<32xf32, #tpu.memory_space<vmem>>) target_semaphore(%arg14 : memref<!tpu.dma_semaphore, #tpu.memory_space<semaphore_mem>>)
      %slice3A_368 = vector.extract_strided_slice %shift_right_logical3A_134 {offsets = [13], sizes = [1], strides = [1]} : vector<16xi32> to vector<1xi32>
      %squeeze3A_369 = vector.extract %slice3A_368[0] : i32 from vector<1xi32>
      %slice3A_370 = vector.extract_strided_slice %and3A_136 {offsets = [13], sizes = [1], strides = [1]} : vector<16xi32> to vector<1xi32>
      %squeeze3A_371 = vector.extract %slice3A_370[0] : i32 from vector<1xi32>
      %add3A_372 = arith.constant 13 : i32
      %add3A_373 = arith.addi %mul3A_128, %add3A_372 : i32
      %dma_start3A_374 = arith.constant 0 : i32
      %dma_start3A_375 = tpu.memref_slice %arg13[%add3A_373, %dma_start3A_374] : memref<512x32xf32, #tpu.memory_space<vmem>> -> memref<1x32xf32, #tpu.memory_space<vmem>>
      %dma_start3A_376 = tpu.memref_squeeze %dma_start3A_375 : memref<1x32xf32, #tpu.memory_space<vmem>> -> memref<32xf32, #tpu.memory_space<vmem>>
      %dma_start3A_377 = arith.constant 0 : i32
      %dma_start3A_378 = tpu.memref_slice %arg6[%squeeze3A_369, %squeeze3A_371, %dma_start3A_377] : memref<125000x8x32xf32, #tpu.memory_space<hbm>> -> memref<1x1x32xf32, #tpu.memory_space<hbm>>
      %dma_start3A_379 = tpu.memref_squeeze %dma_start3A_378 : memref<1x1x32xf32, #tpu.memory_space<hbm>> -> memref<32xf32, #tpu.memory_space<hbm>>
      %dma_start3A_380 = arith.constant 0 : i32
      %dma_start3A_381 = tpu.memref_slice %arg13[%add3A_373, %dma_start3A_380] : memref<512x32xf32, #tpu.memory_space<vmem>> -> memref<1x32xf32, #tpu.memory_space<vmem>>
      %dma_start3A_382 = tpu.memref_squeeze %dma_start3A_381 : memref<1x32xf32, #tpu.memory_space<vmem>> -> memref<32xf32, #tpu.memory_space<vmem>>
      %dma_start3A_383 = arith.constant 0 : i32
      %dma_start3A_384 = tpu.memref_slice %arg6[%squeeze3A_369, %squeeze3A_371, %dma_start3A_383] : memref<125000x8x32xf32, #tpu.memory_space<hbm>> -> memref<1x1x32xf32, #tpu.memory_space<hbm>>
      %dma_start3A_385 = tpu.memref_squeeze %dma_start3A_384 : memref<1x1x32xf32, #tpu.memory_space<hbm>> -> memref<32xf32, #tpu.memory_space<hbm>>
      tpu.enqueue_dma source(%dma_start3A_385 : memref<32xf32, #tpu.memory_space<hbm>>) target(%dma_start3A_382 : memref<32xf32, #tpu.memory_space<vmem>>) target_semaphore(%arg14 : memref<!tpu.dma_semaphore, #tpu.memory_space<semaphore_mem>>)
      %slice3A_386 = vector.extract_strided_slice %shift_right_logical3A_134 {offsets = [14], sizes = [1], strides = [1]} : vector<16xi32> to vector<1xi32>
      %squeeze3A_387 = vector.extract %slice3A_386[0] : i32 from vector<1xi32>
      %slice3A_388 = vector.extract_strided_slice %and3A_136 {offsets = [14], sizes = [1], strides = [1]} : vector<16xi32> to vector<1xi32>
      %squeeze3A_389 = vector.extract %slice3A_388[0] : i32 from vector<1xi32>
      %add3A_390 = arith.constant 14 : i32
      %add3A_391 = arith.addi %mul3A_128, %add3A_390 : i32
      %dma_start3A_392 = arith.constant 0 : i32
      %dma_start3A_393 = tpu.memref_slice %arg13[%add3A_391, %dma_start3A_392] : memref<512x32xf32, #tpu.memory_space<vmem>> -> memref<1x32xf32, #tpu.memory_space<vmem>>
      %dma_start3A_394 = tpu.memref_squeeze %dma_start3A_393 : memref<1x32xf32, #tpu.memory_space<vmem>> -> memref<32xf32, #tpu.memory_space<vmem>>
      %dma_start3A_395 = arith.constant 0 : i32
      %dma_start3A_396 = tpu.memref_slice %arg6[%squeeze3A_387, %squeeze3A_389, %dma_start3A_395] : memref<125000x8x32xf32, #tpu.memory_space<hbm>> -> memref<1x1x32xf32, #tpu.memory_space<hbm>>
      %dma_start3A_397 = tpu.memref_squeeze %dma_start3A_396 : memref<1x1x32xf32, #tpu.memory_space<hbm>> -> memref<32xf32, #tpu.memory_space<hbm>>
      %dma_start3A_398 = arith.constant 0 : i32
      %dma_start3A_399 = tpu.memref_slice %arg13[%add3A_391, %dma_start3A_398] : memref<512x32xf32, #tpu.memory_space<vmem>> -> memref<1x32xf32, #tpu.memory_space<vmem>>
      %dma_start3A_400 = tpu.memref_squeeze %dma_start3A_399 : memref<1x32xf32, #tpu.memory_space<vmem>> -> memref<32xf32, #tpu.memory_space<vmem>>
      %dma_start3A_401 = arith.constant 0 : i32
      %dma_start3A_402 = tpu.memref_slice %arg6[%squeeze3A_387, %squeeze3A_389, %dma_start3A_401] : memref<125000x8x32xf32, #tpu.memory_space<hbm>> -> memref<1x1x32xf32, #tpu.memory_space<hbm>>
      %dma_start3A_403 = tpu.memref_squeeze %dma_start3A_402 : memref<1x1x32xf32, #tpu.memory_space<hbm>> -> memref<32xf32, #tpu.memory_space<hbm>>
      tpu.enqueue_dma source(%dma_start3A_403 : memref<32xf32, #tpu.memory_space<hbm>>) target(%dma_start3A_400 : memref<32xf32, #tpu.memory_space<vmem>>) target_semaphore(%arg14 : memref<!tpu.dma_semaphore, #tpu.memory_space<semaphore_mem>>)
      %slice3A_404 = vector.extract_strided_slice %shift_right_logical3A_134 {offsets = [15], sizes = [1], strides = [1]} : vector<16xi32> to vector<1xi32>
      %squeeze3A_405 = vector.extract %slice3A_404[0] : i32 from vector<1xi32>
      %slice3A_406 = vector.extract_strided_slice %and3A_136 {offsets = [15], sizes = [1], strides = [1]} : vector<16xi32> to vector<1xi32>
      %squeeze3A_407 = vector.extract %slice3A_406[0] : i32 from vector<1xi32>
      %add3A_408 = arith.constant 15 : i32
      %add3A_409 = arith.addi %mul3A_128, %add3A_408 : i32
      %dma_start3A_410 = arith.constant 0 : i32
      %dma_start3A_411 = tpu.memref_slice %arg13[%add3A_409, %dma_start3A_410] : memref<512x32xf32, #tpu.memory_space<vmem>> -> memref<1x32xf32, #tpu.memory_space<vmem>>
      %dma_start3A_412 = tpu.memref_squeeze %dma_start3A_411 : memref<1x32xf32, #tpu.memory_space<vmem>> -> memref<32xf32, #tpu.memory_space<vmem>>
      %dma_start3A_413 = arith.constant 0 : i32
      %dma_start3A_414 = tpu.memref_slice %arg6[%squeeze3A_405, %squeeze3A_407, %dma_start3A_413] : memref<125000x8x32xf32, #tpu.memory_space<hbm>> -> memref<1x1x32xf32, #tpu.memory_space<hbm>>
      %dma_start3A_415 = tpu.memref_squeeze %dma_start3A_414 : memref<1x1x32xf32, #tpu.memory_space<hbm>> -> memref<32xf32, #tpu.memory_space<hbm>>
      %dma_start3A_416 = arith.constant 0 : i32
      %dma_start3A_417 = tpu.memref_slice %arg13[%add3A_409, %dma_start3A_416] : memref<512x32xf32, #tpu.memory_space<vmem>> -> memref<1x32xf32, #tpu.memory_space<vmem>>
      %dma_start3A_418 = tpu.memref_squeeze %dma_start3A_417 : memref<1x32xf32, #tpu.memory_space<vmem>> -> memref<32xf32, #tpu.memory_space<vmem>>
      %dma_start3A_419 = arith.constant 0 : i32
      %dma_start3A_420 = tpu.memref_slice %arg6[%squeeze3A_405, %squeeze3A_407, %dma_start3A_419] : memref<125000x8x32xf32, #tpu.memory_space<hbm>> -> memref<1x1x32xf32, #tpu.memory_space<hbm>>
      %dma_start3A_421 = tpu.memref_squeeze %dma_start3A_420 : memref<1x1x32xf32, #tpu.memory_space<hbm>> -> memref<32xf32, #tpu.memory_space<hbm>>
      tpu.enqueue_dma source(%dma_start3A_421 : memref<32xf32, #tpu.memory_space<hbm>>) target(%dma_start3A_418 : memref<32xf32, #tpu.memory_space<vmem>>) target_semaphore(%arg14 : memref<!tpu.dma_semaphore, #tpu.memory_space<semaphore_mem>>)
    }
    %scan3A_51 = arith.constant 32 : i32
    %dma_wait3A_52 = arith.constant 3 : i32
    %dma_wait3A_53 = arith.constant 0 : i32
    %dma_wait3A_54 = arith.constant 0 : i32
    %dma_wait3A_55 = tpu.memref_slice %arg11[%dma_wait3A_52, %add3A, %dma_wait3A_53, %dma_wait3A_54] : memref<8x32x512x32xf32, #tpu.memory_space<hbm>> -> memref<1x1x512x32xf32, #tpu.memory_space<hbm>>
    %dma_wait3A_56 = tpu.memref_squeeze %dma_wait3A_55 : memref<1x1x512x32xf32, #tpu.memory_space<hbm>> -> memref<512x32xf32, #tpu.memory_space<hbm>>
    %dma_wait3A_57 = arith.constant 0 : i32
    %dma_wait3A_58 = arith.constant 0 : i32
    %dma_wait3A_59 = tpu.memref_slice %arg11[%dma_wait3A_52, %add3A, %dma_wait3A_57, %dma_wait3A_58] : memref<8x32x512x32xf32, #tpu.memory_space<hbm>> -> memref<1x1x512x32xf32, #tpu.memory_space<hbm>>
    %dma_wait3A_60 = tpu.memref_squeeze %dma_wait3A_59 : memref<1x1x512x32xf32, #tpu.memory_space<hbm>> -> memref<512x32xf32, #tpu.memory_space<hbm>>
    tpu.wait_dma2 semaphore(%arg14 : memref<!tpu.dma_semaphore, #tpu.memory_space<semaphore_mem>>) src(%dma_wait3A_60 : memref<512x32xf32, #tpu.memory_space<hbm>>) dst(%arg13 : memref<512x32xf32, #tpu.memory_space<vmem>>)
    %run_scoped3A_61 = arith.constant 3 : i32
    "tpu.region"() ({
      %run_scoped3A_126 = tpu.sem_alloc : memref<!tpu.dma_semaphore, #tpu.memory_space<semaphore_mem>>
      %dma_start3A = arith.constant 0 : i32
      %dma_start3A_127 = arith.constant 0 : i32
      %dma_start3A_128 = tpu.memref_slice %arg11[%run_scoped3A_61, %add3A, %dma_start3A, %dma_start3A_127] : memref<8x32x512x32xf32, #tpu.memory_space<hbm>> -> memref<1x1x512x32xf32, #tpu.memory_space<hbm>>
      %dma_start3A_129 = tpu.memref_squeeze %dma_start3A_128 : memref<1x1x512x32xf32, #tpu.memory_space<hbm>> -> memref<512x32xf32, #tpu.memory_space<hbm>>
      %dma_start3A_130 = arith.constant 0 : i32
      %dma_start3A_131 = arith.constant 0 : i32
      %dma_start3A_132 = tpu.memref_slice %arg11[%run_scoped3A_61, %add3A, %dma_start3A_130, %dma_start3A_131] : memref<8x32x512x32xf32, #tpu.memory_space<hbm>> -> memref<1x1x512x32xf32, #tpu.memory_space<hbm>>
      %dma_start3A_133 = tpu.memref_squeeze %dma_start3A_132 : memref<1x1x512x32xf32, #tpu.memory_space<hbm>> -> memref<512x32xf32, #tpu.memory_space<hbm>>
      tpu.enqueue_dma source(%arg13 : memref<512x32xf32, #tpu.memory_space<vmem>>) target(%dma_start3A_133 : memref<512x32xf32, #tpu.memory_space<hbm>>) target_semaphore(%run_scoped3A_126 : memref<!tpu.dma_semaphore, #tpu.memory_space<semaphore_mem>>)
      %dma_wait3A_134 = arith.constant 0 : i32
      %dma_wait3A_135 = arith.constant 0 : i32
      %dma_wait3A_136 = tpu.memref_slice %arg11[%run_scoped3A_61, %add3A, %dma_wait3A_134, %dma_wait3A_135] : memref<8x32x512x32xf32, #tpu.memory_space<hbm>> -> memref<1x1x512x32xf32, #tpu.memory_space<hbm>>
      %dma_wait3A_137 = tpu.memref_squeeze %dma_wait3A_136 : memref<1x1x512x32xf32, #tpu.memory_space<hbm>> -> memref<512x32xf32, #tpu.memory_space<hbm>>
      %dma_wait3A_138 = arith.constant 0 : i32
      %dma_wait3A_139 = arith.constant 0 : i32
      %dma_wait3A_140 = tpu.memref_slice %arg11[%run_scoped3A_61, %add3A, %dma_wait3A_138, %dma_wait3A_139] : memref<8x32x512x32xf32, #tpu.memory_space<hbm>> -> memref<1x1x512x32xf32, #tpu.memory_space<hbm>>
      %dma_wait3A_141 = tpu.memref_squeeze %dma_wait3A_140 : memref<1x1x512x32xf32, #tpu.memory_space<hbm>> -> memref<512x32xf32, #tpu.memory_space<hbm>>
      tpu.wait_dma2 semaphore(%run_scoped3A_126 : memref<!tpu.dma_semaphore, #tpu.memory_space<semaphore_mem>>) src(%arg13 : memref<512x32xf32, #tpu.memory_space<vmem>>) dst(%dma_wait3A_141 : memref<512x32xf32, #tpu.memory_space<hbm>>)
      tpu.yield
    }) : () -> ()
    %scan3A_62 = arith.constant 0 : i32
    %scan3A_63 = arith.constant 0 : i32
    %scan3A_64 = arith.constant 32 : i32
    %scan3A_65 = arith.addi %scan3A_63, %scan3A_64 : i32
    %scan3A_66 = arith.constant 1 : i32
    scf.for %scan3A_126 = %scan3A_63 to %scan3A_65 step %scan3A_66  : i32 {
      %mul3A_127 = arith.constant 16 : i32
      %mul3A_128 = arith.muli %scan3A_126, %mul3A_127 : i32
      %get3A = arith.constant 4 : i32
      %get3A_129 = arith.index_cast %get3A : i32 to index
      %get3A_130 = arith.index_cast %mul3A_128 : i32 to index
      %get3A_131 = tpu.vector_load %arg12[%get3A_129, %get3A_130] {strides = array<i32>} : memref<8x512xi32, #tpu.memory_space<vmem>>, vector<1x16xi32>,
      %get3A_132 = vector.shape_cast %get3A_131 : vector<1x16xi32> to vector<16xi32>
      %slice3A = vector.extract_strided_slice %get3A_132 {offsets = [0], sizes = [1], strides = [1]} : vector<16xi32> to vector<1xi32>
      %squeeze3A = vector.extract %slice3A[0] : i32 from vector<1xi32>
      %add3A_133 = arith.constant 0 : i32
      %add3A_134 = arith.addi %mul3A_128, %add3A_133 : i32
      %dma_start3A = arith.constant 0 : i32
      %dma_start3A_135 = tpu.memref_slice %arg13[%add3A_134, %dma_start3A] : memref<512x32xf32, #tpu.memory_space<vmem>> -> memref<1x32xf32, #tpu.memory_space<vmem>>
      %dma_start3A_136 = arith.constant 0 : i32
      %dma_start3A_137 = tpu.memref_slice %arg7[%squeeze3A, %dma_start3A_136] : memref<100000x32xf32, #tpu.memory_space<hbm>> -> memref<1x32xf32, #tpu.memory_space<hbm>>
      %dma_start3A_138 = arith.constant 0 : i32
      %dma_start3A_139 = tpu.memref_slice %arg13[%add3A_134, %dma_start3A_138] : memref<512x32xf32, #tpu.memory_space<vmem>> -> memref<1x32xf32, #tpu.memory_space<vmem>>
      %dma_start3A_140 = arith.constant 0 : i32
      %dma_start3A_141 = tpu.memref_slice %arg7[%squeeze3A, %dma_start3A_140] : memref<100000x32xf32, #tpu.memory_space<hbm>> -> memref<1x32xf32, #tpu.memory_space<hbm>>
      tpu.enqueue_dma source(%dma_start3A_141 : memref<1x32xf32, #tpu.memory_space<hbm>>) target(%dma_start3A_139 : memref<1x32xf32, #tpu.memory_space<vmem>>) target_semaphore(%arg14 : memref<!tpu.dma_semaphore, #tpu.memory_space<semaphore_mem>>)
      %slice3A_142 = vector.extract_strided_slice %get3A_132 {offsets = [1], sizes = [1], strides = [1]} : vector<16xi32> to vector<1xi32>
      %squeeze3A_143 = vector.extract %slice3A_142[0] : i32 from vector<1xi32>
      %add3A_144 = arith.constant 1 : i32
      %add3A_145 = arith.addi %mul3A_128, %add3A_144 : i32
      %dma_start3A_146 = arith.constant 0 : i32
      %dma_start3A_147 = tpu.memref_slice %arg13[%add3A_145, %dma_start3A_146] : memref<512x32xf32, #tpu.memory_space<vmem>> -> memref<1x32xf32, #tpu.memory_space<vmem>>
      %dma_start3A_148 = arith.constant 0 : i32
      %dma_start3A_149 = tpu.memref_slice %arg7[%squeeze3A_143, %dma_start3A_148] : memref<100000x32xf32, #tpu.memory_space<hbm>> -> memref<1x32xf32, #tpu.memory_space<hbm>>
      %dma_start3A_150 = arith.constant 0 : i32
      %dma_start3A_151 = tpu.memref_slice %arg13[%add3A_145, %dma_start3A_150] : memref<512x32xf32, #tpu.memory_space<vmem>> -> memref<1x32xf32, #tpu.memory_space<vmem>>
      %dma_start3A_152 = arith.constant 0 : i32
      %dma_start3A_153 = tpu.memref_slice %arg7[%squeeze3A_143, %dma_start3A_152] : memref<100000x32xf32, #tpu.memory_space<hbm>> -> memref<1x32xf32, #tpu.memory_space<hbm>>
      tpu.enqueue_dma source(%dma_start3A_153 : memref<1x32xf32, #tpu.memory_space<hbm>>) target(%dma_start3A_151 : memref<1x32xf32, #tpu.memory_space<vmem>>) target_semaphore(%arg14 : memref<!tpu.dma_semaphore, #tpu.memory_space<semaphore_mem>>)
      %slice3A_154 = vector.extract_strided_slice %get3A_132 {offsets = [2], sizes = [1], strides = [1]} : vector<16xi32> to vector<1xi32>
      %squeeze3A_155 = vector.extract %slice3A_154[0] : i32 from vector<1xi32>
      %add3A_156 = arith.constant 2 : i32
      %add3A_157 = arith.addi %mul3A_128, %add3A_156 : i32
      %dma_start3A_158 = arith.constant 0 : i32
      %dma_start3A_159 = tpu.memref_slice %arg13[%add3A_157, %dma_start3A_158] : memref<512x32xf32, #tpu.memory_space<vmem>> -> memref<1x32xf32, #tpu.memory_space<vmem>>
      %dma_start3A_160 = arith.constant 0 : i32
      %dma_start3A_161 = tpu.memref_slice %arg7[%squeeze3A_155, %dma_start3A_160] : memref<100000x32xf32, #tpu.memory_space<hbm>> -> memref<1x32xf32, #tpu.memory_space<hbm>>
      %dma_start3A_162 = arith.constant 0 : i32
      %dma_start3A_163 = tpu.memref_slice %arg13[%add3A_157, %dma_start3A_162] : memref<512x32xf32, #tpu.memory_space<vmem>> -> memref<1x32xf32, #tpu.memory_space<vmem>>
      %dma_start3A_164 = arith.constant 0 : i32
      %dma_start3A_165 = tpu.memref_slice %arg7[%squeeze3A_155, %dma_start3A_164] : memref<100000x32xf32, #tpu.memory_space<hbm>> -> memref<1x32xf32, #tpu.memory_space<hbm>>
      tpu.enqueue_dma source(%dma_start3A_165 : memref<1x32xf32, #tpu.memory_space<hbm>>) target(%dma_start3A_163 : memref<1x32xf32, #tpu.memory_space<vmem>>) target_semaphore(%arg14 : memref<!tpu.dma_semaphore, #tpu.memory_space<semaphore_mem>>)
      %slice3A_166 = vector.extract_strided_slice %get3A_132 {offsets = [3], sizes = [1], strides = [1]} : vector<16xi32> to vector<1xi32>
      %squeeze3A_167 = vector.extract %slice3A_166[0] : i32 from vector<1xi32>
      %add3A_168 = arith.constant 3 : i32
      %add3A_169 = arith.addi %mul3A_128, %add3A_168 : i32
      %dma_start3A_170 = arith.constant 0 : i32
      %dma_start3A_171 = tpu.memref_slice %arg13[%add3A_169, %dma_start3A_170] : memref<512x32xf32, #tpu.memory_space<vmem>> -> memref<1x32xf32, #tpu.memory_space<vmem>>
      %dma_start3A_172 = arith.constant 0 : i32
      %dma_start3A_173 = tpu.memref_slice %arg7[%squeeze3A_167, %dma_start3A_172] : memref<100000x32xf32, #tpu.memory_space<hbm>> -> memref<1x32xf32, #tpu.memory_space<hbm>>
      %dma_start3A_174 = arith.constant 0 : i32
      %dma_start3A_175 = tpu.memref_slice %arg13[%add3A_169, %dma_start3A_174] : memref<512x32xf32, #tpu.memory_space<vmem>> -> memref<1x32xf32, #tpu.memory_space<vmem>>
      %dma_start3A_176 = arith.constant 0 : i32
      %dma_start3A_177 = tpu.memref_slice %arg7[%squeeze3A_167, %dma_start3A_176] : memref<100000x32xf32, #tpu.memory_space<hbm>> -> memref<1x32xf32, #tpu.memory_space<hbm>>
      tpu.enqueue_dma source(%dma_start3A_177 : memref<1x32xf32, #tpu.memory_space<hbm>>) target(%dma_start3A_175 : memref<1x32xf32, #tpu.memory_space<vmem>>) target_semaphore(%arg14 : memref<!tpu.dma_semaphore, #tpu.memory_space<semaphore_mem>>)
      %slice3A_178 = vector.extract_strided_slice %get3A_132 {offsets = [4], sizes = [1], strides = [1]} : vector<16xi32> to vector<1xi32>
      %squeeze3A_179 = vector.extract %slice3A_178[0] : i32 from vector<1xi32>
      %add3A_180 = arith.constant 4 : i32
      %add3A_181 = arith.addi %mul3A_128, %add3A_180 : i32
      %dma_start3A_182 = arith.constant 0 : i32
      %dma_start3A_183 = tpu.memref_slice %arg13[%add3A_181, %dma_start3A_182] : memref<512x32xf32, #tpu.memory_space<vmem>> -> memref<1x32xf32, #tpu.memory_space<vmem>>
      %dma_start3A_184 = arith.constant 0 : i32
      %dma_start3A_185 = tpu.memref_slice %arg7[%squeeze3A_179, %dma_start3A_184] : memref<100000x32xf32, #tpu.memory_space<hbm>> -> memref<1x32xf32, #tpu.memory_space<hbm>>
      %dma_start3A_186 = arith.constant 0 : i32
      %dma_start3A_187 = tpu.memref_slice %arg13[%add3A_181, %dma_start3A_186] : memref<512x32xf32, #tpu.memory_space<vmem>> -> memref<1x32xf32, #tpu.memory_space<vmem>>
      %dma_start3A_188 = arith.constant 0 : i32
      %dma_start3A_189 = tpu.memref_slice %arg7[%squeeze3A_179, %dma_start3A_188] : memref<100000x32xf32, #tpu.memory_space<hbm>> -> memref<1x32xf32, #tpu.memory_space<hbm>>
      tpu.enqueue_dma source(%dma_start3A_189 : memref<1x32xf32, #tpu.memory_space<hbm>>) target(%dma_start3A_187 : memref<1x32xf32, #tpu.memory_space<vmem>>) target_semaphore(%arg14 : memref<!tpu.dma_semaphore, #tpu.memory_space<semaphore_mem>>)
      %slice3A_190 = vector.extract_strided_slice %get3A_132 {offsets = [5], sizes = [1], strides = [1]} : vector<16xi32> to vector<1xi32>
      %squeeze3A_191 = vector.extract %slice3A_190[0] : i32 from vector<1xi32>
      %add3A_192 = arith.constant 5 : i32
      %add3A_193 = arith.addi %mul3A_128, %add3A_192 : i32
      %dma_start3A_194 = arith.constant 0 : i32
      %dma_start3A_195 = tpu.memref_slice %arg13[%add3A_193, %dma_start3A_194] : memref<512x32xf32, #tpu.memory_space<vmem>> -> memref<1x32xf32, #tpu.memory_space<vmem>>
      %dma_start3A_196 = arith.constant 0 : i32
      %dma_start3A_197 = tpu.memref_slice %arg7[%squeeze3A_191, %dma_start3A_196] : memref<100000x32xf32, #tpu.memory_space<hbm>> -> memref<1x32xf32, #tpu.memory_space<hbm>>
      %dma_start3A_198 = arith.constant 0 : i32
      %dma_start3A_199 = tpu.memref_slice %arg13[%add3A_193, %dma_start3A_198] : memref<512x32xf32, #tpu.memory_space<vmem>> -> memref<1x32xf32, #tpu.memory_space<vmem>>
      %dma_start3A_200 = arith.constant 0 : i32
      %dma_start3A_201 = tpu.memref_slice %arg7[%squeeze3A_191, %dma_start3A_200] : memref<100000x32xf32, #tpu.memory_space<hbm>> -> memref<1x32xf32, #tpu.memory_space<hbm>>
      tpu.enqueue_dma source(%dma_start3A_201 : memref<1x32xf32, #tpu.memory_space<hbm>>) target(%dma_start3A_199 : memref<1x32xf32, #tpu.memory_space<vmem>>) target_semaphore(%arg14 : memref<!tpu.dma_semaphore, #tpu.memory_space<semaphore_mem>>)
      %slice3A_202 = vector.extract_strided_slice %get3A_132 {offsets = [6], sizes = [1], strides = [1]} : vector<16xi32> to vector<1xi32>
      %squeeze3A_203 = vector.extract %slice3A_202[0] : i32 from vector<1xi32>
      %add3A_204 = arith.constant 6 : i32
      %add3A_205 = arith.addi %mul3A_128, %add3A_204 : i32
      %dma_start3A_206 = arith.constant 0 : i32
      %dma_start3A_207 = tpu.memref_slice %arg13[%add3A_205, %dma_start3A_206] : memref<512x32xf32, #tpu.memory_space<vmem>> -> memref<1x32xf32, #tpu.memory_space<vmem>>
      %dma_start3A_208 = arith.constant 0 : i32
      %dma_start3A_209 = tpu.memref_slice %arg7[%squeeze3A_203, %dma_start3A_208] : memref<100000x32xf32, #tpu.memory_space<hbm>> -> memref<1x32xf32, #tpu.memory_space<hbm>>
      %dma_start3A_210 = arith.constant 0 : i32
      %dma_start3A_211 = tpu.memref_slice %arg13[%add3A_205, %dma_start3A_210] : memref<512x32xf32, #tpu.memory_space<vmem>> -> memref<1x32xf32, #tpu.memory_space<vmem>>
      %dma_start3A_212 = arith.constant 0 : i32
      %dma_start3A_213 = tpu.memref_slice %arg7[%squeeze3A_203, %dma_start3A_212] : memref<100000x32xf32, #tpu.memory_space<hbm>> -> memref<1x32xf32, #tpu.memory_space<hbm>>
      tpu.enqueue_dma source(%dma_start3A_213 : memref<1x32xf32, #tpu.memory_space<hbm>>) target(%dma_start3A_211 : memref<1x32xf32, #tpu.memory_space<vmem>>) target_semaphore(%arg14 : memref<!tpu.dma_semaphore, #tpu.memory_space<semaphore_mem>>)
      %slice3A_214 = vector.extract_strided_slice %get3A_132 {offsets = [7], sizes = [1], strides = [1]} : vector<16xi32> to vector<1xi32>
      %squeeze3A_215 = vector.extract %slice3A_214[0] : i32 from vector<1xi32>
      %add3A_216 = arith.constant 7 : i32
      %add3A_217 = arith.addi %mul3A_128, %add3A_216 : i32
      %dma_start3A_218 = arith.constant 0 : i32
      %dma_start3A_219 = tpu.memref_slice %arg13[%add3A_217, %dma_start3A_218] : memref<512x32xf32, #tpu.memory_space<vmem>> -> memref<1x32xf32, #tpu.memory_space<vmem>>
      %dma_start3A_220 = arith.constant 0 : i32
      %dma_start3A_221 = tpu.memref_slice %arg7[%squeeze3A_215, %dma_start3A_220] : memref<100000x32xf32, #tpu.memory_space<hbm>> -> memref<1x32xf32, #tpu.memory_space<hbm>>
      %dma_start3A_222 = arith.constant 0 : i32
      %dma_start3A_223 = tpu.memref_slice %arg13[%add3A_217, %dma_start3A_222] : memref<512x32xf32, #tpu.memory_space<vmem>> -> memref<1x32xf32, #tpu.memory_space<vmem>>
      %dma_start3A_224 = arith.constant 0 : i32
      %dma_start3A_225 = tpu.memref_slice %arg7[%squeeze3A_215, %dma_start3A_224] : memref<100000x32xf32, #tpu.memory_space<hbm>> -> memref<1x32xf32, #tpu.memory_space<hbm>>
      tpu.enqueue_dma source(%dma_start3A_225 : memref<1x32xf32, #tpu.memory_space<hbm>>) target(%dma_start3A_223 : memref<1x32xf32, #tpu.memory_space<vmem>>) target_semaphore(%arg14 : memref<!tpu.dma_semaphore, #tpu.memory_space<semaphore_mem>>)
      %slice3A_226 = vector.extract_strided_slice %get3A_132 {offsets = [8], sizes = [1], strides = [1]} : vector<16xi32> to vector<1xi32>
      %squeeze3A_227 = vector.extract %slice3A_226[0] : i32 from vector<1xi32>
      %add3A_228 = arith.constant 8 : i32
      %add3A_229 = arith.addi %mul3A_128, %add3A_228 : i32
      %dma_start3A_230 = arith.constant 0 : i32
      %dma_start3A_231 = tpu.memref_slice %arg13[%add3A_229, %dma_start3A_230] : memref<512x32xf32, #tpu.memory_space<vmem>> -> memref<1x32xf32, #tpu.memory_space<vmem>>
      %dma_start3A_232 = arith.constant 0 : i32
      %dma_start3A_233 = tpu.memref_slice %arg7[%squeeze3A_227, %dma_start3A_232] : memref<100000x32xf32, #tpu.memory_space<hbm>> -> memref<1x32xf32, #tpu.memory_space<hbm>>
      %dma_start3A_234 = arith.constant 0 : i32
      %dma_start3A_235 = tpu.memref_slice %arg13[%add3A_229, %dma_start3A_234] : memref<512x32xf32, #tpu.memory_space<vmem>> -> memref<1x32xf32, #tpu.memory_space<vmem>>
      %dma_start3A_236 = arith.constant 0 : i32
      %dma_start3A_237 = tpu.memref_slice %arg7[%squeeze3A_227, %dma_start3A_236] : memref<100000x32xf32, #tpu.memory_space<hbm>> -> memref<1x32xf32, #tpu.memory_space<hbm>>
      tpu.enqueue_dma source(%dma_start3A_237 : memref<1x32xf32, #tpu.memory_space<hbm>>) target(%dma_start3A_235 : memref<1x32xf32, #tpu.memory_space<vmem>>) target_semaphore(%arg14 : memref<!tpu.dma_semaphore, #tpu.memory_space<semaphore_mem>>)
      %slice3A_238 = vector.extract_strided_slice %get3A_132 {offsets = [9], sizes = [1], strides = [1]} : vector<16xi32> to vector<1xi32>
      %squeeze3A_239 = vector.extract %slice3A_238[0] : i32 from vector<1xi32>
      %add3A_240 = arith.constant 9 : i32
      %add3A_241 = arith.addi %mul3A_128, %add3A_240 : i32
      %dma_start3A_242 = arith.constant 0 : i32
      %dma_start3A_243 = tpu.memref_slice %arg13[%add3A_241, %dma_start3A_242] : memref<512x32xf32, #tpu.memory_space<vmem>> -> memref<1x32xf32, #tpu.memory_space<vmem>>
      %dma_start3A_244 = arith.constant 0 : i32
      %dma_start3A_245 = tpu.memref_slice %arg7[%squeeze3A_239, %dma_start3A_244] : memref<100000x32xf32, #tpu.memory_space<hbm>> -> memref<1x32xf32, #tpu.memory_space<hbm>>
      %dma_start3A_246 = arith.constant 0 : i32
      %dma_start3A_247 = tpu.memref_slice %arg13[%add3A_241, %dma_start3A_246] : memref<512x32xf32, #tpu.memory_space<vmem>> -> memref<1x32xf32, #tpu.memory_space<vmem>>
      %dma_start3A_248 = arith.constant 0 : i32
      %dma_start3A_249 = tpu.memref_slice %arg7[%squeeze3A_239, %dma_start3A_248] : memref<100000x32xf32, #tpu.memory_space<hbm>> -> memref<1x32xf32, #tpu.memory_space<hbm>>
      tpu.enqueue_dma source(%dma_start3A_249 : memref<1x32xf32, #tpu.memory_space<hbm>>) target(%dma_start3A_247 : memref<1x32xf32, #tpu.memory_space<vmem>>) target_semaphore(%arg14 : memref<!tpu.dma_semaphore, #tpu.memory_space<semaphore_mem>>)
      %slice3A_250 = vector.extract_strided_slice %get3A_132 {offsets = [10], sizes = [1], strides = [1]} : vector<16xi32> to vector<1xi32>
      %squeeze3A_251 = vector.extract %slice3A_250[0] : i32 from vector<1xi32>
      %add3A_252 = arith.constant 10 : i32
      %add3A_253 = arith.addi %mul3A_128, %add3A_252 : i32
      %dma_start3A_254 = arith.constant 0 : i32
      %dma_start3A_255 = tpu.memref_slice %arg13[%add3A_253, %dma_start3A_254] : memref<512x32xf32, #tpu.memory_space<vmem>> -> memref<1x32xf32, #tpu.memory_space<vmem>>
      %dma_start3A_256 = arith.constant 0 : i32
      %dma_start3A_257 = tpu.memref_slice %arg7[%squeeze3A_251, %dma_start3A_256] : memref<100000x32xf32, #tpu.memory_space<hbm>> -> memref<1x32xf32, #tpu.memory_space<hbm>>
      %dma_start3A_258 = arith.constant 0 : i32
      %dma_start3A_259 = tpu.memref_slice %arg13[%add3A_253, %dma_start3A_258] : memref<512x32xf32, #tpu.memory_space<vmem>> -> memref<1x32xf32, #tpu.memory_space<vmem>>
      %dma_start3A_260 = arith.constant 0 : i32
      %dma_start3A_261 = tpu.memref_slice %arg7[%squeeze3A_251, %dma_start3A_260] : memref<100000x32xf32, #tpu.memory_space<hbm>> -> memref<1x32xf32, #tpu.memory_space<hbm>>
      tpu.enqueue_dma source(%dma_start3A_261 : memref<1x32xf32, #tpu.memory_space<hbm>>) target(%dma_start3A_259 : memref<1x32xf32, #tpu.memory_space<vmem>>) target_semaphore(%arg14 : memref<!tpu.dma_semaphore, #tpu.memory_space<semaphore_mem>>)
      %slice3A_262 = vector.extract_strided_slice %get3A_132 {offsets = [11], sizes = [1], strides = [1]} : vector<16xi32> to vector<1xi32>
      %squeeze3A_263 = vector.extract %slice3A_262[0] : i32 from vector<1xi32>
      %add3A_264 = arith.constant 11 : i32
      %add3A_265 = arith.addi %mul3A_128, %add3A_264 : i32
      %dma_start3A_266 = arith.constant 0 : i32
      %dma_start3A_267 = tpu.memref_slice %arg13[%add3A_265, %dma_start3A_266] : memref<512x32xf32, #tpu.memory_space<vmem>> -> memref<1x32xf32, #tpu.memory_space<vmem>>
      %dma_start3A_268 = arith.constant 0 : i32
      %dma_start3A_269 = tpu.memref_slice %arg7[%squeeze3A_263, %dma_start3A_268] : memref<100000x32xf32, #tpu.memory_space<hbm>> -> memref<1x32xf32, #tpu.memory_space<hbm>>
      %dma_start3A_270 = arith.constant 0 : i32
      %dma_start3A_271 = tpu.memref_slice %arg13[%add3A_265, %dma_start3A_270] : memref<512x32xf32, #tpu.memory_space<vmem>> -> memref<1x32xf32, #tpu.memory_space<vmem>>
      %dma_start3A_272 = arith.constant 0 : i32
      %dma_start3A_273 = tpu.memref_slice %arg7[%squeeze3A_263, %dma_start3A_272] : memref<100000x32xf32, #tpu.memory_space<hbm>> -> memref<1x32xf32, #tpu.memory_space<hbm>>
      tpu.enqueue_dma source(%dma_start3A_273 : memref<1x32xf32, #tpu.memory_space<hbm>>) target(%dma_start3A_271 : memref<1x32xf32, #tpu.memory_space<vmem>>) target_semaphore(%arg14 : memref<!tpu.dma_semaphore, #tpu.memory_space<semaphore_mem>>)
      %slice3A_274 = vector.extract_strided_slice %get3A_132 {offsets = [12], sizes = [1], strides = [1]} : vector<16xi32> to vector<1xi32>
      %squeeze3A_275 = vector.extract %slice3A_274[0] : i32 from vector<1xi32>
      %add3A_276 = arith.constant 12 : i32
      %add3A_277 = arith.addi %mul3A_128, %add3A_276 : i32
      %dma_start3A_278 = arith.constant 0 : i32
      %dma_start3A_279 = tpu.memref_slice %arg13[%add3A_277, %dma_start3A_278] : memref<512x32xf32, #tpu.memory_space<vmem>> -> memref<1x32xf32, #tpu.memory_space<vmem>>
      %dma_start3A_280 = arith.constant 0 : i32
      %dma_start3A_281 = tpu.memref_slice %arg7[%squeeze3A_275, %dma_start3A_280] : memref<100000x32xf32, #tpu.memory_space<hbm>> -> memref<1x32xf32, #tpu.memory_space<hbm>>
      %dma_start3A_282 = arith.constant 0 : i32
      %dma_start3A_283 = tpu.memref_slice %arg13[%add3A_277, %dma_start3A_282] : memref<512x32xf32, #tpu.memory_space<vmem>> -> memref<1x32xf32, #tpu.memory_space<vmem>>
      %dma_start3A_284 = arith.constant 0 : i32
      %dma_start3A_285 = tpu.memref_slice %arg7[%squeeze3A_275, %dma_start3A_284] : memref<100000x32xf32, #tpu.memory_space<hbm>> -> memref<1x32xf32, #tpu.memory_space<hbm>>
      tpu.enqueue_dma source(%dma_start3A_285 : memref<1x32xf32, #tpu.memory_space<hbm>>) target(%dma_start3A_283 : memref<1x32xf32, #tpu.memory_space<vmem>>) target_semaphore(%arg14 : memref<!tpu.dma_semaphore, #tpu.memory_space<semaphore_mem>>)
      %slice3A_286 = vector.extract_strided_slice %get3A_132 {offsets = [13], sizes = [1], strides = [1]} : vector<16xi32> to vector<1xi32>
      %squeeze3A_287 = vector.extract %slice3A_286[0] : i32 from vector<1xi32>
      %add3A_288 = arith.constant 13 : i32
      %add3A_289 = arith.addi %mul3A_128, %add3A_288 : i32
      %dma_start3A_290 = arith.constant 0 : i32
      %dma_start3A_291 = tpu.memref_slice %arg13[%add3A_289, %dma_start3A_290] : memref<512x32xf32, #tpu.memory_space<vmem>> -> memref<1x32xf32, #tpu.memory_space<vmem>>
      %dma_start3A_292 = arith.constant 0 : i32
      %dma_start3A_293 = tpu.memref_slice %arg7[%squeeze3A_287, %dma_start3A_292] : memref<100000x32xf32, #tpu.memory_space<hbm>> -> memref<1x32xf32, #tpu.memory_space<hbm>>
      %dma_start3A_294 = arith.constant 0 : i32
      %dma_start3A_295 = tpu.memref_slice %arg13[%add3A_289, %dma_start3A_294] : memref<512x32xf32, #tpu.memory_space<vmem>> -> memref<1x32xf32, #tpu.memory_space<vmem>>
      %dma_start3A_296 = arith.constant 0 : i32
      %dma_start3A_297 = tpu.memref_slice %arg7[%squeeze3A_287, %dma_start3A_296] : memref<100000x32xf32, #tpu.memory_space<hbm>> -> memref<1x32xf32, #tpu.memory_space<hbm>>
      tpu.enqueue_dma source(%dma_start3A_297 : memref<1x32xf32, #tpu.memory_space<hbm>>) target(%dma_start3A_295 : memref<1x32xf32, #tpu.memory_space<vmem>>) target_semaphore(%arg14 : memref<!tpu.dma_semaphore, #tpu.memory_space<semaphore_mem>>)
      %slice3A_298 = vector.extract_strided_slice %get3A_132 {offsets = [14], sizes = [1], strides = [1]} : vector<16xi32> to vector<1xi32>
      %squeeze3A_299 = vector.extract %slice3A_298[0] : i32 from vector<1xi32>
      %add3A_300 = arith.constant 14 : i32
      %add3A_301 = arith.addi %mul3A_128, %add3A_300 : i32
      %dma_start3A_302 = arith.constant 0 : i32
      %dma_start3A_303 = tpu.memref_slice %arg13[%add3A_301, %dma_start3A_302] : memref<512x32xf32, #tpu.memory_space<vmem>> -> memref<1x32xf32, #tpu.memory_space<vmem>>
      %dma_start3A_304 = arith.constant 0 : i32
      %dma_start3A_305 = tpu.memref_slice %arg7[%squeeze3A_299, %dma_start3A_304] : memref<100000x32xf32, #tpu.memory_space<hbm>> -> memref<1x32xf32, #tpu.memory_space<hbm>>
      %dma_start3A_306 = arith.constant 0 : i32
      %dma_start3A_307 = tpu.memref_slice %arg13[%add3A_301, %dma_start3A_306] : memref<512x32xf32, #tpu.memory_space<vmem>> -> memref<1x32xf32, #tpu.memory_space<vmem>>
      %dma_start3A_308 = arith.constant 0 : i32
      %dma_start3A_309 = tpu.memref_slice %arg7[%squeeze3A_299, %dma_start3A_308] : memref<100000x32xf32, #tpu.memory_space<hbm>> -> memref<1x32xf32, #tpu.memory_space<hbm>>
      tpu.enqueue_dma source(%dma_start3A_309 : memref<1x32xf32, #tpu.memory_space<hbm>>) target(%dma_start3A_307 : memref<1x32xf32, #tpu.memory_space<vmem>>) target_semaphore(%arg14 : memref<!tpu.dma_semaphore, #tpu.memory_space<semaphore_mem>>)
      %slice3A_310 = vector.extract_strided_slice %get3A_132 {offsets = [15], sizes = [1], strides = [1]} : vector<16xi32> to vector<1xi32>
      %squeeze3A_311 = vector.extract %slice3A_310[0] : i32 from vector<1xi32>
      %add3A_312 = arith.constant 15 : i32
      %add3A_313 = arith.addi %mul3A_128, %add3A_312 : i32
      %dma_start3A_314 = arith.constant 0 : i32
      %dma_start3A_315 = tpu.memref_slice %arg13[%add3A_313, %dma_start3A_314] : memref<512x32xf32, #tpu.memory_space<vmem>> -> memref<1x32xf32, #tpu.memory_space<vmem>>
      %dma_start3A_316 = arith.constant 0 : i32
      %dma_start3A_317 = tpu.memref_slice %arg7[%squeeze3A_311, %dma_start3A_316] : memref<100000x32xf32, #tpu.memory_space<hbm>> -> memref<1x32xf32, #tpu.memory_space<hbm>>
      %dma_start3A_318 = arith.constant 0 : i32
      %dma_start3A_319 = tpu.memref_slice %arg13[%add3A_313, %dma_start3A_318] : memref<512x32xf32, #tpu.memory_space<vmem>> -> memref<1x32xf32, #tpu.memory_space<vmem>>
      %dma_start3A_320 = arith.constant 0 : i32
      %dma_start3A_321 = tpu.memref_slice %arg7[%squeeze3A_311, %dma_start3A_320] : memref<100000x32xf32, #tpu.memory_space<hbm>> -> memref<1x32xf32, #tpu.memory_space<hbm>>
      tpu.enqueue_dma source(%dma_start3A_321 : memref<1x32xf32, #tpu.memory_space<hbm>>) target(%dma_start3A_319 : memref<1x32xf32, #tpu.memory_space<vmem>>) target_semaphore(%arg14 : memref<!tpu.dma_semaphore, #tpu.memory_space<semaphore_mem>>)
    }
    %scan3A_67 = arith.constant 32 : i32
    %dma_wait3A_68 = arith.constant 4 : i32
    %dma_wait3A_69 = arith.constant 0 : i32
    %dma_wait3A_70 = arith.constant 0 : i32
    %dma_wait3A_71 = tpu.memref_slice %arg11[%dma_wait3A_68, %add3A, %dma_wait3A_69, %dma_wait3A_70] : memref<8x32x512x32xf32, #tpu.memory_space<hbm>> -> memref<1x1x512x32xf32, #tpu.memory_space<hbm>>
    %dma_wait3A_72 = tpu.memref_squeeze %dma_wait3A_71 : memref<1x1x512x32xf32, #tpu.memory_space<hbm>> -> memref<512x32xf32, #tpu.memory_space<hbm>>
    %dma_wait3A_73 = arith.constant 0 : i32
    %dma_wait3A_74 = arith.constant 0 : i32
    %dma_wait3A_75 = tpu.memref_slice %arg11[%dma_wait3A_68, %add3A, %dma_wait3A_73, %dma_wait3A_74] : memref<8x32x512x32xf32, #tpu.memory_space<hbm>> -> memref<1x1x512x32xf32, #tpu.memory_space<hbm>>
    %dma_wait3A_76 = tpu.memref_squeeze %dma_wait3A_75 : memref<1x1x512x32xf32, #tpu.memory_space<hbm>> -> memref<512x32xf32, #tpu.memory_space<hbm>>
    tpu.wait_dma2 semaphore(%arg14 : memref<!tpu.dma_semaphore, #tpu.memory_space<semaphore_mem>>) src(%dma_wait3A_76 : memref<512x32xf32, #tpu.memory_space<hbm>>) dst(%arg13 : memref<512x32xf32, #tpu.memory_space<vmem>>)
    %run_scoped3A_77 = arith.constant 4 : i32
    "tpu.region"() ({
      %run_scoped3A_126 = tpu.sem_alloc : memref<!tpu.dma_semaphore, #tpu.memory_space<semaphore_mem>>
      %dma_start3A = arith.constant 0 : i32
      %dma_start3A_127 = arith.constant 0 : i32
      %dma_start3A_128 = tpu.memref_slice %arg11[%run_scoped3A_77, %add3A, %dma_start3A, %dma_start3A_127] : memref<8x32x512x32xf32, #tpu.memory_space<hbm>> -> memref<1x1x512x32xf32, #tpu.memory_space<hbm>>
      %dma_start3A_129 = tpu.memref_squeeze %dma_start3A_128 : memref<1x1x512x32xf32, #tpu.memory_space<hbm>> -> memref<512x32xf32, #tpu.memory_space<hbm>>
      %dma_start3A_130 = arith.constant 0 : i32
      %dma_start3A_131 = arith.constant 0 : i32
      %dma_start3A_132 = tpu.memref_slice %arg11[%run_scoped3A_77, %add3A, %dma_start3A_130, %dma_start3A_131] : memref<8x32x512x32xf32, #tpu.memory_space<hbm>> -> memref<1x1x512x32xf32, #tpu.memory_space<hbm>>
      %dma_start3A_133 = tpu.memref_squeeze %dma_start3A_132 : memref<1x1x512x32xf32, #tpu.memory_space<hbm>> -> memref<512x32xf32, #tpu.memory_space<hbm>>
      tpu.enqueue_dma source(%arg13 : memref<512x32xf32, #tpu.memory_space<vmem>>) target(%dma_start3A_133 : memref<512x32xf32, #tpu.memory_space<hbm>>) target_semaphore(%run_scoped3A_126 : memref<!tpu.dma_semaphore, #tpu.memory_space<semaphore_mem>>)
      %dma_wait3A_134 = arith.constant 0 : i32
      %dma_wait3A_135 = arith.constant 0 : i32
      %dma_wait3A_136 = tpu.memref_slice %arg11[%run_scoped3A_77, %add3A, %dma_wait3A_134, %dma_wait3A_135] : memref<8x32x512x32xf32, #tpu.memory_space<hbm>> -> memref<1x1x512x32xf32, #tpu.memory_space<hbm>>
      %dma_wait3A_137 = tpu.memref_squeeze %dma_wait3A_136 : memref<1x1x512x32xf32, #tpu.memory_space<hbm>> -> memref<512x32xf32, #tpu.memory_space<hbm>>
      %dma_wait3A_138 = arith.constant 0 : i32
      %dma_wait3A_139 = arith.constant 0 : i32
      %dma_wait3A_140 = tpu.memref_slice %arg11[%run_scoped3A_77, %add3A, %dma_wait3A_138, %dma_wait3A_139] : memref<8x32x512x32xf32, #tpu.memory_space<hbm>> -> memref<1x1x512x32xf32, #tpu.memory_space<hbm>>
      %dma_wait3A_141 = tpu.memref_squeeze %dma_wait3A_140 : memref<1x1x512x32xf32, #tpu.memory_space<hbm>> -> memref<512x32xf32, #tpu.memory_space<hbm>>
      tpu.wait_dma2 semaphore(%run_scoped3A_126 : memref<!tpu.dma_semaphore, #tpu.memory_space<semaphore_mem>>) src(%arg13 : memref<512x32xf32, #tpu.memory_space<vmem>>) dst(%dma_wait3A_141 : memref<512x32xf32, #tpu.memory_space<hbm>>)
      tpu.yield
    }) : () -> ()
    %scan3A_78 = arith.constant 0 : i32
    %scan3A_79 = arith.constant 0 : i32
    %scan3A_80 = arith.constant 32 : i32
    %scan3A_81 = arith.addi %scan3A_79, %scan3A_80 : i32
    %scan3A_82 = arith.constant 1 : i32
    scf.for %scan3A_126 = %scan3A_79 to %scan3A_81 step %scan3A_82  : i32 {
      %mul3A_127 = arith.constant 16 : i32
      %mul3A_128 = arith.muli %scan3A_126, %mul3A_127 : i32
      %get3A = arith.constant 5 : i32
      %get3A_129 = arith.index_cast %get3A : i32 to index
      %get3A_130 = arith.index_cast %mul3A_128 : i32 to index
      %get3A_131 = tpu.vector_load %arg12[%get3A_129, %get3A_130] {strides = array<i32>} : memref<8x512xi32, #tpu.memory_space<vmem>>, vector<1x16xi32>,
      %get3A_132 = vector.shape_cast %get3A_131 : vector<1x16xi32> to vector<16xi32>
      %slice3A = vector.extract_strided_slice %get3A_132 {offsets = [0], sizes = [1], strides = [1]} : vector<16xi32> to vector<1xi32>
      %squeeze3A = vector.extract %slice3A[0] : i32 from vector<1xi32>
      %add3A_133 = arith.constant 0 : i32
      %add3A_134 = arith.addi %mul3A_128, %add3A_133 : i32
      %dma_start3A = arith.constant 0 : i32
      %dma_start3A_135 = tpu.memref_slice %arg13[%add3A_134, %dma_start3A] : memref<512x32xf32, #tpu.memory_space<vmem>> -> memref<1x32xf32, #tpu.memory_space<vmem>>
      %dma_start3A_136 = arith.constant 0 : i32
      %dma_start3A_137 = tpu.memref_slice %arg8[%squeeze3A, %dma_start3A_136] : memref<1000x32xf32, #tpu.memory_space<hbm>> -> memref<1x32xf32, #tpu.memory_space<hbm>>
      %dma_start3A_138 = arith.constant 0 : i32
      %dma_start3A_139 = tpu.memref_slice %arg13[%add3A_134, %dma_start3A_138] : memref<512x32xf32, #tpu.memory_space<vmem>> -> memref<1x32xf32, #tpu.memory_space<vmem>>
      %dma_start3A_140 = arith.constant 0 : i32
      %dma_start3A_141 = tpu.memref_slice %arg8[%squeeze3A, %dma_start3A_140] : memref<1000x32xf32, #tpu.memory_space<hbm>> -> memref<1x32xf32, #tpu.memory_space<hbm>>
      tpu.enqueue_dma source(%dma_start3A_141 : memref<1x32xf32, #tpu.memory_space<hbm>>) target(%dma_start3A_139 : memref<1x32xf32, #tpu.memory_space<vmem>>) target_semaphore(%arg14 : memref<!tpu.dma_semaphore, #tpu.memory_space<semaphore_mem>>)
      %slice3A_142 = vector.extract_strided_slice %get3A_132 {offsets = [1], sizes = [1], strides = [1]} : vector<16xi32> to vector<1xi32>
      %squeeze3A_143 = vector.extract %slice3A_142[0] : i32 from vector<1xi32>
      %add3A_144 = arith.constant 1 : i32
      %add3A_145 = arith.addi %mul3A_128, %add3A_144 : i32
      %dma_start3A_146 = arith.constant 0 : i32
      %dma_start3A_147 = tpu.memref_slice %arg13[%add3A_145, %dma_start3A_146] : memref<512x32xf32, #tpu.memory_space<vmem>> -> memref<1x32xf32, #tpu.memory_space<vmem>>
      %dma_start3A_148 = arith.constant 0 : i32
      %dma_start3A_149 = tpu.memref_slice %arg8[%squeeze3A_143, %dma_start3A_148] : memref<1000x32xf32, #tpu.memory_space<hbm>> -> memref<1x32xf32, #tpu.memory_space<hbm>>
      %dma_start3A_150 = arith.constant 0 : i32
      %dma_start3A_151 = tpu.memref_slice %arg13[%add3A_145, %dma_start3A_150] : memref<512x32xf32, #tpu.memory_space<vmem>> -> memref<1x32xf32, #tpu.memory_space<vmem>>
      %dma_start3A_152 = arith.constant 0 : i32
      %dma_start3A_153 = tpu.memref_slice %arg8[%squeeze3A_143, %dma_start3A_152] : memref<1000x32xf32, #tpu.memory_space<hbm>> -> memref<1x32xf32, #tpu.memory_space<hbm>>
      tpu.enqueue_dma source(%dma_start3A_153 : memref<1x32xf32, #tpu.memory_space<hbm>>) target(%dma_start3A_151 : memref<1x32xf32, #tpu.memory_space<vmem>>) target_semaphore(%arg14 : memref<!tpu.dma_semaphore, #tpu.memory_space<semaphore_mem>>)
      %slice3A_154 = vector.extract_strided_slice %get3A_132 {offsets = [2], sizes = [1], strides = [1]} : vector<16xi32> to vector<1xi32>
      %squeeze3A_155 = vector.extract %slice3A_154[0] : i32 from vector<1xi32>
      %add3A_156 = arith.constant 2 : i32
      %add3A_157 = arith.addi %mul3A_128, %add3A_156 : i32
      %dma_start3A_158 = arith.constant 0 : i32
      %dma_start3A_159 = tpu.memref_slice %arg13[%add3A_157, %dma_start3A_158] : memref<512x32xf32, #tpu.memory_space<vmem>> -> memref<1x32xf32, #tpu.memory_space<vmem>>
      %dma_start3A_160 = arith.constant 0 : i32
      %dma_start3A_161 = tpu.memref_slice %arg8[%squeeze3A_155, %dma_start3A_160] : memref<1000x32xf32, #tpu.memory_space<hbm>> -> memref<1x32xf32, #tpu.memory_space<hbm>>
      %dma_start3A_162 = arith.constant 0 : i32
      %dma_start3A_163 = tpu.memref_slice %arg13[%add3A_157, %dma_start3A_162] : memref<512x32xf32, #tpu.memory_space<vmem>> -> memref<1x32xf32, #tpu.memory_space<vmem>>
      %dma_start3A_164 = arith.constant 0 : i32
      %dma_start3A_165 = tpu.memref_slice %arg8[%squeeze3A_155, %dma_start3A_164] : memref<1000x32xf32, #tpu.memory_space<hbm>> -> memref<1x32xf32, #tpu.memory_space<hbm>>
      tpu.enqueue_dma source(%dma_start3A_165 : memref<1x32xf32, #tpu.memory_space<hbm>>) target(%dma_start3A_163 : memref<1x32xf32, #tpu.memory_space<vmem>>) target_semaphore(%arg14 : memref<!tpu.dma_semaphore, #tpu.memory_space<semaphore_mem>>)
      %slice3A_166 = vector.extract_strided_slice %get3A_132 {offsets = [3], sizes = [1], strides = [1]} : vector<16xi32> to vector<1xi32>
      %squeeze3A_167 = vector.extract %slice3A_166[0] : i32 from vector<1xi32>
      %add3A_168 = arith.constant 3 : i32
      %add3A_169 = arith.addi %mul3A_128, %add3A_168 : i32
      %dma_start3A_170 = arith.constant 0 : i32
      %dma_start3A_171 = tpu.memref_slice %arg13[%add3A_169, %dma_start3A_170] : memref<512x32xf32, #tpu.memory_space<vmem>> -> memref<1x32xf32, #tpu.memory_space<vmem>>
      %dma_start3A_172 = arith.constant 0 : i32
      %dma_start3A_173 = tpu.memref_slice %arg8[%squeeze3A_167, %dma_start3A_172] : memref<1000x32xf32, #tpu.memory_space<hbm>> -> memref<1x32xf32, #tpu.memory_space<hbm>>
      %dma_start3A_174 = arith.constant 0 : i32
      %dma_start3A_175 = tpu.memref_slice %arg13[%add3A_169, %dma_start3A_174] : memref<512x32xf32, #tpu.memory_space<vmem>> -> memref<1x32xf32, #tpu.memory_space<vmem>>
      %dma_start3A_176 = arith.constant 0 : i32
      %dma_start3A_177 = tpu.memref_slice %arg8[%squeeze3A_167, %dma_start3A_176] : memref<1000x32xf32, #tpu.memory_space<hbm>> -> memref<1x32xf32, #tpu.memory_space<hbm>>
      tpu.enqueue_dma source(%dma_start3A_177 : memref<1x32xf32, #tpu.memory_space<hbm>>) target(%dma_start3A_175 : memref<1x32xf32, #tpu.memory_space<vmem>>) target_semaphore(%arg14 : memref<!tpu.dma_semaphore, #tpu.memory_space<semaphore_mem>>)
      %slice3A_178 = vector.extract_strided_slice %get3A_132 {offsets = [4], sizes = [1], strides = [1]} : vector<16xi32> to vector<1xi32>
      %squeeze3A_179 = vector.extract %slice3A_178[0] : i32 from vector<1xi32>
      %add3A_180 = arith.constant 4 : i32
      %add3A_181 = arith.addi %mul3A_128, %add3A_180 : i32
      %dma_start3A_182 = arith.constant 0 : i32
      %dma_start3A_183 = tpu.memref_slice %arg13[%add3A_181, %dma_start3A_182] : memref<512x32xf32, #tpu.memory_space<vmem>> -> memref<1x32xf32, #tpu.memory_space<vmem>>
      %dma_start3A_184 = arith.constant 0 : i32
      %dma_start3A_185 = tpu.memref_slice %arg8[%squeeze3A_179, %dma_start3A_184] : memref<1000x32xf32, #tpu.memory_space<hbm>> -> memref<1x32xf32, #tpu.memory_space<hbm>>
      %dma_start3A_186 = arith.constant 0 : i32
      %dma_start3A_187 = tpu.memref_slice %arg13[%add3A_181, %dma_start3A_186] : memref<512x32xf32, #tpu.memory_space<vmem>> -> memref<1x32xf32, #tpu.memory_space<vmem>>
      %dma_start3A_188 = arith.constant 0 : i32
      %dma_start3A_189 = tpu.memref_slice %arg8[%squeeze3A_179, %dma_start3A_188] : memref<1000x32xf32, #tpu.memory_space<hbm>> -> memref<1x32xf32, #tpu.memory_space<hbm>>
      tpu.enqueue_dma source(%dma_start3A_189 : memref<1x32xf32, #tpu.memory_space<hbm>>) target(%dma_start3A_187 : memref<1x32xf32, #tpu.memory_space<vmem>>) target_semaphore(%arg14 : memref<!tpu.dma_semaphore, #tpu.memory_space<semaphore_mem>>)
      %slice3A_190 = vector.extract_strided_slice %get3A_132 {offsets = [5], sizes = [1], strides = [1]} : vector<16xi32> to vector<1xi32>
      %squeeze3A_191 = vector.extract %slice3A_190[0] : i32 from vector<1xi32>
      %add3A_192 = arith.constant 5 : i32
      %add3A_193 = arith.addi %mul3A_128, %add3A_192 : i32
      %dma_start3A_194 = arith.constant 0 : i32
      %dma_start3A_195 = tpu.memref_slice %arg13[%add3A_193, %dma_start3A_194] : memref<512x32xf32, #tpu.memory_space<vmem>> -> memref<1x32xf32, #tpu.memory_space<vmem>>
      %dma_start3A_196 = arith.constant 0 : i32
      %dma_start3A_197 = tpu.memref_slice %arg8[%squeeze3A_191, %dma_start3A_196] : memref<1000x32xf32, #tpu.memory_space<hbm>> -> memref<1x32xf32, #tpu.memory_space<hbm>>
      %dma_start3A_198 = arith.constant 0 : i32
      %dma_start3A_199 = tpu.memref_slice %arg13[%add3A_193, %dma_start3A_198] : memref<512x32xf32, #tpu.memory_space<vmem>> -> memref<1x32xf32, #tpu.memory_space<vmem>>
      %dma_start3A_200 = arith.constant 0 : i32
      %dma_start3A_201 = tpu.memref_slice %arg8[%squeeze3A_191, %dma_start3A_200] : memref<1000x32xf32, #tpu.memory_space<hbm>> -> memref<1x32xf32, #tpu.memory_space<hbm>>
      tpu.enqueue_dma source(%dma_start3A_201 : memref<1x32xf32, #tpu.memory_space<hbm>>) target(%dma_start3A_199 : memref<1x32xf32, #tpu.memory_space<vmem>>) target_semaphore(%arg14 : memref<!tpu.dma_semaphore, #tpu.memory_space<semaphore_mem>>)
      %slice3A_202 = vector.extract_strided_slice %get3A_132 {offsets = [6], sizes = [1], strides = [1]} : vector<16xi32> to vector<1xi32>
      %squeeze3A_203 = vector.extract %slice3A_202[0] : i32 from vector<1xi32>
      %add3A_204 = arith.constant 6 : i32
      %add3A_205 = arith.addi %mul3A_128, %add3A_204 : i32
      %dma_start3A_206 = arith.constant 0 : i32
      %dma_start3A_207 = tpu.memref_slice %arg13[%add3A_205, %dma_start3A_206] : memref<512x32xf32, #tpu.memory_space<vmem>> -> memref<1x32xf32, #tpu.memory_space<vmem>>
      %dma_start3A_208 = arith.constant 0 : i32
      %dma_start3A_209 = tpu.memref_slice %arg8[%squeeze3A_203, %dma_start3A_208] : memref<1000x32xf32, #tpu.memory_space<hbm>> -> memref<1x32xf32, #tpu.memory_space<hbm>>
      %dma_start3A_210 = arith.constant 0 : i32
      %dma_start3A_211 = tpu.memref_slice %arg13[%add3A_205, %dma_start3A_210] : memref<512x32xf32, #tpu.memory_space<vmem>> -> memref<1x32xf32, #tpu.memory_space<vmem>>
      %dma_start3A_212 = arith.constant 0 : i32
      %dma_start3A_213 = tpu.memref_slice %arg8[%squeeze3A_203, %dma_start3A_212] : memref<1000x32xf32, #tpu.memory_space<hbm>> -> memref<1x32xf32, #tpu.memory_space<hbm>>
      tpu.enqueue_dma source(%dma_start3A_213 : memref<1x32xf32, #tpu.memory_space<hbm>>) target(%dma_start3A_211 : memref<1x32xf32, #tpu.memory_space<vmem>>) target_semaphore(%arg14 : memref<!tpu.dma_semaphore, #tpu.memory_space<semaphore_mem>>)
      %slice3A_214 = vector.extract_strided_slice %get3A_132 {offsets = [7], sizes = [1], strides = [1]} : vector<16xi32> to vector<1xi32>
      %squeeze3A_215 = vector.extract %slice3A_214[0] : i32 from vector<1xi32>
      %add3A_216 = arith.constant 7 : i32
      %add3A_217 = arith.addi %mul3A_128, %add3A_216 : i32
      %dma_start3A_218 = arith.constant 0 : i32
      %dma_start3A_219 = tpu.memref_slice %arg13[%add3A_217, %dma_start3A_218] : memref<512x32xf32, #tpu.memory_space<vmem>> -> memref<1x32xf32, #tpu.memory_space<vmem>>
      %dma_start3A_220 = arith.constant 0 : i32
      %dma_start3A_221 = tpu.memref_slice %arg8[%squeeze3A_215, %dma_start3A_220] : memref<1000x32xf32, #tpu.memory_space<hbm>> -> memref<1x32xf32, #tpu.memory_space<hbm>>
      %dma_start3A_222 = arith.constant 0 : i32
      %dma_start3A_223 = tpu.memref_slice %arg13[%add3A_217, %dma_start3A_222] : memref<512x32xf32, #tpu.memory_space<vmem>> -> memref<1x32xf32, #tpu.memory_space<vmem>>
      %dma_start3A_224 = arith.constant 0 : i32
      %dma_start3A_225 = tpu.memref_slice %arg8[%squeeze3A_215, %dma_start3A_224] : memref<1000x32xf32, #tpu.memory_space<hbm>> -> memref<1x32xf32, #tpu.memory_space<hbm>>
      tpu.enqueue_dma source(%dma_start3A_225 : memref<1x32xf32, #tpu.memory_space<hbm>>) target(%dma_start3A_223 : memref<1x32xf32, #tpu.memory_space<vmem>>) target_semaphore(%arg14 : memref<!tpu.dma_semaphore, #tpu.memory_space<semaphore_mem>>)
      %slice3A_226 = vector.extract_strided_slice %get3A_132 {offsets = [8], sizes = [1], strides = [1]} : vector<16xi32> to vector<1xi32>
      %squeeze3A_227 = vector.extract %slice3A_226[0] : i32 from vector<1xi32>
      %add3A_228 = arith.constant 8 : i32
      %add3A_229 = arith.addi %mul3A_128, %add3A_228 : i32
      %dma_start3A_230 = arith.constant 0 : i32
      %dma_start3A_231 = tpu.memref_slice %arg13[%add3A_229, %dma_start3A_230] : memref<512x32xf32, #tpu.memory_space<vmem>> -> memref<1x32xf32, #tpu.memory_space<vmem>>
      %dma_start3A_232 = arith.constant 0 : i32
      %dma_start3A_233 = tpu.memref_slice %arg8[%squeeze3A_227, %dma_start3A_232] : memref<1000x32xf32, #tpu.memory_space<hbm>> -> memref<1x32xf32, #tpu.memory_space<hbm>>
      %dma_start3A_234 = arith.constant 0 : i32
      %dma_start3A_235 = tpu.memref_slice %arg13[%add3A_229, %dma_start3A_234] : memref<512x32xf32, #tpu.memory_space<vmem>> -> memref<1x32xf32, #tpu.memory_space<vmem>>
      %dma_start3A_236 = arith.constant 0 : i32
      %dma_start3A_237 = tpu.memref_slice %arg8[%squeeze3A_227, %dma_start3A_236] : memref<1000x32xf32, #tpu.memory_space<hbm>> -> memref<1x32xf32, #tpu.memory_space<hbm>>
      tpu.enqueue_dma source(%dma_start3A_237 : memref<1x32xf32, #tpu.memory_space<hbm>>) target(%dma_start3A_235 : memref<1x32xf32, #tpu.memory_space<vmem>>) target_semaphore(%arg14 : memref<!tpu.dma_semaphore, #tpu.memory_space<semaphore_mem>>)
      %slice3A_238 = vector.extract_strided_slice %get3A_132 {offsets = [9], sizes = [1], strides = [1]} : vector<16xi32> to vector<1xi32>
      %squeeze3A_239 = vector.extract %slice3A_238[0] : i32 from vector<1xi32>
      %add3A_240 = arith.constant 9 : i32
      %add3A_241 = arith.addi %mul3A_128, %add3A_240 : i32
      %dma_start3A_242 = arith.constant 0 : i32
      %dma_start3A_243 = tpu.memref_slice %arg13[%add3A_241, %dma_start3A_242] : memref<512x32xf32, #tpu.memory_space<vmem>> -> memref<1x32xf32, #tpu.memory_space<vmem>>
      %dma_start3A_244 = arith.constant 0 : i32
      %dma_start3A_245 = tpu.memref_slice %arg8[%squeeze3A_239, %dma_start3A_244] : memref<1000x32xf32, #tpu.memory_space<hbm>> -> memref<1x32xf32, #tpu.memory_space<hbm>>
      %dma_start3A_246 = arith.constant 0 : i32
      %dma_start3A_247 = tpu.memref_slice %arg13[%add3A_241, %dma_start3A_246] : memref<512x32xf32, #tpu.memory_space<vmem>> -> memref<1x32xf32, #tpu.memory_space<vmem>>
      %dma_start3A_248 = arith.constant 0 : i32
      %dma_start3A_249 = tpu.memref_slice %arg8[%squeeze3A_239, %dma_start3A_248] : memref<1000x32xf32, #tpu.memory_space<hbm>> -> memref<1x32xf32, #tpu.memory_space<hbm>>
      tpu.enqueue_dma source(%dma_start3A_249 : memref<1x32xf32, #tpu.memory_space<hbm>>) target(%dma_start3A_247 : memref<1x32xf32, #tpu.memory_space<vmem>>) target_semaphore(%arg14 : memref<!tpu.dma_semaphore, #tpu.memory_space<semaphore_mem>>)
      %slice3A_250 = vector.extract_strided_slice %get3A_132 {offsets = [10], sizes = [1], strides = [1]} : vector<16xi32> to vector<1xi32>
      %squeeze3A_251 = vector.extract %slice3A_250[0] : i32 from vector<1xi32>
      %add3A_252 = arith.constant 10 : i32
      %add3A_253 = arith.addi %mul3A_128, %add3A_252 : i32
      %dma_start3A_254 = arith.constant 0 : i32
      %dma_start3A_255 = tpu.memref_slice %arg13[%add3A_253, %dma_start3A_254] : memref<512x32xf32, #tpu.memory_space<vmem>> -> memref<1x32xf32, #tpu.memory_space<vmem>>
      %dma_start3A_256 = arith.constant 0 : i32
      %dma_start3A_257 = tpu.memref_slice %arg8[%squeeze3A_251, %dma_start3A_256] : memref<1000x32xf32, #tpu.memory_space<hbm>> -> memref<1x32xf32, #tpu.memory_space<hbm>>
      %dma_start3A_258 = arith.constant 0 : i32
      %dma_start3A_259 = tpu.memref_slice %arg13[%add3A_253, %dma_start3A_258] : memref<512x32xf32, #tpu.memory_space<vmem>> -> memref<1x32xf32, #tpu.memory_space<vmem>>
      %dma_start3A_260 = arith.constant 0 : i32
      %dma_start3A_261 = tpu.memref_slice %arg8[%squeeze3A_251, %dma_start3A_260] : memref<1000x32xf32, #tpu.memory_space<hbm>> -> memref<1x32xf32, #tpu.memory_space<hbm>>
      tpu.enqueue_dma source(%dma_start3A_261 : memref<1x32xf32, #tpu.memory_space<hbm>>) target(%dma_start3A_259 : memref<1x32xf32, #tpu.memory_space<vmem>>) target_semaphore(%arg14 : memref<!tpu.dma_semaphore, #tpu.memory_space<semaphore_mem>>)
      %slice3A_262 = vector.extract_strided_slice %get3A_132 {offsets = [11], sizes = [1], strides = [1]} : vector<16xi32> to vector<1xi32>
      %squeeze3A_263 = vector.extract %slice3A_262[0] : i32 from vector<1xi32>
      %add3A_264 = arith.constant 11 : i32
      %add3A_265 = arith.addi %mul3A_128, %add3A_264 : i32
      %dma_start3A_266 = arith.constant 0 : i32
      %dma_start3A_267 = tpu.memref_slice %arg13[%add3A_265, %dma_start3A_266] : memref<512x32xf32, #tpu.memory_space<vmem>> -> memref<1x32xf32, #tpu.memory_space<vmem>>
      %dma_start3A_268 = arith.constant 0 : i32
      %dma_start3A_269 = tpu.memref_slice %arg8[%squeeze3A_263, %dma_start3A_268] : memref<1000x32xf32, #tpu.memory_space<hbm>> -> memref<1x32xf32, #tpu.memory_space<hbm>>
      %dma_start3A_270 = arith.constant 0 : i32
      %dma_start3A_271 = tpu.memref_slice %arg13[%add3A_265, %dma_start3A_270] : memref<512x32xf32, #tpu.memory_space<vmem>> -> memref<1x32xf32, #tpu.memory_space<vmem>>
      %dma_start3A_272 = arith.constant 0 : i32
      %dma_start3A_273 = tpu.memref_slice %arg8[%squeeze3A_263, %dma_start3A_272] : memref<1000x32xf32, #tpu.memory_space<hbm>> -> memref<1x32xf32, #tpu.memory_space<hbm>>
      tpu.enqueue_dma source(%dma_start3A_273 : memref<1x32xf32, #tpu.memory_space<hbm>>) target(%dma_start3A_271 : memref<1x32xf32, #tpu.memory_space<vmem>>) target_semaphore(%arg14 : memref<!tpu.dma_semaphore, #tpu.memory_space<semaphore_mem>>)
      %slice3A_274 = vector.extract_strided_slice %get3A_132 {offsets = [12], sizes = [1], strides = [1]} : vector<16xi32> to vector<1xi32>
      %squeeze3A_275 = vector.extract %slice3A_274[0] : i32 from vector<1xi32>
      %add3A_276 = arith.constant 12 : i32
      %add3A_277 = arith.addi %mul3A_128, %add3A_276 : i32
      %dma_start3A_278 = arith.constant 0 : i32
      %dma_start3A_279 = tpu.memref_slice %arg13[%add3A_277, %dma_start3A_278] : memref<512x32xf32, #tpu.memory_space<vmem>> -> memref<1x32xf32, #tpu.memory_space<vmem>>
      %dma_start3A_280 = arith.constant 0 : i32
      %dma_start3A_281 = tpu.memref_slice %arg8[%squeeze3A_275, %dma_start3A_280] : memref<1000x32xf32, #tpu.memory_space<hbm>> -> memref<1x32xf32, #tpu.memory_space<hbm>>
      %dma_start3A_282 = arith.constant 0 : i32
      %dma_start3A_283 = tpu.memref_slice %arg13[%add3A_277, %dma_start3A_282] : memref<512x32xf32, #tpu.memory_space<vmem>> -> memref<1x32xf32, #tpu.memory_space<vmem>>
      %dma_start3A_284 = arith.constant 0 : i32
      %dma_start3A_285 = tpu.memref_slice %arg8[%squeeze3A_275, %dma_start3A_284] : memref<1000x32xf32, #tpu.memory_space<hbm>> -> memref<1x32xf32, #tpu.memory_space<hbm>>
      tpu.enqueue_dma source(%dma_start3A_285 : memref<1x32xf32, #tpu.memory_space<hbm>>) target(%dma_start3A_283 : memref<1x32xf32, #tpu.memory_space<vmem>>) target_semaphore(%arg14 : memref<!tpu.dma_semaphore, #tpu.memory_space<semaphore_mem>>)
      %slice3A_286 = vector.extract_strided_slice %get3A_132 {offsets = [13], sizes = [1], strides = [1]} : vector<16xi32> to vector<1xi32>
      %squeeze3A_287 = vector.extract %slice3A_286[0] : i32 from vector<1xi32>
      %add3A_288 = arith.constant 13 : i32
      %add3A_289 = arith.addi %mul3A_128, %add3A_288 : i32
      %dma_start3A_290 = arith.constant 0 : i32
      %dma_start3A_291 = tpu.memref_slice %arg13[%add3A_289, %dma_start3A_290] : memref<512x32xf32, #tpu.memory_space<vmem>> -> memref<1x32xf32, #tpu.memory_space<vmem>>
      %dma_start3A_292 = arith.constant 0 : i32
      %dma_start3A_293 = tpu.memref_slice %arg8[%squeeze3A_287, %dma_start3A_292] : memref<1000x32xf32, #tpu.memory_space<hbm>> -> memref<1x32xf32, #tpu.memory_space<hbm>>
      %dma_start3A_294 = arith.constant 0 : i32
      %dma_start3A_295 = tpu.memref_slice %arg13[%add3A_289, %dma_start3A_294] : memref<512x32xf32, #tpu.memory_space<vmem>> -> memref<1x32xf32, #tpu.memory_space<vmem>>
      %dma_start3A_296 = arith.constant 0 : i32
      %dma_start3A_297 = tpu.memref_slice %arg8[%squeeze3A_287, %dma_start3A_296] : memref<1000x32xf32, #tpu.memory_space<hbm>> -> memref<1x32xf32, #tpu.memory_space<hbm>>
      tpu.enqueue_dma source(%dma_start3A_297 : memref<1x32xf32, #tpu.memory_space<hbm>>) target(%dma_start3A_295 : memref<1x32xf32, #tpu.memory_space<vmem>>) target_semaphore(%arg14 : memref<!tpu.dma_semaphore, #tpu.memory_space<semaphore_mem>>)
      %slice3A_298 = vector.extract_strided_slice %get3A_132 {offsets = [14], sizes = [1], strides = [1]} : vector<16xi32> to vector<1xi32>
      %squeeze3A_299 = vector.extract %slice3A_298[0] : i32 from vector<1xi32>
      %add3A_300 = arith.constant 14 : i32
      %add3A_301 = arith.addi %mul3A_128, %add3A_300 : i32
      %dma_start3A_302 = arith.constant 0 : i32
      %dma_start3A_303 = tpu.memref_slice %arg13[%add3A_301, %dma_start3A_302] : memref<512x32xf32, #tpu.memory_space<vmem>> -> memref<1x32xf32, #tpu.memory_space<vmem>>
      %dma_start3A_304 = arith.constant 0 : i32
      %dma_start3A_305 = tpu.memref_slice %arg8[%squeeze3A_299, %dma_start3A_304] : memref<1000x32xf32, #tpu.memory_space<hbm>> -> memref<1x32xf32, #tpu.memory_space<hbm>>
      %dma_start3A_306 = arith.constant 0 : i32
      %dma_start3A_307 = tpu.memref_slice %arg13[%add3A_301, %dma_start3A_306] : memref<512x32xf32, #tpu.memory_space<vmem>> -> memref<1x32xf32, #tpu.memory_space<vmem>>
      %dma_start3A_308 = arith.constant 0 : i32
      %dma_start3A_309 = tpu.memref_slice %arg8[%squeeze3A_299, %dma_start3A_308] : memref<1000x32xf32, #tpu.memory_space<hbm>> -> memref<1x32xf32, #tpu.memory_space<hbm>>
      tpu.enqueue_dma source(%dma_start3A_309 : memref<1x32xf32, #tpu.memory_space<hbm>>) target(%dma_start3A_307 : memref<1x32xf32, #tpu.memory_space<vmem>>) target_semaphore(%arg14 : memref<!tpu.dma_semaphore, #tpu.memory_space<semaphore_mem>>)
      %slice3A_310 = vector.extract_strided_slice %get3A_132 {offsets = [15], sizes = [1], strides = [1]} : vector<16xi32> to vector<1xi32>
      %squeeze3A_311 = vector.extract %slice3A_310[0] : i32 from vector<1xi32>
      %add3A_312 = arith.constant 15 : i32
      %add3A_313 = arith.addi %mul3A_128, %add3A_312 : i32
      %dma_start3A_314 = arith.constant 0 : i32
      %dma_start3A_315 = tpu.memref_slice %arg13[%add3A_313, %dma_start3A_314] : memref<512x32xf32, #tpu.memory_space<vmem>> -> memref<1x32xf32, #tpu.memory_space<vmem>>
      %dma_start3A_316 = arith.constant 0 : i32
      %dma_start3A_317 = tpu.memref_slice %arg8[%squeeze3A_311, %dma_start3A_316] : memref<1000x32xf32, #tpu.memory_space<hbm>> -> memref<1x32xf32, #tpu.memory_space<hbm>>
      %dma_start3A_318 = arith.constant 0 : i32
      %dma_start3A_319 = tpu.memref_slice %arg13[%add3A_313, %dma_start3A_318] : memref<512x32xf32, #tpu.memory_space<vmem>> -> memref<1x32xf32, #tpu.memory_space<vmem>>
      %dma_start3A_320 = arith.constant 0 : i32
      %dma_start3A_321 = tpu.memref_slice %arg8[%squeeze3A_311, %dma_start3A_320] : memref<1000x32xf32, #tpu.memory_space<hbm>> -> memref<1x32xf32, #tpu.memory_space<hbm>>
      tpu.enqueue_dma source(%dma_start3A_321 : memref<1x32xf32, #tpu.memory_space<hbm>>) target(%dma_start3A_319 : memref<1x32xf32, #tpu.memory_space<vmem>>) target_semaphore(%arg14 : memref<!tpu.dma_semaphore, #tpu.memory_space<semaphore_mem>>)
    }
    %scan3A_83 = arith.constant 32 : i32
    %dma_wait3A_84 = arith.constant 5 : i32
    %dma_wait3A_85 = arith.constant 0 : i32
    %dma_wait3A_86 = arith.constant 0 : i32
    %dma_wait3A_87 = tpu.memref_slice %arg11[%dma_wait3A_84, %add3A, %dma_wait3A_85, %dma_wait3A_86] : memref<8x32x512x32xf32, #tpu.memory_space<hbm>> -> memref<1x1x512x32xf32, #tpu.memory_space<hbm>>
    %dma_wait3A_88 = tpu.memref_squeeze %dma_wait3A_87 : memref<1x1x512x32xf32, #tpu.memory_space<hbm>> -> memref<512x32xf32, #tpu.memory_space<hbm>>
    %dma_wait3A_89 = arith.constant 0 : i32
    %dma_wait3A_90 = arith.constant 0 : i32
    %dma_wait3A_91 = tpu.memref_slice %arg11[%dma_wait3A_84, %add3A, %dma_wait3A_89, %dma_wait3A_90] : memref<8x32x512x32xf32, #tpu.memory_space<hbm>> -> memref<1x1x512x32xf32, #tpu.memory_space<hbm>>
    %dma_wait3A_92 = tpu.memref_squeeze %dma_wait3A_91 : memref<1x1x512x32xf32, #tpu.memory_space<hbm>> -> memref<512x32xf32, #tpu.memory_space<hbm>>
    tpu.wait_dma2 semaphore(%arg14 : memref<!tpu.dma_semaphore, #tpu.memory_space<semaphore_mem>>) src(%dma_wait3A_92 : memref<512x32xf32, #tpu.memory_space<hbm>>) dst(%arg13 : memref<512x32xf32, #tpu.memory_space<vmem>>)
    %run_scoped3A_93 = arith.constant 5 : i32
    "tpu.region"() ({
      %run_scoped3A_126 = tpu.sem_alloc : memref<!tpu.dma_semaphore, #tpu.memory_space<semaphore_mem>>
      %dma_start3A = arith.constant 0 : i32
      %dma_start3A_127 = arith.constant 0 : i32
      %dma_start3A_128 = tpu.memref_slice %arg11[%run_scoped3A_93, %add3A, %dma_start3A, %dma_start3A_127] : memref<8x32x512x32xf32, #tpu.memory_space<hbm>> -> memref<1x1x512x32xf32, #tpu.memory_space<hbm>>
      %dma_start3A_129 = tpu.memref_squeeze %dma_start3A_128 : memref<1x1x512x32xf32, #tpu.memory_space<hbm>> -> memref<512x32xf32, #tpu.memory_space<hbm>>
      %dma_start3A_130 = arith.constant 0 : i32
      %dma_start3A_131 = arith.constant 0 : i32
      %dma_start3A_132 = tpu.memref_slice %arg11[%run_scoped3A_93, %add3A, %dma_start3A_130, %dma_start3A_131] : memref<8x32x512x32xf32, #tpu.memory_space<hbm>> -> memref<1x1x512x32xf32, #tpu.memory_space<hbm>>
      %dma_start3A_133 = tpu.memref_squeeze %dma_start3A_132 : memref<1x1x512x32xf32, #tpu.memory_space<hbm>> -> memref<512x32xf32, #tpu.memory_space<hbm>>
      tpu.enqueue_dma source(%arg13 : memref<512x32xf32, #tpu.memory_space<vmem>>) target(%dma_start3A_133 : memref<512x32xf32, #tpu.memory_space<hbm>>) target_semaphore(%run_scoped3A_126 : memref<!tpu.dma_semaphore, #tpu.memory_space<semaphore_mem>>)
      %dma_wait3A_134 = arith.constant 0 : i32
      %dma_wait3A_135 = arith.constant 0 : i32
      %dma_wait3A_136 = tpu.memref_slice %arg11[%run_scoped3A_93, %add3A, %dma_wait3A_134, %dma_wait3A_135] : memref<8x32x512x32xf32, #tpu.memory_space<hbm>> -> memref<1x1x512x32xf32, #tpu.memory_space<hbm>>
      %dma_wait3A_137 = tpu.memref_squeeze %dma_wait3A_136 : memref<1x1x512x32xf32, #tpu.memory_space<hbm>> -> memref<512x32xf32, #tpu.memory_space<hbm>>
      %dma_wait3A_138 = arith.constant 0 : i32
      %dma_wait3A_139 = arith.constant 0 : i32
      %dma_wait3A_140 = tpu.memref_slice %arg11[%run_scoped3A_93, %add3A, %dma_wait3A_138, %dma_wait3A_139] : memref<8x32x512x32xf32, #tpu.memory_space<hbm>> -> memref<1x1x512x32xf32, #tpu.memory_space<hbm>>
      %dma_wait3A_141 = tpu.memref_squeeze %dma_wait3A_140 : memref<1x1x512x32xf32, #tpu.memory_space<hbm>> -> memref<512x32xf32, #tpu.memory_space<hbm>>
      tpu.wait_dma2 semaphore(%run_scoped3A_126 : memref<!tpu.dma_semaphore, #tpu.memory_space<semaphore_mem>>) src(%arg13 : memref<512x32xf32, #tpu.memory_space<vmem>>) dst(%dma_wait3A_141 : memref<512x32xf32, #tpu.memory_space<hbm>>)
      tpu.yield
    }) : () -> ()
    %scan3A_94 = arith.constant 0 : i32
    %scan3A_95 = arith.constant 0 : i32
    %scan3A_96 = arith.constant 32 : i32
    %scan3A_97 = arith.addi %scan3A_95, %scan3A_96 : i32
    %scan3A_98 = arith.constant 1 : i32
    scf.for %scan3A_126 = %scan3A_95 to %scan3A_97 step %scan3A_98  : i32 {
      %mul3A_127 = arith.constant 16 : i32
      %mul3A_128 = arith.muli %scan3A_126, %mul3A_127 : i32
      %get3A = arith.constant 6 : i32
      %get3A_129 = arith.index_cast %get3A : i32 to index
      %get3A_130 = arith.index_cast %mul3A_128 : i32 to index
      %get3A_131 = tpu.vector_load %arg12[%get3A_129, %get3A_130] {strides = array<i32>} : memref<8x512xi32, #tpu.memory_space<vmem>>, vector<1x16xi32>,
      %get3A_132 = vector.shape_cast %get3A_131 : vector<1x16xi32> to vector<16xi32>
      %slice3A = vector.extract_strided_slice %get3A_132 {offsets = [0], sizes = [1], strides = [1]} : vector<16xi32> to vector<1xi32>
      %squeeze3A = vector.extract %slice3A[0] : i32 from vector<1xi32>
      %add3A_133 = arith.constant 0 : i32
      %add3A_134 = arith.addi %mul3A_128, %add3A_133 : i32
      %dma_start3A = arith.constant 0 : i32
      %dma_start3A_135 = tpu.memref_slice %arg13[%add3A_134, %dma_start3A] : memref<512x32xf32, #tpu.memory_space<vmem>> -> memref<1x32xf32, #tpu.memory_space<vmem>>
      %dma_start3A_136 = arith.constant 0 : i32
      %dma_start3A_137 = tpu.memref_slice %arg9[%squeeze3A, %dma_start3A_136] : memref<10000x32xf32, #tpu.memory_space<hbm>> -> memref<1x32xf32, #tpu.memory_space<hbm>>
      %dma_start3A_138 = arith.constant 0 : i32
      %dma_start3A_139 = tpu.memref_slice %arg13[%add3A_134, %dma_start3A_138] : memref<512x32xf32, #tpu.memory_space<vmem>> -> memref<1x32xf32, #tpu.memory_space<vmem>>
      %dma_start3A_140 = arith.constant 0 : i32
      %dma_start3A_141 = tpu.memref_slice %arg9[%squeeze3A, %dma_start3A_140] : memref<10000x32xf32, #tpu.memory_space<hbm>> -> memref<1x32xf32, #tpu.memory_space<hbm>>
      tpu.enqueue_dma source(%dma_start3A_141 : memref<1x32xf32, #tpu.memory_space<hbm>>) target(%dma_start3A_139 : memref<1x32xf32, #tpu.memory_space<vmem>>) target_semaphore(%arg14 : memref<!tpu.dma_semaphore, #tpu.memory_space<semaphore_mem>>)
      %slice3A_142 = vector.extract_strided_slice %get3A_132 {offsets = [1], sizes = [1], strides = [1]} : vector<16xi32> to vector<1xi32>
      %squeeze3A_143 = vector.extract %slice3A_142[0] : i32 from vector<1xi32>
      %add3A_144 = arith.constant 1 : i32
      %add3A_145 = arith.addi %mul3A_128, %add3A_144 : i32
      %dma_start3A_146 = arith.constant 0 : i32
      %dma_start3A_147 = tpu.memref_slice %arg13[%add3A_145, %dma_start3A_146] : memref<512x32xf32, #tpu.memory_space<vmem>> -> memref<1x32xf32, #tpu.memory_space<vmem>>
      %dma_start3A_148 = arith.constant 0 : i32
      %dma_start3A_149 = tpu.memref_slice %arg9[%squeeze3A_143, %dma_start3A_148] : memref<10000x32xf32, #tpu.memory_space<hbm>> -> memref<1x32xf32, #tpu.memory_space<hbm>>
      %dma_start3A_150 = arith.constant 0 : i32
      %dma_start3A_151 = tpu.memref_slice %arg13[%add3A_145, %dma_start3A_150] : memref<512x32xf32, #tpu.memory_space<vmem>> -> memref<1x32xf32, #tpu.memory_space<vmem>>
      %dma_start3A_152 = arith.constant 0 : i32
      %dma_start3A_153 = tpu.memref_slice %arg9[%squeeze3A_143, %dma_start3A_152] : memref<10000x32xf32, #tpu.memory_space<hbm>> -> memref<1x32xf32, #tpu.memory_space<hbm>>
      tpu.enqueue_dma source(%dma_start3A_153 : memref<1x32xf32, #tpu.memory_space<hbm>>) target(%dma_start3A_151 : memref<1x32xf32, #tpu.memory_space<vmem>>) target_semaphore(%arg14 : memref<!tpu.dma_semaphore, #tpu.memory_space<semaphore_mem>>)
      %slice3A_154 = vector.extract_strided_slice %get3A_132 {offsets = [2], sizes = [1], strides = [1]} : vector<16xi32> to vector<1xi32>
      %squeeze3A_155 = vector.extract %slice3A_154[0] : i32 from vector<1xi32>
      %add3A_156 = arith.constant 2 : i32
      %add3A_157 = arith.addi %mul3A_128, %add3A_156 : i32
      %dma_start3A_158 = arith.constant 0 : i32
      %dma_start3A_159 = tpu.memref_slice %arg13[%add3A_157, %dma_start3A_158] : memref<512x32xf32, #tpu.memory_space<vmem>> -> memref<1x32xf32, #tpu.memory_space<vmem>>
      %dma_start3A_160 = arith.constant 0 : i32
      %dma_start3A_161 = tpu.memref_slice %arg9[%squeeze3A_155, %dma_start3A_160] : memref<10000x32xf32, #tpu.memory_space<hbm>> -> memref<1x32xf32, #tpu.memory_space<hbm>>
      %dma_start3A_162 = arith.constant 0 : i32
      %dma_start3A_163 = tpu.memref_slice %arg13[%add3A_157, %dma_start3A_162] : memref<512x32xf32, #tpu.memory_space<vmem>> -> memref<1x32xf32, #tpu.memory_space<vmem>>
      %dma_start3A_164 = arith.constant 0 : i32
      %dma_start3A_165 = tpu.memref_slice %arg9[%squeeze3A_155, %dma_start3A_164] : memref<10000x32xf32, #tpu.memory_space<hbm>> -> memref<1x32xf32, #tpu.memory_space<hbm>>
      tpu.enqueue_dma source(%dma_start3A_165 : memref<1x32xf32, #tpu.memory_space<hbm>>) target(%dma_start3A_163 : memref<1x32xf32, #tpu.memory_space<vmem>>) target_semaphore(%arg14 : memref<!tpu.dma_semaphore, #tpu.memory_space<semaphore_mem>>)
      %slice3A_166 = vector.extract_strided_slice %get3A_132 {offsets = [3], sizes = [1], strides = [1]} : vector<16xi32> to vector<1xi32>
      %squeeze3A_167 = vector.extract %slice3A_166[0] : i32 from vector<1xi32>
      %add3A_168 = arith.constant 3 : i32
      %add3A_169 = arith.addi %mul3A_128, %add3A_168 : i32
      %dma_start3A_170 = arith.constant 0 : i32
      %dma_start3A_171 = tpu.memref_slice %arg13[%add3A_169, %dma_start3A_170] : memref<512x32xf32, #tpu.memory_space<vmem>> -> memref<1x32xf32, #tpu.memory_space<vmem>>
      %dma_start3A_172 = arith.constant 0 : i32
      %dma_start3A_173 = tpu.memref_slice %arg9[%squeeze3A_167, %dma_start3A_172] : memref<10000x32xf32, #tpu.memory_space<hbm>> -> memref<1x32xf32, #tpu.memory_space<hbm>>
      %dma_start3A_174 = arith.constant 0 : i32
      %dma_start3A_175 = tpu.memref_slice %arg13[%add3A_169, %dma_start3A_174] : memref<512x32xf32, #tpu.memory_space<vmem>> -> memref<1x32xf32, #tpu.memory_space<vmem>>
      %dma_start3A_176 = arith.constant 0 : i32
      %dma_start3A_177 = tpu.memref_slice %arg9[%squeeze3A_167, %dma_start3A_176] : memref<10000x32xf32, #tpu.memory_space<hbm>> -> memref<1x32xf32, #tpu.memory_space<hbm>>
      tpu.enqueue_dma source(%dma_start3A_177 : memref<1x32xf32, #tpu.memory_space<hbm>>) target(%dma_start3A_175 : memref<1x32xf32, #tpu.memory_space<vmem>>) target_semaphore(%arg14 : memref<!tpu.dma_semaphore, #tpu.memory_space<semaphore_mem>>)
      %slice3A_178 = vector.extract_strided_slice %get3A_132 {offsets = [4], sizes = [1], strides = [1]} : vector<16xi32> to vector<1xi32>
      %squeeze3A_179 = vector.extract %slice3A_178[0] : i32 from vector<1xi32>
      %add3A_180 = arith.constant 4 : i32
      %add3A_181 = arith.addi %mul3A_128, %add3A_180 : i32
      %dma_start3A_182 = arith.constant 0 : i32
      %dma_start3A_183 = tpu.memref_slice %arg13[%add3A_181, %dma_start3A_182] : memref<512x32xf32, #tpu.memory_space<vmem>> -> memref<1x32xf32, #tpu.memory_space<vmem>>
      %dma_start3A_184 = arith.constant 0 : i32
      %dma_start3A_185 = tpu.memref_slice %arg9[%squeeze3A_179, %dma_start3A_184] : memref<10000x32xf32, #tpu.memory_space<hbm>> -> memref<1x32xf32, #tpu.memory_space<hbm>>
      %dma_start3A_186 = arith.constant 0 : i32
      %dma_start3A_187 = tpu.memref_slice %arg13[%add3A_181, %dma_start3A_186] : memref<512x32xf32, #tpu.memory_space<vmem>> -> memref<1x32xf32, #tpu.memory_space<vmem>>
      %dma_start3A_188 = arith.constant 0 : i32
      %dma_start3A_189 = tpu.memref_slice %arg9[%squeeze3A_179, %dma_start3A_188] : memref<10000x32xf32, #tpu.memory_space<hbm>> -> memref<1x32xf32, #tpu.memory_space<hbm>>
      tpu.enqueue_dma source(%dma_start3A_189 : memref<1x32xf32, #tpu.memory_space<hbm>>) target(%dma_start3A_187 : memref<1x32xf32, #tpu.memory_space<vmem>>) target_semaphore(%arg14 : memref<!tpu.dma_semaphore, #tpu.memory_space<semaphore_mem>>)
      %slice3A_190 = vector.extract_strided_slice %get3A_132 {offsets = [5], sizes = [1], strides = [1]} : vector<16xi32> to vector<1xi32>
      %squeeze3A_191 = vector.extract %slice3A_190[0] : i32 from vector<1xi32>
      %add3A_192 = arith.constant 5 : i32
      %add3A_193 = arith.addi %mul3A_128, %add3A_192 : i32
      %dma_start3A_194 = arith.constant 0 : i32
      %dma_start3A_195 = tpu.memref_slice %arg13[%add3A_193, %dma_start3A_194] : memref<512x32xf32, #tpu.memory_space<vmem>> -> memref<1x32xf32, #tpu.memory_space<vmem>>
      %dma_start3A_196 = arith.constant 0 : i32
      %dma_start3A_197 = tpu.memref_slice %arg9[%squeeze3A_191, %dma_start3A_196] : memref<10000x32xf32, #tpu.memory_space<hbm>> -> memref<1x32xf32, #tpu.memory_space<hbm>>
      %dma_start3A_198 = arith.constant 0 : i32
      %dma_start3A_199 = tpu.memref_slice %arg13[%add3A_193, %dma_start3A_198] : memref<512x32xf32, #tpu.memory_space<vmem>> -> memref<1x32xf32, #tpu.memory_space<vmem>>
      %dma_start3A_200 = arith.constant 0 : i32
      %dma_start3A_201 = tpu.memref_slice %arg9[%squeeze3A_191, %dma_start3A_200] : memref<10000x32xf32, #tpu.memory_space<hbm>> -> memref<1x32xf32, #tpu.memory_space<hbm>>
      tpu.enqueue_dma source(%dma_start3A_201 : memref<1x32xf32, #tpu.memory_space<hbm>>) target(%dma_start3A_199 : memref<1x32xf32, #tpu.memory_space<vmem>>) target_semaphore(%arg14 : memref<!tpu.dma_semaphore, #tpu.memory_space<semaphore_mem>>)
      %slice3A_202 = vector.extract_strided_slice %get3A_132 {offsets = [6], sizes = [1], strides = [1]} : vector<16xi32> to vector<1xi32>
      %squeeze3A_203 = vector.extract %slice3A_202[0] : i32 from vector<1xi32>
      %add3A_204 = arith.constant 6 : i32
      %add3A_205 = arith.addi %mul3A_128, %add3A_204 : i32
      %dma_start3A_206 = arith.constant 0 : i32
      %dma_start3A_207 = tpu.memref_slice %arg13[%add3A_205, %dma_start3A_206] : memref<512x32xf32, #tpu.memory_space<vmem>> -> memref<1x32xf32, #tpu.memory_space<vmem>>
      %dma_start3A_208 = arith.constant 0 : i32
      %dma_start3A_209 = tpu.memref_slice %arg9[%squeeze3A_203, %dma_start3A_208] : memref<10000x32xf32, #tpu.memory_space<hbm>> -> memref<1x32xf32, #tpu.memory_space<hbm>>
      %dma_start3A_210 = arith.constant 0 : i32
      %dma_start3A_211 = tpu.memref_slice %arg13[%add3A_205, %dma_start3A_210] : memref<512x32xf32, #tpu.memory_space<vmem>> -> memref<1x32xf32, #tpu.memory_space<vmem>>
      %dma_start3A_212 = arith.constant 0 : i32
      %dma_start3A_213 = tpu.memref_slice %arg9[%squeeze3A_203, %dma_start3A_212] : memref<10000x32xf32, #tpu.memory_space<hbm>> -> memref<1x32xf32, #tpu.memory_space<hbm>>
      tpu.enqueue_dma source(%dma_start3A_213 : memref<1x32xf32, #tpu.memory_space<hbm>>) target(%dma_start3A_211 : memref<1x32xf32, #tpu.memory_space<vmem>>) target_semaphore(%arg14 : memref<!tpu.dma_semaphore, #tpu.memory_space<semaphore_mem>>)
      %slice3A_214 = vector.extract_strided_slice %get3A_132 {offsets = [7], sizes = [1], strides = [1]} : vector<16xi32> to vector<1xi32>
      %squeeze3A_215 = vector.extract %slice3A_214[0] : i32 from vector<1xi32>
      %add3A_216 = arith.constant 7 : i32
      %add3A_217 = arith.addi %mul3A_128, %add3A_216 : i32
      %dma_start3A_218 = arith.constant 0 : i32
      %dma_start3A_219 = tpu.memref_slice %arg13[%add3A_217, %dma_start3A_218] : memref<512x32xf32, #tpu.memory_space<vmem>> -> memref<1x32xf32, #tpu.memory_space<vmem>>
      %dma_start3A_220 = arith.constant 0 : i32
      %dma_start3A_221 = tpu.memref_slice %arg9[%squeeze3A_215, %dma_start3A_220] : memref<10000x32xf32, #tpu.memory_space<hbm>> -> memref<1x32xf32, #tpu.memory_space<hbm>>
      %dma_start3A_222 = arith.constant 0 : i32
      %dma_start3A_223 = tpu.memref_slice %arg13[%add3A_217, %dma_start3A_222] : memref<512x32xf32, #tpu.memory_space<vmem>> -> memref<1x32xf32, #tpu.memory_space<vmem>>
      %dma_start3A_224 = arith.constant 0 : i32
      %dma_start3A_225 = tpu.memref_slice %arg9[%squeeze3A_215, %dma_start3A_224] : memref<10000x32xf32, #tpu.memory_space<hbm>> -> memref<1x32xf32, #tpu.memory_space<hbm>>
      tpu.enqueue_dma source(%dma_start3A_225 : memref<1x32xf32, #tpu.memory_space<hbm>>) target(%dma_start3A_223 : memref<1x32xf32, #tpu.memory_space<vmem>>) target_semaphore(%arg14 : memref<!tpu.dma_semaphore, #tpu.memory_space<semaphore_mem>>)
      %slice3A_226 = vector.extract_strided_slice %get3A_132 {offsets = [8], sizes = [1], strides = [1]} : vector<16xi32> to vector<1xi32>
      %squeeze3A_227 = vector.extract %slice3A_226[0] : i32 from vector<1xi32>
      %add3A_228 = arith.constant 8 : i32
      %add3A_229 = arith.addi %mul3A_128, %add3A_228 : i32
      %dma_start3A_230 = arith.constant 0 : i32
      %dma_start3A_231 = tpu.memref_slice %arg13[%add3A_229, %dma_start3A_230] : memref<512x32xf32, #tpu.memory_space<vmem>> -> memref<1x32xf32, #tpu.memory_space<vmem>>
      %dma_start3A_232 = arith.constant 0 : i32
      %dma_start3A_233 = tpu.memref_slice %arg9[%squeeze3A_227, %dma_start3A_232] : memref<10000x32xf32, #tpu.memory_space<hbm>> -> memref<1x32xf32, #tpu.memory_space<hbm>>
      %dma_start3A_234 = arith.constant 0 : i32
      %dma_start3A_235 = tpu.memref_slice %arg13[%add3A_229, %dma_start3A_234] : memref<512x32xf32, #tpu.memory_space<vmem>> -> memref<1x32xf32, #tpu.memory_space<vmem>>
      %dma_start3A_236 = arith.constant 0 : i32
      %dma_start3A_237 = tpu.memref_slice %arg9[%squeeze3A_227, %dma_start3A_236] : memref<10000x32xf32, #tpu.memory_space<hbm>> -> memref<1x32xf32, #tpu.memory_space<hbm>>
      tpu.enqueue_dma source(%dma_start3A_237 : memref<1x32xf32, #tpu.memory_space<hbm>>) target(%dma_start3A_235 : memref<1x32xf32, #tpu.memory_space<vmem>>) target_semaphore(%arg14 : memref<!tpu.dma_semaphore, #tpu.memory_space<semaphore_mem>>)
      %slice3A_238 = vector.extract_strided_slice %get3A_132 {offsets = [9], sizes = [1], strides = [1]} : vector<16xi32> to vector<1xi32>
      %squeeze3A_239 = vector.extract %slice3A_238[0] : i32 from vector<1xi32>
      %add3A_240 = arith.constant 9 : i32
      %add3A_241 = arith.addi %mul3A_128, %add3A_240 : i32
      %dma_start3A_242 = arith.constant 0 : i32
      %dma_start3A_243 = tpu.memref_slice %arg13[%add3A_241, %dma_start3A_242] : memref<512x32xf32, #tpu.memory_space<vmem>> -> memref<1x32xf32, #tpu.memory_space<vmem>>
      %dma_start3A_244 = arith.constant 0 : i32
      %dma_start3A_245 = tpu.memref_slice %arg9[%squeeze3A_239, %dma_start3A_244] : memref<10000x32xf32, #tpu.memory_space<hbm>> -> memref<1x32xf32, #tpu.memory_space<hbm>>
      %dma_start3A_246 = arith.constant 0 : i32
      %dma_start3A_247 = tpu.memref_slice %arg13[%add3A_241, %dma_start3A_246] : memref<512x32xf32, #tpu.memory_space<vmem>> -> memref<1x32xf32, #tpu.memory_space<vmem>>
      %dma_start3A_248 = arith.constant 0 : i32
      %dma_start3A_249 = tpu.memref_slice %arg9[%squeeze3A_239, %dma_start3A_248] : memref<10000x32xf32, #tpu.memory_space<hbm>> -> memref<1x32xf32, #tpu.memory_space<hbm>>
      tpu.enqueue_dma source(%dma_start3A_249 : memref<1x32xf32, #tpu.memory_space<hbm>>) target(%dma_start3A_247 : memref<1x32xf32, #tpu.memory_space<vmem>>) target_semaphore(%arg14 : memref<!tpu.dma_semaphore, #tpu.memory_space<semaphore_mem>>)
      %slice3A_250 = vector.extract_strided_slice %get3A_132 {offsets = [10], sizes = [1], strides = [1]} : vector<16xi32> to vector<1xi32>
      %squeeze3A_251 = vector.extract %slice3A_250[0] : i32 from vector<1xi32>
      %add3A_252 = arith.constant 10 : i32
      %add3A_253 = arith.addi %mul3A_128, %add3A_252 : i32
      %dma_start3A_254 = arith.constant 0 : i32
      %dma_start3A_255 = tpu.memref_slice %arg13[%add3A_253, %dma_start3A_254] : memref<512x32xf32, #tpu.memory_space<vmem>> -> memref<1x32xf32, #tpu.memory_space<vmem>>
      %dma_start3A_256 = arith.constant 0 : i32
      %dma_start3A_257 = tpu.memref_slice %arg9[%squeeze3A_251, %dma_start3A_256] : memref<10000x32xf32, #tpu.memory_space<hbm>> -> memref<1x32xf32, #tpu.memory_space<hbm>>
      %dma_start3A_258 = arith.constant 0 : i32
      %dma_start3A_259 = tpu.memref_slice %arg13[%add3A_253, %dma_start3A_258] : memref<512x32xf32, #tpu.memory_space<vmem>> -> memref<1x32xf32, #tpu.memory_space<vmem>>
      %dma_start3A_260 = arith.constant 0 : i32
      %dma_start3A_261 = tpu.memref_slice %arg9[%squeeze3A_251, %dma_start3A_260] : memref<10000x32xf32, #tpu.memory_space<hbm>> -> memref<1x32xf32, #tpu.memory_space<hbm>>
      tpu.enqueue_dma source(%dma_start3A_261 : memref<1x32xf32, #tpu.memory_space<hbm>>) target(%dma_start3A_259 : memref<1x32xf32, #tpu.memory_space<vmem>>) target_semaphore(%arg14 : memref<!tpu.dma_semaphore, #tpu.memory_space<semaphore_mem>>)
      %slice3A_262 = vector.extract_strided_slice %get3A_132 {offsets = [11], sizes = [1], strides = [1]} : vector<16xi32> to vector<1xi32>
      %squeeze3A_263 = vector.extract %slice3A_262[0] : i32 from vector<1xi32>
      %add3A_264 = arith.constant 11 : i32
      %add3A_265 = arith.addi %mul3A_128, %add3A_264 : i32
      %dma_start3A_266 = arith.constant 0 : i32
      %dma_start3A_267 = tpu.memref_slice %arg13[%add3A_265, %dma_start3A_266] : memref<512x32xf32, #tpu.memory_space<vmem>> -> memref<1x32xf32, #tpu.memory_space<vmem>>
      %dma_start3A_268 = arith.constant 0 : i32
      %dma_start3A_269 = tpu.memref_slice %arg9[%squeeze3A_263, %dma_start3A_268] : memref<10000x32xf32, #tpu.memory_space<hbm>> -> memref<1x32xf32, #tpu.memory_space<hbm>>
      %dma_start3A_270 = arith.constant 0 : i32
      %dma_start3A_271 = tpu.memref_slice %arg13[%add3A_265, %dma_start3A_270] : memref<512x32xf32, #tpu.memory_space<vmem>> -> memref<1x32xf32, #tpu.memory_space<vmem>>
      %dma_start3A_272 = arith.constant 0 : i32
      %dma_start3A_273 = tpu.memref_slice %arg9[%squeeze3A_263, %dma_start3A_272] : memref<10000x32xf32, #tpu.memory_space<hbm>> -> memref<1x32xf32, #tpu.memory_space<hbm>>
      tpu.enqueue_dma source(%dma_start3A_273 : memref<1x32xf32, #tpu.memory_space<hbm>>) target(%dma_start3A_271 : memref<1x32xf32, #tpu.memory_space<vmem>>) target_semaphore(%arg14 : memref<!tpu.dma_semaphore, #tpu.memory_space<semaphore_mem>>)
      %slice3A_274 = vector.extract_strided_slice %get3A_132 {offsets = [12], sizes = [1], strides = [1]} : vector<16xi32> to vector<1xi32>
      %squeeze3A_275 = vector.extract %slice3A_274[0] : i32 from vector<1xi32>
      %add3A_276 = arith.constant 12 : i32
      %add3A_277 = arith.addi %mul3A_128, %add3A_276 : i32
      %dma_start3A_278 = arith.constant 0 : i32
      %dma_start3A_279 = tpu.memref_slice %arg13[%add3A_277, %dma_start3A_278] : memref<512x32xf32, #tpu.memory_space<vmem>> -> memref<1x32xf32, #tpu.memory_space<vmem>>
      %dma_start3A_280 = arith.constant 0 : i32
      %dma_start3A_281 = tpu.memref_slice %arg9[%squeeze3A_275, %dma_start3A_280] : memref<10000x32xf32, #tpu.memory_space<hbm>> -> memref<1x32xf32, #tpu.memory_space<hbm>>
      %dma_start3A_282 = arith.constant 0 : i32
      %dma_start3A_283 = tpu.memref_slice %arg13[%add3A_277, %dma_start3A_282] : memref<512x32xf32, #tpu.memory_space<vmem>> -> memref<1x32xf32, #tpu.memory_space<vmem>>
      %dma_start3A_284 = arith.constant 0 : i32
      %dma_start3A_285 = tpu.memref_slice %arg9[%squeeze3A_275, %dma_start3A_284] : memref<10000x32xf32, #tpu.memory_space<hbm>> -> memref<1x32xf32, #tpu.memory_space<hbm>>
      tpu.enqueue_dma source(%dma_start3A_285 : memref<1x32xf32, #tpu.memory_space<hbm>>) target(%dma_start3A_283 : memref<1x32xf32, #tpu.memory_space<vmem>>) target_semaphore(%arg14 : memref<!tpu.dma_semaphore, #tpu.memory_space<semaphore_mem>>)
      %slice3A_286 = vector.extract_strided_slice %get3A_132 {offsets = [13], sizes = [1], strides = [1]} : vector<16xi32> to vector<1xi32>
      %squeeze3A_287 = vector.extract %slice3A_286[0] : i32 from vector<1xi32>
      %add3A_288 = arith.constant 13 : i32
      %add3A_289 = arith.addi %mul3A_128, %add3A_288 : i32
      %dma_start3A_290 = arith.constant 0 : i32
      %dma_start3A_291 = tpu.memref_slice %arg13[%add3A_289, %dma_start3A_290] : memref<512x32xf32, #tpu.memory_space<vmem>> -> memref<1x32xf32, #tpu.memory_space<vmem>>
      %dma_start3A_292 = arith.constant 0 : i32
      %dma_start3A_293 = tpu.memref_slice %arg9[%squeeze3A_287, %dma_start3A_292] : memref<10000x32xf32, #tpu.memory_space<hbm>> -> memref<1x32xf32, #tpu.memory_space<hbm>>
      %dma_start3A_294 = arith.constant 0 : i32
      %dma_start3A_295 = tpu.memref_slice %arg13[%add3A_289, %dma_start3A_294] : memref<512x32xf32, #tpu.memory_space<vmem>> -> memref<1x32xf32, #tpu.memory_space<vmem>>
      %dma_start3A_296 = arith.constant 0 : i32
      %dma_start3A_297 = tpu.memref_slice %arg9[%squeeze3A_287, %dma_start3A_296] : memref<10000x32xf32, #tpu.memory_space<hbm>> -> memref<1x32xf32, #tpu.memory_space<hbm>>
      tpu.enqueue_dma source(%dma_start3A_297 : memref<1x32xf32, #tpu.memory_space<hbm>>) target(%dma_start3A_295 : memref<1x32xf32, #tpu.memory_space<vmem>>) target_semaphore(%arg14 : memref<!tpu.dma_semaphore, #tpu.memory_space<semaphore_mem>>)
      %slice3A_298 = vector.extract_strided_slice %get3A_132 {offsets = [14], sizes = [1], strides = [1]} : vector<16xi32> to vector<1xi32>
      %squeeze3A_299 = vector.extract %slice3A_298[0] : i32 from vector<1xi32>
      %add3A_300 = arith.constant 14 : i32
      %add3A_301 = arith.addi %mul3A_128, %add3A_300 : i32
      %dma_start3A_302 = arith.constant 0 : i32
      %dma_start3A_303 = tpu.memref_slice %arg13[%add3A_301, %dma_start3A_302] : memref<512x32xf32, #tpu.memory_space<vmem>> -> memref<1x32xf32, #tpu.memory_space<vmem>>
      %dma_start3A_304 = arith.constant 0 : i32
      %dma_start3A_305 = tpu.memref_slice %arg9[%squeeze3A_299, %dma_start3A_304] : memref<10000x32xf32, #tpu.memory_space<hbm>> -> memref<1x32xf32, #tpu.memory_space<hbm>>
      %dma_start3A_306 = arith.constant 0 : i32
      %dma_start3A_307 = tpu.memref_slice %arg13[%add3A_301, %dma_start3A_306] : memref<512x32xf32, #tpu.memory_space<vmem>> -> memref<1x32xf32, #tpu.memory_space<vmem>>
      %dma_start3A_308 = arith.constant 0 : i32
      %dma_start3A_309 = tpu.memref_slice %arg9[%squeeze3A_299, %dma_start3A_308] : memref<10000x32xf32, #tpu.memory_space<hbm>> -> memref<1x32xf32, #tpu.memory_space<hbm>>
      tpu.enqueue_dma source(%dma_start3A_309 : memref<1x32xf32, #tpu.memory_space<hbm>>) target(%dma_start3A_307 : memref<1x32xf32, #tpu.memory_space<vmem>>) target_semaphore(%arg14 : memref<!tpu.dma_semaphore, #tpu.memory_space<semaphore_mem>>)
      %slice3A_310 = vector.extract_strided_slice %get3A_132 {offsets = [15], sizes = [1], strides = [1]} : vector<16xi32> to vector<1xi32>
      %squeeze3A_311 = vector.extract %slice3A_310[0] : i32 from vector<1xi32>
      %add3A_312 = arith.constant 15 : i32
      %add3A_313 = arith.addi %mul3A_128, %add3A_312 : i32
      %dma_start3A_314 = arith.constant 0 : i32
      %dma_start3A_315 = tpu.memref_slice %arg13[%add3A_313, %dma_start3A_314] : memref<512x32xf32, #tpu.memory_space<vmem>> -> memref<1x32xf32, #tpu.memory_space<vmem>>
      %dma_start3A_316 = arith.constant 0 : i32
      %dma_start3A_317 = tpu.memref_slice %arg9[%squeeze3A_311, %dma_start3A_316] : memref<10000x32xf32, #tpu.memory_space<hbm>> -> memref<1x32xf32, #tpu.memory_space<hbm>>
      %dma_start3A_318 = arith.constant 0 : i32
      %dma_start3A_319 = tpu.memref_slice %arg13[%add3A_313, %dma_start3A_318] : memref<512x32xf32, #tpu.memory_space<vmem>> -> memref<1x32xf32, #tpu.memory_space<vmem>>
      %dma_start3A_320 = arith.constant 0 : i32
      %dma_start3A_321 = tpu.memref_slice %arg9[%squeeze3A_311, %dma_start3A_320] : memref<10000x32xf32, #tpu.memory_space<hbm>> -> memref<1x32xf32, #tpu.memory_space<hbm>>
      tpu.enqueue_dma source(%dma_start3A_321 : memref<1x32xf32, #tpu.memory_space<hbm>>) target(%dma_start3A_319 : memref<1x32xf32, #tpu.memory_space<vmem>>) target_semaphore(%arg14 : memref<!tpu.dma_semaphore, #tpu.memory_space<semaphore_mem>>)
    }
    %scan3A_99 = arith.constant 32 : i32
    %dma_wait3A_100 = arith.constant 6 : i32
    %dma_wait3A_101 = arith.constant 0 : i32
    %dma_wait3A_102 = arith.constant 0 : i32
    %dma_wait3A_103 = tpu.memref_slice %arg11[%dma_wait3A_100, %add3A, %dma_wait3A_101, %dma_wait3A_102] : memref<8x32x512x32xf32, #tpu.memory_space<hbm>> -> memref<1x1x512x32xf32, #tpu.memory_space<hbm>>
    %dma_wait3A_104 = tpu.memref_squeeze %dma_wait3A_103 : memref<1x1x512x32xf32, #tpu.memory_space<hbm>> -> memref<512x32xf32, #tpu.memory_space<hbm>>
    %dma_wait3A_105 = arith.constant 0 : i32
    %dma_wait3A_106 = arith.constant 0 : i32
    %dma_wait3A_107 = tpu.memref_slice %arg11[%dma_wait3A_100, %add3A, %dma_wait3A_105, %dma_wait3A_106] : memref<8x32x512x32xf32, #tpu.memory_space<hbm>> -> memref<1x1x512x32xf32, #tpu.memory_space<hbm>>
    %dma_wait3A_108 = tpu.memref_squeeze %dma_wait3A_107 : memref<1x1x512x32xf32, #tpu.memory_space<hbm>> -> memref<512x32xf32, #tpu.memory_space<hbm>>
    tpu.wait_dma2 semaphore(%arg14 : memref<!tpu.dma_semaphore, #tpu.memory_space<semaphore_mem>>) src(%dma_wait3A_108 : memref<512x32xf32, #tpu.memory_space<hbm>>) dst(%arg13 : memref<512x32xf32, #tpu.memory_space<vmem>>)
    %run_scoped3A_109 = arith.constant 6 : i32
    "tpu.region"() ({
      %run_scoped3A_126 = tpu.sem_alloc : memref<!tpu.dma_semaphore, #tpu.memory_space<semaphore_mem>>
      %dma_start3A = arith.constant 0 : i32
      %dma_start3A_127 = arith.constant 0 : i32
      %dma_start3A_128 = tpu.memref_slice %arg11[%run_scoped3A_109, %add3A, %dma_start3A, %dma_start3A_127] : memref<8x32x512x32xf32, #tpu.memory_space<hbm>> -> memref<1x1x512x32xf32, #tpu.memory_space<hbm>>
      %dma_start3A_129 = tpu.memref_squeeze %dma_start3A_128 : memref<1x1x512x32xf32, #tpu.memory_space<hbm>> -> memref<512x32xf32, #tpu.memory_space<hbm>>
      %dma_start3A_130 = arith.constant 0 : i32
      %dma_start3A_131 = arith.constant 0 : i32
      %dma_start3A_132 = tpu.memref_slice %arg11[%run_scoped3A_109, %add3A, %dma_start3A_130, %dma_start3A_131] : memref<8x32x512x32xf32, #tpu.memory_space<hbm>> -> memref<1x1x512x32xf32, #tpu.memory_space<hbm>>
      %dma_start3A_133 = tpu.memref_squeeze %dma_start3A_132 : memref<1x1x512x32xf32, #tpu.memory_space<hbm>> -> memref<512x32xf32, #tpu.memory_space<hbm>>
      tpu.enqueue_dma source(%arg13 : memref<512x32xf32, #tpu.memory_space<vmem>>) target(%dma_start3A_133 : memref<512x32xf32, #tpu.memory_space<hbm>>) target_semaphore(%run_scoped3A_126 : memref<!tpu.dma_semaphore, #tpu.memory_space<semaphore_mem>>)
      %dma_wait3A_134 = arith.constant 0 : i32
      %dma_wait3A_135 = arith.constant 0 : i32
      %dma_wait3A_136 = tpu.memref_slice %arg11[%run_scoped3A_109, %add3A, %dma_wait3A_134, %dma_wait3A_135] : memref<8x32x512x32xf32, #tpu.memory_space<hbm>> -> memref<1x1x512x32xf32, #tpu.memory_space<hbm>>
      %dma_wait3A_137 = tpu.memref_squeeze %dma_wait3A_136 : memref<1x1x512x32xf32, #tpu.memory_space<hbm>> -> memref<512x32xf32, #tpu.memory_space<hbm>>
      %dma_wait3A_138 = arith.constant 0 : i32
      %dma_wait3A_139 = arith.constant 0 : i32
      %dma_wait3A_140 = tpu.memref_slice %arg11[%run_scoped3A_109, %add3A, %dma_wait3A_138, %dma_wait3A_139] : memref<8x32x512x32xf32, #tpu.memory_space<hbm>> -> memref<1x1x512x32xf32, #tpu.memory_space<hbm>>
      %dma_wait3A_141 = tpu.memref_squeeze %dma_wait3A_140 : memref<1x1x512x32xf32, #tpu.memory_space<hbm>> -> memref<512x32xf32, #tpu.memory_space<hbm>>
      tpu.wait_dma2 semaphore(%run_scoped3A_126 : memref<!tpu.dma_semaphore, #tpu.memory_space<semaphore_mem>>) src(%arg13 : memref<512x32xf32, #tpu.memory_space<vmem>>) dst(%dma_wait3A_141 : memref<512x32xf32, #tpu.memory_space<hbm>>)
      tpu.yield
    }) : () -> ()
    %scan3A_110 = arith.constant 0 : i32
    %scan3A_111 = arith.constant 0 : i32
    %scan3A_112 = arith.constant 32 : i32
    %scan3A_113 = arith.addi %scan3A_111, %scan3A_112 : i32
    %scan3A_114 = arith.constant 1 : i32
    scf.for %scan3A_126 = %scan3A_111 to %scan3A_113 step %scan3A_114  : i32 {
      %mul3A_127 = arith.constant 16 : i32
      %mul3A_128 = arith.muli %scan3A_126, %mul3A_127 : i32
      %get3A = arith.constant 7 : i32
      %get3A_129 = arith.index_cast %get3A : i32 to index
      %get3A_130 = arith.index_cast %mul3A_128 : i32 to index
      %get3A_131 = tpu.vector_load %arg12[%get3A_129, %get3A_130] {strides = array<i32>} : memref<8x512xi32, #tpu.memory_space<vmem>>, vector<1x16xi32>,
      %get3A_132 = vector.shape_cast %get3A_131 : vector<1x16xi32> to vector<16xi32>
      %slice3A = vector.extract_strided_slice %get3A_132 {offsets = [0], sizes = [1], strides = [1]} : vector<16xi32> to vector<1xi32>
      %squeeze3A = vector.extract %slice3A[0] : i32 from vector<1xi32>
      %add3A_133 = arith.constant 0 : i32
      %add3A_134 = arith.addi %mul3A_128, %add3A_133 : i32
      %dma_start3A = arith.constant 0 : i32
      %dma_start3A_135 = tpu.memref_slice %arg13[%add3A_134, %dma_start3A] : memref<512x32xf32, #tpu.memory_space<vmem>> -> memref<1x32xf32, #tpu.memory_space<vmem>>
      %dma_start3A_136 = arith.constant 0 : i32
      %dma_start3A_137 = tpu.memref_slice %arg10[%squeeze3A, %dma_start3A_136] : memref<100000x32xf32, #tpu.memory_space<hbm>> -> memref<1x32xf32, #tpu.memory_space<hbm>>
      %dma_start3A_138 = arith.constant 0 : i32
      %dma_start3A_139 = tpu.memref_slice %arg13[%add3A_134, %dma_start3A_138] : memref<512x32xf32, #tpu.memory_space<vmem>> -> memref<1x32xf32, #tpu.memory_space<vmem>>
      %dma_start3A_140 = arith.constant 0 : i32
      %dma_start3A_141 = tpu.memref_slice %arg10[%squeeze3A, %dma_start3A_140] : memref<100000x32xf32, #tpu.memory_space<hbm>> -> memref<1x32xf32, #tpu.memory_space<hbm>>
      tpu.enqueue_dma source(%dma_start3A_141 : memref<1x32xf32, #tpu.memory_space<hbm>>) target(%dma_start3A_139 : memref<1x32xf32, #tpu.memory_space<vmem>>) target_semaphore(%arg14 : memref<!tpu.dma_semaphore, #tpu.memory_space<semaphore_mem>>)
      %slice3A_142 = vector.extract_strided_slice %get3A_132 {offsets = [1], sizes = [1], strides = [1]} : vector<16xi32> to vector<1xi32>
      %squeeze3A_143 = vector.extract %slice3A_142[0] : i32 from vector<1xi32>
      %add3A_144 = arith.constant 1 : i32
      %add3A_145 = arith.addi %mul3A_128, %add3A_144 : i32
      %dma_start3A_146 = arith.constant 0 : i32
      %dma_start3A_147 = tpu.memref_slice %arg13[%add3A_145, %dma_start3A_146] : memref<512x32xf32, #tpu.memory_space<vmem>> -> memref<1x32xf32, #tpu.memory_space<vmem>>
      %dma_start3A_148 = arith.constant 0 : i32
      %dma_start3A_149 = tpu.memref_slice %arg10[%squeeze3A_143, %dma_start3A_148] : memref<100000x32xf32, #tpu.memory_space<hbm>> -> memref<1x32xf32, #tpu.memory_space<hbm>>
      %dma_start3A_150 = arith.constant 0 : i32
      %dma_start3A_151 = tpu.memref_slice %arg13[%add3A_145, %dma_start3A_150] : memref<512x32xf32, #tpu.memory_space<vmem>> -> memref<1x32xf32, #tpu.memory_space<vmem>>
      %dma_start3A_152 = arith.constant 0 : i32
      %dma_start3A_153 = tpu.memref_slice %arg10[%squeeze3A_143, %dma_start3A_152] : memref<100000x32xf32, #tpu.memory_space<hbm>> -> memref<1x32xf32, #tpu.memory_space<hbm>>
      tpu.enqueue_dma source(%dma_start3A_153 : memref<1x32xf32, #tpu.memory_space<hbm>>) target(%dma_start3A_151 : memref<1x32xf32, #tpu.memory_space<vmem>>) target_semaphore(%arg14 : memref<!tpu.dma_semaphore, #tpu.memory_space<semaphore_mem>>)
      %slice3A_154 = vector.extract_strided_slice %get3A_132 {offsets = [2], sizes = [1], strides = [1]} : vector<16xi32> to vector<1xi32>
      %squeeze3A_155 = vector.extract %slice3A_154[0] : i32 from vector<1xi32>
      %add3A_156 = arith.constant 2 : i32
      %add3A_157 = arith.addi %mul3A_128, %add3A_156 : i32
      %dma_start3A_158 = arith.constant 0 : i32
      %dma_start3A_159 = tpu.memref_slice %arg13[%add3A_157, %dma_start3A_158] : memref<512x32xf32, #tpu.memory_space<vmem>> -> memref<1x32xf32, #tpu.memory_space<vmem>>
      %dma_start3A_160 = arith.constant 0 : i32
      %dma_start3A_161 = tpu.memref_slice %arg10[%squeeze3A_155, %dma_start3A_160] : memref<100000x32xf32, #tpu.memory_space<hbm>> -> memref<1x32xf32, #tpu.memory_space<hbm>>
      %dma_start3A_162 = arith.constant 0 : i32
      %dma_start3A_163 = tpu.memref_slice %arg13[%add3A_157, %dma_start3A_162] : memref<512x32xf32, #tpu.memory_space<vmem>> -> memref<1x32xf32, #tpu.memory_space<vmem>>
      %dma_start3A_164 = arith.constant 0 : i32
      %dma_start3A_165 = tpu.memref_slice %arg10[%squeeze3A_155, %dma_start3A_164] : memref<100000x32xf32, #tpu.memory_space<hbm>> -> memref<1x32xf32, #tpu.memory_space<hbm>>
      tpu.enqueue_dma source(%dma_start3A_165 : memref<1x32xf32, #tpu.memory_space<hbm>>) target(%dma_start3A_163 : memref<1x32xf32, #tpu.memory_space<vmem>>) target_semaphore(%arg14 : memref<!tpu.dma_semaphore, #tpu.memory_space<semaphore_mem>>)
      %slice3A_166 = vector.extract_strided_slice %get3A_132 {offsets = [3], sizes = [1], strides = [1]} : vector<16xi32> to vector<1xi32>
      %squeeze3A_167 = vector.extract %slice3A_166[0] : i32 from vector<1xi32>
      %add3A_168 = arith.constant 3 : i32
      %add3A_169 = arith.addi %mul3A_128, %add3A_168 : i32
      %dma_start3A_170 = arith.constant 0 : i32
      %dma_start3A_171 = tpu.memref_slice %arg13[%add3A_169, %dma_start3A_170] : memref<512x32xf32, #tpu.memory_space<vmem>> -> memref<1x32xf32, #tpu.memory_space<vmem>>
      %dma_start3A_172 = arith.constant 0 : i32
      %dma_start3A_173 = tpu.memref_slice %arg10[%squeeze3A_167, %dma_start3A_172] : memref<100000x32xf32, #tpu.memory_space<hbm>> -> memref<1x32xf32, #tpu.memory_space<hbm>>
      %dma_start3A_174 = arith.constant 0 : i32
      %dma_start3A_175 = tpu.memref_slice %arg13[%add3A_169, %dma_start3A_174] : memref<512x32xf32, #tpu.memory_space<vmem>> -> memref<1x32xf32, #tpu.memory_space<vmem>>
      %dma_start3A_176 = arith.constant 0 : i32
      %dma_start3A_177 = tpu.memref_slice %arg10[%squeeze3A_167, %dma_start3A_176] : memref<100000x32xf32, #tpu.memory_space<hbm>> -> memref<1x32xf32, #tpu.memory_space<hbm>>
      tpu.enqueue_dma source(%dma_start3A_177 : memref<1x32xf32, #tpu.memory_space<hbm>>) target(%dma_start3A_175 : memref<1x32xf32, #tpu.memory_space<vmem>>) target_semaphore(%arg14 : memref<!tpu.dma_semaphore, #tpu.memory_space<semaphore_mem>>)
      %slice3A_178 = vector.extract_strided_slice %get3A_132 {offsets = [4], sizes = [1], strides = [1]} : vector<16xi32> to vector<1xi32>
      %squeeze3A_179 = vector.extract %slice3A_178[0] : i32 from vector<1xi32>
      %add3A_180 = arith.constant 4 : i32
      %add3A_181 = arith.addi %mul3A_128, %add3A_180 : i32
      %dma_start3A_182 = arith.constant 0 : i32
      %dma_start3A_183 = tpu.memref_slice %arg13[%add3A_181, %dma_start3A_182] : memref<512x32xf32, #tpu.memory_space<vmem>> -> memref<1x32xf32, #tpu.memory_space<vmem>>
      %dma_start3A_184 = arith.constant 0 : i32
      %dma_start3A_185 = tpu.memref_slice %arg10[%squeeze3A_179, %dma_start3A_184] : memref<100000x32xf32, #tpu.memory_space<hbm>> -> memref<1x32xf32, #tpu.memory_space<hbm>>
      %dma_start3A_186 = arith.constant 0 : i32
      %dma_start3A_187 = tpu.memref_slice %arg13[%add3A_181, %dma_start3A_186] : memref<512x32xf32, #tpu.memory_space<vmem>> -> memref<1x32xf32, #tpu.memory_space<vmem>>
      %dma_start3A_188 = arith.constant 0 : i32
      %dma_start3A_189 = tpu.memref_slice %arg10[%squeeze3A_179, %dma_start3A_188] : memref<100000x32xf32, #tpu.memory_space<hbm>> -> memref<1x32xf32, #tpu.memory_space<hbm>>
      tpu.enqueue_dma source(%dma_start3A_189 : memref<1x32xf32, #tpu.memory_space<hbm>>) target(%dma_start3A_187 : memref<1x32xf32, #tpu.memory_space<vmem>>) target_semaphore(%arg14 : memref<!tpu.dma_semaphore, #tpu.memory_space<semaphore_mem>>)
      %slice3A_190 = vector.extract_strided_slice %get3A_132 {offsets = [5], sizes = [1], strides = [1]} : vector<16xi32> to vector<1xi32>
      %squeeze3A_191 = vector.extract %slice3A_190[0] : i32 from vector<1xi32>
      %add3A_192 = arith.constant 5 : i32
      %add3A_193 = arith.addi %mul3A_128, %add3A_192 : i32
      %dma_start3A_194 = arith.constant 0 : i32
      %dma_start3A_195 = tpu.memref_slice %arg13[%add3A_193, %dma_start3A_194] : memref<512x32xf32, #tpu.memory_space<vmem>> -> memref<1x32xf32, #tpu.memory_space<vmem>>
      %dma_start3A_196 = arith.constant 0 : i32
      %dma_start3A_197 = tpu.memref_slice %arg10[%squeeze3A_191, %dma_start3A_196] : memref<100000x32xf32, #tpu.memory_space<hbm>> -> memref<1x32xf32, #tpu.memory_space<hbm>>
      %dma_start3A_198 = arith.constant 0 : i32
      %dma_start3A_199 = tpu.memref_slice %arg13[%add3A_193, %dma_start3A_198] : memref<512x32xf32, #tpu.memory_space<vmem>> -> memref<1x32xf32, #tpu.memory_space<vmem>>
      %dma_start3A_200 = arith.constant 0 : i32
      %dma_start3A_201 = tpu.memref_slice %arg10[%squeeze3A_191, %dma_start3A_200] : memref<100000x32xf32, #tpu.memory_space<hbm>> -> memref<1x32xf32, #tpu.memory_space<hbm>>
      tpu.enqueue_dma source(%dma_start3A_201 : memref<1x32xf32, #tpu.memory_space<hbm>>) target(%dma_start3A_199 : memref<1x32xf32, #tpu.memory_space<vmem>>) target_semaphore(%arg14 : memref<!tpu.dma_semaphore, #tpu.memory_space<semaphore_mem>>)
      %slice3A_202 = vector.extract_strided_slice %get3A_132 {offsets = [6], sizes = [1], strides = [1]} : vector<16xi32> to vector<1xi32>
      %squeeze3A_203 = vector.extract %slice3A_202[0] : i32 from vector<1xi32>
      %add3A_204 = arith.constant 6 : i32
      %add3A_205 = arith.addi %mul3A_128, %add3A_204 : i32
      %dma_start3A_206 = arith.constant 0 : i32
      %dma_start3A_207 = tpu.memref_slice %arg13[%add3A_205, %dma_start3A_206] : memref<512x32xf32, #tpu.memory_space<vmem>> -> memref<1x32xf32, #tpu.memory_space<vmem>>
      %dma_start3A_208 = arith.constant 0 : i32
      %dma_start3A_209 = tpu.memref_slice %arg10[%squeeze3A_203, %dma_start3A_208] : memref<100000x32xf32, #tpu.memory_space<hbm>> -> memref<1x32xf32, #tpu.memory_space<hbm>>
      %dma_start3A_210 = arith.constant 0 : i32
      %dma_start3A_211 = tpu.memref_slice %arg13[%add3A_205, %dma_start3A_210] : memref<512x32xf32, #tpu.memory_space<vmem>> -> memref<1x32xf32, #tpu.memory_space<vmem>>
      %dma_start3A_212 = arith.constant 0 : i32
      %dma_start3A_213 = tpu.memref_slice %arg10[%squeeze3A_203, %dma_start3A_212] : memref<100000x32xf32, #tpu.memory_space<hbm>> -> memref<1x32xf32, #tpu.memory_space<hbm>>
      tpu.enqueue_dma source(%dma_start3A_213 : memref<1x32xf32, #tpu.memory_space<hbm>>) target(%dma_start3A_211 : memref<1x32xf32, #tpu.memory_space<vmem>>) target_semaphore(%arg14 : memref<!tpu.dma_semaphore, #tpu.memory_space<semaphore_mem>>)
      %slice3A_214 = vector.extract_strided_slice %get3A_132 {offsets = [7], sizes = [1], strides = [1]} : vector<16xi32> to vector<1xi32>
      %squeeze3A_215 = vector.extract %slice3A_214[0] : i32 from vector<1xi32>
      %add3A_216 = arith.constant 7 : i32
      %add3A_217 = arith.addi %mul3A_128, %add3A_216 : i32
      %dma_start3A_218 = arith.constant 0 : i32
      %dma_start3A_219 = tpu.memref_slice %arg13[%add3A_217, %dma_start3A_218] : memref<512x32xf32, #tpu.memory_space<vmem>> -> memref<1x32xf32, #tpu.memory_space<vmem>>
      %dma_start3A_220 = arith.constant 0 : i32
      %dma_start3A_221 = tpu.memref_slice %arg10[%squeeze3A_215, %dma_start3A_220] : memref<100000x32xf32, #tpu.memory_space<hbm>> -> memref<1x32xf32, #tpu.memory_space<hbm>>
      %dma_start3A_222 = arith.constant 0 : i32
      %dma_start3A_223 = tpu.memref_slice %arg13[%add3A_217, %dma_start3A_222] : memref<512x32xf32, #tpu.memory_space<vmem>> -> memref<1x32xf32, #tpu.memory_space<vmem>>
      %dma_start3A_224 = arith.constant 0 : i32
      %dma_start3A_225 = tpu.memref_slice %arg10[%squeeze3A_215, %dma_start3A_224] : memref<100000x32xf32, #tpu.memory_space<hbm>> -> memref<1x32xf32, #tpu.memory_space<hbm>>
      tpu.enqueue_dma source(%dma_start3A_225 : memref<1x32xf32, #tpu.memory_space<hbm>>) target(%dma_start3A_223 : memref<1x32xf32, #tpu.memory_space<vmem>>) target_semaphore(%arg14 : memref<!tpu.dma_semaphore, #tpu.memory_space<semaphore_mem>>)
      %slice3A_226 = vector.extract_strided_slice %get3A_132 {offsets = [8], sizes = [1], strides = [1]} : vector<16xi32> to vector<1xi32>
      %squeeze3A_227 = vector.extract %slice3A_226[0] : i32 from vector<1xi32>
      %add3A_228 = arith.constant 8 : i32
      %add3A_229 = arith.addi %mul3A_128, %add3A_228 : i32
      %dma_start3A_230 = arith.constant 0 : i32
      %dma_start3A_231 = tpu.memref_slice %arg13[%add3A_229, %dma_start3A_230] : memref<512x32xf32, #tpu.memory_space<vmem>> -> memref<1x32xf32, #tpu.memory_space<vmem>>
      %dma_start3A_232 = arith.constant 0 : i32
      %dma_start3A_233 = tpu.memref_slice %arg10[%squeeze3A_227, %dma_start3A_232] : memref<100000x32xf32, #tpu.memory_space<hbm>> -> memref<1x32xf32, #tpu.memory_space<hbm>>
      %dma_start3A_234 = arith.constant 0 : i32
      %dma_start3A_235 = tpu.memref_slice %arg13[%add3A_229, %dma_start3A_234] : memref<512x32xf32, #tpu.memory_space<vmem>> -> memref<1x32xf32, #tpu.memory_space<vmem>>
      %dma_start3A_236 = arith.constant 0 : i32
      %dma_start3A_237 = tpu.memref_slice %arg10[%squeeze3A_227, %dma_start3A_236] : memref<100000x32xf32, #tpu.memory_space<hbm>> -> memref<1x32xf32, #tpu.memory_space<hbm>>
      tpu.enqueue_dma source(%dma_start3A_237 : memref<1x32xf32, #tpu.memory_space<hbm>>) target(%dma_start3A_235 : memref<1x32xf32, #tpu.memory_space<vmem>>) target_semaphore(%arg14 : memref<!tpu.dma_semaphore, #tpu.memory_space<semaphore_mem>>)
      %slice3A_238 = vector.extract_strided_slice %get3A_132 {offsets = [9], sizes = [1], strides = [1]} : vector<16xi32> to vector<1xi32>
      %squeeze3A_239 = vector.extract %slice3A_238[0] : i32 from vector<1xi32>
      %add3A_240 = arith.constant 9 : i32
      %add3A_241 = arith.addi %mul3A_128, %add3A_240 : i32
      %dma_start3A_242 = arith.constant 0 : i32
      %dma_start3A_243 = tpu.memref_slice %arg13[%add3A_241, %dma_start3A_242] : memref<512x32xf32, #tpu.memory_space<vmem>> -> memref<1x32xf32, #tpu.memory_space<vmem>>
      %dma_start3A_244 = arith.constant 0 : i32
      %dma_start3A_245 = tpu.memref_slice %arg10[%squeeze3A_239, %dma_start3A_244] : memref<100000x32xf32, #tpu.memory_space<hbm>> -> memref<1x32xf32, #tpu.memory_space<hbm>>
      %dma_start3A_246 = arith.constant 0 : i32
      %dma_start3A_247 = tpu.memref_slice %arg13[%add3A_241, %dma_start3A_246] : memref<512x32xf32, #tpu.memory_space<vmem>> -> memref<1x32xf32, #tpu.memory_space<vmem>>
      %dma_start3A_248 = arith.constant 0 : i32
      %dma_start3A_249 = tpu.memref_slice %arg10[%squeeze3A_239, %dma_start3A_248] : memref<100000x32xf32, #tpu.memory_space<hbm>> -> memref<1x32xf32, #tpu.memory_space<hbm>>
      tpu.enqueue_dma source(%dma_start3A_249 : memref<1x32xf32, #tpu.memory_space<hbm>>) target(%dma_start3A_247 : memref<1x32xf32, #tpu.memory_space<vmem>>) target_semaphore(%arg14 : memref<!tpu.dma_semaphore, #tpu.memory_space<semaphore_mem>>)
      %slice3A_250 = vector.extract_strided_slice %get3A_132 {offsets = [10], sizes = [1], strides = [1]} : vector<16xi32> to vector<1xi32>
      %squeeze3A_251 = vector.extract %slice3A_250[0] : i32 from vector<1xi32>
      %add3A_252 = arith.constant 10 : i32
      %add3A_253 = arith.addi %mul3A_128, %add3A_252 : i32
      %dma_start3A_254 = arith.constant 0 : i32
      %dma_start3A_255 = tpu.memref_slice %arg13[%add3A_253, %dma_start3A_254] : memref<512x32xf32, #tpu.memory_space<vmem>> -> memref<1x32xf32, #tpu.memory_space<vmem>>
      %dma_start3A_256 = arith.constant 0 : i32
      %dma_start3A_257 = tpu.memref_slice %arg10[%squeeze3A_251, %dma_start3A_256] : memref<100000x32xf32, #tpu.memory_space<hbm>> -> memref<1x32xf32, #tpu.memory_space<hbm>>
      %dma_start3A_258 = arith.constant 0 : i32
      %dma_start3A_259 = tpu.memref_slice %arg13[%add3A_253, %dma_start3A_258] : memref<512x32xf32, #tpu.memory_space<vmem>> -> memref<1x32xf32, #tpu.memory_space<vmem>>
      %dma_start3A_260 = arith.constant 0 : i32
      %dma_start3A_261 = tpu.memref_slice %arg10[%squeeze3A_251, %dma_start3A_260] : memref<100000x32xf32, #tpu.memory_space<hbm>> -> memref<1x32xf32, #tpu.memory_space<hbm>>
      tpu.enqueue_dma source(%dma_start3A_261 : memref<1x32xf32, #tpu.memory_space<hbm>>) target(%dma_start3A_259 : memref<1x32xf32, #tpu.memory_space<vmem>>) target_semaphore(%arg14 : memref<!tpu.dma_semaphore, #tpu.memory_space<semaphore_mem>>)
      %slice3A_262 = vector.extract_strided_slice %get3A_132 {offsets = [11], sizes = [1], strides = [1]} : vector<16xi32> to vector<1xi32>
      %squeeze3A_263 = vector.extract %slice3A_262[0] : i32 from vector<1xi32>
      %add3A_264 = arith.constant 11 : i32
      %add3A_265 = arith.addi %mul3A_128, %add3A_264 : i32
      %dma_start3A_266 = arith.constant 0 : i32
      %dma_start3A_267 = tpu.memref_slice %arg13[%add3A_265, %dma_start3A_266] : memref<512x32xf32, #tpu.memory_space<vmem>> -> memref<1x32xf32, #tpu.memory_space<vmem>>
      %dma_start3A_268 = arith.constant 0 : i32
      %dma_start3A_269 = tpu.memref_slice %arg10[%squeeze3A_263, %dma_start3A_268] : memref<100000x32xf32, #tpu.memory_space<hbm>> -> memref<1x32xf32, #tpu.memory_space<hbm>>
      %dma_start3A_270 = arith.constant 0 : i32
      %dma_start3A_271 = tpu.memref_slice %arg13[%add3A_265, %dma_start3A_270] : memref<512x32xf32, #tpu.memory_space<vmem>> -> memref<1x32xf32, #tpu.memory_space<vmem>>
      %dma_start3A_272 = arith.constant 0 : i32
      %dma_start3A_273 = tpu.memref_slice %arg10[%squeeze3A_263, %dma_start3A_272] : memref<100000x32xf32, #tpu.memory_space<hbm>> -> memref<1x32xf32, #tpu.memory_space<hbm>>
      tpu.enqueue_dma source(%dma_start3A_273 : memref<1x32xf32, #tpu.memory_space<hbm>>) target(%dma_start3A_271 : memref<1x32xf32, #tpu.memory_space<vmem>>) target_semaphore(%arg14 : memref<!tpu.dma_semaphore, #tpu.memory_space<semaphore_mem>>)
      %slice3A_274 = vector.extract_strided_slice %get3A_132 {offsets = [12], sizes = [1], strides = [1]} : vector<16xi32> to vector<1xi32>
      %squeeze3A_275 = vector.extract %slice3A_274[0] : i32 from vector<1xi32>
      %add3A_276 = arith.constant 12 : i32
      %add3A_277 = arith.addi %mul3A_128, %add3A_276 : i32
      %dma_start3A_278 = arith.constant 0 : i32
      %dma_start3A_279 = tpu.memref_slice %arg13[%add3A_277, %dma_start3A_278] : memref<512x32xf32, #tpu.memory_space<vmem>> -> memref<1x32xf32, #tpu.memory_space<vmem>>
      %dma_start3A_280 = arith.constant 0 : i32
      %dma_start3A_281 = tpu.memref_slice %arg10[%squeeze3A_275, %dma_start3A_280] : memref<100000x32xf32, #tpu.memory_space<hbm>> -> memref<1x32xf32, #tpu.memory_space<hbm>>
      %dma_start3A_282 = arith.constant 0 : i32
      %dma_start3A_283 = tpu.memref_slice %arg13[%add3A_277, %dma_start3A_282] : memref<512x32xf32, #tpu.memory_space<vmem>> -> memref<1x32xf32, #tpu.memory_space<vmem>>
      %dma_start3A_284 = arith.constant 0 : i32
      %dma_start3A_285 = tpu.memref_slice %arg10[%squeeze3A_275, %dma_start3A_284] : memref<100000x32xf32, #tpu.memory_space<hbm>> -> memref<1x32xf32, #tpu.memory_space<hbm>>
      tpu.enqueue_dma source(%dma_start3A_285 : memref<1x32xf32, #tpu.memory_space<hbm>>) target(%dma_start3A_283 : memref<1x32xf32, #tpu.memory_space<vmem>>) target_semaphore(%arg14 : memref<!tpu.dma_semaphore, #tpu.memory_space<semaphore_mem>>)
      %slice3A_286 = vector.extract_strided_slice %get3A_132 {offsets = [13], sizes = [1], strides = [1]} : vector<16xi32> to vector<1xi32>
      %squeeze3A_287 = vector.extract %slice3A_286[0] : i32 from vector<1xi32>
      %add3A_288 = arith.constant 13 : i32
      %add3A_289 = arith.addi %mul3A_128, %add3A_288 : i32
      %dma_start3A_290 = arith.constant 0 : i32
      %dma_start3A_291 = tpu.memref_slice %arg13[%add3A_289, %dma_start3A_290] : memref<512x32xf32, #tpu.memory_space<vmem>> -> memref<1x32xf32, #tpu.memory_space<vmem>>
      %dma_start3A_292 = arith.constant 0 : i32
      %dma_start3A_293 = tpu.memref_slice %arg10[%squeeze3A_287, %dma_start3A_292] : memref<100000x32xf32, #tpu.memory_space<hbm>> -> memref<1x32xf32, #tpu.memory_space<hbm>>
      %dma_start3A_294 = arith.constant 0 : i32
      %dma_start3A_295 = tpu.memref_slice %arg13[%add3A_289, %dma_start3A_294] : memref<512x32xf32, #tpu.memory_space<vmem>> -> memref<1x32xf32, #tpu.memory_space<vmem>>
      %dma_start3A_296 = arith.constant 0 : i32
      %dma_start3A_297 = tpu.memref_slice %arg10[%squeeze3A_287, %dma_start3A_296] : memref<100000x32xf32, #tpu.memory_space<hbm>> -> memref<1x32xf32, #tpu.memory_space<hbm>>
      tpu.enqueue_dma source(%dma_start3A_297 : memref<1x32xf32, #tpu.memory_space<hbm>>) target(%dma_start3A_295 : memref<1x32xf32, #tpu.memory_space<vmem>>) target_semaphore(%arg14 : memref<!tpu.dma_semaphore, #tpu.memory_space<semaphore_mem>>)
      %slice3A_298 = vector.extract_strided_slice %get3A_132 {offsets = [14], sizes = [1], strides = [1]} : vector<16xi32> to vector<1xi32>
      %squeeze3A_299 = vector.extract %slice3A_298[0] : i32 from vector<1xi32>
      %add3A_300 = arith.constant 14 : i32
      %add3A_301 = arith.addi %mul3A_128, %add3A_300 : i32
      %dma_start3A_302 = arith.constant 0 : i32
      %dma_start3A_303 = tpu.memref_slice %arg13[%add3A_301, %dma_start3A_302] : memref<512x32xf32, #tpu.memory_space<vmem>> -> memref<1x32xf32, #tpu.memory_space<vmem>>
      %dma_start3A_304 = arith.constant 0 : i32
      %dma_start3A_305 = tpu.memref_slice %arg10[%squeeze3A_299, %dma_start3A_304] : memref<100000x32xf32, #tpu.memory_space<hbm>> -> memref<1x32xf32, #tpu.memory_space<hbm>>
      %dma_start3A_306 = arith.constant 0 : i32
      %dma_start3A_307 = tpu.memref_slice %arg13[%add3A_301, %dma_start3A_306] : memref<512x32xf32, #tpu.memory_space<vmem>> -> memref<1x32xf32, #tpu.memory_space<vmem>>
      %dma_start3A_308 = arith.constant 0 : i32
      %dma_start3A_309 = tpu.memref_slice %arg10[%squeeze3A_299, %dma_start3A_308] : memref<100000x32xf32, #tpu.memory_space<hbm>> -> memref<1x32xf32, #tpu.memory_space<hbm>>
      tpu.enqueue_dma source(%dma_start3A_309 : memref<1x32xf32, #tpu.memory_space<hbm>>) target(%dma_start3A_307 : memref<1x32xf32, #tpu.memory_space<vmem>>) target_semaphore(%arg14 : memref<!tpu.dma_semaphore, #tpu.memory_space<semaphore_mem>>)
      %slice3A_310 = vector.extract_strided_slice %get3A_132 {offsets = [15], sizes = [1], strides = [1]} : vector<16xi32> to vector<1xi32>
      %squeeze3A_311 = vector.extract %slice3A_310[0] : i32 from vector<1xi32>
      %add3A_312 = arith.constant 15 : i32
      %add3A_313 = arith.addi %mul3A_128, %add3A_312 : i32
      %dma_start3A_314 = arith.constant 0 : i32
      %dma_start3A_315 = tpu.memref_slice %arg13[%add3A_313, %dma_start3A_314] : memref<512x32xf32, #tpu.memory_space<vmem>> -> memref<1x32xf32, #tpu.memory_space<vmem>>
      %dma_start3A_316 = arith.constant 0 : i32
      %dma_start3A_317 = tpu.memref_slice %arg10[%squeeze3A_311, %dma_start3A_316] : memref<100000x32xf32, #tpu.memory_space<hbm>> -> memref<1x32xf32, #tpu.memory_space<hbm>>
      %dma_start3A_318 = arith.constant 0 : i32
      %dma_start3A_319 = tpu.memref_slice %arg13[%add3A_313, %dma_start3A_318] : memref<512x32xf32, #tpu.memory_space<vmem>> -> memref<1x32xf32, #tpu.memory_space<vmem>>
      %dma_start3A_320 = arith.constant 0 : i32
      %dma_start3A_321 = tpu.memref_slice %arg10[%squeeze3A_311, %dma_start3A_320] : memref<100000x32xf32, #tpu.memory_space<hbm>> -> memref<1x32xf32, #tpu.memory_space<hbm>>
      tpu.enqueue_dma source(%dma_start3A_321 : memref<1x32xf32, #tpu.memory_space<hbm>>) target(%dma_start3A_319 : memref<1x32xf32, #tpu.memory_space<vmem>>) target_semaphore(%arg14 : memref<!tpu.dma_semaphore, #tpu.memory_space<semaphore_mem>>)
    }
    %scan3A_115 = arith.constant 32 : i32
    %dma_wait3A_116 = arith.constant 7 : i32
    %dma_wait3A_117 = arith.constant 0 : i32
    %dma_wait3A_118 = arith.constant 0 : i32
    %dma_wait3A_119 = tpu.memref_slice %arg11[%dma_wait3A_116, %add3A, %dma_wait3A_117, %dma_wait3A_118] : memref<8x32x512x32xf32, #tpu.memory_space<hbm>> -> memref<1x1x512x32xf32, #tpu.memory_space<hbm>>
    %dma_wait3A_120 = tpu.memref_squeeze %dma_wait3A_119 : memref<1x1x512x32xf32, #tpu.memory_space<hbm>> -> memref<512x32xf32, #tpu.memory_space<hbm>>
    %dma_wait3A_121 = arith.constant 0 : i32
    %dma_wait3A_122 = arith.constant 0 : i32
    %dma_wait3A_123 = tpu.memref_slice %arg11[%dma_wait3A_116, %add3A, %dma_wait3A_121, %dma_wait3A_122] : memref<8x32x512x32xf32, #tpu.memory_space<hbm>> -> memref<1x1x512x32xf32, #tpu.memory_space<hbm>>
    %dma_wait3A_124 = tpu.memref_squeeze %dma_wait3A_123 : memref<1x1x512x32xf32, #tpu.memory_space<hbm>> -> memref<512x32xf32, #tpu.memory_space<hbm>>
    tpu.wait_dma2 semaphore(%arg14 : memref<!tpu.dma_semaphore, #tpu.memory_space<semaphore_mem>>) src(%dma_wait3A_124 : memref<512x32xf32, #tpu.memory_space<hbm>>) dst(%arg13 : memref<512x32xf32, #tpu.memory_space<vmem>>)
    %run_scoped3A_125 = arith.constant 7 : i32
    "tpu.region"() ({
      %run_scoped3A_126 = tpu.sem_alloc : memref<!tpu.dma_semaphore, #tpu.memory_space<semaphore_mem>>
      %dma_start3A = arith.constant 0 : i32
      %dma_start3A_127 = arith.constant 0 : i32
      %dma_start3A_128 = tpu.memref_slice %arg11[%run_scoped3A_125, %add3A, %dma_start3A, %dma_start3A_127] : memref<8x32x512x32xf32, #tpu.memory_space<hbm>> -> memref<1x1x512x32xf32, #tpu.memory_space<hbm>>
      %dma_start3A_129 = tpu.memref_squeeze %dma_start3A_128 : memref<1x1x512x32xf32, #tpu.memory_space<hbm>> -> memref<512x32xf32, #tpu.memory_space<hbm>>
      %dma_start3A_130 = arith.constant 0 : i32
      %dma_start3A_131 = arith.constant 0 : i32
      %dma_start3A_132 = tpu.memref_slice %arg11[%run_scoped3A_125, %add3A, %dma_start3A_130, %dma_start3A_131] : memref<8x32x512x32xf32, #tpu.memory_space<hbm>> -> memref<1x1x512x32xf32, #tpu.memory_space<hbm>>
      %dma_start3A_133 = tpu.memref_squeeze %dma_start3A_132 : memref<1x1x512x32xf32, #tpu.memory_space<hbm>> -> memref<512x32xf32, #tpu.memory_space<hbm>>
      tpu.enqueue_dma source(%arg13 : memref<512x32xf32, #tpu.memory_space<vmem>>) target(%dma_start3A_133 : memref<512x32xf32, #tpu.memory_space<hbm>>) target_semaphore(%run_scoped3A_126 : memref<!tpu.dma_semaphore, #tpu.memory_space<semaphore_mem>>)
      %dma_wait3A_134 = arith.constant 0 : i32
      %dma_wait3A_135 = arith.constant 0 : i32
      %dma_wait3A_136 = tpu.memref_slice %arg11[%run_scoped3A_125, %add3A, %dma_wait3A_134, %dma_wait3A_135] : memref<8x32x512x32xf32, #tpu.memory_space<hbm>> -> memref<1x1x512x32xf32, #tpu.memory_space<hbm>>
      %dma_wait3A_137 = tpu.memref_squeeze %dma_wait3A_136 : memref<1x1x512x32xf32, #tpu.memory_space<hbm>> -> memref<512x32xf32, #tpu.memory_space<hbm>>
      %dma_wait3A_138 = arith.constant 0 : i32
      %dma_wait3A_139 = arith.constant 0 : i32
      %dma_wait3A_140 = tpu.memref_slice %arg11[%run_scoped3A_125, %add3A, %dma_wait3A_138, %dma_wait3A_139] : memref<8x32x512x32xf32, #tpu.memory_space<hbm>> -> memref<1x1x512x32xf32, #tpu.memory_space<hbm>>
      %dma_wait3A_141 = tpu.memref_squeeze %dma_wait3A_140 : memref<1x1x512x32xf32, #tpu.memory_space<hbm>> -> memref<512x32xf32, #tpu.memory_space<hbm>>
      tpu.wait_dma2 semaphore(%run_scoped3A_126 : memref<!tpu.dma_semaphore, #tpu.memory_space<semaphore_mem>>) src(%arg13 : memref<512x32xf32, #tpu.memory_space<vmem>>) dst(%dma_wait3A_141 : memref<512x32xf32, #tpu.memory_space<hbm>>)
      tpu.yield
    }) : () -> ()
    return
  }
}

module attributes {stable_mosaic.version = 14 : i64} {
  func.func @_mlp_body(%arg0: i32, %arg1: memref<8x2048x32xf32, #tpu.memory_space<vmem>>, %arg2: memref<2048x2xf32, #tpu.memory_space<vmem>>, %arg3: memref<2048x3xi32, #tpu.memory_space<vmem>>, %arg4: memref<194x128xf32, #tpu.memory_space<vmem>>, %arg5: memref<128xf32, #tpu.memory_space<vmem>>, %arg6: memref<128x64xf32, #tpu.memory_space<vmem>>, %arg7: memref<64xf32, #tpu.memory_space<vmem>>, %arg8: memref<64x32xf32, #tpu.memory_space<vmem>>, %arg9: memref<32xf32, #tpu.memory_space<vmem>>, %arg10: memref<64x1xf32, #tpu.memory_space<vmem>>, %arg11: memref<1xf32, #tpu.memory_space<vmem>>, %arg12: memref<2048x1xf32, #tpu.memory_space<vmem>>) attributes {dimension_semantics = [#tpu.dimension_semantics<arbitrary>], iteration_bounds = array<i64: 8>, scalar_prefetch = 0 : i64, scratch_operands = 0 : i64, tpu.core_type = #tpu.core_type<tc>, window_params = [{transform_indices = @transform_0, window_bounds = array<i64: 8, 2048, 32>}, {transform_indices = @transform_1, window_bounds = array<i64: 2048, 2>}, {transform_indices = @transform_2, window_bounds = array<i64: 2048, 3>}, {pipeline_mode = #tpu.pipeline_mode<synchronous>, transform_indices = @transform_3, window_bounds = array<i64: 194, 128>}, {pipeline_mode = #tpu.pipeline_mode<synchronous>, transform_indices = @transform_4, window_bounds = array<i64: 128>}, {pipeline_mode = #tpu.pipeline_mode<synchronous>, transform_indices = @transform_5, window_bounds = array<i64: 128, 64>}, {pipeline_mode = #tpu.pipeline_mode<synchronous>, transform_indices = @transform_6, window_bounds = array<i64: 64>}, {pipeline_mode = #tpu.pipeline_mode<synchronous>, transform_indices = @transform_7, window_bounds = array<i64: 64, 32>}, {pipeline_mode = #tpu.pipeline_mode<synchronous>, transform_indices = @transform_8, window_bounds = array<i64: 32>}, {pipeline_mode = #tpu.pipeline_mode<synchronous>, transform_indices = @transform_9, window_bounds = array<i64: 64, 1>}, {pipeline_mode = #tpu.pipeline_mode<synchronous>, transform_indices = @transform_10, window_bounds = array<i64: 1>}, {transform_indices = @transform_11, window_bounds = array<i64: 2048, 1>}]} {
    %get3A = arith.constant 0 : index
    %get3A_0 = arith.constant 0 : index
    %get3A_1 = arith.constant 0 : index
    %get3A_2 = vector.load %arg1[%get3A, %get3A_0, %get3A_1] : memref<8x2048x32xf32, #tpu.memory_space<vmem>>, vector<8x2048x32xf32>
    %get3A_3 = arith.constant 0 : index
    %get3A_4 = arith.constant 0 : index
    %get3A_5 = vector.load %arg3[%get3A_3, %get3A_4] : memref<2048x3xi32, #tpu.memory_space<vmem>>, vector<2048x3xi32>
    %get3A_6 = arith.constant 0 : index
    %get3A_7 = arith.constant 0 : index
    %get3A_8 = vector.load %arg4[%get3A_6, %get3A_7] : memref<194x128xf32, #tpu.memory_space<vmem>>, vector<194x128xf32>
    %slice3A = vector.extract_strided_slice %get3A_2 {offsets = [0, 0, 0], sizes = [1, 2048, 32], strides = [1, 1, 1]} : vector<8x2048x32xf32> to vector<1x2048x32xf32>
    %squeeze3A = vector.shape_cast %slice3A : vector<1x2048x32xf32> to vector<2048x32xf32>
    %slice3A_9 = vector.extract_strided_slice %get3A_2 {offsets = [1, 0, 0], sizes = [1, 2048, 32], strides = [1, 1, 1]} : vector<8x2048x32xf32> to vector<1x2048x32xf32>
    %squeeze3A_10 = vector.shape_cast %slice3A_9 : vector<1x2048x32xf32> to vector<2048x32xf32>
    %mul3A = arith.mulf %squeeze3A, %squeeze3A_10 : vector<2048x32xf32>
    %slice3A_11 = vector.extract_strided_slice %get3A_2 {offsets = [2, 0, 0], sizes = [1, 2048, 32], strides = [1, 1, 1]} : vector<8x2048x32xf32> to vector<1x2048x32xf32>
    %squeeze3A_12 = vector.shape_cast %slice3A_11 : vector<1x2048x32xf32> to vector<2048x32xf32>
    %slice3A_13 = vector.extract_strided_slice %get3A_8 {offsets = [0, 0], sizes = [32, 128], strides = [1, 1]} : vector<194x128xf32> to vector<32x128xf32>
    %dot_general3A = arith.constant dense<0.000000e+00> : vector<2048x128xf32>
    %dot_general3A_14 = tpu.matmul %squeeze3A_12, %slice3A_13, %dot_general3A {dimension_numbers = #tpu.dot_dimension_numbers<[1], [0], [0], [1], [0, 0, 1, 1], [], []>, transpose_lhs_hint = false} : vector<2048x32xf32>, vector<32x128xf32>, vector<2048x128xf32> -> vector<2048x128xf32>
    %slice3A_15 = vector.extract_strided_slice %get3A_2 {offsets = [3, 0, 0], sizes = [1, 2048, 32], strides = [1, 1, 1]} : vector<8x2048x32xf32> to vector<1x2048x32xf32>
    %squeeze3A_16 = vector.shape_cast %slice3A_15 : vector<1x2048x32xf32> to vector<2048x32xf32>
    %slice3A_17 = vector.extract_strided_slice %get3A_8 {offsets = [32, 0], sizes = [32, 128], strides = [1, 1]} : vector<194x128xf32> to vector<32x128xf32>
    %dot_general3A_18 = arith.constant dense<0.000000e+00> : vector<2048x128xf32>
    %dot_general3A_19 = tpu.matmul %squeeze3A_16, %slice3A_17, %dot_general3A_18 {dimension_numbers = #tpu.dot_dimension_numbers<[1], [0], [0], [1], [0, 0, 1, 1], [], []>, transpose_lhs_hint = false} : vector<2048x32xf32>, vector<32x128xf32>, vector<2048x128xf32> -> vector<2048x128xf32>
    %add3A = arith.addf %dot_general3A_14, %dot_general3A_19 : vector<2048x128xf32>
    %slice3A_20 = vector.extract_strided_slice %get3A_2 {offsets = [4, 0, 0], sizes = [1, 2048, 32], strides = [1, 1, 1]} : vector<8x2048x32xf32> to vector<1x2048x32xf32>
    %squeeze3A_21 = vector.shape_cast %slice3A_20 : vector<1x2048x32xf32> to vector<2048x32xf32>
    %slice3A_22 = vector.extract_strided_slice %get3A_8 {offsets = [64, 0], sizes = [32, 128], strides = [1, 1]} : vector<194x128xf32> to vector<32x128xf32>
    %dot_general3A_23 = arith.constant dense<0.000000e+00> : vector<2048x128xf32>
    %dot_general3A_24 = tpu.matmul %squeeze3A_21, %slice3A_22, %dot_general3A_23 {dimension_numbers = #tpu.dot_dimension_numbers<[1], [0], [0], [1], [0, 0, 1, 1], [], []>, transpose_lhs_hint = false} : vector<2048x32xf32>, vector<32x128xf32>, vector<2048x128xf32> -> vector<2048x128xf32>
    %add3A_25 = arith.addf %add3A, %dot_general3A_24 : vector<2048x128xf32>
    %slice3A_26 = vector.extract_strided_slice %get3A_5 {offsets = [0, 0], sizes = [2048, 1], strides = [1, 1]} : vector<2048x3xi32> to vector<2048x1xi32>
    %ne3A = arith.constant 0 : i32
    %ne3A_27 = vector.broadcast %ne3A : i32 to vector<2048x1xi32>
    %ne3A_28 = arith.cmpi ne, %slice3A_26, %ne3A_27 : vector<2048x1xi32>
    %convert_element_type3A = arith.extui %ne3A_28 : vector<2048x1xi1> to vector<2048x1xi32>
    %convert_element_type3A_29 = arith.sitofp %convert_element_type3A : vector<2048x1xi32> to vector<2048x1xf32>
    %slice3A_30 = vector.extract_strided_slice %get3A_2 {offsets = [5, 0, 0], sizes = [1, 2048, 32], strides = [1, 1, 1]} : vector<8x2048x32xf32> to vector<1x2048x32xf32>
    %squeeze3A_31 = vector.shape_cast %slice3A_30 : vector<1x2048x32xf32> to vector<2048x32xf32>
    %mul3A_32 = vector.broadcast %convert_element_type3A_29 : vector<2048x1xf32> to vector<2048x32xf32>
    %mul3A_33 = arith.mulf %squeeze3A_31, %mul3A_32 : vector<2048x32xf32>
    %slice3A_34 = vector.extract_strided_slice %get3A_8 {offsets = [96, 0], sizes = [32, 128], strides = [1, 1]} : vector<194x128xf32> to vector<32x128xf32>
    %dot_general3A_35 = arith.constant dense<0.000000e+00> : vector<2048x128xf32>
    %dot_general3A_36 = tpu.matmul %mul3A_33, %slice3A_34, %dot_general3A_35 {dimension_numbers = #tpu.dot_dimension_numbers<[1], [0], [0], [1], [0, 0, 1, 1], [], []>, transpose_lhs_hint = false} : vector<2048x32xf32>, vector<32x128xf32>, vector<2048x128xf32> -> vector<2048x128xf32>
    %add3A_37 = arith.addf %add3A_25, %dot_general3A_36 : vector<2048x128xf32>
    %slice3A_38 = vector.extract_strided_slice %get3A_5 {offsets = [0, 1], sizes = [2048, 1], strides = [1, 1]} : vector<2048x3xi32> to vector<2048x1xi32>
    %ne3A_39 = arith.constant 0 : i32
    %ne3A_40 = vector.broadcast %ne3A_39 : i32 to vector<2048x1xi32>
    %ne3A_41 = arith.cmpi ne, %slice3A_38, %ne3A_40 : vector<2048x1xi32>
    %convert_element_type3A_42 = arith.extui %ne3A_41 : vector<2048x1xi1> to vector<2048x1xi32>
    %convert_element_type3A_43 = arith.sitofp %convert_element_type3A_42 : vector<2048x1xi32> to vector<2048x1xf32>
    %slice3A_44 = vector.extract_strided_slice %get3A_2 {offsets = [6, 0, 0], sizes = [1, 2048, 32], strides = [1, 1, 1]} : vector<8x2048x32xf32> to vector<1x2048x32xf32>
    %squeeze3A_45 = vector.shape_cast %slice3A_44 : vector<1x2048x32xf32> to vector<2048x32xf32>
    %mul3A_46 = vector.broadcast %convert_element_type3A_43 : vector<2048x1xf32> to vector<2048x32xf32>
    %mul3A_47 = arith.mulf %squeeze3A_45, %mul3A_46 : vector<2048x32xf32>
    %slice3A_48 = vector.extract_strided_slice %get3A_8 {offsets = [128, 0], sizes = [32, 128], strides = [1, 1]} : vector<194x128xf32> to vector<32x128xf32>
    %dot_general3A_49 = arith.constant dense<0.000000e+00> : vector<2048x128xf32>
    %dot_general3A_50 = tpu.matmul %mul3A_47, %slice3A_48, %dot_general3A_49 {dimension_numbers = #tpu.dot_dimension_numbers<[1], [0], [0], [1], [0, 0, 1, 1], [], []>, transpose_lhs_hint = false} : vector<2048x32xf32>, vector<32x128xf32>, vector<2048x128xf32> -> vector<2048x128xf32>
    %add3A_51 = arith.addf %add3A_37, %dot_general3A_50 : vector<2048x128xf32>
    %slice3A_52 = vector.extract_strided_slice %get3A_5 {offsets = [0, 2], sizes = [2048, 1], strides = [1, 1]} : vector<2048x3xi32> to vector<2048x1xi32>
    %ne3A_53 = arith.constant 0 : i32
    %ne3A_54 = vector.broadcast %ne3A_53 : i32 to vector<2048x1xi32>
    %ne3A_55 = arith.cmpi ne, %slice3A_52, %ne3A_54 : vector<2048x1xi32>
    %convert_element_type3A_56 = arith.extui %ne3A_55 : vector<2048x1xi1> to vector<2048x1xi32>
    %convert_element_type3A_57 = arith.sitofp %convert_element_type3A_56 : vector<2048x1xi32> to vector<2048x1xf32>
    %slice3A_58 = vector.extract_strided_slice %get3A_2 {offsets = [7, 0, 0], sizes = [1, 2048, 32], strides = [1, 1, 1]} : vector<8x2048x32xf32> to vector<1x2048x32xf32>
    %squeeze3A_59 = vector.shape_cast %slice3A_58 : vector<1x2048x32xf32> to vector<2048x32xf32>
    %mul3A_60 = vector.broadcast %convert_element_type3A_57 : vector<2048x1xf32> to vector<2048x32xf32>
    %mul3A_61 = arith.mulf %squeeze3A_59, %mul3A_60 : vector<2048x32xf32>
    %slice3A_62 = vector.extract_strided_slice %get3A_8 {offsets = [160, 0], sizes = [32, 128], strides = [1, 1]} : vector<194x128xf32> to vector<32x128xf32>
    %dot_general3A_63 = arith.constant dense<0.000000e+00> : vector<2048x128xf32>
    %dot_general3A_64 = tpu.matmul %mul3A_61, %slice3A_62, %dot_general3A_63 {dimension_numbers = #tpu.dot_dimension_numbers<[1], [0], [0], [1], [0, 0, 1, 1], [], []>, transpose_lhs_hint = false} : vector<2048x32xf32>, vector<32x128xf32>, vector<2048x128xf32> -> vector<2048x128xf32>
    %add3A_65 = arith.addf %add3A_51, %dot_general3A_64 : vector<2048x128xf32>
    %get3A_66 = arith.constant 0 : index
    %get3A_67 = arith.constant 0 : index
    %get3A_68 = vector.load %arg2[%get3A_66, %get3A_67] : memref<2048x2xf32, #tpu.memory_space<vmem>>, vector<2048x2xf32>
    %slice3A_69 = vector.extract_strided_slice %get3A_8 {offsets = [192, 0], sizes = [2, 128], strides = [1, 1]} : vector<194x128xf32> to vector<2x128xf32>
    %dot_general3A_70 = arith.constant dense<0.000000e+00> : vector<2048x128xf32>
    %dot_general3A_71 = tpu.matmul %get3A_68, %slice3A_69, %dot_general3A_70 {dimension_numbers = #tpu.dot_dimension_numbers<[1], [0], [0], [1], [0, 0, 1, 1], [], []>, transpose_lhs_hint = false} : vector<2048x2xf32>, vector<2x128xf32>, vector<2048x128xf32> -> vector<2048x128xf32>
    %add3A_72 = arith.addf %add3A_65, %dot_general3A_71 : vector<2048x128xf32>
    %get3A_73 = arith.constant 0 : index
    %get3A_74 = vector.load %arg5[%get3A_73] : memref<128xf32, #tpu.memory_space<vmem>>, vector<128xf32>
    %broadcast_in_dim3A = vector.shape_cast %get3A_74 : vector<128xf32> to vector<1x128xf32>
    %add3A_75 = vector.broadcast %broadcast_in_dim3A : vector<1x128xf32> to vector<2048x128xf32>
    %add3A_76 = arith.addf %add3A_72, %add3A_75 : vector<2048x128xf32>
    %max3A = arith.constant 0.000000e+00 : f32
    %max3A_77 = vector.broadcast %max3A : f32 to vector<2048x128xf32>
    %max3A_78 = arith.maximumf %add3A_76, %max3A_77 : vector<2048x128xf32>
    %get3A_79 = arith.constant 0 : index
    %get3A_80 = arith.constant 0 : index
    %get3A_81 = vector.load %arg6[%get3A_79, %get3A_80] : memref<128x64xf32, #tpu.memory_space<vmem>>, vector<128x64xf32>
    %dot_general3A_82 = arith.constant dense<0.000000e+00> : vector<2048x64xf32>
    %dot_general3A_83 = tpu.matmul %max3A_78, %get3A_81, %dot_general3A_82 {dimension_numbers = #tpu.dot_dimension_numbers<[1], [0], [0], [1], [0, 0, 1, 1], [], []>, transpose_lhs_hint = false} : vector<2048x128xf32>, vector<128x64xf32>, vector<2048x64xf32> -> vector<2048x64xf32>
    %get3A_84 = arith.constant 0 : index
    %get3A_85 = vector.load %arg7[%get3A_84] : memref<64xf32, #tpu.memory_space<vmem>>, vector<64xf32>
    %broadcast_in_dim3A_86 = vector.shape_cast %get3A_85 : vector<64xf32> to vector<1x64xf32>
    %add3A_87 = vector.broadcast %broadcast_in_dim3A_86 : vector<1x64xf32> to vector<2048x64xf32>
    %add3A_88 = arith.addf %dot_general3A_83, %add3A_87 : vector<2048x64xf32>
    %max3A_89 = arith.constant 0.000000e+00 : f32
    %max3A_90 = vector.broadcast %max3A_89 : f32 to vector<2048x64xf32>
    %max3A_91 = arith.maximumf %add3A_88, %max3A_90 : vector<2048x64xf32>
    %get3A_92 = arith.constant 0 : index
    %get3A_93 = arith.constant 0 : index
    %get3A_94 = vector.load %arg8[%get3A_92, %get3A_93] : memref<64x32xf32, #tpu.memory_space<vmem>>, vector<64x32xf32>
    %dot_general3A_95 = arith.constant dense<0.000000e+00> : vector<2048x32xf32>
    %dot_general3A_96 = tpu.matmul %max3A_91, %get3A_94, %dot_general3A_95 {dimension_numbers = #tpu.dot_dimension_numbers<[1], [0], [0], [1], [0, 0, 1, 1], [], []>, transpose_lhs_hint = false} : vector<2048x64xf32>, vector<64x32xf32>, vector<2048x32xf32> -> vector<2048x32xf32>
    %get3A_97 = arith.constant 0 : index
    %get3A_98 = vector.load %arg9[%get3A_97] : memref<32xf32, #tpu.memory_space<vmem>>, vector<32xf32>
    %broadcast_in_dim3A_99 = vector.shape_cast %get3A_98 : vector<32xf32> to vector<1x32xf32>
    %add3A_100 = vector.broadcast %broadcast_in_dim3A_99 : vector<1x32xf32> to vector<2048x32xf32>
    %add3A_101 = arith.addf %dot_general3A_96, %add3A_100 : vector<2048x32xf32>
    %max3A_102 = arith.constant 0.000000e+00 : f32
    %max3A_103 = vector.broadcast %max3A_102 : f32 to vector<2048x32xf32>
    %max3A_104 = arith.maximumf %add3A_101, %max3A_103 : vector<2048x32xf32>
    %get3A_105 = arith.constant 0 : index
    %get3A_106 = arith.constant 0 : index
    %get3A_107 = vector.load %arg10[%get3A_105, %get3A_106] : memref<64x1xf32, #tpu.memory_space<vmem>>, vector<64x1xf32>
    %slice3A_108 = vector.extract_strided_slice %get3A_107 {offsets = [0, 0], sizes = [32, 1], strides = [1, 1]} : vector<64x1xf32> to vector<32x1xf32>
    %dot_general3A_109 = arith.constant dense<0.000000e+00> : vector<2048x1xf32>
    %dot_general3A_110 = tpu.matmul %mul3A, %slice3A_108, %dot_general3A_109 {dimension_numbers = #tpu.dot_dimension_numbers<[1], [0], [0], [1], [0, 0, 1, 1], [], []>, transpose_lhs_hint = false} : vector<2048x32xf32>, vector<32x1xf32>, vector<2048x1xf32> -> vector<2048x1xf32>
    %slice3A_111 = vector.extract_strided_slice %get3A_107 {offsets = [32, 0], sizes = [32, 1], strides = [1, 1]} : vector<64x1xf32> to vector<32x1xf32>
    %dot_general3A_112 = arith.constant dense<0.000000e+00> : vector<2048x1xf32>
    %dot_general3A_113 = tpu.matmul %max3A_104, %slice3A_111, %dot_general3A_112 {dimension_numbers = #tpu.dot_dimension_numbers<[1], [0], [0], [1], [0, 0, 1, 1], [], []>, transpose_lhs_hint = false} : vector<2048x32xf32>, vector<32x1xf32>, vector<2048x1xf32> -> vector<2048x1xf32>
    %add3A_114 = arith.addf %dot_general3A_110, %dot_general3A_113 : vector<2048x1xf32>
    %get3A_115 = arith.constant 0 : index
    %get3A_116 = vector.load %arg11[%get3A_115] : memref<1xf32, #tpu.memory_space<vmem>>, vector<1xf32>
    %broadcast_in_dim3A_117 = vector.shape_cast %get3A_116 : vector<1xf32> to vector<1x1xf32>
    %add3A_118 = vector.broadcast %broadcast_in_dim3A_117 : vector<1x1xf32> to vector<2048x1xf32>
    %add3A_119 = arith.addf %add3A_114, %add3A_118 : vector<2048x1xf32>
    %neg3A = arith.constant 0.000000e+00 : f32
    %neg3A_120 = vector.broadcast %neg3A : f32 to vector<2048x1xf32>
    %neg3A_121 = arith.subf %neg3A_120, %add3A_119 : vector<2048x1xf32>
    %exp3A = math.exp %neg3A_121 : vector<2048x1xf32>
    %add3A_122 = arith.constant 1.000000e+00 : f32
    %add3A_123 = vector.broadcast %add3A_122 : f32 to vector<2048x1xf32>
    %add3A_124 = arith.addf %add3A_123, %exp3A : vector<2048x1xf32>
    %div3A = arith.constant 1.000000e+00 : f32
    %div3A_125 = vector.broadcast %div3A : f32 to vector<2048x1xf32>
    %div3A_126 = arith.divf %div3A_125, %add3A_124 : vector<2048x1xf32>
    %swap3A = arith.constant 0 : index
    %swap3A_127 = arith.constant 0 : index
    %swap3A_128 = vector.load %arg12[%swap3A, %swap3A_127] : memref<2048x1xf32, #tpu.memory_space<vmem>>, vector<2048x1xf32>
    tpu.vector_store %arg12[%swap3A, %swap3A_127], %div3A_126 {strides = array<i32>} : memref<2048x1xf32, #tpu.memory_space<vmem>>, vector<2048x1xf32>,
    return
  }
  func.func @transform_0(%arg0: i32) -> (i32, i32, i32) {
    %c0_i32 = arith.constant 0 : i32
    %c0_i32_0 = arith.constant 0 : i32
    %c0_i32_1 = arith.constant 0 : i32
    return %c0_i32, %arg0, %c0_i32_0 : i32, i32, i32
  }
  func.func @transform_1(%arg0: i32) -> (i32, i32) {
    %c0_i32 = arith.constant 0 : i32
    %c0_i32_0 = arith.constant 0 : i32
    return %arg0, %c0_i32 : i32, i32
  }
  func.func @transform_2(%arg0: i32) -> (i32, i32) {
    %c0_i32 = arith.constant 0 : i32
    %c0_i32_0 = arith.constant 0 : i32
    return %arg0, %c0_i32 : i32, i32
  }
  func.func @transform_3(%arg0: i32) -> (i32, i32) {
    %c0_i32 = arith.constant 0 : i32
    %c0_i32_0 = arith.constant 0 : i32
    %c0_i32_1 = arith.constant 0 : i32
    return %c0_i32, %c0_i32_0 : i32, i32
  }
  func.func @transform_4(%arg0: i32) -> i32 {
    %c0_i32 = arith.constant 0 : i32
    %c0_i32_0 = arith.constant 0 : i32
    return %c0_i32 : i32
  }
  func.func @transform_5(%arg0: i32) -> (i32, i32) {
    %c0_i32 = arith.constant 0 : i32
    %c0_i32_0 = arith.constant 0 : i32
    %c0_i32_1 = arith.constant 0 : i32
    return %c0_i32, %c0_i32_0 : i32, i32
  }
  func.func @transform_6(%arg0: i32) -> i32 {
    %c0_i32 = arith.constant 0 : i32
    %c0_i32_0 = arith.constant 0 : i32
    return %c0_i32 : i32
  }
  func.func @transform_7(%arg0: i32) -> (i32, i32) {
    %c0_i32 = arith.constant 0 : i32
    %c0_i32_0 = arith.constant 0 : i32
    %c0_i32_1 = arith.constant 0 : i32
    return %c0_i32, %c0_i32_0 : i32, i32
  }
  func.func @transform_8(%arg0: i32) -> i32 {
    %c0_i32 = arith.constant 0 : i32
    %c0_i32_0 = arith.constant 0 : i32
    return %c0_i32 : i32
  }
  func.func @transform_9(%arg0: i32) -> (i32, i32) {
    %c0_i32 = arith.constant 0 : i32
    %c0_i32_0 = arith.constant 0 : i32
    %c0_i32_1 = arith.constant 0 : i32
    return %c0_i32, %c0_i32_0 : i32, i32
  }
  func.func @transform_10(%arg0: i32) -> i32 {
    %c0_i32 = arith.constant 0 : i32
    %c0_i32_0 = arith.constant 0 : i32
    return %c0_i32 : i32
  }
  func.func @transform_11(%arg0: i32) -> (i32, i32) {
    %c0_i32 = arith.constant 0 : i32
    %c0_i32_0 = arith.constant 0 : i32
    return %arg0, %c0_i32 : i32, i32
  }
}

</mosaic_0001>

<sc_bundles>
// kernel: kernel.4.cloned.1.call-start
scs
__scs_entry_jumppad:
0x0: {  	(pc) =	sbr.rel $0x88, $3  }
0x1: {  	(tag) =	ssettag $0x0;
	lr =	simm.s32 $0x1  }
0x2: {  	[smem:$0x3F8C] =	sst lr;
	_ =	strace $0xD0000000  }
0x3: {  	_ = 	snop  }
0x4: {  	_ = 	snop  }
0x5: {  	_ = 	snop  }
0x6: {  	_ = 	snop  }
0x7: {  	_ = 	snop  }
__scs_overlays_trampoline_lowered:
0x8: {  	[smem:$0x3F9B] =	sst s0  }
0x9: {  	[smem:$0x3F9C] =	sst s1  }
0xa: {  	[smem:$0x3F9D] =	sst s2  }
0xb: {  	[smem:$0x3F9E] =	sst s3  }
0xc: {  	[smem:$0x3F9F] =	sst s4  }
0xd: {  	[smem:$0x3FA0] =	sst s5  }
0xe: {  	[smem:$0x3FA1] =	sst s6  }
0xf: {  	[smem:$0x3FA2] =	sst s7  }
0x10: {  	[smem:$0x3FA3] =	sst s8  }
0x11: {  	[smem:$0x3FA4] =	sst s9;
	s0 =	simm.s32 @!p0 $0x0  }
0x12: {  	s1 =	sld [smem:$0x3F8A];
	s0 =	simm.s32 @p0 $0x1  }
0x13: {  	[smem:$0x3FA5] =	sst s0;
	s0 =	simm.s32 @!p1 $0x0  }
0x14: {  	s2 =	sld [smem:$0x3F89];
	s0 =	simm.s32 @p1 $0x1  }
0x15: {  	[smem:$0x3FA6] =	sst s0;
	s0 =	simm.s32 @!p2 $0x0  }
0x16: {  	s3 =	sld [smem:$0x3FDB];
	s0 =	simm.s32 @p2 $0x1  }
0x17: {  	s4 =	simm.s32 $0x1BF5;
	[smem:$0x3FA8] =	sst s0  }
0x18: {  	s0 =	sld [smem:$0x3F8B];
	_ =	swait.ge [sflag:s4], $0x0  }
0x19: {  	s7 =	sld [smem:$0x3F8C]  }
0x1a: {  	s8 =	sadd.s32 $0xFFFFE003, lr  }
0x1b: {  	s9 =	sadd.s32 $0xFFFFFEF7, lr;
	s5 =	simm.s32 $0xFFFFFFFF;
	p2 =	slt.u32 s8, $0xFFFFF086  }
0x1c: {  	p1 =	slt.u32 s9, $0xF7A;
	s5 =	simm.s32 @!p2 $0x0  }
0x1d: {  	s5 =	simm.s32 @p1 $0x1;
	p0 =	seq.s32 s7, s2  }
0x1e: {  	s7 =	smul.u32 @!p0 $0xF7A, s2;
	p2 =	seq.s32 @!p0 s5, $0x0  }
0x1f: {  	s9 =	smul.u32 $0xF7A, s1;
	s8 =	simm.s32 @!p0 $0x1BF5;
	p2 =	por !p2, p0  }
0x20: {  	[sflag:s8] =	ssyncset.s32 @!p0 $0xFFFFF086;
	s6 =	sadd.s32 @!p0 s3, s7;
	s7 =	simm.s32 @!p0 $0x108  }
0x21: {  	s3 =	sadd.s32 s3, s9;
	s6 =	sadd.s32 @!p0 $0x88, s6;
	s7 =	simm.s32 @p2 $0x1082  }
0x22: {  	[simem:s7], [sflag:s8] =	dma.local @!p0 [hbm:s6], $0xF7A  }
0x23: {  	s9 =	sor.u32 $0xD0000000, s2;
	s6 =	simm.s32 $0x108;
	_ =	swait.ge @!p0 [sflag:s8], $0x0  }
0x24: {  	s3 =	sadd.s32 $0x88, s3;
	s6 =	simm.s32 @!p1 $0x1082;
	[sflag:s4] =	ssyncset.s32 $0xFFFFF086  }
0x25: {  	[simem:s6], [sflag:s4] =	dma.local [hbm:s3], $0xF7A  }
0x26: {  	[smem:$0x3F8C] =	sst s1;
	(tag) =	ssettag s2;
	_ =	strace s9  }
0x27: {  	s1 =	sld [smem:$0x3F9C]  }
0x28: {  	s2 =	sld [smem:$0x3F9D]  }
0x29: {  	s4 =	sld [smem:$0x3F9F]  }
0x2a: {  	p0 =	seq.s32 s5, $0x0;
	s5 =	sld [smem:$0x3FA0]  }
0x2b: {  	s6 =	sld [smem:$0x3FA1]  }
0x2c: {  	s7 =	sld [smem:$0x3FA2]  }
0x2d: {  	s3 =	simm.s32 $0x108;
	s8 =	sld [smem:$0x3FA3]  }
0x2e: {  	s3 =	simm.s32 @!p0 $0x1082;
	s9 =	sld [smem:$0x3FA4]  }
0x2f: {  	lr =	sadd.s32 s0, s3;
	s0 =	sld [smem:$0x3F9B]  }
0x30: {  	s3 =	sld [smem:$0x3F9E]  }
0x31: {  	[smem:$0x3FA7] =	sst s10  }
0x32: {  	s10 =	sld [smem:$0x3FA5];
	_ =	sdelay $0x3  }
0x33: {  	p0 =	seq.s32 s10, $0x1;
	s10 =	sld [smem:$0x3FA7];
	_ =	sdelay $0x3  }
0x34: {  	[smem:$0x3FA7] =	sst s10  }
0x35: {  	s10 =	sld [smem:$0x3FA6];
	_ =	sdelay $0x3  }
0x36: {  	p1 =	seq.s32 s10, $0x1;
	s10 =	sld [smem:$0x3FA7];
	_ =	sdelay $0x3  }
0x37: {  	[smem:$0x3FA7] =	sst s10  }
0x38: {  	s10 =	sld [smem:$0x3FA8]  }
0x39: {  	_ = 	snop;
	(pc) =	sbr.ind lr, $3  }
0x3a: {  	_ = 	snop  }
0x3b: {  	_ = 	snop  }
0x3c: {  	p2 =	seq.s32 s10, $0x1;
	s10 =	sld [smem:$0x3FA7]  }
0x3d: {  	_ =	shalt  }
0x3e: {  	_ =	shalt  }
0x3f: {  	_ =	shalt  }
0x40: {  	_ =	shalt  }
0x41: {  	_ =	shalt  }
0x42: {  	_ =	shalt  }
0x43: {  	_ =	shalt  }
0x44: {  	_ =	shalt  }
0x45: {  	_ =	shalt  }
0x46: {  	_ =	shalt  }
0x47: {  	_ =	shalt  }
0x48: {  	_ =	shalt  }
0x49: {  	_ =	shalt  }
0x4a: {  	_ =	shalt  }
0x4b: {  	_ =	shalt  }
0x4c: {  	_ =	shalt  }
0x4d: {  	_ =	shalt  }
0x4e: {  	_ =	shalt  }
0x4f: {  	_ =	shalt  }
0x50: {  	_ =	shalt  }
0x51: {  	_ =	shalt  }
0x52: {  	_ =	shalt  }
0x53: {  	_ =	shalt  }
0x54: {  	_ =	shalt  }
0x55: {  	_ =	shalt  }
0x56: {  	_ =	shalt  }
0x57: {  	_ =	shalt  }
0x58: {  	_ =	shalt  }
0x59: {  	_ =	shalt  }
0x5a: {  	_ =	shalt  }
0x5b: {  	_ =	shalt  }
0x5c: {  	_ =	shalt  }
0x5d: {  	_ =	shalt  }
0x5e: {  	_ =	shalt  }
0x5f: {  	_ =	shalt  }
0x60: {  	_ =	shalt  }
0x61: {  	_ =	shalt  }
0x62: {  	_ =	shalt  }
0x63: {  	_ =	shalt  }
0x64: {  	_ =	shalt  }
0x65: {  	_ =	shalt  }
0x66: {  	_ =	shalt  }
0x67: {  	_ =	shalt  }
0x68: {  	_ =	shalt  }
0x69: {  	_ =	shalt  }
0x6a: {  	_ =	shalt  }
0x6b: {  	_ =	shalt  }
0x6c: {  	_ =	shalt  }
0x6d: {  	_ =	shalt  }
0x6e: {  	_ =	shalt  }
0x6f: {  	_ =	shalt  }
0x70: {  	_ =	shalt  }
0x71: {  	_ =	shalt  }
0x72: {  	_ =	shalt  }
0x73: {  	_ =	shalt  }
0x74: {  	_ =	shalt  }
0x75: {  	_ =	shalt  }
0x76: {  	_ =	shalt  }
0x77: {  	_ =	shalt  }
0x78: {  	_ =	shalt  }
0x79: {  	_ =	shalt  }
0x7a: {  	_ =	shalt  }
0x7b: {  	_ =	shalt  }
0x7c: {  	_ =	shalt  }
0x7d: {  	_ =	shalt  }
0x7e: {  	_ =	shalt  }
0x7f: {  	_ =	shalt  }
0x80: {  	_ =	shalt  }
0x81: {  	_ =	shalt  }
0x82: {  	_ =	shalt  }
0x83: {  	_ =	shalt  }
0x84: {  	_ =	shalt  }
0x85: {  	_ =	shalt  }
0x86: {  	_ =	shalt  }
0x87: {  	_ =	shalt  }
.Lfunc_end0:
.L_simem_size_0:
called_computation_lowered:
.L_overlay_start_0:
0x88: {  	s2 =	sld [smem:$0x3FD9]  }
0x89: {  	s3 =	sld [smem:$0x3FFE];
	_ =	sdelay $0x1  }
0x8a: {  	s1 =	srdreg.scid  }
0x8b: {  	s0 =	sand.u32 $0x1, s1  }
0x8c: {  	s16 =	sshll.u32 s0, $0xA;
	s2 =	sadd.s32 s3, s2  }
0x8d: {  	s2 =	sadd.s32 s2, s16  }
0x8e: {  	[smem:$0x3FB3] =	sst s2  }
0x8f: {  	_ = 	snop  }
0x90: {  	(tm) =	ssettm $0x1  }
0x91: {  	s17 =	sld [smem:$0x3FFB];
	_ =	sdelay $0x3  }
0x92: {  	_ =	strace s17  }
0x93: {  	s2 =	sld [smem:$0x3FFC];
	_ =	sdelay $0x3  }
0x94: {  	_ =	strace s2  }
0x95: {  	s2 =	sld [smem:$0x3FFD];
	_ =	sdelay $0x3  }
0x96: {  	_ =	strace s2  }
0x97: {  	_ =	strace $0x8FFFFFFF  }
0x98: {  	s18 =	sld [smem:$0x3FDB];
	_ =	sdelay $0x1  }
0x99: {  	s19 =	simm.s32 $_scs_section_size  }
0x9a: {  	s4 =	simm.s32 $_size__tile_overlayer_lowered;
	s5 =	simm.s32 $_tile_overlayer_lowered  }
0x9b: {  	s22 =	simm.s32 $0x1BFF;
	s21 =	sshll.u32 s5, $0x1;
	s2 =	sadd.s32 s19, s18  }
0x9c: {  	s6 =	simm.s32 $0x0;
	s20 =	sshll.u32 s4, $0x1;
	s4 =	sadd.s32 s21, s2  }
0x9d: {  	[timem:s6], [sflag:s22] =	dma.local [hbm:s4], s20  }
0x9e: {  	_ =	swait.ge [sflag:s22], s20  }
0x9f: {  	s3 =	ssub.s32 $0x0, s20;
	[sflag:s22] =	ssyncset.done $0x0  }
0xa0: {  	[sflag:s22] =	ssyncadd.s32 s3;
	_ =	sdelay $0x1  }
0xa1: {  	s23 =	simm.s32 $0x1B8B  }
0xa2: {  	_ =	swait.ge [sflag:s23], $0x1  }
0xa3: {  	[sflag:s23] =	ssyncset.done $0x0  }
0xa4: {  	s25 =	simm.s32 $0x1B8E;
	s24 =	sld [smem:$0x3FFE];
	[sflag:s23] =	ssyncadd.s32 $0xFFFFFFFF  }
0xa5: {  	s26 =	simm.s32 $execute0_lowered;
	[smem:$0x3FD2] =	sst s25  }
0xa6: {  	s4 =	sshll.u32 s26, $0x1;
	_ =	strace $0x80000046;
	[dreg:$0x1] =	wrdreg $0xFFFFFFFF  }
0xa7: {  	s28 =	simm.s32 $_size_execute0_lowered;
	s2 =	sadd.s32 s2, s4;
	[dreg:$0x0] =	wrdreg $0x0  }
0xa8: {  	s4 =	sshll.u32 s28, $0x1;
	[dreg:$0x2] =	wrdreg s2  }
0xa9: {  	[dreg:$0x3] =	wrdreg s4  }
0xaa: {  	[dreg:$0x4] =	wrdreg $0xC0  }
0xab: {  	_ =	task [dreg:s6], $0x5FFFF  }
0xac: {  	[dreg:$0x1] =	wrdreg $0xFFFFFFFF  }
0xad: {  	[dreg:$0x0] =	wrdreg $0x60  }
0xae: {  	[dreg:$0x2] =	wrdreg s24  }
0xaf: {  	[dreg:$0x3] =	wrdreg $0x9  }
0xb0: {  	_ =	task.clear_ibuf [dreg:s6], $0x4FFFF;
	_ =	strace $0x90000046  }
0xb1: {  	s29 =	simm.s32 $0x9;
	_ =	strace $0x80000048  }
0xb2: {  	_ =	swait.ge [sflag:s29], $0x1  }
0xb3: {  	[sflag:s29] =	ssyncadd.s32 $0xFFFFFFFF  }
0xb4: {  	_ =	strace $0x90000048  }
0xb5: {  	_ =	sfence  }
0xb6: {  	s30 =	sld [smem:$0x0];
	_ =	sdelay $0x2  }
0xb7: {  	s31 =	sshll.u32 s1, $0xD;
	s1 =	sshrl.u32 s1, $0x2  }
0xb8: {  	s3 =	sand.u32 $0x4000, s31;
	s1 =	sadd.s32 s1, s30  }
0xb9: {  	s0 =	sor.u32 s3, s0;
	s1 =	sshll.u32 s1, $0x11  }
0xba: {  	s0 =	sor.u32 s1, s0  }
0xbb: {  	s0 =	sadd.s32 $0x8F2B, s0  }
0xbc: {  	[sflag:s0] =	ssyncadd.remote.s32 $0x1  }
0xbd: {  	_ =	sfence.sel $0xFFFF  }
0xbe: {  	[dreg:$0x0] =	wrdreg $0xFFFFFFFF;
	(pc) =	sbr.abs _section_cstart, $3  }
0xbf: {  	[dreg:$0x1] =	wrdreg $0xFFFFFFFF  }
0xc0: {  	_ =	task.clear_ibuf [dreg:s6], $0x2FFFF;
	_ =	strace $0x9FFFFFFF  }
0xc1: {  	(tm) =	ssettm $0x7FFFFFFF  }
tec
execute0_lowered:
.L_overlay_start_1:
0x0: {  	(tag) =	ssettag $0x1  }
0x1: {  	s0 =	rddreg [dreg:$0x0]  }
0x2: {  	s2 =	simm.s32 $0x0;
	s1 =	srdreg.scid;
	s3 =	stileid.u32  }
0x3: {  	[smem:$0x7FF] =	sst s2;
	s1 =	sand.u32 $0x1, s1;
	s18 =	sadd.s32 $0xF45C00, s0  }
0x4: {  	s4 =	sadd.s32 $0x3800, s0;
	s6 =	sadd.s32 $0x3D0C800, s0;
	s19 =	sadd.s32 $0x1E88000, s0  }
0x5: {  	s3 =	sshll.u32 s3, $0x1;
	s8 =	sadd.s32 $0x4040E00, s0;
	s10 =	sadd.s32 $0x3E93200, s0  }
0x6: {  	_ =	strace $0x80000047;
	s9 =	sor.u32 s1, s3;
	[dreg:$0x2] =	wrdreg s4  }
0x7: {  	s3 =	sadd.s32 $0x2DCA400, s0;
	[dreg:$0x3] =	wrdreg s18;
	s5 =	sshll.u32 s9, $0x9  }
0x8: {  	[dreg:$0x4] =	wrdreg s19;
	s12 =	sshll.u32 s9, $0xD;
	s11 =	sadd.s32 s5, s0  }
0x9: {  	s9 =	sadd.s32 $0x4019C00, s0;
	s0 =	sadd.s32 s12, s0;
	s20 =	sadd.s32 $0x4044E00, s11  }
0xa: {  	s21 =	sadd.s32 $0x4048E00, s0;
	[dreg:$0x5] =	wrdreg s20  }
0xb: {  	s22 =	sadd.s32 $0x4088E00, s0;
	[dreg:$0x6] =	wrdreg s21  }
0xc: {  	s23 =	sadd.s32 $0x40C8E00, s0;
	[dreg:$0x7] =	wrdreg s22  }
0xd: {  	s25 =	sadd.s32 $0x4108E00, s0;
	[dreg:$0x8] =	wrdreg s23  }
0xe: {  	s26 =	sadd.s32 $0x4148E00, s0;
	[dreg:$0x9] =	wrdreg s25  }
0xf: {  	s1 =	ssub.s32 $0x2, s1;
	s28 =	sadd.s32 $0x4188E00, s0;
	[dreg:$0xa] =	wrdreg s26  }
0x10: {  	s24 =	sshrl.u32 s1, $0x1;
	s29 =	sadd.s32 $0x41C8E00, s0;
	[dreg:$0xb] =	wrdreg s28  }
0x11: {  	s1 =	ssub.s32 s1, s24;
	s0 =	sadd.s32 $0x4208E00, s0;
	[dreg:$0xc] =	wrdreg s29  }
0x12: {  	s30 =	smax.u32 s1, $0x1;
	[dreg:$0xd] =	wrdreg s0  }
0x13: {  	s31 =	simm.s32 $0x2;
	s1 =	simm.s32 $0x0;
	[dreg:$0xe] =	wrdreg s30  }
.LBB2_1:
0x14: {  	[dreg:$0xf] =	wrdreg s1  }
0x15: {  	s0 =	rddreg [dreg:$0x5]  }
0x16: {  	[tilespmem:s2], [sflag:$0x2] =	stream.linear.gather [hbm4b:s0+s2], $0x1000, $0x38;
	[tilespmem:$0x11000] =	vst v63  }
0x17: {  	_ =	swait.ge [sflag:s31], $0x1000  }
0x18: {  	s20 =	sand.u32 $0x70, s2;
	s21 =	sand.u32 $0xC00, s2;
	[sflag:s31] =	ssyncset.done $0x0  }
0x19: {  	s0 =	sor.u32 s20, s21;
	[sflag:s31] =	ssyncadd.s32 $0xFFFFF000  }
0x1a: {  	v0 =	vld [tilespmem:s0+$0x0];
	_ =	sdelay $0x4  }
0x1b: {  	v0 =	vshll.u32 v0, $0x4  }
0x1c: {  	(v2sf) =	vpush v0, $0x0  }
0x1d: {  	(v2sf) =	vpush v0, $0x1  }
0x1e: {  	(v2sf) =	vpush v0, $0x2  }
0x1f: {  	(v2sf) =	vpush v0, $0x3  }
0x20: {  	(v2sf) =	vpush v0, $0x4;
	_ =	sdelay $0x6  }
0x21: {  	(v2sf) =	vpush v0, $0x5  }
0x22: {  	s25 =	simm.s32 $0x2000  }
0x23: {  	s26 =	simm.s32 $0x10;
	s28 =	simm.s32 $0x80;
	s30 =	simm.s32 $0x4000  }
0x24: {  	s29 =	simm.s32 $0x0;
	s13 =	simm.s32 $0x1080;
	s1 =	simm.s32 $0x1680  }
0x25: {  	s16 =	simm.s32 $0x1000;
	s12 =	simm.s32 $0x1580;
	(v2sf) =	vpush v0, $0x6;
	s17 =	spop (v2sf)  }
0x26: {  	s11 =	simm.s32 $0x1600;
	s15 =	simm.s32 $0x1400;
	s19 =	spop (v2sf)  }
0x27: {  	s14 =	simm.s32 $0x1480;
	s18 =	simm.s32 $0x1100;
	(v2sf) =	vpush v0, $0x7;
	s24 =	spop (v2sf)  }
0x28: {  	s22 =	simm.s32 $0x1180;
	s17 =	sand.u32 $0x1FFFFFF0, s17;
	s20 =	spop (v2sf)  }
0x29: {  	s17 =	sadd.s32 s3, s17;
	s23 =	sand.u32 $0x1FFFFFF0, s19;
	s7 =	spop (v2sf);
	(v2sf) =	vpush v0, $0x8  }
0x2a: {  	[tilespmem:s16], [sflag:$0x1] =	stream.linear.gather [hbm4b:s17+s2], $0x80, $0x38;
	[tilespmem:$0x11000] =	vst v63  }
0x2b: {  	s31 =	simm.s32 $0x20;
	s0 =	simm.s32 $0x100;
	s17 =	sadd.s32 s3, s23;
	(v2sf) =	vpush v0, $0x9  }
0x2c: {  	s19 =	sand.u32 $0x1FFFFFF0, s24;
	s16 =	simm.s32 $0x1500;
	s23 =	simm.s32 $0x1280  }
0x2d: {  	[tilespmem:s13], [sflag:$0x1] =	stream.linear.gather [hbm4b:s17+s2], $0x80, $0x38;
	(v2sf) =	vpush v0, $0xA;
	[tilespmem:$0x11000] =	vst v63  }
0x2e: {  	s4 =	sadd.s32 s3, s19;
	s5 =	sand.u32 $0x1FFFFFF0, s20;
	s20 =	simm.s32 $0x1200  }
0x2f: {  	[tilespmem:s18], [sflag:$0x1] =	stream.linear.gather [hbm4b:s4+s2], $0x80, $0x38;
	(v2sf) =	vpush v0, $0xB;
	[tilespmem:$0x11000] =	vst v63  }
0x30: {  	s17 =	sadd.s32 s3, s5;
	s19 =	spop (v2sf);
	s18 =	sand.u32 $0x1FFFFFF0, s7  }
0x31: {  	(v2sf) =	vpush v0, $0xC;
	[tilespmem:s22], [sflag:$0x1] =	stream.linear.gather [hbm4b:s17+s2], $0x80, $0x38;
	[tilespmem:$0x11000] =	vst v63  }
0x32: {  	s13 =	simm.s32 $0x1780;
	s21 =	sadd.s32 s3, s18;
	s22 =	sand.u32 $0x1FFFFFF0, s19  }
0x33: {  	(v2sf) =	vpush v0, $0xD;
	[tilespmem:s20], [sflag:$0x1] =	stream.linear.gather [hbm4b:s21+s2], $0x80, $0x38;
	[tilespmem:$0x11000] =	vst v63  }
0x34: {  	s24 =	spop (v2sf);
	s18 =	simm.s32 $0x1300;
	s17 =	sadd.s32 s3, s22  }
0x35: {  	(v2sf) =	vpush v0, $0xE;
	[tilespmem:s23], [sflag:$0x1] =	stream.linear.gather [hbm4b:s17+s2], $0x80, $0x38;
	[tilespmem:$0x11000] =	vst v63  }
0x36: {  	s20 =	sand.u32 $0x1FFFFFF0, s24;
	s17 =	simm.s32 $0x1380;
	s23 =	spop (v2sf);
	(v2sf) =	vpush v0, $0xF  }
.LBB2_2:
0x37: {  	s20 =	sadd.s32 s3, s20  }
0x38: {  	s23 =	sand.u32 $0x1FFFFFF0, s23;
	s24 =	spop (v2sf);
	s19 =	smov.u32 s30  }
0x39: {  	[tilespmem:s18], [sflag:$0x1] =	stream.linear.gather [hbm4b:s20+s2], $0x80, $0x38;
	[tilespmem:$0x11000] =	vst v63  }
0x3a: {  	s18 =	sadd.s32 s3, s23;
	s20 =	sand.u32 $0x1FFFFFF0, s24;
	s23 =	spop (v2sf)  }
0x3b: {  	[tilespmem:s17], [sflag:$0x1] =	stream.linear.gather [hbm4b:s18+s2], $0x80, $0x38;
	[tilespmem:$0x11000] =	vst v63  }
0x3c: {  	s17 =	sadd.s32 s3, s20;
	s18 =	sand.u32 $0x1FFFFFF0, s23;
	s20 =	spop (v2sf)  }
0x3d: {  	[tilespmem:s15], [sflag:$0x1] =	stream.linear.gather [hbm4b:s17+s2], $0x80, $0x38;
	[tilespmem:$0x11000] =	vst v63  }
0x3e: {  	s15 =	sadd.s32 s3, s18;
	s17 =	sand.u32 $0x1FFFFFF0, s20;
	s18 =	spop (v2sf)  }
0x3f: {  	[tilespmem:s14], [sflag:$0x1] =	stream.linear.gather [hbm4b:s15+s2], $0x80, $0x38;
	[tilespmem:$0x11000] =	vst v63  }
0x40: {  	s14 =	sadd.s32 s3, s17;
	s15 =	sand.u32 $0x1FFFFFF0, s18;
	s17 =	spop (v2sf)  }
0x41: {  	[tilespmem:s16], [sflag:$0x1] =	stream.linear.gather [hbm4b:s14+s2], $0x80, $0x38;
	[tilespmem:$0x11000] =	vst v63  }
0x42: {  	s14 =	sadd.s32 s3, s15;
	s15 =	sand.u32 $0x1FFFFFF0, s17;
	s16 =	spop (v2sf)  }
0x43: {  	[tilespmem:s12], [sflag:$0x1] =	stream.linear.gather [hbm4b:s14+s2], $0x80, $0x38;
	[tilespmem:$0x11000] =	vst v63  }
0x44: {  	s12 =	sadd.s32 s3, s15;
	s14 =	sand.u32 $0x1FFFFFF0, s16;
	s15 =	spop (v2sf)  }
0x45: {  	[tilespmem:s11], [sflag:$0x1] =	stream.linear.gather [hbm4b:s12+s2], $0x80, $0x38;
	[tilespmem:$0x11000] =	vst v63  }
0x46: {  	s11 =	sadd.s32 s3, s14;
	s12 =	sand.u32 $0x1FFFFFF0, s15;
	s14 =	spop (v2sf)  }
0x47: {  	[tilespmem:s1], [sflag:$0x1] =	stream.linear.gather [hbm4b:s11+s2], $0x80, $0x38;
	[tilespmem:$0x11000] =	vst v63  }
0x48: {  	s1 =	sadd.s32 $0x1700, s29;
	s11 =	sadd.s32 s3, s12;
	s12 =	sand.u32 $0x1FFFFFF0, s14  }
0x49: {  	[tilespmem:s1], [sflag:$0x1] =	stream.linear.gather [hbm4b:s11+s2], $0x80, $0x38;
	[tilespmem:$0x11000] =	vst v63  }
0x4a: {  	s12 =	sadd.s32 s3, s12;
	s1 =	sand.u32 $0x70, s26;
	s11 =	sand.u32 $0xC00, s28  }
0x4b: {  	[tilespmem:s13], [sflag:$0x1] =	stream.linear.gather [hbm4b:s12+s2], $0x80, $0x38;
	[tilespmem:$0x11000] =	vst v63  }
0x4c: {  	p0 =	sne.s32 s30, $0x3E000;
	s30 =	sadd.s32 $0x2000, s30;
	s1 =	sor.u32 s1, s11  }
0x4d: {  	s26 =	smov.u32 s31;
	s28 =	smov.u32 s0;
	v0 =	vld [tilespmem:s1+$0x0];
	_ =	sdelay $0x4  }
0x4e: {  	s29 =	sshra.s32 s25, $0x2;
	s25 =	smov.u32 s19;
	s31 =	sadd.s32 $0x10, s31;
	v0 =	vshll.u32 v0, $0x4  }
0x4f: {  	s20 =	sadd.s32 $0x1080, s29;
	s0 =	sadd.s32 $0x80, s0;
	s1 =	sadd.s32 $0x1680, s29;
	(v2sf) =	vpush v0, $0x0  }
0x50: {  	s23 =	sadd.s32 $0x1000, s29;
	s11 =	sadd.s32 $0x1600, s29;
	s12 =	sadd.s32 $0x1580, s29;
	(v2sf) =	vpush v0, $0x1  }
0x51: {  	s15 =	sadd.s32 $0x1400, s29;
	s14 =	sadd.s32 $0x1480, s29;
	s16 =	sadd.s32 $0x1500, s29;
	(v2sf) =	vpush v0, $0x2  }
0x52: {  	s18 =	sadd.s32 $0x1300, s29;
	s17 =	sadd.s32 $0x1380, s29  }
0x53: {  	s19 =	sadd.s32 $0x1280, s29;
	(v2sf) =	vpush v0, $0x3  }
0x54: {  	s24 =	sadd.s32 $0x1200, s29  }
0x55: {  	(v2sf) =	vpush v0, $0x4  }
0x56: {  	s13 =	sadd.s32 $0x1780, s29  }
0x57: {  	(v2sf) =	vpush v0, $0x5;
	_ =	sdelay $0x1  }
0x58: {  	s22 =	sadd.s32 $0x1100, s29;
	(v2sf) =	vpush v0, $0x6;
	_ =	sdelay $0x1  }
0x59: {  	s21 =	sadd.s32 $0x1180, s29;
	(v2sf) =	vpush v0, $0x7;
	_ =	sdelay $0x1  }
0x5a: {  	(v2sf) =	vpush v0, $0x8  }
0x5b: {  	s4 =	spop (v2sf)  }
0x5c: {  	s4 =	sand.u32 $0x1FFFFFF0, s4;
	s5 =	spop (v2sf);
	(v2sf) =	vpush v0, $0x9  }
0x5d: {  	s4 =	sadd.s32 s3, s4;
	s5 =	sand.u32 $0x1FFFFFF0, s5;
	s7 =	spop (v2sf)  }
0x5e: {  	[tilespmem:s23], [sflag:$0x1] =	stream.linear.gather [hbm4b:s4+s2], $0x80, $0x38;
	(v2sf) =	vpush v0, $0xA;
	[tilespmem:$0x11000] =	vst v63  }
0x5f: {  	s4 =	sadd.s32 s3, s5;
	s5 =	sand.u32 $0x1FFFFFF0, s7;
	s7 =	spop (v2sf)  }
0x60: {  	[tilespmem:s20], [sflag:$0x1] =	stream.linear.gather [hbm4b:s4+s2], $0x80, $0x38;
	(v2sf) =	vpush v0, $0xB;
	[tilespmem:$0x11000] =	vst v63  }
0x61: {  	s4 =	sadd.s32 s3, s5;
	s5 =	sand.u32 $0x1FFFFFF0, s7;
	s7 =	spop (v2sf)  }
0x62: {  	[tilespmem:s22], [sflag:$0x1] =	stream.linear.gather [hbm4b:s4+s2], $0x80, $0x38;
	(v2sf) =	vpush v0, $0xC;
	[tilespmem:$0x11000] =	vst v63  }
0x63: {  	s4 =	sadd.s32 s3, s5;
	s5 =	sand.u32 $0x1FFFFFF0, s7;
	s7 =	spop (v2sf)  }
0x64: {  	[tilespmem:s21], [sflag:$0x1] =	stream.linear.gather [hbm4b:s4+s2], $0x80, $0x38;
	[tilespmem:$0x11000] =	vst v63  }
.Ltmp0:
0x65: {  	(v2sf) =	vpush v0, $0xD;
	(pc) =	sbr.rel @p0 .LBB2_2-.Ltmp0, $4  }
0x66: {  	s4 =	sadd.s32 s3, s5;
	s5 =	sand.u32 $0x1FFFFFF0, s7;
	s7 =	spop (v2sf)  }
0x67: {  	[tilespmem:s24], [sflag:$0x1] =	stream.linear.gather [hbm4b:s4+s2], $0x80, $0x38;
	(v2sf) =	vpush v0, $0xE;
	[tilespmem:$0x11000] =	vst v63  }
0x68: {  	s4 =	sadd.s32 s3, s5;
	s20 =	sand.u32 $0x1FFFFFF0, s7;
	s23 =	spop (v2sf)  }
0x69: {  	[tilespmem:s19], [sflag:$0x1] =	stream.linear.gather [hbm4b:s4+s2], $0x80, $0x38;
	(v2sf) =	vpush v0, $0xF;
	[tilespmem:$0x11000] =	vst v63  }
0x6a: {  	s0 =	sadd.s32 s3, s20;
	s4 =	sand.u32 $0x1FFFFFF0, s23;
	s5 =	spop (v2sf)  }
0x6b: {  	[tilespmem:s18], [sflag:$0x1] =	stream.linear.gather [hbm4b:s0+s2], $0x80, $0x38;
	[tilespmem:$0x11000] =	vst v63  }
0x6c: {  	s4 =	sadd.s32 s3, s4;
	s7 =	spop (v2sf)  }
0x6d: {  	[tilespmem:s17], [sflag:$0x1] =	stream.linear.gather [hbm4b:s4+s2], $0x80, $0x38;
	[tilespmem:$0x11000] =	vst v63  }
0x6e: {  	s26 =	sand.u32 $0x70, s26;
	s5 =	sand.u32 $0x1FFFFFF0, s5;
	s20 =	spop (v2sf)  }
0x6f: {  	s18 =	sadd.s32 s3, s5;
	s19 =	sand.u32 $0x1FFFFFF0, s7;
	s22 =	sand.u32 $0x1FFFFFF0, s20  }
0x70: {  	[tilespmem:s15], [sflag:$0x1] =	stream.linear.gather [hbm4b:s18+s2], $0x80, $0x38;
	[tilespmem:$0x11000] =	vst v63  }
0x71: {  	s21 =	sadd.s32 s3, s19;
	s23 =	spop (v2sf);
	s24 =	sadd.s32 s3, s22  }
0x72: {  	[tilespmem:s14], [sflag:$0x1] =	stream.linear.gather [hbm4b:s21+s2], $0x80, $0x38;
	[tilespmem:$0x11000] =	vst v63  }
0x73: {  	s22 =	sadd.s32 $0x1700, s29;
	s30 =	sand.u32 $0x1FFFFFF0, s23;
	s31 =	spop (v2sf)  }
0x74: {  	[tilespmem:s16], [sflag:$0x1] =	stream.linear.gather [hbm4b:s24+s2], $0x80, $0x38;
	[tilespmem:$0x11000] =	vst v63  }
0x75: {  	s7 =	sadd.s32 s3, s30;
	s14 =	sand.u32 $0x1FFFFFF0, s31;
	s15 =	spop (v2sf)  }
0x76: {  	[tilespmem:s12], [sflag:$0x1] =	stream.linear.gather [hbm4b:s7+s2], $0x80, $0x38;
	[tilespmem:$0x11000] =	vst v63  }
0x77: {  	s16 =	sadd.s32 s3, s14;
	s17 =	sand.u32 $0x1FFFFFF0, s15;
	s18 =	spop (v2sf)  }
0x78: {  	[tilespmem:s11], [sflag:$0x1] =	stream.linear.gather [hbm4b:s16+s2], $0x80, $0x38;
	[tilespmem:$0x11000] =	vst v63  }
0x79: {  	s19 =	sadd.s32 s3, s17;
	s20 =	sand.u32 $0x1FFFFFF0, s18;
	s21 =	spop (v2sf)  }
0x7a: {  	[tilespmem:s1], [sflag:$0x1] =	stream.linear.gather [hbm4b:s19+s2], $0x80, $0x38;
	[tilespmem:$0x11000] =	vst v63  }
0x7b: {  	s29 =	sand.u32 $0xC00, s28;
	s23 =	sadd.s32 s3, s20;
	s24 =	sand.u32 $0x1FFFFFF0, s21  }
0x7c: {  	[tilespmem:s22], [sflag:$0x1] =	stream.linear.gather [hbm4b:s23+s2], $0x80, $0x38;
	[tilespmem:$0x11000] =	vst v63  }
0x7d: {  	s0 =	sor.u32 s26, s29;
	s4 =	sadd.s32 s3, s24  }
0x7e: {  	[tilespmem:s13], [sflag:$0x1] =	stream.linear.gather [hbm4b:s4+s2], $0x80, $0x38;
	[tilespmem:$0x11000] =	vst v63  }
0x7f: {  	v0 =	vld [tilespmem:s0+$0x0];
	_ =	sdelay $0x4  }
0x80: {  	v0 =	vshll.u32 v0, $0x4  }
0x81: {  	(v2sf) =	vpush v0, $0x0  }
0x82: {  	(v2sf) =	vpush v0, $0x1  }
0x83: {  	(v2sf) =	vpush v0, $0x2;
	_ =	sdelay $0x1  }
0x84: {  	(v2sf) =	vpush v0, $0x3;
	_ =	sdelay $0x1  }
0x85: {  	(v2sf) =	vpush v0, $0x4;
	_ =	sdelay $0x1  }
0x86: {  	(v2sf) =	vpush v0, $0x5;
	_ =	sdelay $0x1  }
0x87: {  	s0 =	sshra.s32 s25, $0x2;
	(v2sf) =	vpush v0, $0x6  }
0x88: {  	s30 =	sadd.s32 $0x1080, s0;
	s1 =	sadd.s32 $0x1680, s0  }
0x89: {  	s31 =	sadd.s32 $0x1000, s0;
	s12 =	sadd.s32 $0x1580, s0;
	s11 =	sadd.s32 $0x1600, s0;
	(v2sf) =	vpush v0, $0x7  }
0x8a: {  	s7 =	sadd.s32 $0x1400, s0;
	s13 =	sadd.s32 $0x1480, s0;
	s14 =	sadd.s32 $0x1500, s0  }
0x8b: {  	s15 =	sadd.s32 $0x1300, s0;
	s16 =	sadd.s32 $0x1380, s0;
	s17 =	sadd.s32 $0x1280, s0;
	(v2sf) =	vpush v0, $0x8  }
0x8c: {  	s18 =	sadd.s32 $0x1200, s0;
	s19 =	sadd.s32 $0x1100, s0;
	s23 =	spop (v2sf)  }
0x8d: {  	s21 =	sadd.s32 $0x1180, s0;
	(v2sf) =	vpush v0, $0x9;
	s20 =	sand.u32 $0x1FFFFFF0, s23;
	s22 =	spop (v2sf)  }
0x8e: {  	s20 =	sadd.s32 s3, s20;
	s22 =	sand.u32 $0x1FFFFFF0, s22;
	s24 =	spop (v2sf)  }
0x8f: {  	(v2sf) =	vpush v0, $0xA;
	[tilespmem:s31], [sflag:$0x1] =	stream.linear.gather [hbm4b:s20+s2], $0x80, $0x38;
	[tilespmem:$0x11000] =	vst v63  }
0x90: {  	s25 =	sadd.s32 s3, s22;
	s26 =	sand.u32 $0x1FFFFFF0, s24;
	s28 =	spop (v2sf)  }
0x91: {  	(v2sf) =	vpush v0, $0xB;
	[tilespmem:s30], [sflag:$0x1] =	stream.linear.gather [hbm4b:s25+s2], $0x80, $0x38;
	[tilespmem:$0x11000] =	vst v63  }
0x92: {  	s29 =	sadd.s32 s3, s26;
	s31 =	spop (v2sf);
	s30 =	sand.u32 $0x1FFFFFF0, s28  }
0x93: {  	(v2sf) =	vpush v0, $0xC;
	[tilespmem:s19], [sflag:$0x1] =	stream.linear.gather [hbm4b:s29+s2], $0x80, $0x38;
	[tilespmem:$0x11000] =	vst v63  }
0x94: {  	s23 =	sand.u32 $0x1FFFFFF0, s31;
	s24 =	spop (v2sf);
	s22 =	sadd.s32 s3, s30  }
0x95: {  	(v2sf) =	vpush v0, $0xD;
	[tilespmem:s21], [sflag:$0x1] =	stream.linear.gather [hbm4b:s22+s2], $0x80, $0x38;
	[tilespmem:$0x11000] =	vst v63  }
0x96: {  	s25 =	sadd.s32 s3, s23;
	s26 =	sand.u32 $0x1FFFFFF0, s24;
	s28 =	spop (v2sf)  }
0x97: {  	(v2sf) =	vpush v0, $0xE;
	[tilespmem:s18], [sflag:$0x1] =	stream.linear.gather [hbm4b:s25+s2], $0x80, $0x38;
	[tilespmem:$0x11000] =	vst v63  }
0x98: {  	s29 =	sadd.s32 s3, s26;
	s30 =	sand.u32 $0x1FFFFFF0, s28;
	s31 =	spop (v2sf)  }
0x99: {  	(v2sf) =	vpush v0, $0xF;
	[tilespmem:s17], [sflag:$0x1] =	stream.linear.gather [hbm4b:s29+s2], $0x80, $0x38;
	[tilespmem:$0x11000] =	vst v63  }
0x9a: {  	s19 =	sadd.s32 s3, s30;
	s20 =	sand.u32 $0x1FFFFFF0, s31;
	s21 =	spop (v2sf)  }
0x9b: {  	[tilespmem:s15], [sflag:$0x1] =	stream.linear.gather [hbm4b:s19+s2], $0x80, $0x38;
	[tilespmem:$0x11000] =	vst v63  }
0x9c: {  	s22 =	sadd.s32 s3, s20;
	s23 =	sand.u32 $0x1FFFFFF0, s21;
	s24 =	spop (v2sf)  }
0x9d: {  	[tilespmem:s16], [sflag:$0x1] =	stream.linear.gather [hbm4b:s22+s2], $0x80, $0x38;
	[tilespmem:$0x11000] =	vst v63  }
0x9e: {  	s25 =	sadd.s32 s3, s23;
	s26 =	sand.u32 $0x1FFFFFF0, s24;
	s28 =	spop (v2sf)  }
0x9f: {  	[tilespmem:s7], [sflag:$0x1] =	stream.linear.gather [hbm4b:s25+s2], $0x80, $0x38;
	[tilespmem:$0x11000] =	vst v63  }
0xa0: {  	s29 =	sadd.s32 s3, s26;
	s30 =	sand.u32 $0x1FFFFFF0, s28;
	s31 =	spop (v2sf)  }
0xa1: {  	[tilespmem:s13], [sflag:$0x1] =	stream.linear.gather [hbm4b:s29+s2], $0x80, $0x38;
	[tilespmem:$0x11000] =	vst v63  }
0xa2: {  	s5 =	sadd.s32 s3, s30;
	s7 =	sand.u32 $0x1FFFFFF0, s31;
	s13 =	spop (v2sf)  }
0xa3: {  	[tilespmem:s14], [sflag:$0x1] =	stream.linear.gather [hbm4b:s5+s2], $0x80, $0x38;
	[tilespmem:$0x11000] =	vst v63  }
0xa4: {  	s15 =	sadd.s32 s3, s7;
	s16 =	sand.u32 $0x1FFFFFF0, s13;
	s17 =	spop (v2sf)  }
0xa5: {  	[tilespmem:s12], [sflag:$0x1] =	stream.linear.gather [hbm4b:s15+s2], $0x80, $0x38;
	[tilespmem:$0x11000] =	vst v63  }
0xa6: {  	s18 =	sadd.s32 s3, s16;
	s19 =	sand.u32 $0x1FFFFFF0, s17;
	s20 =	spop (v2sf)  }
0xa7: {  	[tilespmem:s11], [sflag:$0x1] =	stream.linear.gather [hbm4b:s18+s2], $0x80, $0x38;
	[tilespmem:$0x11000] =	vst v63  }
0xa8: {  	s21 =	sadd.s32 s3, s19;
	s22 =	sand.u32 $0x1FFFFFF0, s20;
	s23 =	spop (v2sf)  }
0xa9: {  	[tilespmem:s1], [sflag:$0x1] =	stream.linear.gather [hbm4b:s21+s2], $0x80, $0x38;
	[tilespmem:$0x11000] =	vst v63  }
0xaa: {  	s24 =	sadd.s32 $0x1700, s0;
	s25 =	sadd.s32 s3, s22;
	s26 =	sand.u32 $0x1FFFFFF0, s23  }
0xab: {  	[tilespmem:s24], [sflag:$0x1] =	stream.linear.gather [hbm4b:s25+s2], $0x80, $0x38;
	[tilespmem:$0x11000] =	vst v63  }
0xac: {  	s0 =	sadd.s32 $0x1780, s0;
	s29 =	simm.s32 $0x1;
	s28 =	sadd.s32 s3, s26  }
0xad: {  	[tilespmem:s0], [sflag:$0x1] =	stream.linear.gather [hbm4b:s28+s2], $0x80, $0x38;
	[tilespmem:$0x11000] =	vst v63  }
0xae: {  	_ =	swait.ge [sflag:s29], $0x10000  }
0xaf: {  	s31 =	simm.s32 $0x1000;
	s13 =	simm.s32 $0x2;
	[sflag:s29] =	ssyncset.done $0x0  }
0xb0: {  	s0 =	simm.s32 $0x0;
	s30 =	rddreg [dreg:$0x6];
	[sflag:s29] =	ssyncadd.s32 $0xFFFF0000  }
0xb1: {  	[hbm4b:s30+s0] =	stream.linear.scatter [tilespmem:s31], [sflag:$0x2], $0x10000, $0x38;
	[tilespmem:$0x11000] =	vst v63  }
0xb2: {  	_ =	swait.ge [sflag:s13], $0x10000  }
0xb3: {  	s11 =	simm.s32 $0x0;
	[sflag:s13] =	ssyncset.done $0x0  }
0xb4: {  	s1 =	simm.s32 $0x0;
	s7 =	rddreg [dreg:$0x2];
	[sflag:s13] =	ssyncadd.s32 $0xFFFF0000  }
.LBB2_4:
0xb5: {  	s4 =	sand.u32 $0x70, s0;
	s5 =	sand.u32 $0xC00, s1  }
0xb6: {  	s4 =	sor.u32 s4, s5  }
0xb7: {  	v0 =	vld [tilespmem:s4+$0x80];
	_ =	sdelay $0x4  }
0xb8: {  	v1 =	vshrl.u32 v0, $0x3  }
0xb9: {  	v0 =	vand.u32 $0x7, v0;
	v1 =	vshll.u32 v1, $0xA  }
0xba: {  	v0 =	vshll.u32 v0, $0x7;
	(v2sf) =	vpush v1, $0x0  }
0xbb: {  	(v2sf) =	vpush v0, $0x0;
	_ =	sdelay $0x2  }
0xbc: {  	(v2sf) =	vpush v1, $0x1  }
0xbd: {  	(v2sf) =	vpush v0, $0x1;
	_ =	sdelay $0x1  }
0xbe: {  	(v2sf) =	vpush v1, $0x2;
	_ =	sdelay $0x1  }
0xbf: {  	(v2sf) =	vpush v0, $0x2;
	_ =	sdelay $0x5  }
0xc0: {  	s19 =	spop (v2sf);
	(v2sf) =	vpush v1, $0x3  }
0xc1: {  	s20 =	spop (v2sf);
	(v2sf) =	vpush v0, $0x3;
	_ =	sdelay $0x2  }
0xc2: {  	s22 =	spop (v2sf);
	(v2sf) =	vpush v1, $0x4  }
0xc3: {  	s23 =	spop (v2sf);
	(v2sf) =	vpush v0, $0x4;
	_ =	sdelay $0x1  }
0xc4: {  	s25 =	spop (v2sf);
	(v2sf) =	vpush v1, $0x5;
	_ =	sdelay $0x1  }
0xc5: {  	s26 =	spop (v2sf);
	(v2sf) =	vpush v0, $0x5;
	_ =	sdelay $0x1  }
0xc6: {  	s4 =	sor.u32 s20, s19  }
0xc7: {  	s12 =	sshra.s32 s11, $0x2;
	s4 =	sshrl.u32 s4, $0x3  }
0xc8: {  	s21 =	sadd.s32 $0x1000, s12;
	s4 =	sadd.s32 s7, s4  }
0xc9: {  	[tilespmem:s21], [sflag:$0x1] =	stream.linear.gather [hbm4b:s4+s2], $0x80, $0x38;
	[tilespmem:$0x11000] =	vst v63  }
0xca: {  	s4 =	sor.u32 s23, s22;
	s29 =	spop (v2sf);
	(v2sf) =	vpush v1, $0x6  }
0xcb: {  	s4 =	sshrl.u32 s4, $0x3;
	s30 =	spop (v2sf);
	(v2sf) =	vpush v0, $0x6  }
0xcc: {  	s24 =	sadd.s32 $0x1080, s12;
	s4 =	sadd.s32 s7, s4  }
0xcd: {  	[tilespmem:s24], [sflag:$0x1] =	stream.linear.gather [hbm4b:s4+s2], $0x80, $0x38;
	[tilespmem:$0x11000] =	vst v63  }
0xce: {  	s5 =	spop (v2sf);
	(v2sf) =	vpush v1, $0x7  }
0xcf: {  	s4 =	sor.u32 s26, s25;
	s14 =	spop (v2sf);
	(v2sf) =	vpush v0, $0x7  }
0xd0: {  	s4 =	sshrl.u32 s4, $0x3  }
0xd1: {  	s28 =	sadd.s32 $0x1100, s12;
	s4 =	sadd.s32 s7, s4;
	s16 =	spop (v2sf);
	(v2sf) =	vpush v1, $0x8  }
0xd2: {  	[tilespmem:s28], [sflag:$0x1] =	stream.linear.gather [hbm4b:s4+s2], $0x80, $0x38;
	[tilespmem:$0x11000] =	vst v63  }
0xd3: {  	s17 =	spop (v2sf);
	(v2sf) =	vpush v0, $0x8  }
0xd4: {  	s4 =	sor.u32 s30, s29  }
0xd5: {  	s4 =	sshrl.u32 s4, $0x3  }
0xd6: {  	s31 =	sadd.s32 $0x1180, s12;
	s4 =	sadd.s32 s7, s4  }
0xd7: {  	[tilespmem:s31], [sflag:$0x1] =	stream.linear.gather [hbm4b:s4+s2], $0x80, $0x38;
	[tilespmem:$0x11000] =	vst v63  }
0xd8: {  	s4 =	sor.u32 s14, s5  }
0xd9: {  	s4 =	sshrl.u32 s4, $0x3;
	s19 =	spop (v2sf);
	(v2sf) =	vpush v1, $0x9  }
0xda: {  	s15 =	sadd.s32 $0x1200, s12;
	s4 =	sadd.s32 s7, s4;
	s20 =	spop (v2sf);
	(v2sf) =	vpush v0, $0x9  }
0xdb: {  	[tilespmem:s15], [sflag:$0x1] =	stream.linear.gather [hbm4b:s4+s2], $0x80, $0x38;
	[tilespmem:$0x11000] =	vst v63  }
0xdc: {  	s4 =	sor.u32 s17, s16  }
0xdd: {  	s4 =	sshrl.u32 s4, $0x3;
	s22 =	spop (v2sf);
	(v2sf) =	vpush v1, $0xA  }
0xde: {  	s18 =	sadd.s32 $0x1280, s12;
	s4 =	sadd.s32 s7, s4;
	s23 =	spop (v2sf);
	(v2sf) =	vpush v0, $0xA  }
0xdf: {  	[tilespmem:s18], [sflag:$0x1] =	stream.linear.gather [hbm4b:s4+s2], $0x80, $0x38;
	[tilespmem:$0x11000] =	vst v63  }
0xe0: {  	s4 =	sor.u32 s20, s19;
	s25 =	spop (v2sf);
	(v2sf) =	vpush v1, $0xB  }
0xe1: {  	s4 =	sshrl.u32 s4, $0x3  }
0xe2: {  	s21 =	sadd.s32 $0x1300, s12;
	s4 =	sadd.s32 s7, s4;
	s26 =	spop (v2sf);
	(v2sf) =	vpush v0, $0xB  }
0xe3: {  	[tilespmem:s21], [sflag:$0x1] =	stream.linear.gather [hbm4b:s4+s2], $0x80, $0x38;
	[tilespmem:$0x11000] =	vst v63  }
0xe4: {  	s4 =	sor.u32 s23, s22  }
0xe5: {  	s4 =	sshrl.u32 s4, $0x3  }
0xe6: {  	s24 =	sadd.s32 $0x1380, s12;
	s4 =	sadd.s32 s7, s4  }
0xe7: {  	[tilespmem:s24], [sflag:$0x1] =	stream.linear.gather [hbm4b:s4+s2], $0x80, $0x38;
	[tilespmem:$0x11000] =	vst v63  }
0xe8: {  	s4 =	sor.u32 s26, s25;
	s29 =	spop (v2sf);
	(v2sf) =	vpush v1, $0xC  }
0xe9: {  	s4 =	sshrl.u32 s4, $0x3;
	s30 =	spop (v2sf);
	(v2sf) =	vpush v0, $0xC  }
0xea: {  	s28 =	sadd.s32 $0x1400, s12;
	s4 =	sadd.s32 s7, s4  }
0xeb: {  	[tilespmem:s28], [sflag:$0x1] =	stream.linear.gather [hbm4b:s4+s2], $0x80, $0x38;
	[tilespmem:$0x11000] =	vst v63  }
0xec: {  	s5 =	spop (v2sf);
	(v2sf) =	vpush v1, $0xD  }
0xed: {  	s4 =	sor.u32 s30, s29;
	s14 =	spop (v2sf);
	(v2sf) =	vpush v0, $0xD  }
0xee: {  	s4 =	sshrl.u32 s4, $0x3  }
0xef: {  	s31 =	sadd.s32 $0x1480, s12;
	s4 =	sadd.s32 s7, s4;
	s16 =	spop (v2sf)  }
0xf0: {  	(v2sf) =	vpush v1, $0xE;
	[tilespmem:s31], [sflag:$0x1] =	stream.linear.gather [hbm4b:s4+s2], $0x80, $0x38;
	[tilespmem:$0x11000] =	vst v63  }
0xf1: {  	s17 =	spop (v2sf);
	(v2sf) =	vpush v0, $0xE  }
0xf2: {  	s4 =	sor.u32 s14, s5  }
0xf3: {  	s4 =	sshrl.u32 s4, $0x3  }
0xf4: {  	s15 =	sadd.s32 $0x1500, s12;
	s4 =	sadd.s32 s7, s4  }
0xf5: {  	[tilespmem:s15], [sflag:$0x1] =	stream.linear.gather [hbm4b:s4+s2], $0x80, $0x38;
	[tilespmem:$0x11000] =	vst v63  }
0xf6: {  	s4 =	sor.u32 s17, s16  }
0xf7: {  	s4 =	sshrl.u32 s4, $0x3;
	s19 =	spop (v2sf);
	(v2sf) =	vpush v1, $0xF  }
0xf8: {  	s18 =	sadd.s32 $0x1580, s12;
	s4 =	sadd.s32 s7, s4;
	s20 =	spop (v2sf);
	(v2sf) =	vpush v0, $0xF  }
0xf9: {  	[tilespmem:s18], [sflag:$0x1] =	stream.linear.gather [hbm4b:s4+s2], $0x80, $0x38;
	[tilespmem:$0x11000] =	vst v63  }
0xfa: {  	s4 =	sor.u32 s20, s19  }
0xfb: {  	s22 =	spop (v2sf);
	s4 =	sshrl.u32 s4, $0x3  }
0xfc: {  	s21 =	sadd.s32 $0x1600, s12;
	s23 =	spop (v2sf);
	s4 =	sadd.s32 s7, s4  }
0xfd: {  	[tilespmem:s21], [sflag:$0x1] =	stream.linear.gather [hbm4b:s4+s2], $0x80, $0x38;
	[tilespmem:$0x11000] =	vst v63  }
0xfe: {  	s4 =	sor.u32 s23, s22  }
0xff: {  	s25 =	spop (v2sf);
	s4 =	sshrl.u32 s4, $0x3  }
0x100: {  	s24 =	sadd.s32 $0x1680, s12;
	s26 =	spop (v2sf);
	s4 =	sadd.s32 s7, s4  }
0x101: {  	[tilespmem:s24], [sflag:$0x1] =	stream.linear.gather [hbm4b:s4+s2], $0x80, $0x38;
	[tilespmem:$0x11000] =	vst v63  }
0x102: {  	s4 =	sor.u32 s26, s25  }
0x103: {  	s4 =	sshrl.u32 s4, $0x3  }
0x104: {  	s28 =	sadd.s32 $0x1700, s12;
	s4 =	sadd.s32 s7, s4  }
0x105: {  	[tilespmem:s28], [sflag:$0x1] =	stream.linear.gather [hbm4b:s4+s2], $0x80, $0x38;
	[tilespmem:$0x11000] =	vst v63  }
0x106: {  	p0 =	sne.s32 s11, $0x3E000;
	s29 =	spop (v2sf)  }
.Ltmp1:
0x107: {  	s30 =	spop (v2sf);
	(pc) =	sbr.rel @p0 .LBB2_4-.Ltmp1, $4  }
0x108: {  	s4 =	sor.u32 s30, s29  }
0x109: {  	s1 =	sadd.s32 $0x80, s1;
	s0 =	sadd.s32 $0x10, s0;
	s4 =	sshrl.u32 s4, $0x3  }
0x10a: {  	s11 =	sadd.s32 $0x2000, s11;
	s31 =	sadd.s32 $0x1780, s12;
	s4 =	sadd.s32 s7, s4  }
0x10b: {  	[tilespmem:s31], [sflag:$0x1] =	stream.linear.gather [hbm4b:s4+s2], $0x80, $0x38;
	[tilespmem:$0x11000] =	vst v63  }
0x10c: {  	s0 =	simm.s32 $0x1  }
0x10d: {  	_ =	swait.ge [sflag:s0], $0x10000  }
0x10e: {  	s4 =	simm.s32 $0x1000;
	[sflag:s0] =	ssyncset.done $0x0  }
0x10f: {  	s1 =	rddreg [dreg:$0x7];
	[sflag:s0] =	ssyncadd.s32 $0xFFFF0000;
	s0 =	simm.s32 $0x0  }
0x110: {  	[hbm4b:s1+s0] =	stream.linear.scatter [tilespmem:s4], [sflag:$0x2], $0x10000, $0x38;
	[tilespmem:$0x11000] =	vst v63  }
0x111: {  	_ =	swait.ge [sflag:s13], $0x10000  }
0x112: {  	s11 =	simm.s32 $0x0;
	[sflag:s13] =	ssyncset.done $0x0  }
0x113: {  	s1 =	simm.s32 $0x0;
	s7 =	rddreg [dreg:$0x3];
	[sflag:s13] =	ssyncadd.s32 $0xFFFF0000  }
.LBB2_6:
0x114: {  	s4 =	sand.u32 $0x70, s0;
	s5 =	sand.u32 $0xC00, s1  }
0x115: {  	s4 =	sor.u32 s4, s5  }
0x116: {  	v0 =	vld [tilespmem:s4+$0x100];
	_ =	sdelay $0x4  }
0x117: {  	v1 =	vshrl.u32 v0, $0x3  }
0x118: {  	v0 =	vand.u32 $0x7, v0;
	v1 =	vshll.u32 v1, $0xA  }
0x119: {  	v0 =	vshll.u32 v0, $0x7;
	(v2sf) =	vpush v1, $0x0  }
0x11a: {  	(v2sf) =	vpush v0, $0x0;
	_ =	sdelay $0x2  }
0x11b: {  	(v2sf) =	vpush v1, $0x1  }
0x11c: {  	(v2sf) =	vpush v0, $0x1;
	_ =	sdelay $0x1  }
0x11d: {  	(v2sf) =	vpush v1, $0x2;
	_ =	sdelay $0x1  }
0x11e: {  	(v2sf) =	vpush v0, $0x2;
	_ =	sdelay $0x5  }
0x11f: {  	s19 =	spop (v2sf);
	(v2sf) =	vpush v1, $0x3  }
0x120: {  	s20 =	spop (v2sf);
	(v2sf) =	vpush v0, $0x3;
	_ =	sdelay $0x2  }
0x121: {  	s22 =	spop (v2sf);
	(v2sf) =	vpush v1, $0x4  }
0x122: {  	s23 =	spop (v2sf);
	(v2sf) =	vpush v0, $0x4;
	_ =	sdelay $0x1  }
0x123: {  	s25 =	spop (v2sf);
	(v2sf) =	vpush v1, $0x5;
	_ =	sdelay $0x1  }
0x124: {  	s26 =	spop (v2sf);
	(v2sf) =	vpush v0, $0x5;
	_ =	sdelay $0x1  }
0x125: {  	s4 =	sor.u32 s20, s19  }
0x126: {  	s12 =	sshra.s32 s11, $0x2;
	s4 =	sshrl.u32 s4, $0x3  }
0x127: {  	s21 =	sadd.s32 $0x1000, s12;
	s4 =	sadd.s32 s7, s4  }
0x128: {  	[tilespmem:s21], [sflag:$0x1] =	stream.linear.gather [hbm4b:s4+s2], $0x80, $0x38;
	[tilespmem:$0x11000] =	vst v63  }
0x129: {  	s4 =	sor.u32 s23, s22;
	s29 =	spop (v2sf);
	(v2sf) =	vpush v1, $0x6  }
0x12a: {  	s4 =	sshrl.u32 s4, $0x3;
	s30 =	spop (v2sf);
	(v2sf) =	vpush v0, $0x6  }
0x12b: {  	s24 =	sadd.s32 $0x1080, s12;
	s4 =	sadd.s32 s7, s4  }
0x12c: {  	[tilespmem:s24], [sflag:$0x1] =	stream.linear.gather [hbm4b:s4+s2], $0x80, $0x38;
	[tilespmem:$0x11000] =	vst v63  }
0x12d: {  	s5 =	spop (v2sf);
	(v2sf) =	vpush v1, $0x7  }
0x12e: {  	s4 =	sor.u32 s26, s25;
	s14 =	spop (v2sf);
	(v2sf) =	vpush v0, $0x7  }
0x12f: {  	s4 =	sshrl.u32 s4, $0x3  }
0x130: {  	s28 =	sadd.s32 $0x1100, s12;
	s4 =	sadd.s32 s7, s4;
	s16 =	spop (v2sf);
	(v2sf) =	vpush v1, $0x8  }
0x131: {  	[tilespmem:s28], [sflag:$0x1] =	stream.linear.gather [hbm4b:s4+s2], $0x80, $0x38;
	[tilespmem:$0x11000] =	vst v63  }
0x132: {  	s17 =	spop (v2sf);
	(v2sf) =	vpush v0, $0x8  }
0x133: {  	s4 =	sor.u32 s30, s29  }
0x134: {  	s4 =	sshrl.u32 s4, $0x3  }
0x135: {  	s31 =	sadd.s32 $0x1180, s12;
	s4 =	sadd.s32 s7, s4  }
0x136: {  	[tilespmem:s31], [sflag:$0x1] =	stream.linear.gather [hbm4b:s4+s2], $0x80, $0x38;
	[tilespmem:$0x11000] =	vst v63  }
0x137: {  	s4 =	sor.u32 s14, s5  }
0x138: {  	s4 =	sshrl.u32 s4, $0x3;
	s19 =	spop (v2sf);
	(v2sf) =	vpush v1, $0x9  }
0x139: {  	s15 =	sadd.s32 $0x1200, s12;
	s4 =	sadd.s32 s7, s4;
	s20 =	spop (v2sf);
	(v2sf) =	vpush v0, $0x9  }
0x13a: {  	[tilespmem:s15], [sflag:$0x1] =	stream.linear.gather [hbm4b:s4+s2], $0x80, $0x38;
	[tilespmem:$0x11000] =	vst v63  }
0x13b: {  	s4 =	sor.u32 s17, s16  }
0x13c: {  	s4 =	sshrl.u32 s4, $0x3;
	s22 =	spop (v2sf);
	(v2sf) =	vpush v1, $0xA  }
0x13d: {  	s18 =	sadd.s32 $0x1280, s12;
	s4 =	sadd.s32 s7, s4;
	s23 =	spop (v2sf);
	(v2sf) =	vpush v0, $0xA  }
0x13e: {  	[tilespmem:s18], [sflag:$0x1] =	stream.linear.gather [hbm4b:s4+s2], $0x80, $0x38;
	[tilespmem:$0x11000] =	vst v63  }
0x13f: {  	s4 =	sor.u32 s20, s19;
	s25 =	spop (v2sf);
	(v2sf) =	vpush v1, $0xB  }
0x140: {  	s4 =	sshrl.u32 s4, $0x3  }
0x141: {  	s21 =	sadd.s32 $0x1300, s12;
	s4 =	sadd.s32 s7, s4;
	s26 =	spop (v2sf);
	(v2sf) =	vpush v0, $0xB  }
0x142: {  	[tilespmem:s21], [sflag:$0x1] =	stream.linear.gather [hbm4b:s4+s2], $0x80, $0x38;
	[tilespmem:$0x11000] =	vst v63  }
0x143: {  	s4 =	sor.u32 s23, s22  }
0x144: {  	s4 =	sshrl.u32 s4, $0x3  }
0x145: {  	s24 =	sadd.s32 $0x1380, s12;
	s4 =	sadd.s32 s7, s4  }
0x146: {  	[tilespmem:s24], [sflag:$0x1] =	stream.linear.gather [hbm4b:s4+s2], $0x80, $0x38;
	[tilespmem:$0x11000] =	vst v63  }
0x147: {  	s4 =	sor.u32 s26, s25;
	s29 =	spop (v2sf);
	(v2sf) =	vpush v1, $0xC  }
0x148: {  	s4 =	sshrl.u32 s4, $0x3;
	s30 =	spop (v2sf);
	(v2sf) =	vpush v0, $0xC  }
0x149: {  	s28 =	sadd.s32 $0x1400, s12;
	s4 =	sadd.s32 s7, s4  }
0x14a: {  	[tilespmem:s28], [sflag:$0x1] =	stream.linear.gather [hbm4b:s4+s2], $0x80, $0x38;
	[tilespmem:$0x11000] =	vst v63  }
0x14b: {  	s5 =	spop (v2sf);
	(v2sf) =	vpush v1, $0xD  }
0x14c: {  	s4 =	sor.u32 s30, s29;
	s14 =	spop (v2sf);
	(v2sf) =	vpush v0, $0xD  }
0x14d: {  	s4 =	sshrl.u32 s4, $0x3  }
0x14e: {  	s31 =	sadd.s32 $0x1480, s12;
	s4 =	sadd.s32 s7, s4;
	s16 =	spop (v2sf)  }
0x14f: {  	(v2sf) =	vpush v1, $0xE;
	[tilespmem:s31], [sflag:$0x1] =	stream.linear.gather [hbm4b:s4+s2], $0x80, $0x38;
	[tilespmem:$0x11000] =	vst v63  }
0x150: {  	s17 =	spop (v2sf);
	(v2sf) =	vpush v0, $0xE  }
0x151: {  	s4 =	sor.u32 s14, s5  }
0x152: {  	s4 =	sshrl.u32 s4, $0x3  }
0x153: {  	s15 =	sadd.s32 $0x1500, s12;
	s4 =	sadd.s32 s7, s4  }
0x154: {  	[tilespmem:s15], [sflag:$0x1] =	stream.linear.gather [hbm4b:s4+s2], $0x80, $0x38;
	[tilespmem:$0x11000] =	vst v63  }
0x155: {  	s4 =	sor.u32 s17, s16  }
0x156: {  	s4 =	sshrl.u32 s4, $0x3;
	s19 =	spop (v2sf);
	(v2sf) =	vpush v1, $0xF  }
0x157: {  	s18 =	sadd.s32 $0x1580, s12;
	s4 =	sadd.s32 s7, s4;
	s20 =	spop (v2sf);
	(v2sf) =	vpush v0, $0xF  }
0x158: {  	[tilespmem:s18], [sflag:$0x1] =	stream.linear.gather [hbm4b:s4+s2], $0x80, $0x38;
	[tilespmem:$0x11000] =	vst v63  }
0x159: {  	s4 =	sor.u32 s20, s19  }
0x15a: {  	s22 =	spop (v2sf);
	s4 =	sshrl.u32 s4, $0x3  }
0x15b: {  	s21 =	sadd.s32 $0x1600, s12;
	s23 =	spop (v2sf);
	s4 =	sadd.s32 s7, s4  }
0x15c: {  	[tilespmem:s21], [sflag:$0x1] =	stream.linear.gather [hbm4b:s4+s2], $0x80, $0x38;
	[tilespmem:$0x11000] =	vst v63  }
0x15d: {  	s4 =	sor.u32 s23, s22  }
0x15e: {  	s25 =	spop (v2sf);
	s4 =	sshrl.u32 s4, $0x3  }
0x15f: {  	s24 =	sadd.s32 $0x1680, s12;
	s26 =	spop (v2sf);
	s4 =	sadd.s32 s7, s4  }
0x160: {  	[tilespmem:s24], [sflag:$0x1] =	stream.linear.gather [hbm4b:s4+s2], $0x80, $0x38;
	[tilespmem:$0x11000] =	vst v63  }
0x161: {  	s4 =	sor.u32 s26, s25  }
0x162: {  	s4 =	sshrl.u32 s4, $0x3  }
0x163: {  	s28 =	sadd.s32 $0x1700, s12;
	s4 =	sadd.s32 s7, s4  }
0x164: {  	[tilespmem:s28], [sflag:$0x1] =	stream.linear.gather [hbm4b:s4+s2], $0x80, $0x38;
	[tilespmem:$0x11000] =	vst v63  }
0x165: {  	p0 =	sne.s32 s11, $0x3E000;
	s29 =	spop (v2sf)  }
.Ltmp2:
0x166: {  	s30 =	spop (v2sf);
	(pc) =	sbr.rel @p0 .LBB2_6-.Ltmp2, $4  }
0x167: {  	s4 =	sor.u32 s30, s29  }
0x168: {  	s1 =	sadd.s32 $0x80, s1;
	s0 =	sadd.s32 $0x10, s0;
	s4 =	sshrl.u32 s4, $0x3  }
0x169: {  	s11 =	sadd.s32 $0x2000, s11;
	s31 =	sadd.s32 $0x1780, s12;
	s4 =	sadd.s32 s7, s4  }
0x16a: {  	[tilespmem:s31], [sflag:$0x1] =	stream.linear.gather [hbm4b:s4+s2], $0x80, $0x38;
	[tilespmem:$0x11000] =	vst v63  }
0x16b: {  	s0 =	simm.s32 $0x1  }
0x16c: {  	_ =	swait.ge [sflag:s0], $0x10000  }
0x16d: {  	s4 =	simm.s32 $0x1000;
	[sflag:s0] =	ssyncset.done $0x0  }
0x16e: {  	s1 =	rddreg [dreg:$0x8];
	[sflag:s0] =	ssyncadd.s32 $0xFFFF0000;
	s0 =	simm.s32 $0x0  }
0x16f: {  	[hbm4b:s1+s0] =	stream.linear.scatter [tilespmem:s4], [sflag:$0x2], $0x10000, $0x38;
	[tilespmem:$0x11000] =	vst v63  }
0x170: {  	_ =	swait.ge [sflag:s13], $0x10000  }
0x171: {  	s11 =	simm.s32 $0x0;
	[sflag:s13] =	ssyncset.done $0x0  }
0x172: {  	s1 =	simm.s32 $0x0;
	s7 =	rddreg [dreg:$0x4];
	[sflag:s13] =	ssyncadd.s32 $0xFFFF0000  }
.LBB2_8:
0x173: {  	s4 =	sand.u32 $0x70, s0;
	s5 =	sand.u32 $0xC00, s1  }
0x174: {  	s4 =	sor.u32 s4, s5  }
0x175: {  	v0 =	vld [tilespmem:s4+$0x180];
	_ =	sdelay $0x4  }
0x176: {  	v1 =	vshrl.u32 v0, $0x3  }
0x177: {  	v0 =	vand.u32 $0x7, v0;
	v1 =	vshll.u32 v1, $0xA  }
0x178: {  	v0 =	vshll.u32 v0, $0x7;
	(v2sf) =	vpush v1, $0x0  }
0x179: {  	(v2sf) =	vpush v0, $0x0;
	_ =	sdelay $0x2  }
0x17a: {  	(v2sf) =	vpush v1, $0x1  }
0x17b: {  	(v2sf) =	vpush v0, $0x1;
	_ =	sdelay $0x1  }
0x17c: {  	(v2sf) =	vpush v1, $0x2;
	_ =	sdelay $0x1  }
0x17d: {  	(v2sf) =	vpush v0, $0x2;
	_ =	sdelay $0x5  }
0x17e: {  	s19 =	spop (v2sf);
	(v2sf) =	vpush v1, $0x3  }
0x17f: {  	s20 =	spop (v2sf);
	(v2sf) =	vpush v0, $0x3;
	_ =	sdelay $0x2  }
0x180: {  	s22 =	spop (v2sf);
	(v2sf) =	vpush v1, $0x4  }
0x181: {  	s23 =	spop (v2sf);
	(v2sf) =	vpush v0, $0x4;
	_ =	sdelay $0x1  }
0x182: {  	s25 =	spop (v2sf);
	(v2sf) =	vpush v1, $0x5;
	_ =	sdelay $0x1  }
0x183: {  	s26 =	spop (v2sf);
	(v2sf) =	vpush v0, $0x5;
	_ =	sdelay $0x1  }
0x184: {  	s4 =	sor.u32 s20, s19  }
0x185: {  	s12 =	sshra.s32 s11, $0x2;
	s4 =	sshrl.u32 s4, $0x3  }
0x186: {  	s21 =	sadd.s32 $0x1000, s12;
	s4 =	sadd.s32 s7, s4  }
0x187: {  	[tilespmem:s21], [sflag:$0x1] =	stream.linear.gather [hbm4b:s4+s2], $0x80, $0x38;
	[tilespmem:$0x11000] =	vst v63  }
0x188: {  	s4 =	sor.u32 s23, s22;
	s29 =	spop (v2sf);
	(v2sf) =	vpush v1, $0x6  }
0x189: {  	s4 =	sshrl.u32 s4, $0x3;
	s30 =	spop (v2sf);
	(v2sf) =	vpush v0, $0x6  }
0x18a: {  	s24 =	sadd.s32 $0x1080, s12;
	s4 =	sadd.s32 s7, s4  }
0x18b: {  	[tilespmem:s24], [sflag:$0x1] =	stream.linear.gather [hbm4b:s4+s2], $0x80, $0x38;
	[tilespmem:$0x11000] =	vst v63  }
0x18c: {  	s5 =	spop (v2sf);
	(v2sf) =	vpush v1, $0x7  }
0x18d: {  	s4 =	sor.u32 s26, s25;
	s14 =	spop (v2sf);
	(v2sf) =	vpush v0, $0x7  }
0x18e: {  	s4 =	sshrl.u32 s4, $0x3  }
0x18f: {  	s28 =	sadd.s32 $0x1100, s12;
	s4 =	sadd.s32 s7, s4;
	s16 =	spop (v2sf);
	(v2sf) =	vpush v1, $0x8  }
0x190: {  	[tilespmem:s28], [sflag:$0x1] =	stream.linear.gather [hbm4b:s4+s2], $0x80, $0x38;
	[tilespmem:$0x11000] =	vst v63  }
0x191: {  	s17 =	spop (v2sf);
	(v2sf) =	vpush v0, $0x8  }
0x192: {  	s4 =	sor.u32 s30, s29  }
0x193: {  	s4 =	sshrl.u32 s4, $0x3  }
0x194: {  	s31 =	sadd.s32 $0x1180, s12;
	s4 =	sadd.s32 s7, s4  }
0x195: {  	[tilespmem:s31], [sflag:$0x1] =	stream.linear.gather [hbm4b:s4+s2], $0x80, $0x38;
	[tilespmem:$0x11000] =	vst v63  }
0x196: {  	s4 =	sor.u32 s14, s5  }
0x197: {  	s4 =	sshrl.u32 s4, $0x3;
	s19 =	spop (v2sf);
	(v2sf) =	vpush v1, $0x9  }
0x198: {  	s15 =	sadd.s32 $0x1200, s12;
	s4 =	sadd.s32 s7, s4;
	s20 =	spop (v2sf);
	(v2sf) =	vpush v0, $0x9  }
0x199: {  	[tilespmem:s15], [sflag:$0x1] =	stream.linear.gather [hbm4b:s4+s2], $0x80, $0x38;
	[tilespmem:$0x11000] =	vst v63  }
0x19a: {  	s4 =	sor.u32 s17, s16  }
0x19b: {  	s4 =	sshrl.u32 s4, $0x3;
	s22 =	spop (v2sf);
	(v2sf) =	vpush v1, $0xA  }
0x19c: {  	s18 =	sadd.s32 $0x1280, s12;
	s4 =	sadd.s32 s7, s4;
	s23 =	spop (v2sf);
	(v2sf) =	vpush v0, $0xA  }
0x19d: {  	[tilespmem:s18], [sflag:$0x1] =	stream.linear.gather [hbm4b:s4+s2], $0x80, $0x38;
	[tilespmem:$0x11000] =	vst v63  }
0x19e: {  	s4 =	sor.u32 s20, s19;
	s25 =	spop (v2sf);
	(v2sf) =	vpush v1, $0xB  }
0x19f: {  	s4 =	sshrl.u32 s4, $0x3  }
0x1a0: {  	s21 =	sadd.s32 $0x1300, s12;
	s4 =	sadd.s32 s7, s4;
	s26 =	spop (v2sf);
	(v2sf) =	vpush v0, $0xB  }
0x1a1: {  	[tilespmem:s21], [sflag:$0x1] =	stream.linear.gather [hbm4b:s4+s2], $0x80, $0x38;
	[tilespmem:$0x11000] =	vst v63  }
0x1a2: {  	s4 =	sor.u32 s23, s22  }
0x1a3: {  	s4 =	sshrl.u32 s4, $0x3  }
0x1a4: {  	s24 =	sadd.s32 $0x1380, s12;
	s4 =	sadd.s32 s7, s4  }
0x1a5: {  	[tilespmem:s24], [sflag:$0x1] =	stream.linear.gather [hbm4b:s4+s2], $0x80, $0x38;
	[tilespmem:$0x11000] =	vst v63  }
0x1a6: {  	s4 =	sor.u32 s26, s25;
	s29 =	spop (v2sf);
	(v2sf) =	vpush v1, $0xC  }
0x1a7: {  	s4 =	sshrl.u32 s4, $0x3;
	s30 =	spop (v2sf);
	(v2sf) =	vpush v0, $0xC  }
0x1a8: {  	s28 =	sadd.s32 $0x1400, s12;
	s4 =	sadd.s32 s7, s4  }
0x1a9: {  	[tilespmem:s28], [sflag:$0x1] =	stream.linear.gather [hbm4b:s4+s2], $0x80, $0x38;
	[tilespmem:$0x11000] =	vst v63  }
0x1aa: {  	s5 =	spop (v2sf);
	(v2sf) =	vpush v1, $0xD  }
0x1ab: {  	s4 =	sor.u32 s30, s29;
	s14 =	spop (v2sf);
	(v2sf) =	vpush v0, $0xD  }
0x1ac: {  	s4 =	sshrl.u32 s4, $0x3  }
0x1ad: {  	s31 =	sadd.s32 $0x1480, s12;
	s4 =	sadd.s32 s7, s4;
	s16 =	spop (v2sf)  }
0x1ae: {  	(v2sf) =	vpush v1, $0xE;
	[tilespmem:s31], [sflag:$0x1] =	stream.linear.gather [hbm4b:s4+s2], $0x80, $0x38;
	[tilespmem:$0x11000] =	vst v63  }
0x1af: {  	s17 =	spop (v2sf);
	(v2sf) =	vpush v0, $0xE  }
0x1b0: {  	s4 =	sor.u32 s14, s5  }
0x1b1: {  	s4 =	sshrl.u32 s4, $0x3  }
0x1b2: {  	s15 =	sadd.s32 $0x1500, s12;
	s4 =	sadd.s32 s7, s4  }
0x1b3: {  	[tilespmem:s15], [sflag:$0x1] =	stream.linear.gather [hbm4b:s4+s2], $0x80, $0x38;
	[tilespmem:$0x11000] =	vst v63  }
0x1b4: {  	s4 =	sor.u32 s17, s16  }
0x1b5: {  	s4 =	sshrl.u32 s4, $0x3;
	s19 =	spop (v2sf);
	(v2sf) =	vpush v1, $0xF  }
0x1b6: {  	s18 =	sadd.s32 $0x1580, s12;
	s4 =	sadd.s32 s7, s4;
	s20 =	spop (v2sf);
	(v2sf) =	vpush v0, $0xF  }
0x1b7: {  	[tilespmem:s18], [sflag:$0x1] =	stream.linear.gather [hbm4b:s4+s2], $0x80, $0x38;
	[tilespmem:$0x11000] =	vst v63  }
0x1b8: {  	s4 =	sor.u32 s20, s19  }
0x1b9: {  	s22 =	spop (v2sf);
	s4 =	sshrl.u32 s4, $0x3  }
0x1ba: {  	s21 =	sadd.s32 $0x1600, s12;
	s23 =	spop (v2sf);
	s4 =	sadd.s32 s7, s4  }
0x1bb: {  	[tilespmem:s21], [sflag:$0x1] =	stream.linear.gather [hbm4b:s4+s2], $0x80, $0x38;
	[tilespmem:$0x11000] =	vst v63  }
0x1bc: {  	s4 =	sor.u32 s23, s22  }
0x1bd: {  	s25 =	spop (v2sf);
	s4 =	sshrl.u32 s4, $0x3  }
0x1be: {  	s24 =	sadd.s32 $0x1680, s12;
	s26 =	spop (v2sf);
	s4 =	sadd.s32 s7, s4  }
0x1bf: {  	[tilespmem:s24], [sflag:$0x1] =	stream.linear.gather [hbm4b:s4+s2], $0x80, $0x38;
	[tilespmem:$0x11000] =	vst v63  }
0x1c0: {  	s4 =	sor.u32 s26, s25  }
0x1c1: {  	s4 =	sshrl.u32 s4, $0x3  }
0x1c2: {  	s28 =	sadd.s32 $0x1700, s12;
	s4 =	sadd.s32 s7, s4  }
0x1c3: {  	[tilespmem:s28], [sflag:$0x1] =	stream.linear.gather [hbm4b:s4+s2], $0x80, $0x38;
	[tilespmem:$0x11000] =	vst v63  }
0x1c4: {  	p0 =	sne.s32 s11, $0x3E000;
	s29 =	spop (v2sf)  }
.Ltmp3:
0x1c5: {  	s30 =	spop (v2sf);
	(pc) =	sbr.rel @p0 .LBB2_8-.Ltmp3, $4  }
0x1c6: {  	s4 =	sor.u32 s30, s29  }
0x1c7: {  	s1 =	sadd.s32 $0x80, s1;
	s0 =	sadd.s32 $0x10, s0;
	s4 =	sshrl.u32 s4, $0x3  }
0x1c8: {  	s11 =	sadd.s32 $0x2000, s11;
	s31 =	sadd.s32 $0x1780, s12;
	s4 =	sadd.s32 s7, s4  }
0x1c9: {  	[tilespmem:s31], [sflag:$0x1] =	stream.linear.gather [hbm4b:s4+s2], $0x80, $0x38;
	[tilespmem:$0x11000] =	vst v63  }
0x1ca: {  	s0 =	simm.s32 $0x1  }
0x1cb: {  	_ =	swait.ge [sflag:s0], $0x10000  }
0x1cc: {  	s11 =	simm.s32 $0x0;
	[sflag:s0] =	ssyncset.done $0x0  }
0x1cd: {  	s4 =	simm.s32 $0x1000;
	s1 =	rddreg [dreg:$0x9];
	[sflag:s0] =	ssyncadd.s32 $0xFFFF0000  }
0x1ce: {  	[hbm4b:s1+s11] =	stream.linear.scatter [tilespmem:s4], [sflag:$0x2], $0x10000, $0x38;
	[tilespmem:$0x11000] =	vst v63  }
0x1cf: {  	_ =	swait.ge [sflag:s13], $0x10000  }
0x1d0: {  	s12 =	sand.u32 $0x70, s11;
	s0 =	sand.u32 $0xC00, s11;
	[sflag:s13] =	ssyncset.done $0x0  }
0x1d1: {  	s0 =	sor.u32 s12, s0;
	[sflag:s13] =	ssyncadd.s32 $0xFFFF0000  }
0x1d2: {  	v0 =	vld [tilespmem:s0+$0x200];
	_ =	sdelay $0x4  }
0x1d3: {  	v0 =	vshll.u32 v0, $0x4  }
0x1d4: {  	(v2sf) =	vpush v0, $0x0  }
0x1d5: {  	(v2sf) =	vpush v0, $0x1  }
0x1d6: {  	(v2sf) =	vpush v0, $0x2  }
0x1d7: {  	(v2sf) =	vpush v0, $0x3  }
0x1d8: {  	(v2sf) =	vpush v0, $0x4;
	_ =	sdelay $0x6  }
0x1d9: {  	(v2sf) =	vpush v0, $0x5  }
0x1da: {  	s25 =	simm.s32 $0x2000  }
0x1db: {  	s26 =	simm.s32 $0x10;
	s28 =	simm.s32 $0x80;
	s30 =	simm.s32 $0x4000  }
0x1dc: {  	s31 =	simm.s32 $0x20;
	s29 =	simm.s32 $0x0;
	s5 =	simm.s32 $0x1000  }
0x1dd: {  	s15 =	simm.s32 $0x1400;
	s14 =	simm.s32 $0x1480;
	(v2sf) =	vpush v0, $0x6;
	s7 =	spop (v2sf)  }
0x1de: {  	s18 =	simm.s32 $0x1100;
	s19 =	simm.s32 $0x1180;
	s16 =	spop (v2sf)  }
0x1df: {  	s1 =	simm.s32 $0x1680;
	s12 =	simm.s32 $0x1580;
	(v2sf) =	vpush v0, $0x7;
	s21 =	spop (v2sf)  }
0x1e0: {  	s11 =	simm.s32 $0x1600;
	s7 =	sand.u32 $0x1FFFFFF0, s7;
	s17 =	spop (v2sf)  }
0x1e1: {  	s13 =	simm.s32 $0x1080;
	s7 =	sadd.s32 s6, s7;
	s24 =	spop (v2sf);
	(v2sf) =	vpush v0, $0x8  }
0x1e2: {  	[tilespmem:s5], [sflag:$0x1] =	stream.linear.gather [hbm4b:s7+s2], $0x80, $0x38;
	[tilespmem:$0x11000] =	vst v63  }
0x1e3: {  	s0 =	simm.s32 $0x100;
	s20 =	sand.u32 $0x1FFFFFF0, s16;
	s16 =	sand.u32 $0x1FFFFFF0, s21;
	(v2sf) =	vpush v0, $0x9  }
0x1e4: {  	s7 =	sadd.s32 s6, s20;
	s22 =	sadd.s32 s6, s16;
	s23 =	sand.u32 $0x1FFFFFF0, s17  }
0x1e5: {  	[tilespmem:s13], [sflag:$0x1] =	stream.linear.gather [hbm4b:s7+s2], $0x80, $0x38;
	(v2sf) =	vpush v0, $0xA;
	[tilespmem:$0x11000] =	vst v63  }
0x1e6: {  	s16 =	simm.s32 $0x1500;
	s13 =	sadd.s32 s6, s23;
	s17 =	sand.u32 $0x1FFFFFF0, s24  }
0x1e7: {  	[tilespmem:s18], [sflag:$0x1] =	stream.linear.gather [hbm4b:s22+s2], $0x80, $0x38;
	(v2sf) =	vpush v0, $0xB;
	[tilespmem:$0x11000] =	vst v63  }
0x1e8: {  	s20 =	sadd.s32 s6, s17;
	s17 =	simm.s32 $0x1380;
	s18 =	spop (v2sf)  }
0x1e9: {  	(v2sf) =	vpush v0, $0xC;
	[tilespmem:s19], [sflag:$0x1] =	stream.linear.gather [hbm4b:s13+s2], $0x80, $0x38;
	[tilespmem:$0x11000] =	vst v63  }
0x1ea: {  	s22 =	simm.s32 $0x1280;
	s21 =	sand.u32 $0x1FFFFFF0, s18;
	s19 =	simm.s32 $0x1200  }
0x1eb: {  	(v2sf) =	vpush v0, $0xD;
	[tilespmem:s19], [sflag:$0x1] =	stream.linear.gather [hbm4b:s20+s2], $0x80, $0x38;
	[tilespmem:$0x11000] =	vst v63  }
0x1ec: {  	s18 =	simm.s32 $0x1300;
	s24 =	spop (v2sf);
	s23 =	sadd.s32 s6, s21  }
0x1ed: {  	(v2sf) =	vpush v0, $0xE;
	[tilespmem:s22], [sflag:$0x1] =	stream.linear.gather [hbm4b:s23+s2], $0x80, $0x38;
	[tilespmem:$0x11000] =	vst v63  }
0x1ee: {  	s13 =	simm.s32 $0x1780;
	s20 =	sand.u32 $0x1FFFFFF0, s24;
	s23 =	spop (v2sf);
	(v2sf) =	vpush v0, $0xF  }
.LBB2_10:
0x1ef: {  	s4 =	sadd.s32 s6, s20  }
0x1f0: {  	s5 =	sand.u32 $0x1FFFFFF0, s23;
	s7 =	spop (v2sf);
	s19 =	smov.u32 s30  }
0x1f1: {  	[tilespmem:s18], [sflag:$0x1] =	stream.linear.gather [hbm4b:s4+s2], $0x80, $0x38;
	[tilespmem:$0x11000] =	vst v63  }
0x1f2: {  	s4 =	sadd.s32 s6, s5;
	s5 =	sand.u32 $0x1FFFFFF0, s7;
	s7 =	spop (v2sf)  }
0x1f3: {  	[tilespmem:s17], [sflag:$0x1] =	stream.linear.gather [hbm4b:s4+s2], $0x80, $0x38;
	[tilespmem:$0x11000] =	vst v63  }
0x1f4: {  	s4 =	sadd.s32 s6, s5;
	s5 =	sand.u32 $0x1FFFFFF0, s7;
	s7 =	spop (v2sf)  }
0x1f5: {  	[tilespmem:s15], [sflag:$0x1] =	stream.linear.gather [hbm4b:s4+s2], $0x80, $0x38;
	[tilespmem:$0x11000] =	vst v63  }
0x1f6: {  	s4 =	sadd.s32 s6, s5;
	s5 =	sand.u32 $0x1FFFFFF0, s7;
	s7 =	spop (v2sf)  }
0x1f7: {  	[tilespmem:s14], [sflag:$0x1] =	stream.linear.gather [hbm4b:s4+s2], $0x80, $0x38;
	[tilespmem:$0x11000] =	vst v63  }
0x1f8: {  	s4 =	sadd.s32 s6, s5;
	s5 =	sand.u32 $0x1FFFFFF0, s7;
	s7 =	spop (v2sf)  }
0x1f9: {  	[tilespmem:s16], [sflag:$0x1] =	stream.linear.gather [hbm4b:s4+s2], $0x80, $0x38;
	[tilespmem:$0x11000] =	vst v63  }
0x1fa: {  	s4 =	sadd.s32 s6, s5;
	s5 =	sand.u32 $0x1FFFFFF0, s7;
	s7 =	spop (v2sf)  }
0x1fb: {  	[tilespmem:s12], [sflag:$0x1] =	stream.linear.gather [hbm4b:s4+s2], $0x80, $0x38;
	[tilespmem:$0x11000] =	vst v63  }
0x1fc: {  	s4 =	sadd.s32 s6, s5;
	s5 =	sand.u32 $0x1FFFFFF0, s7;
	s7 =	spop (v2sf)  }
0x1fd: {  	[tilespmem:s11], [sflag:$0x1] =	stream.linear.gather [hbm4b:s4+s2], $0x80, $0x38;
	[tilespmem:$0x11000] =	vst v63  }
0x1fe: {  	s4 =	sadd.s32 s6, s5;
	s5 =	sand.u32 $0x1FFFFFF0, s7;
	s7 =	spop (v2sf)  }
0x1ff: {  	[tilespmem:s1], [sflag:$0x1] =	stream.linear.gather [hbm4b:s4+s2], $0x80, $0x38;
	[tilespmem:$0x11000] =	vst v63  }
0x200: {  	s1 =	sadd.s32 $0x1700, s29;
	s4 =	sadd.s32 s6, s5;
	s5 =	sand.u32 $0x1FFFFFF0, s7  }
0x201: {  	[tilespmem:s1], [sflag:$0x1] =	stream.linear.gather [hbm4b:s4+s2], $0x80, $0x38;
	[tilespmem:$0x11000] =	vst v63  }
0x202: {  	s5 =	sadd.s32 s6, s5;
	s1 =	sand.u32 $0x70, s26;
	s4 =	sand.u32 $0xC00, s28  }
0x203: {  	[tilespmem:s13], [sflag:$0x1] =	stream.linear.gather [hbm4b:s5+s2], $0x80, $0x38;
	[tilespmem:$0x11000] =	vst v63  }
0x204: {  	p0 =	sne.s32 s30, $0x3E000;
	s30 =	sadd.s32 $0x2000, s30;
	s1 =	sor.u32 s1, s4  }
0x205: {  	s26 =	smov.u32 s31;
	s28 =	smov.u32 s0;
	v0 =	vld [tilespmem:s1+$0x200];
	_ =	sdelay $0x4  }
0x206: {  	s29 =	sshra.s32 s25, $0x2;
	s25 =	smov.u32 s19;
	s31 =	sadd.s32 $0x10, s31;
	v0 =	vshll.u32 v0, $0x4  }
0x207: {  	s0 =	sadd.s32 $0x80, s0;
	s4 =	sadd.s32 $0x1080, s29;
	s1 =	sadd.s32 $0x1680, s29;
	(v2sf) =	vpush v0, $0x0  }
0x208: {  	s12 =	sadd.s32 $0x1580, s29;
	s11 =	sadd.s32 $0x1600, s29;
	s5 =	sadd.s32 $0x1000, s29;
	(v2sf) =	vpush v0, $0x1  }
0x209: {  	s15 =	sadd.s32 $0x1400, s29;
	s14 =	sadd.s32 $0x1480, s29;
	s16 =	sadd.s32 $0x1500, s29;
	(v2sf) =	vpush v0, $0x2  }
0x20a: {  	s18 =	sadd.s32 $0x1300, s29;
	s17 =	sadd.s32 $0x1380, s29  }
0x20b: {  	s19 =	sadd.s32 $0x1280, s29;
	(v2sf) =	vpush v0, $0x3  }
0x20c: {  	s7 =	sadd.s32 $0x1200, s29  }
0x20d: {  	(v2sf) =	vpush v0, $0x4  }
0x20e: {  	s13 =	sadd.s32 $0x1780, s29  }
0x20f: {  	(v2sf) =	vpush v0, $0x5;
	_ =	sdelay $0x1  }
0x210: {  	s20 =	sadd.s32 $0x1100, s29;
	(v2sf) =	vpush v0, $0x6;
	_ =	sdelay $0x1  }
0x211: {  	s21 =	sadd.s32 $0x1180, s29;
	(v2sf) =	vpush v0, $0x7;
	_ =	sdelay $0x1  }
0x212: {  	(v2sf) =	vpush v0, $0x8  }
0x213: {  	s22 =	spop (v2sf)  }
0x214: {  	s22 =	sand.u32 $0x1FFFFFF0, s22;
	s23 =	spop (v2sf);
	(v2sf) =	vpush v0, $0x9  }
0x215: {  	s22 =	sadd.s32 s6, s22;
	s23 =	sand.u32 $0x1FFFFFF0, s23;
	s24 =	spop (v2sf)  }
0x216: {  	[tilespmem:s5], [sflag:$0x1] =	stream.linear.gather [hbm4b:s22+s2], $0x80, $0x38;
	(v2sf) =	vpush v0, $0xA;
	[tilespmem:$0x11000] =	vst v63  }
0x217: {  	s5 =	sadd.s32 s6, s23;
	s22 =	sand.u32 $0x1FFFFFF0, s24;
	s23 =	spop (v2sf)  }
0x218: {  	[tilespmem:s4], [sflag:$0x1] =	stream.linear.gather [hbm4b:s5+s2], $0x80, $0x38;
	(v2sf) =	vpush v0, $0xB;
	[tilespmem:$0x11000] =	vst v63  }
0x219: {  	s4 =	sadd.s32 s6, s22;
	s5 =	sand.u32 $0x1FFFFFF0, s23;
	s22 =	spop (v2sf)  }
0x21a: {  	[tilespmem:s20], [sflag:$0x1] =	stream.linear.gather [hbm4b:s4+s2], $0x80, $0x38;
	(v2sf) =	vpush v0, $0xC;
	[tilespmem:$0x11000] =	vst v63  }
0x21b: {  	s4 =	sadd.s32 s6, s5;
	s5 =	sand.u32 $0x1FFFFFF0, s22;
	s20 =	spop (v2sf)  }
0x21c: {  	[tilespmem:s21], [sflag:$0x1] =	stream.linear.gather [hbm4b:s4+s2], $0x80, $0x38;
	[tilespmem:$0x11000] =	vst v63  }
.Ltmp4:
0x21d: {  	(v2sf) =	vpush v0, $0xD;
	(pc) =	sbr.rel @p0 .LBB2_10-.Ltmp4, $4  }
0x21e: {  	s4 =	sadd.s32 s6, s5;
	s5 =	sand.u32 $0x1FFFFFF0, s20;
	s20 =	spop (v2sf)  }
0x21f: {  	[tilespmem:s7], [sflag:$0x1] =	stream.linear.gather [hbm4b:s4+s2], $0x80, $0x38;
	(v2sf) =	vpush v0, $0xE;
	[tilespmem:$0x11000] =	vst v63  }
0x220: {  	s4 =	sadd.s32 s6, s5;
	s20 =	sand.u32 $0x1FFFFFF0, s20;
	s23 =	spop (v2sf)  }
0x221: {  	[tilespmem:s19], [sflag:$0x1] =	stream.linear.gather [hbm4b:s4+s2], $0x80, $0x38;
	(v2sf) =	vpush v0, $0xF;
	[tilespmem:$0x11000] =	vst v63  }
0x222: {  	s0 =	sadd.s32 s6, s20;
	s4 =	sand.u32 $0x1FFFFFF0, s23;
	s5 =	spop (v2sf)  }
0x223: {  	[tilespmem:s18], [sflag:$0x1] =	stream.linear.gather [hbm4b:s0+s2], $0x80, $0x38;
	[tilespmem:$0x11000] =	vst v63  }
0x224: {  	s22 =	sadd.s32 s6, s4;
	s23 =	sand.u32 $0x1FFFFFF0, s5;
	s24 =	spop (v2sf)  }
0x225: {  	[tilespmem:s17], [sflag:$0x1] =	stream.linear.gather [hbm4b:s22+s2], $0x80, $0x38;
	[tilespmem:$0x11000] =	vst v63  }
0x226: {  	s7 =	sadd.s32 s6, s23;
	s18 =	spop (v2sf)  }
0x227: {  	[tilespmem:s15], [sflag:$0x1] =	stream.linear.gather [hbm4b:s7+s2], $0x80, $0x38;
	[tilespmem:$0x11000] =	vst v63  }
0x228: {  	s17 =	sand.u32 $0x1FFFFFF0, s24;
	s20 =	sand.u32 $0x1FFFFFF0, s18;
	s21 =	spop (v2sf)  }
0x229: {  	s19 =	sadd.s32 s6, s17;
	s22 =	sadd.s32 s6, s20;
	s23 =	sand.u32 $0x1FFFFFF0, s21  }
0x22a: {  	[tilespmem:s14], [sflag:$0x1] =	stream.linear.gather [hbm4b:s19+s2], $0x80, $0x38;
	[tilespmem:$0x11000] =	vst v63  }
0x22b: {  	s24 =	spop (v2sf);
	s4 =	sadd.s32 s6, s23;
	s19 =	sadd.s32 $0x1700, s29  }
0x22c: {  	[tilespmem:s16], [sflag:$0x1] =	stream.linear.gather [hbm4b:s22+s2], $0x80, $0x38;
	[tilespmem:$0x11000] =	vst v63  }
0x22d: {  	s23 =	sand.u32 $0xC00, s28;
	s5 =	sand.u32 $0x1FFFFFF0, s24;
	s7 =	spop (v2sf)  }
0x22e: {  	[tilespmem:s12], [sflag:$0x1] =	stream.linear.gather [hbm4b:s4+s2], $0x80, $0x38;
	[tilespmem:$0x11000] =	vst v63  }
0x22f: {  	s12 =	sadd.s32 s6, s5;
	s14 =	sand.u32 $0x1FFFFFF0, s7;
	s15 =	spop (v2sf)  }
0x230: {  	[tilespmem:s11], [sflag:$0x1] =	stream.linear.gather [hbm4b:s12+s2], $0x80, $0x38;
	[tilespmem:$0x11000] =	vst v63  }
0x231: {  	s16 =	sadd.s32 s6, s14;
	s17 =	sand.u32 $0x1FFFFFF0, s15;
	s18 =	spop (v2sf)  }
0x232: {  	[tilespmem:s1], [sflag:$0x1] =	stream.linear.gather [hbm4b:s16+s2], $0x80, $0x38;
	[tilespmem:$0x11000] =	vst v63  }
0x233: {  	s22 =	sand.u32 $0x70, s26;
	s20 =	sadd.s32 s6, s17;
	s21 =	sand.u32 $0x1FFFFFF0, s18  }
0x234: {  	[tilespmem:s19], [sflag:$0x1] =	stream.linear.gather [hbm4b:s20+s2], $0x80, $0x38;
	[tilespmem:$0x11000] =	vst v63  }
0x235: {  	s0 =	sor.u32 s22, s23;
	s4 =	sadd.s32 s6, s21  }
0x236: {  	[tilespmem:s13], [sflag:$0x1] =	stream.linear.gather [hbm4b:s4+s2], $0x80, $0x38;
	[tilespmem:$0x11000] =	vst v63  }
0x237: {  	v0 =	vld [tilespmem:s0+$0x200];
	_ =	sdelay $0x4  }
0x238: {  	v0 =	vshll.u32 v0, $0x4  }
0x239: {  	(v2sf) =	vpush v0, $0x0  }
0x23a: {  	(v2sf) =	vpush v0, $0x1  }
0x23b: {  	(v2sf) =	vpush v0, $0x2;
	_ =	sdelay $0x1  }
0x23c: {  	(v2sf) =	vpush v0, $0x3;
	_ =	sdelay $0x1  }
0x23d: {  	(v2sf) =	vpush v0, $0x4;
	_ =	sdelay $0x1  }
0x23e: {  	(v2sf) =	vpush v0, $0x5;
	_ =	sdelay $0x1  }
0x23f: {  	s0 =	sshra.s32 s25, $0x2;
	(v2sf) =	vpush v0, $0x6  }
0x240: {  	s4 =	sadd.s32 $0x1080, s0;
	s1 =	sadd.s32 $0x1680, s0  }
0x241: {  	s24 =	sadd.s32 $0x1000, s0;
	s12 =	sadd.s32 $0x1580, s0;
	s11 =	sadd.s32 $0x1600, s0;
	(v2sf) =	vpush v0, $0x7  }
0x242: {  	s7 =	sadd.s32 $0x1400, s0;
	s13 =	sadd.s32 $0x1480, s0;
	s14 =	sadd.s32 $0x1500, s0  }
0x243: {  	s15 =	sadd.s32 $0x1300, s0;
	s16 =	sadd.s32 $0x1380, s0;
	s17 =	sadd.s32 $0x1280, s0;
	(v2sf) =	vpush v0, $0x8  }
0x244: {  	s18 =	sadd.s32 $0x1200, s0;
	s19 =	sadd.s32 $0x1100, s0;
	s25 =	spop (v2sf)  }
0x245: {  	s21 =	sadd.s32 $0x1180, s0;
	s20 =	sand.u32 $0x1FFFFFF0, s25;
	s22 =	spop (v2sf);
	(v2sf) =	vpush v0, $0x9  }
0x246: {  	s20 =	sadd.s32 s6, s20;
	s22 =	sand.u32 $0x1FFFFFF0, s22;
	s26 =	spop (v2sf)  }
0x247: {  	(v2sf) =	vpush v0, $0xA;
	[tilespmem:s24], [sflag:$0x1] =	stream.linear.gather [hbm4b:s20+s2], $0x80, $0x38;
	[tilespmem:$0x11000] =	vst v63  }
0x248: {  	s20 =	sadd.s32 s6, s22;
	s22 =	sand.u32 $0x1FFFFFF0, s26;
	s23 =	spop (v2sf)  }
0x249: {  	(v2sf) =	vpush v0, $0xB;
	[tilespmem:s4], [sflag:$0x1] =	stream.linear.gather [hbm4b:s20+s2], $0x80, $0x38;
	[tilespmem:$0x11000] =	vst v63  }
0x24a: {  	s24 =	sadd.s32 s6, s22;
	s25 =	sand.u32 $0x1FFFFFF0, s23;
	s26 =	spop (v2sf)  }
0x24b: {  	(v2sf) =	vpush v0, $0xC;
	[tilespmem:s19], [sflag:$0x1] =	stream.linear.gather [hbm4b:s24+s2], $0x80, $0x38;
	[tilespmem:$0x11000] =	vst v63  }
0x24c: {  	s5 =	sadd.s32 s6, s25;
	s20 =	spop (v2sf);
	s19 =	sand.u32 $0x1FFFFFF0, s26  }
0x24d: {  	(v2sf) =	vpush v0, $0xD;
	[tilespmem:s21], [sflag:$0x1] =	stream.linear.gather [hbm4b:s5+s2], $0x80, $0x38;
	[tilespmem:$0x11000] =	vst v63  }
0x24e: {  	s22 =	sand.u32 $0x1FFFFFF0, s20;
	s23 =	spop (v2sf);
	s21 =	sadd.s32 s6, s19  }
0x24f: {  	(v2sf) =	vpush v0, $0xE;
	[tilespmem:s18], [sflag:$0x1] =	stream.linear.gather [hbm4b:s21+s2], $0x80, $0x38;
	[tilespmem:$0x11000] =	vst v63  }
0x250: {  	s24 =	sadd.s32 s6, s22;
	s25 =	sand.u32 $0x1FFFFFF0, s23;
	s26 =	spop (v2sf)  }
0x251: {  	(v2sf) =	vpush v0, $0xF;
	[tilespmem:s17], [sflag:$0x1] =	stream.linear.gather [hbm4b:s24+s2], $0x80, $0x38;
	[tilespmem:$0x11000] =	vst v63  }
0x252: {  	s20 =	spop (v2sf);
	s19 =	sand.u32 $0x1FFFFFF0, s26;
	s17 =	sadd.s32 s6, s25  }
0x253: {  	[tilespmem:s15], [sflag:$0x1] =	stream.linear.gather [hbm4b:s17+s2], $0x80, $0x38;
	[tilespmem:$0x11000] =	vst v63  }
0x254: {  	s22 =	sand.u32 $0x1FFFFFF0, s20;
	s21 =	sadd.s32 s6, s19;
	s23 =	spop (v2sf)  }
0x255: {  	[tilespmem:s16], [sflag:$0x1] =	stream.linear.gather [hbm4b:s21+s2], $0x80, $0x38;
	[tilespmem:$0x11000] =	vst v63  }
0x256: {  	s24 =	sadd.s32 s6, s22;
	s25 =	sand.u32 $0x1FFFFFF0, s23;
	s26 =	spop (v2sf)  }
0x257: {  	[tilespmem:s7], [sflag:$0x1] =	stream.linear.gather [hbm4b:s24+s2], $0x80, $0x38;
	[tilespmem:$0x11000] =	vst v63  }
0x258: {  	s16 =	sand.u32 $0x1FFFFFF0, s26;
	s17 =	spop (v2sf);
	s7 =	sadd.s32 s6, s25  }
0x259: {  	[tilespmem:s13], [sflag:$0x1] =	stream.linear.gather [hbm4b:s7+s2], $0x80, $0x38;
	[tilespmem:$0x11000] =	vst v63  }
0x25a: {  	s18 =	sadd.s32 s6, s16;
	s19 =	sand.u32 $0x1FFFFFF0, s17;
	s20 =	spop (v2sf)  }
0x25b: {  	[tilespmem:s14], [sflag:$0x1] =	stream.linear.gather [hbm4b:s18+s2], $0x80, $0x38;
	[tilespmem:$0x11000] =	vst v63  }
0x25c: {  	s21 =	sadd.s32 s6, s19;
	s22 =	sand.u32 $0x1FFFFFF0, s20;
	s23 =	spop (v2sf)  }
0x25d: {  	[tilespmem:s12], [sflag:$0x1] =	stream.linear.gather [hbm4b:s21+s2], $0x80, $0x38;
	[tilespmem:$0x11000] =	vst v63  }
0x25e: {  	s24 =	sadd.s32 s6, s22;
	s25 =	sand.u32 $0x1FFFFFF0, s23;
	s26 =	spop (v2sf)  }
0x25f: {  	[tilespmem:s11], [sflag:$0x1] =	stream.linear.gather [hbm4b:s24+s2], $0x80, $0x38;
	[tilespmem:$0x11000] =	vst v63  }
0x260: {  	s13 =	spop (v2sf);
	s12 =	sand.u32 $0x1FFFFFF0, s26;
	s11 =	sadd.s32 s6, s25  }
0x261: {  	[tilespmem:s1], [sflag:$0x1] =	stream.linear.gather [hbm4b:s11+s2], $0x80, $0x38;
	[tilespmem:$0x11000] =	vst v63  }
0x262: {  	s14 =	sadd.s32 $0x1700, s0;
	s16 =	sand.u32 $0x1FFFFFF0, s13;
	s15 =	sadd.s32 s6, s12  }
0x263: {  	[tilespmem:s14], [sflag:$0x1] =	stream.linear.gather [hbm4b:s15+s2], $0x80, $0x38;
	[tilespmem:$0x11000] =	vst v63  }
0x264: {  	s0 =	sadd.s32 $0x1780, s0;
	s18 =	simm.s32 $0x1;
	s17 =	sadd.s32 s6, s16  }
0x265: {  	[tilespmem:s0], [sflag:$0x1] =	stream.linear.gather [hbm4b:s17+s2], $0x80, $0x38;
	[tilespmem:$0x11000] =	vst v63  }
0x266: {  	_ =	swait.ge [sflag:s18], $0x10000  }
0x267: {  	s19 =	simm.s32 $0x0;
	s22 =	simm.s32 $0x2;
	[sflag:s18] =	ssyncset.done $0x0  }
0x268: {  	s21 =	simm.s32 $0x1000;
	s20 =	rddreg [dreg:$0xa];
	[sflag:s18] =	ssyncadd.s32 $0xFFFF0000  }
0x269: {  	[hbm4b:s20+s19] =	stream.linear.scatter [tilespmem:s21], [sflag:$0x2], $0x10000, $0x38;
	[tilespmem:$0x11000] =	vst v63  }
0x26a: {  	_ =	swait.ge [sflag:s22], $0x10000  }
0x26b: {  	s23 =	sand.u32 $0x70, s19;
	s0 =	sand.u32 $0xC00, s19;
	[sflag:s22] =	ssyncset.done $0x0  }
0x26c: {  	s0 =	sor.u32 s23, s0;
	[sflag:s22] =	ssyncadd.s32 $0xFFFF0000  }
0x26d: {  	v63 =	vld [tilespmem:s0+$0x280];
	_ =	sdelay $0x4  }
0x26e: {  	v0 =	vshll.u32 v63, $0x4  }
0x26f: {  	(v2sf) =	vpush v0, $0x0  }
0x270: {  	(v2sf) =	vpush v0, $0x1  }
0x271: {  	(v2sf) =	vpush v0, $0x2;
	_ =	sdelay $0x1  }
0x272: {  	(v2sf) =	vpush v0, $0x3;
	_ =	sdelay $0x1  }
0x273: {  	(v2sf) =	vpush v0, $0x4;
	_ =	sdelay $0x6  }
0x274: {  	(v2sf) =	vpush v0, $0x5  }
0x275: {  	s30 =	simm.s32 $0x4000  }
0x276: {  	s31 =	simm.s32 $0x20;
	s28 =	simm.s32 $0x80;
	s17 =	spop (v2sf)  }
0x277: {  	s16 =	simm.s32 $0x1000;
	s7 =	sand.u32 $0x1FFFFFF0, s17;
	s18 =	spop (v2sf)  }
0x278: {  	(v2sf) =	vpush v0, $0x6;
	s7 =	sadd.s32 s8, s7;
	s19 =	sand.u32 $0x1FFFFFF0, s18;
	s20 =	spop (v2sf)  }
0x279: {  	[tilespmem:s16], [sflag:$0x1] =	stream.linear.gather [hbm4b:s7+s2], $0x80, $0x38;
	[tilespmem:$0x11000] =	vst v63  }
0x27a: {  	s24 =	simm.s32 $0x1080;
	(v2sf) =	vpush v0, $0x7;
	s7 =	sadd.s32 s8, s19;
	s21 =	spop (v2sf)  }
0x27b: {  	[tilespmem:s24], [sflag:$0x1] =	stream.linear.gather [hbm4b:s7+s2], $0x80, $0x38;
	[tilespmem:$0x11000] =	vst v63  }
0x27c: {  	s29 =	simm.s32 $0x0;
	s5 =	simm.s32 $0x1180;
	s24 =	spop (v2sf);
	(v2sf) =	vpush v0, $0x8  }
0x27d: {  	s13 =	simm.s32 $0x1100;
	s26 =	simm.s32 $0x10;
	s12 =	simm.s32 $0x1580  }
0x27e: {  	s25 =	simm.s32 $0x2000;
	s1 =	simm.s32 $0x1680;
	s11 =	simm.s32 $0x1600;
	(v2sf) =	vpush v0, $0x9  }
0x27f: {  	s15 =	simm.s32 $0x1400;
	s14 =	simm.s32 $0x1480;
	s16 =	sand.u32 $0x1FFFFFF0, s20  }
0x280: {  	s0 =	simm.s32 $0x100;
	s19 =	simm.s32 $0x1200;
	s22 =	sadd.s32 s8, s16;
	(v2sf) =	vpush v0, $0xA  }
0x281: {  	s23 =	sand.u32 $0x1FFFFFF0, s21;
	s16 =	simm.s32 $0x1500;
	s17 =	sand.u32 $0x1FFFFFF0, s24  }
0x282: {  	[tilespmem:s13], [sflag:$0x1] =	stream.linear.gather [hbm4b:s22+s2], $0x80, $0x38;
	(v2sf) =	vpush v0, $0xB;
	[tilespmem:$0x11000] =	vst v63  }
0x283: {  	s18 =	spop (v2sf);
	s13 =	sadd.s32 s8, s23;
	s20 =	sadd.s32 s8, s17  }
0x284: {  	[tilespmem:s5], [sflag:$0x1] =	stream.linear.gather [hbm4b:s13+s2], $0x80, $0x38;
	(v2sf) =	vpush v0, $0xC;
	[tilespmem:$0x11000] =	vst v63  }
0x285: {  	s21 =	sand.u32 $0x1FFFFFF0, s18;
	s22 =	simm.s32 $0x1280;
	s18 =	simm.s32 $0x1300  }
0x286: {  	(v2sf) =	vpush v0, $0xD;
	[tilespmem:s19], [sflag:$0x1] =	stream.linear.gather [hbm4b:s20+s2], $0x80, $0x38;
	[tilespmem:$0x11000] =	vst v63  }
0x287: {  	s17 =	simm.s32 $0x1380;
	s24 =	spop (v2sf);
	s23 =	sadd.s32 s8, s21  }
0x288: {  	(v2sf) =	vpush v0, $0xE;
	[tilespmem:s22], [sflag:$0x1] =	stream.linear.gather [hbm4b:s23+s2], $0x80, $0x38;
	[tilespmem:$0x11000] =	vst v63  }
0x289: {  	s13 =	simm.s32 $0x1780;
	s20 =	sand.u32 $0x1FFFFFF0, s24;
	s23 =	spop (v2sf);
	(v2sf) =	vpush v0, $0xF  }
.LBB2_12:
0x28a: {  	s4 =	sadd.s32 s8, s20  }
0x28b: {  	s5 =	sand.u32 $0x1FFFFFF0, s23;
	s7 =	spop (v2sf);
	s19 =	smov.u32 s30  }
0x28c: {  	[tilespmem:s18], [sflag:$0x1] =	stream.linear.gather [hbm4b:s4+s2], $0x80, $0x38;
	[tilespmem:$0x11000] =	vst v63  }
0x28d: {  	s4 =	sadd.s32 s8, s5;
	s5 =	sand.u32 $0x1FFFFFF0, s7;
	s7 =	spop (v2sf)  }
0x28e: {  	[tilespmem:s17], [sflag:$0x1] =	stream.linear.gather [hbm4b:s4+s2], $0x80, $0x38;
	[tilespmem:$0x11000] =	vst v63  }
0x28f: {  	s4 =	sadd.s32 s8, s5;
	s5 =	sand.u32 $0x1FFFFFF0, s7;
	s7 =	spop (v2sf)  }
0x290: {  	[tilespmem:s15], [sflag:$0x1] =	stream.linear.gather [hbm4b:s4+s2], $0x80, $0x38;
	[tilespmem:$0x11000] =	vst v63  }
0x291: {  	s4 =	sadd.s32 s8, s5;
	s5 =	sand.u32 $0x1FFFFFF0, s7;
	s7 =	spop (v2sf)  }
0x292: {  	[tilespmem:s14], [sflag:$0x1] =	stream.linear.gather [hbm4b:s4+s2], $0x80, $0x38;
	[tilespmem:$0x11000] =	vst v63  }
0x293: {  	s4 =	sadd.s32 s8, s5;
	s5 =	sand.u32 $0x1FFFFFF0, s7;
	s7 =	spop (v2sf)  }
0x294: {  	[tilespmem:s16], [sflag:$0x1] =	stream.linear.gather [hbm4b:s4+s2], $0x80, $0x38;
	[tilespmem:$0x11000] =	vst v63  }
0x295: {  	s4 =	sadd.s32 s8, s5;
	s5 =	sand.u32 $0x1FFFFFF0, s7;
	s7 =	spop (v2sf)  }
0x296: {  	[tilespmem:s12], [sflag:$0x1] =	stream.linear.gather [hbm4b:s4+s2], $0x80, $0x38;
	[tilespmem:$0x11000] =	vst v63  }
0x297: {  	s4 =	sadd.s32 s8, s5;
	s5 =	sand.u32 $0x1FFFFFF0, s7;
	s7 =	spop (v2sf)  }
0x298: {  	[tilespmem:s11], [sflag:$0x1] =	stream.linear.gather [hbm4b:s4+s2], $0x80, $0x38;
	[tilespmem:$0x11000] =	vst v63  }
0x299: {  	s4 =	sadd.s32 s8, s5;
	s5 =	sand.u32 $0x1FFFFFF0, s7;
	s7 =	spop (v2sf)  }
0x29a: {  	[tilespmem:s1], [sflag:$0x1] =	stream.linear.gather [hbm4b:s4+s2], $0x80, $0x38;
	[tilespmem:$0x11000] =	vst v63  }
0x29b: {  	s1 =	sadd.s32 $0x1700, s29;
	s4 =	sadd.s32 s8, s5;
	s5 =	sand.u32 $0x1FFFFFF0, s7  }
0x29c: {  	[tilespmem:s1], [sflag:$0x1] =	stream.linear.gather [hbm4b:s4+s2], $0x80, $0x38;
	[tilespmem:$0x11000] =	vst v63  }
0x29d: {  	s5 =	sadd.s32 s8, s5;
	s1 =	sand.u32 $0x70, s26;
	s4 =	sand.u32 $0xC00, s28  }
0x29e: {  	[tilespmem:s13], [sflag:$0x1] =	stream.linear.gather [hbm4b:s5+s2], $0x80, $0x38;
	[tilespmem:$0x11000] =	vst v63  }
0x29f: {  	p0 =	sne.s32 s30, $0x3E000;
	s30 =	sadd.s32 $0x2000, s30;
	s1 =	sor.u32 s1, s4  }
0x2a0: {  	s26 =	smov.u32 s31;
	s28 =	smov.u32 s0;
	v0 =	vld [tilespmem:s1+$0x280];
	_ =	sdelay $0x4  }
0x2a1: {  	s29 =	sshra.s32 s25, $0x2;
	s25 =	smov.u32 s19;
	s31 =	sadd.s32 $0x10, s31;
	v0 =	vshll.u32 v0, $0x4  }
0x2a2: {  	s0 =	sadd.s32 $0x80, s0;
	s4 =	sadd.s32 $0x1080, s29;
	s1 =	sadd.s32 $0x1680, s29;
	(v2sf) =	vpush v0, $0x0  }
0x2a3: {  	s12 =	sadd.s32 $0x1580, s29;
	s11 =	sadd.s32 $0x1600, s29;
	s5 =	sadd.s32 $0x1000, s29;
	(v2sf) =	vpush v0, $0x1  }
0x2a4: {  	s15 =	sadd.s32 $0x1400, s29;
	s14 =	sadd.s32 $0x1480, s29;
	s16 =	sadd.s32 $0x1500, s29;
	(v2sf) =	vpush v0, $0x2  }
0x2a5: {  	s18 =	sadd.s32 $0x1300, s29;
	s17 =	sadd.s32 $0x1380, s29  }
0x2a6: {  	s19 =	sadd.s32 $0x1280, s29;
	(v2sf) =	vpush v0, $0x3  }
0x2a7: {  	s7 =	sadd.s32 $0x1200, s29  }
0x2a8: {  	(v2sf) =	vpush v0, $0x4  }
0x2a9: {  	s13 =	sadd.s32 $0x1780, s29  }
0x2aa: {  	(v2sf) =	vpush v0, $0x5;
	_ =	sdelay $0x1  }
0x2ab: {  	s20 =	sadd.s32 $0x1100, s29;
	(v2sf) =	vpush v0, $0x6;
	_ =	sdelay $0x1  }
0x2ac: {  	s21 =	sadd.s32 $0x1180, s29;
	(v2sf) =	vpush v0, $0x7;
	_ =	sdelay $0x1  }
0x2ad: {  	(v2sf) =	vpush v0, $0x8  }
0x2ae: {  	s22 =	spop (v2sf)  }
0x2af: {  	s22 =	sand.u32 $0x1FFFFFF0, s22;
	s23 =	spop (v2sf);
	(v2sf) =	vpush v0, $0x9  }
0x2b0: {  	s22 =	sadd.s32 s8, s22;
	s23 =	sand.u32 $0x1FFFFFF0, s23;
	s24 =	spop (v2sf)  }
0x2b1: {  	[tilespmem:s5], [sflag:$0x1] =	stream.linear.gather [hbm4b:s22+s2], $0x80, $0x38;
	(v2sf) =	vpush v0, $0xA;
	[tilespmem:$0x11000] =	vst v63  }
0x2b2: {  	s5 =	sadd.s32 s8, s23;
	s22 =	sand.u32 $0x1FFFFFF0, s24;
	s23 =	spop (v2sf)  }
0x2b3: {  	[tilespmem:s4], [sflag:$0x1] =	stream.linear.gather [hbm4b:s5+s2], $0x80, $0x38;
	(v2sf) =	vpush v0, $0xB;
	[tilespmem:$0x11000] =	vst v63  }
0x2b4: {  	s4 =	sadd.s32 s8, s22;
	s5 =	sand.u32 $0x1FFFFFF0, s23;
	s22 =	spop (v2sf)  }
0x2b5: {  	[tilespmem:s20], [sflag:$0x1] =	stream.linear.gather [hbm4b:s4+s2], $0x80, $0x38;
	(v2sf) =	vpush v0, $0xC;
	[tilespmem:$0x11000] =	vst v63  }
0x2b6: {  	s4 =	sadd.s32 s8, s5;
	s5 =	sand.u32 $0x1FFFFFF0, s22;
	s20 =	spop (v2sf)  }
0x2b7: {  	[tilespmem:s21], [sflag:$0x1] =	stream.linear.gather [hbm4b:s4+s2], $0x80, $0x38;
	[tilespmem:$0x11000] =	vst v63  }
.Ltmp5:
0x2b8: {  	(v2sf) =	vpush v0, $0xD;
	(pc) =	sbr.rel @p0 .LBB2_12-.Ltmp5, $4  }
0x2b9: {  	s4 =	sadd.s32 s8, s5;
	s5 =	sand.u32 $0x1FFFFFF0, s20;
	s20 =	spop (v2sf)  }
0x2ba: {  	[tilespmem:s7], [sflag:$0x1] =	stream.linear.gather [hbm4b:s4+s2], $0x80, $0x38;
	(v2sf) =	vpush v0, $0xE;
	[tilespmem:$0x11000] =	vst v63  }
0x2bb: {  	s4 =	sadd.s32 s8, s5;
	s20 =	sand.u32 $0x1FFFFFF0, s20;
	s23 =	spop (v2sf)  }
0x2bc: {  	[tilespmem:s19], [sflag:$0x1] =	stream.linear.gather [hbm4b:s4+s2], $0x80, $0x38;
	(v2sf) =	vpush v0, $0xF;
	[tilespmem:$0x11000] =	vst v63  }
0x2bd: {  	s0 =	sadd.s32 s8, s20;
	s4 =	sand.u32 $0x1FFFFFF0, s23;
	s5 =	spop (v2sf)  }
0x2be: {  	[tilespmem:s18], [sflag:$0x1] =	stream.linear.gather [hbm4b:s0+s2], $0x80, $0x38;
	[tilespmem:$0x11000] =	vst v63  }
0x2bf: {  	s22 =	sadd.s32 s8, s4;
	s23 =	sand.u32 $0x1FFFFFF0, s5;
	s24 =	spop (v2sf)  }
0x2c0: {  	[tilespmem:s17], [sflag:$0x1] =	stream.linear.gather [hbm4b:s22+s2], $0x80, $0x38;
	[tilespmem:$0x11000] =	vst v63  }
0x2c1: {  	s7 =	sadd.s32 s8, s23;
	s18 =	spop (v2sf)  }
0x2c2: {  	[tilespmem:s15], [sflag:$0x1] =	stream.linear.gather [hbm4b:s7+s2], $0x80, $0x38;
	[tilespmem:$0x11000] =	vst v63  }
0x2c3: {  	s17 =	sand.u32 $0x1FFFFFF0, s24;
	s20 =	sand.u32 $0x1FFFFFF0, s18;
	s21 =	spop (v2sf)  }
0x2c4: {  	s19 =	sadd.s32 s8, s17;
	s22 =	sadd.s32 s8, s20;
	s23 =	sand.u32 $0x1FFFFFF0, s21  }
0x2c5: {  	[tilespmem:s14], [sflag:$0x1] =	stream.linear.gather [hbm4b:s19+s2], $0x80, $0x38;
	[tilespmem:$0x11000] =	vst v63  }
0x2c6: {  	s24 =	spop (v2sf);
	s4 =	sadd.s32 s8, s23;
	s19 =	sadd.s32 $0x1700, s29  }
0x2c7: {  	[tilespmem:s16], [sflag:$0x1] =	stream.linear.gather [hbm4b:s22+s2], $0x80, $0x38;
	[tilespmem:$0x11000] =	vst v63  }
0x2c8: {  	s23 =	sand.u32 $0xC00, s28;
	s5 =	sand.u32 $0x1FFFFFF0, s24;
	s7 =	spop (v2sf)  }
0x2c9: {  	[tilespmem:s12], [sflag:$0x1] =	stream.linear.gather [hbm4b:s4+s2], $0x80, $0x38;
	[tilespmem:$0x11000] =	vst v63  }
0x2ca: {  	s12 =	sadd.s32 s8, s5;
	s14 =	sand.u32 $0x1FFFFFF0, s7;
	s15 =	spop (v2sf)  }
0x2cb: {  	[tilespmem:s11], [sflag:$0x1] =	stream.linear.gather [hbm4b:s12+s2], $0x80, $0x38;
	[tilespmem:$0x11000] =	vst v63  }
0x2cc: {  	s16 =	sadd.s32 s8, s14;
	s17 =	sand.u32 $0x1FFFFFF0, s15;
	s18 =	spop (v2sf)  }
0x2cd: {  	[tilespmem:s1], [sflag:$0x1] =	stream.linear.gather [hbm4b:s16+s2], $0x80, $0x38;
	[tilespmem:$0x11000] =	vst v63  }
0x2ce: {  	s22 =	sand.u32 $0x70, s26;
	s20 =	sadd.s32 s8, s17;
	s21 =	sand.u32 $0x1FFFFFF0, s18  }
0x2cf: {  	[tilespmem:s19], [sflag:$0x1] =	stream.linear.gather [hbm4b:s20+s2], $0x80, $0x38;
	[tilespmem:$0x11000] =	vst v63  }
0x2d0: {  	s0 =	sor.u32 s22, s23;
	s4 =	sadd.s32 s8, s21  }
0x2d1: {  	[tilespmem:s13], [sflag:$0x1] =	stream.linear.gather [hbm4b:s4+s2], $0x80, $0x38;
	[tilespmem:$0x11000] =	vst v63  }
0x2d2: {  	v0 =	vld [tilespmem:s0+$0x280];
	_ =	sdelay $0x4  }
0x2d3: {  	v0 =	vshll.u32 v0, $0x4  }
0x2d4: {  	(v2sf) =	vpush v0, $0x0  }
0x2d5: {  	(v2sf) =	vpush v0, $0x1  }
0x2d6: {  	(v2sf) =	vpush v0, $0x2;
	_ =	sdelay $0x1  }
0x2d7: {  	(v2sf) =	vpush v0, $0x3;
	_ =	sdelay $0x1  }
0x2d8: {  	(v2sf) =	vpush v0, $0x4;
	_ =	sdelay $0x1  }
0x2d9: {  	(v2sf) =	vpush v0, $0x5;
	_ =	sdelay $0x1  }
0x2da: {  	s0 =	sshra.s32 s25, $0x2;
	(v2sf) =	vpush v0, $0x6  }
0x2db: {  	s4 =	sadd.s32 $0x1080, s0;
	s1 =	sadd.s32 $0x1680, s0  }
0x2dc: {  	s24 =	sadd.s32 $0x1000, s0;
	s12 =	sadd.s32 $0x1580, s0;
	s11 =	sadd.s32 $0x1600, s0;
	(v2sf) =	vpush v0, $0x7  }
0x2dd: {  	s7 =	sadd.s32 $0x1400, s0;
	s13 =	sadd.s32 $0x1480, s0;
	s14 =	sadd.s32 $0x1500, s0  }
0x2de: {  	s15 =	sadd.s32 $0x1300, s0;
	s16 =	sadd.s32 $0x1380, s0;
	s17 =	sadd.s32 $0x1280, s0;
	(v2sf) =	vpush v0, $0x8  }
0x2df: {  	s18 =	sadd.s32 $0x1200, s0;
	s19 =	sadd.s32 $0x1100, s0;
	s25 =	spop (v2sf)  }
0x2e0: {  	s21 =	sadd.s32 $0x1180, s0;
	s20 =	sand.u32 $0x1FFFFFF0, s25;
	s22 =	spop (v2sf);
	(v2sf) =	vpush v0, $0x9  }
0x2e1: {  	s20 =	sadd.s32 s8, s20;
	s22 =	sand.u32 $0x1FFFFFF0, s22;
	s26 =	spop (v2sf)  }
0x2e2: {  	(v2sf) =	vpush v0, $0xA;
	[tilespmem:s24], [sflag:$0x1] =	stream.linear.gather [hbm4b:s20+s2], $0x80, $0x38;
	[tilespmem:$0x11000] =	vst v63  }
0x2e3: {  	s20 =	sadd.s32 s8, s22;
	s22 =	sand.u32 $0x1FFFFFF0, s26;
	s23 =	spop (v2sf)  }
0x2e4: {  	(v2sf) =	vpush v0, $0xB;
	[tilespmem:s4], [sflag:$0x1] =	stream.linear.gather [hbm4b:s20+s2], $0x80, $0x38;
	[tilespmem:$0x11000] =	vst v63  }
0x2e5: {  	s24 =	sadd.s32 s8, s22;
	s25 =	sand.u32 $0x1FFFFFF0, s23;
	s26 =	spop (v2sf)  }
0x2e6: {  	(v2sf) =	vpush v0, $0xC;
	[tilespmem:s19], [sflag:$0x1] =	stream.linear.gather [hbm4b:s24+s2], $0x80, $0x38;
	[tilespmem:$0x11000] =	vst v63  }
0x2e7: {  	s5 =	sadd.s32 s8, s25;
	s20 =	spop (v2sf);
	s19 =	sand.u32 $0x1FFFFFF0, s26  }
0x2e8: {  	(v2sf) =	vpush v0, $0xD;
	[tilespmem:s21], [sflag:$0x1] =	stream.linear.gather [hbm4b:s5+s2], $0x80, $0x38;
	[tilespmem:$0x11000] =	vst v63  }
0x2e9: {  	s22 =	sand.u32 $0x1FFFFFF0, s20;
	s23 =	spop (v2sf);
	s21 =	sadd.s32 s8, s19  }
0x2ea: {  	(v2sf) =	vpush v0, $0xE;
	[tilespmem:s18], [sflag:$0x1] =	stream.linear.gather [hbm4b:s21+s2], $0x80, $0x38;
	[tilespmem:$0x11000] =	vst v63  }
0x2eb: {  	s24 =	sadd.s32 s8, s22;
	s25 =	sand.u32 $0x1FFFFFF0, s23;
	s26 =	spop (v2sf)  }
0x2ec: {  	(v2sf) =	vpush v0, $0xF;
	[tilespmem:s17], [sflag:$0x1] =	stream.linear.gather [hbm4b:s24+s2], $0x80, $0x38;
	[tilespmem:$0x11000] =	vst v63  }
0x2ed: {  	s20 =	spop (v2sf);
	s19 =	sand.u32 $0x1FFFFFF0, s26;
	s17 =	sadd.s32 s8, s25  }
0x2ee: {  	[tilespmem:s15], [sflag:$0x1] =	stream.linear.gather [hbm4b:s17+s2], $0x80, $0x38;
	[tilespmem:$0x11000] =	vst v63  }
0x2ef: {  	s22 =	sand.u32 $0x1FFFFFF0, s20;
	s21 =	sadd.s32 s8, s19;
	s23 =	spop (v2sf)  }
0x2f0: {  	[tilespmem:s16], [sflag:$0x1] =	stream.linear.gather [hbm4b:s21+s2], $0x80, $0x38;
	[tilespmem:$0x11000] =	vst v63  }
0x2f1: {  	s24 =	sadd.s32 s8, s22;
	s25 =	sand.u32 $0x1FFFFFF0, s23;
	s26 =	spop (v2sf)  }
0x2f2: {  	[tilespmem:s7], [sflag:$0x1] =	stream.linear.gather [hbm4b:s24+s2], $0x80, $0x38;
	[tilespmem:$0x11000] =	vst v63  }
0x2f3: {  	s16 =	sand.u32 $0x1FFFFFF0, s26;
	s17 =	spop (v2sf);
	s7 =	sadd.s32 s8, s25  }
0x2f4: {  	[tilespmem:s13], [sflag:$0x1] =	stream.linear.gather [hbm4b:s7+s2], $0x80, $0x38;
	[tilespmem:$0x11000] =	vst v63  }
0x2f5: {  	s18 =	sadd.s32 s8, s16;
	s19 =	sand.u32 $0x1FFFFFF0, s17;
	s20 =	spop (v2sf)  }
0x2f6: {  	[tilespmem:s14], [sflag:$0x1] =	stream.linear.gather [hbm4b:s18+s2], $0x80, $0x38;
	[tilespmem:$0x11000] =	vst v63  }
0x2f7: {  	s21 =	sadd.s32 s8, s19;
	s22 =	sand.u32 $0x1FFFFFF0, s20;
	s23 =	spop (v2sf)  }
0x2f8: {  	[tilespmem:s12], [sflag:$0x1] =	stream.linear.gather [hbm4b:s21+s2], $0x80, $0x38;
	[tilespmem:$0x11000] =	vst v63  }
0x2f9: {  	s24 =	sadd.s32 s8, s22;
	s25 =	sand.u32 $0x1FFFFFF0, s23;
	s26 =	spop (v2sf)  }
0x2fa: {  	[tilespmem:s11], [sflag:$0x1] =	stream.linear.gather [hbm4b:s24+s2], $0x80, $0x38;
	[tilespmem:$0x11000] =	vst v63  }
0x2fb: {  	s13 =	spop (v2sf);
	s12 =	sand.u32 $0x1FFFFFF0, s26;
	s11 =	sadd.s32 s8, s25  }
0x2fc: {  	[tilespmem:s1], [sflag:$0x1] =	stream.linear.gather [hbm4b:s11+s2], $0x80, $0x38;
	[tilespmem:$0x11000] =	vst v63  }
0x2fd: {  	s14 =	sadd.s32 $0x1700, s0;
	s16 =	sand.u32 $0x1FFFFFF0, s13;
	s15 =	sadd.s32 s8, s12  }
0x2fe: {  	[tilespmem:s14], [sflag:$0x1] =	stream.linear.gather [hbm4b:s15+s2], $0x80, $0x38;
	[tilespmem:$0x11000] =	vst v63  }
0x2ff: {  	s0 =	sadd.s32 $0x1780, s0;
	s18 =	simm.s32 $0x1;
	s17 =	sadd.s32 s8, s16  }
0x300: {  	[tilespmem:s0], [sflag:$0x1] =	stream.linear.gather [hbm4b:s17+s2], $0x80, $0x38;
	[tilespmem:$0x11000] =	vst v63  }
0x301: {  	_ =	swait.ge [sflag:s18], $0x10000  }
0x302: {  	s19 =	simm.s32 $0x0;
	s22 =	simm.s32 $0x2;
	[sflag:s18] =	ssyncset.done $0x0  }
0x303: {  	s21 =	simm.s32 $0x1000;
	s20 =	rddreg [dreg:$0xb];
	[sflag:s18] =	ssyncadd.s32 $0xFFFF0000  }
0x304: {  	[hbm4b:s20+s19] =	stream.linear.scatter [tilespmem:s21], [sflag:$0x2], $0x10000, $0x38;
	[tilespmem:$0x11000] =	vst v63  }
0x305: {  	_ =	swait.ge [sflag:s22], $0x10000  }
0x306: {  	s23 =	sand.u32 $0x70, s19;
	s0 =	sand.u32 $0xC00, s19;
	[sflag:s22] =	ssyncset.done $0x0  }
0x307: {  	s0 =	sor.u32 s23, s0;
	[sflag:s22] =	ssyncadd.s32 $0xFFFF0000  }
0x308: {  	v63 =	vld [tilespmem:s0+$0x300];
	_ =	sdelay $0x4  }
0x309: {  	v0 =	vshll.u32 v63, $0x4  }
0x30a: {  	(v2sf) =	vpush v0, $0x0  }
0x30b: {  	(v2sf) =	vpush v0, $0x1  }
0x30c: {  	(v2sf) =	vpush v0, $0x2;
	_ =	sdelay $0x1  }
0x30d: {  	(v2sf) =	vpush v0, $0x3;
	_ =	sdelay $0x1  }
0x30e: {  	(v2sf) =	vpush v0, $0x4;
	_ =	sdelay $0x6  }
0x30f: {  	(v2sf) =	vpush v0, $0x5  }
0x310: {  	s30 =	simm.s32 $0x4000  }
0x311: {  	s31 =	simm.s32 $0x20;
	s28 =	simm.s32 $0x80;
	s17 =	spop (v2sf)  }
0x312: {  	s16 =	simm.s32 $0x1000;
	s7 =	sand.u32 $0x1FFFFFF0, s17;
	s18 =	spop (v2sf)  }
0x313: {  	(v2sf) =	vpush v0, $0x6;
	s7 =	sadd.s32 s9, s7;
	s19 =	sand.u32 $0x1FFFFFF0, s18;
	s20 =	spop (v2sf)  }
0x314: {  	[tilespmem:s16], [sflag:$0x1] =	stream.linear.gather [hbm4b:s7+s2], $0x80, $0x38;
	[tilespmem:$0x11000] =	vst v63  }
0x315: {  	s24 =	simm.s32 $0x1080;
	(v2sf) =	vpush v0, $0x7;
	s7 =	sadd.s32 s9, s19;
	s21 =	spop (v2sf)  }
0x316: {  	[tilespmem:s24], [sflag:$0x1] =	stream.linear.gather [hbm4b:s7+s2], $0x80, $0x38;
	[tilespmem:$0x11000] =	vst v63  }
0x317: {  	s29 =	simm.s32 $0x0;
	s5 =	simm.s32 $0x1180;
	s24 =	spop (v2sf);
	(v2sf) =	vpush v0, $0x8  }
0x318: {  	s13 =	simm.s32 $0x1100;
	s26 =	simm.s32 $0x10;
	s12 =	simm.s32 $0x1580  }
0x319: {  	s25 =	simm.s32 $0x2000;
	s1 =	simm.s32 $0x1680;
	s11 =	simm.s32 $0x1600;
	(v2sf) =	vpush v0, $0x9  }
0x31a: {  	s15 =	simm.s32 $0x1400;
	s14 =	simm.s32 $0x1480;
	s16 =	sand.u32 $0x1FFFFFF0, s20  }
0x31b: {  	s0 =	simm.s32 $0x100;
	s19 =	simm.s32 $0x1200;
	s22 =	sadd.s32 s9, s16;
	(v2sf) =	vpush v0, $0xA  }
0x31c: {  	s23 =	sand.u32 $0x1FFFFFF0, s21;
	s16 =	simm.s32 $0x1500;
	s17 =	sand.u32 $0x1FFFFFF0, s24  }
0x31d: {  	[tilespmem:s13], [sflag:$0x1] =	stream.linear.gather [hbm4b:s22+s2], $0x80, $0x38;
	(v2sf) =	vpush v0, $0xB;
	[tilespmem:$0x11000] =	vst v63  }
0x31e: {  	s18 =	spop (v2sf);
	s13 =	sadd.s32 s9, s23;
	s20 =	sadd.s32 s9, s17  }
0x31f: {  	[tilespmem:s5], [sflag:$0x1] =	stream.linear.gather [hbm4b:s13+s2], $0x80, $0x38;
	(v2sf) =	vpush v0, $0xC;
	[tilespmem:$0x11000] =	vst v63  }
0x320: {  	s21 =	sand.u32 $0x1FFFFFF0, s18;
	s22 =	simm.s32 $0x1280;
	s18 =	simm.s32 $0x1300  }
0x321: {  	(v2sf) =	vpush v0, $0xD;
	[tilespmem:s19], [sflag:$0x1] =	stream.linear.gather [hbm4b:s20+s2], $0x80, $0x38;
	[tilespmem:$0x11000] =	vst v63  }
0x322: {  	s17 =	simm.s32 $0x1380;
	s24 =	spop (v2sf);
	s23 =	sadd.s32 s9, s21  }
0x323: {  	(v2sf) =	vpush v0, $0xE;
	[tilespmem:s22], [sflag:$0x1] =	stream.linear.gather [hbm4b:s23+s2], $0x80, $0x38;
	[tilespmem:$0x11000] =	vst v63  }
0x324: {  	s13 =	simm.s32 $0x1780;
	s20 =	sand.u32 $0x1FFFFFF0, s24;
	s23 =	spop (v2sf);
	(v2sf) =	vpush v0, $0xF  }
.LBB2_14:
0x325: {  	s4 =	sadd.s32 s9, s20  }
0x326: {  	s5 =	sand.u32 $0x1FFFFFF0, s23;
	s7 =	spop (v2sf);
	s19 =	smov.u32 s30  }
0x327: {  	[tilespmem:s18], [sflag:$0x1] =	stream.linear.gather [hbm4b:s4+s2], $0x80, $0x38;
	[tilespmem:$0x11000] =	vst v63  }
0x328: {  	s4 =	sadd.s32 s9, s5;
	s5 =	sand.u32 $0x1FFFFFF0, s7;
	s7 =	spop (v2sf)  }
0x329: {  	[tilespmem:s17], [sflag:$0x1] =	stream.linear.gather [hbm4b:s4+s2], $0x80, $0x38;
	[tilespmem:$0x11000] =	vst v63  }
0x32a: {  	s4 =	sadd.s32 s9, s5;
	s5 =	sand.u32 $0x1FFFFFF0, s7;
	s7 =	spop (v2sf)  }
0x32b: {  	[tilespmem:s15], [sflag:$0x1] =	stream.linear.gather [hbm4b:s4+s2], $0x80, $0x38;
	[tilespmem:$0x11000] =	vst v63  }
0x32c: {  	s4 =	sadd.s32 s9, s5;
	s5 =	sand.u32 $0x1FFFFFF0, s7;
	s7 =	spop (v2sf)  }
0x32d: {  	[tilespmem:s14], [sflag:$0x1] =	stream.linear.gather [hbm4b:s4+s2], $0x80, $0x38;
	[tilespmem:$0x11000] =	vst v63  }
0x32e: {  	s4 =	sadd.s32 s9, s5;
	s5 =	sand.u32 $0x1FFFFFF0, s7;
	s7 =	spop (v2sf)  }
0x32f: {  	[tilespmem:s16], [sflag:$0x1] =	stream.linear.gather [hbm4b:s4+s2], $0x80, $0x38;
	[tilespmem:$0x11000] =	vst v63  }
0x330: {  	s4 =	sadd.s32 s9, s5;
	s5 =	sand.u32 $0x1FFFFFF0, s7;
	s7 =	spop (v2sf)  }
0x331: {  	[tilespmem:s12], [sflag:$0x1] =	stream.linear.gather [hbm4b:s4+s2], $0x80, $0x38;
	[tilespmem:$0x11000] =	vst v63  }
0x332: {  	s4 =	sadd.s32 s9, s5;
	s5 =	sand.u32 $0x1FFFFFF0, s7;
	s7 =	spop (v2sf)  }
0x333: {  	[tilespmem:s11], [sflag:$0x1] =	stream.linear.gather [hbm4b:s4+s2], $0x80, $0x38;
	[tilespmem:$0x11000] =	vst v63  }
0x334: {  	s4 =	sadd.s32 s9, s5;
	s5 =	sand.u32 $0x1FFFFFF0, s7;
	s7 =	spop (v2sf)  }
0x335: {  	[tilespmem:s1], [sflag:$0x1] =	stream.linear.gather [hbm4b:s4+s2], $0x80, $0x38;
	[tilespmem:$0x11000] =	vst v63  }
0x336: {  	s1 =	sadd.s32 $0x1700, s29;
	s4 =	sadd.s32 s9, s5;
	s5 =	sand.u32 $0x1FFFFFF0, s7  }
0x337: {  	[tilespmem:s1], [sflag:$0x1] =	stream.linear.gather [hbm4b:s4+s2], $0x80, $0x38;
	[tilespmem:$0x11000] =	vst v63  }
0x338: {  	s5 =	sadd.s32 s9, s5;
	s1 =	sand.u32 $0x70, s26;
	s4 =	sand.u32 $0xC00, s28  }
0x339: {  	[tilespmem:s13], [sflag:$0x1] =	stream.linear.gather [hbm4b:s5+s2], $0x80, $0x38;
	[tilespmem:$0x11000] =	vst v63  }
0x33a: {  	p0 =	sne.s32 s30, $0x3E000;
	s30 =	sadd.s32 $0x2000, s30;
	s1 =	sor.u32 s1, s4  }
0x33b: {  	s26 =	smov.u32 s31;
	s28 =	smov.u32 s0;
	v0 =	vld [tilespmem:s1+$0x300];
	_ =	sdelay $0x4  }
0x33c: {  	s29 =	sshra.s32 s25, $0x2;
	s25 =	smov.u32 s19;
	s31 =	sadd.s32 $0x10, s31;
	v0 =	vshll.u32 v0, $0x4  }
0x33d: {  	s0 =	sadd.s32 $0x80, s0;
	s4 =	sadd.s32 $0x1080, s29;
	s1 =	sadd.s32 $0x1680, s29;
	(v2sf) =	vpush v0, $0x0  }
0x33e: {  	s12 =	sadd.s32 $0x1580, s29;
	s11 =	sadd.s32 $0x1600, s29;
	s5 =	sadd.s32 $0x1000, s29;
	(v2sf) =	vpush v0, $0x1  }
0x33f: {  	s15 =	sadd.s32 $0x1400, s29;
	s14 =	sadd.s32 $0x1480, s29;
	s16 =	sadd.s32 $0x1500, s29;
	(v2sf) =	vpush v0, $0x2  }
0x340: {  	s18 =	sadd.s32 $0x1300, s29;
	s17 =	sadd.s32 $0x1380, s29  }
0x341: {  	s19 =	sadd.s32 $0x1280, s29;
	(v2sf) =	vpush v0, $0x3  }
0x342: {  	s7 =	sadd.s32 $0x1200, s29  }
0x343: {  	(v2sf) =	vpush v0, $0x4  }
0x344: {  	s13 =	sadd.s32 $0x1780, s29  }
0x345: {  	(v2sf) =	vpush v0, $0x5;
	_ =	sdelay $0x1  }
0x346: {  	s20 =	sadd.s32 $0x1100, s29;
	(v2sf) =	vpush v0, $0x6;
	_ =	sdelay $0x1  }
0x347: {  	s21 =	sadd.s32 $0x1180, s29;
	(v2sf) =	vpush v0, $0x7;
	_ =	sdelay $0x1  }
0x348: {  	(v2sf) =	vpush v0, $0x8  }
0x349: {  	s22 =	spop (v2sf)  }
0x34a: {  	s22 =	sand.u32 $0x1FFFFFF0, s22;
	s23 =	spop (v2sf);
	(v2sf) =	vpush v0, $0x9  }
0x34b: {  	s22 =	sadd.s32 s9, s22;
	s23 =	sand.u32 $0x1FFFFFF0, s23;
	s24 =	spop (v2sf)  }
0x34c: {  	[tilespmem:s5], [sflag:$0x1] =	stream.linear.gather [hbm4b:s22+s2], $0x80, $0x38;
	(v2sf) =	vpush v0, $0xA;
	[tilespmem:$0x11000] =	vst v63  }
0x34d: {  	s5 =	sadd.s32 s9, s23;
	s22 =	sand.u32 $0x1FFFFFF0, s24;
	s23 =	spop (v2sf)  }
0x34e: {  	[tilespmem:s4], [sflag:$0x1] =	stream.linear.gather [hbm4b:s5+s2], $0x80, $0x38;
	(v2sf) =	vpush v0, $0xB;
	[tilespmem:$0x11000] =	vst v63  }
0x34f: {  	s4 =	sadd.s32 s9, s22;
	s5 =	sand.u32 $0x1FFFFFF0, s23;
	s22 =	spop (v2sf)  }
0x350: {  	[tilespmem:s20], [sflag:$0x1] =	stream.linear.gather [hbm4b:s4+s2], $0x80, $0x38;
	(v2sf) =	vpush v0, $0xC;
	[tilespmem:$0x11000] =	vst v63  }
0x351: {  	s4 =	sadd.s32 s9, s5;
	s5 =	sand.u32 $0x1FFFFFF0, s22;
	s20 =	spop (v2sf)  }
0x352: {  	[tilespmem:s21], [sflag:$0x1] =	stream.linear.gather [hbm4b:s4+s2], $0x80, $0x38;
	[tilespmem:$0x11000] =	vst v63  }
.Ltmp6:
0x353: {  	(v2sf) =	vpush v0, $0xD;
	(pc) =	sbr.rel @p0 .LBB2_14-.Ltmp6, $4  }
0x354: {  	s4 =	sadd.s32 s9, s5;
	s5 =	sand.u32 $0x1FFFFFF0, s20;
	s20 =	spop (v2sf)  }
0x355: {  	[tilespmem:s7], [sflag:$0x1] =	stream.linear.gather [hbm4b:s4+s2], $0x80, $0x38;
	(v2sf) =	vpush v0, $0xE;
	[tilespmem:$0x11000] =	vst v63  }
0x356: {  	s4 =	sadd.s32 s9, s5;
	s20 =	sand.u32 $0x1FFFFFF0, s20;
	s23 =	spop (v2sf)  }
0x357: {  	[tilespmem:s19], [sflag:$0x1] =	stream.linear.gather [hbm4b:s4+s2], $0x80, $0x38;
	(v2sf) =	vpush v0, $0xF;
	[tilespmem:$0x11000] =	vst v63  }
0x358: {  	s0 =	sadd.s32 s9, s20;
	s4 =	sand.u32 $0x1FFFFFF0, s23;
	s5 =	spop (v2sf)  }
0x359: {  	[tilespmem:s18], [sflag:$0x1] =	stream.linear.gather [hbm4b:s0+s2], $0x80, $0x38;
	[tilespmem:$0x11000] =	vst v63  }
0x35a: {  	s4 =	sadd.s32 s9, s4;
	s5 =	sand.u32 $0x1FFFFFF0, s5;
	s7 =	spop (v2sf)  }
0x35b: {  	[tilespmem:s17], [sflag:$0x1] =	stream.linear.gather [hbm4b:s4+s2], $0x80, $0x38;
	[tilespmem:$0x11000] =	vst v63  }
0x35c: {  	s17 =	sadd.s32 s9, s5;
	s19 =	spop (v2sf)  }
0x35d: {  	[tilespmem:s15], [sflag:$0x1] =	stream.linear.gather [hbm4b:s17+s2], $0x80, $0x38;
	[tilespmem:$0x11000] =	vst v63  }
0x35e: {  	s18 =	sand.u32 $0x1FFFFFF0, s7;
	s21 =	sand.u32 $0x1FFFFFF0, s19;
	s22 =	spop (v2sf)  }
0x35f: {  	s20 =	sadd.s32 s9, s18;
	s23 =	sadd.s32 s9, s21;
	s24 =	sand.u32 $0x1FFFFFF0, s22  }
0x360: {  	[tilespmem:s14], [sflag:$0x1] =	stream.linear.gather [hbm4b:s20+s2], $0x80, $0x38;
	[tilespmem:$0x11000] =	vst v63  }
0x361: {  	s21 =	sadd.s32 $0x1700, s29;
	s30 =	spop (v2sf);
	s4 =	sadd.s32 s9, s24  }
0x362: {  	[tilespmem:s16], [sflag:$0x1] =	stream.linear.gather [hbm4b:s23+s2], $0x80, $0x38;
	[tilespmem:$0x11000] =	vst v63  }
0x363: {  	s24 =	sand.u32 $0x70, s26;
	s7 =	sand.u32 $0x1FFFFFF0, s30;
	s14 =	spop (v2sf)  }
0x364: {  	[tilespmem:s12], [sflag:$0x1] =	stream.linear.gather [hbm4b:s4+s2], $0x80, $0x38;
	[tilespmem:$0x11000] =	vst v63  }
0x365: {  	s15 =	sadd.s32 s9, s7;
	s16 =	sand.u32 $0x1FFFFFF0, s14;
	s17 =	spop (v2sf)  }
0x366: {  	[tilespmem:s11], [sflag:$0x1] =	stream.linear.gather [hbm4b:s15+s2], $0x80, $0x38;
	[tilespmem:$0x11000] =	vst v63  }
0x367: {  	s18 =	sadd.s32 s9, s16;
	s19 =	sand.u32 $0x1FFFFFF0, s17;
	s20 =	spop (v2sf)  }
0x368: {  	[tilespmem:s1], [sflag:$0x1] =	stream.linear.gather [hbm4b:s18+s2], $0x80, $0x38;
	[tilespmem:$0x11000] =	vst v63  }
0x369: {  	s26 =	sand.u32 $0xC00, s28;
	s22 =	sadd.s32 s9, s19;
	s23 =	sand.u32 $0x1FFFFFF0, s20  }
0x36a: {  	[tilespmem:s21], [sflag:$0x1] =	stream.linear.gather [hbm4b:s22+s2], $0x80, $0x38;
	[tilespmem:$0x11000] =	vst v63  }
0x36b: {  	s0 =	sor.u32 s24, s26;
	s4 =	sadd.s32 s9, s23  }
0x36c: {  	[tilespmem:s13], [sflag:$0x1] =	stream.linear.gather [hbm4b:s4+s2], $0x80, $0x38;
	[tilespmem:$0x11000] =	vst v63  }
0x36d: {  	v0 =	vld [tilespmem:s0+$0x300];
	_ =	sdelay $0x4  }
0x36e: {  	v0 =	vshll.u32 v0, $0x4  }
0x36f: {  	(v2sf) =	vpush v0, $0x0  }
0x370: {  	(v2sf) =	vpush v0, $0x1  }
0x371: {  	(v2sf) =	vpush v0, $0x2;
	_ =	sdelay $0x1  }
0x372: {  	(v2sf) =	vpush v0, $0x3;
	_ =	sdelay $0x1  }
0x373: {  	(v2sf) =	vpush v0, $0x4;
	_ =	sdelay $0x1  }
0x374: {  	(v2sf) =	vpush v0, $0x5;
	_ =	sdelay $0x1  }
0x375: {  	s0 =	sshra.s32 s25, $0x2;
	(v2sf) =	vpush v0, $0x6  }
0x376: {  	s4 =	sadd.s32 $0x1080, s0;
	s1 =	sadd.s32 $0x1680, s0  }
0x377: {  	s28 =	sadd.s32 $0x1000, s0;
	s12 =	sadd.s32 $0x1580, s0;
	s11 =	sadd.s32 $0x1600, s0;
	(v2sf) =	vpush v0, $0x7  }
0x378: {  	s7 =	sadd.s32 $0x1400, s0;
	s13 =	sadd.s32 $0x1480, s0;
	s14 =	sadd.s32 $0x1500, s0  }
0x379: {  	s15 =	sadd.s32 $0x1300, s0;
	s16 =	sadd.s32 $0x1380, s0;
	s17 =	sadd.s32 $0x1280, s0;
	(v2sf) =	vpush v0, $0x8  }
0x37a: {  	s18 =	sadd.s32 $0x1200, s0;
	s19 =	sadd.s32 $0x1100, s0;
	s29 =	spop (v2sf)  }
0x37b: {  	s21 =	sadd.s32 $0x1180, s0;
	(v2sf) =	vpush v0, $0x9;
	s20 =	sand.u32 $0x1FFFFFF0, s29;
	s22 =	spop (v2sf)  }
0x37c: {  	s20 =	sadd.s32 s9, s20;
	s22 =	sand.u32 $0x1FFFFFF0, s22;
	s30 =	spop (v2sf)  }
0x37d: {  	(v2sf) =	vpush v0, $0xA;
	[tilespmem:s28], [sflag:$0x1] =	stream.linear.gather [hbm4b:s20+s2], $0x80, $0x38;
	[tilespmem:$0x11000] =	vst v63  }
0x37e: {  	s24 =	sadd.s32 s9, s22;
	s25 =	sand.u32 $0x1FFFFFF0, s30;
	s26 =	spop (v2sf)  }
0x37f: {  	(v2sf) =	vpush v0, $0xB;
	[tilespmem:s4], [sflag:$0x1] =	stream.linear.gather [hbm4b:s24+s2], $0x80, $0x38;
	[tilespmem:$0x11000] =	vst v63  }
0x380: {  	s28 =	sadd.s32 s9, s25;
	s29 =	sand.u32 $0x1FFFFFF0, s26;
	s30 =	spop (v2sf)  }
0x381: {  	(v2sf) =	vpush v0, $0xC;
	[tilespmem:s19], [sflag:$0x1] =	stream.linear.gather [hbm4b:s28+s2], $0x80, $0x38;
	[tilespmem:$0x11000] =	vst v63  }
0x382: {  	s5 =	sadd.s32 s9, s29;
	s20 =	spop (v2sf);
	s19 =	sand.u32 $0x1FFFFFF0, s30  }
0x383: {  	(v2sf) =	vpush v0, $0xD;
	[tilespmem:s21], [sflag:$0x1] =	stream.linear.gather [hbm4b:s5+s2], $0x80, $0x38;
	[tilespmem:$0x11000] =	vst v63  }
0x384: {  	s22 =	sand.u32 $0x1FFFFFF0, s20;
	s23 =	spop (v2sf);
	s21 =	sadd.s32 s9, s19  }
0x385: {  	(v2sf) =	vpush v0, $0xE;
	[tilespmem:s18], [sflag:$0x1] =	stream.linear.gather [hbm4b:s21+s2], $0x80, $0x38;
	[tilespmem:$0x11000] =	vst v63  }
0x386: {  	s24 =	sadd.s32 s9, s22;
	s25 =	sand.u32 $0x1FFFFFF0, s23;
	s26 =	spop (v2sf)  }
0x387: {  	(v2sf) =	vpush v0, $0xF;
	[tilespmem:s17], [sflag:$0x1] =	stream.linear.gather [hbm4b:s24+s2], $0x80, $0x38;
	[tilespmem:$0x11000] =	vst v63  }
0x388: {  	s28 =	sadd.s32 s9, s25;
	s29 =	sand.u32 $0x1FFFFFF0, s26;
	s30 =	spop (v2sf)  }
0x389: {  	[tilespmem:s15], [sflag:$0x1] =	stream.linear.gather [hbm4b:s28+s2], $0x80, $0x38;
	[tilespmem:$0x11000] =	vst v63  }
0x38a: {  	s19 =	sand.u32 $0x1FFFFFF0, s30;
	s18 =	sadd.s32 s9, s29;
	s20 =	spop (v2sf)  }
0x38b: {  	[tilespmem:s16], [sflag:$0x1] =	stream.linear.gather [hbm4b:s18+s2], $0x80, $0x38;
	[tilespmem:$0x11000] =	vst v63  }
0x38c: {  	s21 =	sadd.s32 s9, s19;
	s22 =	sand.u32 $0x1FFFFFF0, s20;
	s23 =	spop (v2sf)  }
0x38d: {  	[tilespmem:s7], [sflag:$0x1] =	stream.linear.gather [hbm4b:s21+s2], $0x80, $0x38;
	[tilespmem:$0x11000] =	vst v63  }
0x38e: {  	s24 =	sadd.s32 s9, s22;
	s25 =	sand.u32 $0x1FFFFFF0, s23;
	s26 =	spop (v2sf)  }
0x38f: {  	[tilespmem:s13], [sflag:$0x1] =	stream.linear.gather [hbm4b:s24+s2], $0x80, $0x38;
	[tilespmem:$0x11000] =	vst v63  }
0x390: {  	s28 =	sadd.s32 s9, s25;
	s29 =	sand.u32 $0x1FFFFFF0, s26;
	s30 =	spop (v2sf)  }
0x391: {  	[tilespmem:s14], [sflag:$0x1] =	stream.linear.gather [hbm4b:s28+s2], $0x80, $0x38;
	[tilespmem:$0x11000] =	vst v63  }
0x392: {  	s15 =	spop (v2sf);
	s13 =	sadd.s32 s9, s29;
	s14 =	sand.u32 $0x1FFFFFF0, s30  }
0x393: {  	[tilespmem:s12], [sflag:$0x1] =	stream.linear.gather [hbm4b:s13+s2], $0x80, $0x38;
	[tilespmem:$0x11000] =	vst v63  }
0x394: {  	s17 =	sand.u32 $0x1FFFFFF0, s15;
	s18 =	spop (v2sf);
	s16 =	sadd.s32 s9, s14  }
0x395: {  	[tilespmem:s11], [sflag:$0x1] =	stream.linear.gather [hbm4b:s16+s2], $0x80, $0x38;
	[tilespmem:$0x11000] =	vst v63  }
0x396: {  	s19 =	sadd.s32 s9, s17;
	s20 =	sand.u32 $0x1FFFFFF0, s18;
	s21 =	spop (v2sf)  }
0x397: {  	[tilespmem:s1], [sflag:$0x1] =	stream.linear.gather [hbm4b:s19+s2], $0x80, $0x38;
	[tilespmem:$0x11000] =	vst v63  }
0x398: {  	s22 =	sadd.s32 $0x1700, s0;
	s23 =	sadd.s32 s9, s20;
	s24 =	sand.u32 $0x1FFFFFF0, s21  }
0x399: {  	[tilespmem:s22], [sflag:$0x1] =	stream.linear.gather [hbm4b:s23+s2], $0x80, $0x38;
	[tilespmem:$0x11000] =	vst v63  }
0x39a: {  	s0 =	sadd.s32 $0x1780, s0;
	s26 =	simm.s32 $0x1;
	s25 =	sadd.s32 s9, s24  }
0x39b: {  	[tilespmem:s0], [sflag:$0x1] =	stream.linear.gather [hbm4b:s25+s2], $0x80, $0x38;
	[tilespmem:$0x11000] =	vst v63  }
0x39c: {  	_ =	swait.ge [sflag:s26], $0x10000  }
0x39d: {  	s31 =	simm.s32 $0x2;
	s28 =	simm.s32 $0x0;
	[sflag:s26] =	ssyncset.done $0x0  }
0x39e: {  	s30 =	simm.s32 $0x1000;
	s29 =	rddreg [dreg:$0xc];
	[sflag:s26] =	ssyncadd.s32 $0xFFFF0000  }
0x39f: {  	[hbm4b:s29+s28] =	stream.linear.scatter [tilespmem:s30], [sflag:$0x2], $0x10000, $0x38;
	[tilespmem:$0x11000] =	vst v63  }
0x3a0: {  	_ =	swait.ge [sflag:s31], $0x10000  }
0x3a1: {  	s0 =	sor.u32 s28, s28;
	[sflag:s31] =	ssyncset.done $0x0  }
0x3a2: {  	s0 =	sor.u32 $0x380, s0;
	[sflag:s31] =	ssyncadd.s32 $0xFFFF0000  }
0x3a3: {  	v0 =	vld [tilespmem:s0+$0x0];
	_ =	sdelay $0x4  }
0x3a4: {  	v0 =	vshll.u32 v0, $0x4  }
0x3a5: {  	(v2sf) =	vpush v0, $0x1  }
0x3a6: {  	(v2sf) =	vpush v0, $0x0  }
0x3a7: {  	(v2sf) =	vpush v0, $0x2  }
0x3a8: {  	(v2sf) =	vpush v0, $0x3;
	_ =	sdelay $0x3  }
0x3a9: {  	(v2sf) =	vpush v0, $0x4;
	_ =	sdelay $0x1  }
0x3aa: {  	s12 =	simm.s32 $0x4000;
	s11 =	simm.s32 $0x10;
	s1 =	simm.s32 $0x80;
	(v2sf) =	vpush v0, $0x5  }
0x3ab: {  	s25 =	simm.s32 $0x2000;
	s26 =	sor.u32 s1, s11;
	s0 =	simm.s32 $0x0  }
.LBB2_16:
0x3ac: {  	s1 =	sadd.s32 $0x80, s1;
	s11 =	sadd.s32 $0x10, s11;
	s4 =	sadd.s32 $0x1180, s0;
	(v2sf) =	vpush v0, $0x6  }
0x3ad: {  	s5 =	sadd.s32 $0x1200, s0;
	s28 =	sadd.s32 $0x1380, s0;
	s13 =	sor.u32 s1, s11  }
0x3ae: {  	s7 =	sadd.s32 $0x1280, s0;
	s18 =	sadd.s32 $0x1400, s0;
	s14 =	sadd.s32 $0x1780, s0;
	(v2sf) =	vpush v0, $0x7  }
0x3af: {  	s19 =	sadd.s32 $0x1300, s0;
	s17 =	sadd.s32 $0x1480, s0;
	s15 =	sadd.s32 $0x1680, s0  }
0x3b0: {  	s20 =	sadd.s32 $0x1100, s0;
	s16 =	sadd.s32 $0x1600, s0;
	s21 =	spop (v2sf);
	(v2sf) =	vpush v0, $0x8  }
0x3b1: {  	s22 =	sadd.s32 $0x1000, s0;
	s21 =	sand.u32 $0x1FFFFFF0, s21;
	s23 =	spop (v2sf)  }
0x3b2: {  	s24 =	sadd.s32 $0x1080, s0;
	s23 =	sand.u32 $0x1FFFFFF0, s23;
	s29 =	spop (v2sf);
	(v2sf) =	vpush v0, $0x9  }
0x3b3: {  	s23 =	sadd.s32 s10, s23;
	s29 =	sand.u32 $0x1FFFFFF0, s29;
	s30 =	spop (v2sf)  }
0x3b4: {  	[tilespmem:s22], [sflag:$0x1] =	stream.linear.gather [hbm4b:s23+s2], $0x80, $0x38;
	(v2sf) =	vpush v0, $0xA;
	[tilespmem:$0x11000] =	vst v63  }
0x3b5: {  	s21 =	sadd.s32 s10, s21;
	s22 =	sadd.s32 s10, s29;
	s23 =	sand.u32 $0x1FFFFFF0, s30  }
0x3b6: {  	[tilespmem:s24], [sflag:$0x1] =	stream.linear.gather [hbm4b:s21+s2], $0x80, $0x38;
	(v2sf) =	vpush v0, $0xB;
	[tilespmem:$0x11000] =	vst v63  }
0x3b7: {  	s21 =	sadd.s32 s10, s23;
	s23 =	sadd.s32 $0x1580, s0;
	s24 =	spop (v2sf)  }
0x3b8: {  	[tilespmem:s20], [sflag:$0x1] =	stream.linear.gather [hbm4b:s22+s2], $0x80, $0x38;
	(v2sf) =	vpush v0, $0xC;
	[tilespmem:$0x11000] =	vst v63  }
0x3b9: {  	s20 =	sand.u32 $0x1FFFFFF0, s24;
	s22 =	sadd.s32 $0x1500, s0;
	s24 =	spop (v2sf)  }
0x3ba: {  	[tilespmem:s4], [sflag:$0x1] =	stream.linear.gather [hbm4b:s21+s2], $0x80, $0x38;
	(v2sf) =	vpush v0, $0xD;
	[tilespmem:$0x11000] =	vst v63  }
0x3bb: {  	s4 =	sadd.s32 s10, s20;
	s20 =	sand.u32 $0x1FFFFFF0, s24;
	s21 =	spop (v2sf)  }
0x3bc: {  	[tilespmem:s5], [sflag:$0x1] =	stream.linear.gather [hbm4b:s4+s2], $0x80, $0x38;
	(v2sf) =	vpush v0, $0xE;
	[tilespmem:$0x11000] =	vst v63  }
0x3bd: {  	s4 =	sadd.s32 s10, s20;
	s5 =	sand.u32 $0x1FFFFFF0, s21;
	s20 =	spop (v2sf)  }
0x3be: {  	[tilespmem:s7], [sflag:$0x1] =	stream.linear.gather [hbm4b:s4+s2], $0x80, $0x38;
	(v2sf) =	vpush v0, $0xF;
	[tilespmem:$0x11000] =	vst v63  }
0x3bf: {  	s4 =	sadd.s32 s10, s5;
	s5 =	sand.u32 $0x1FFFFFF0, s20;
	s7 =	spop (v2sf)  }
0x3c0: {  	[tilespmem:s19], [sflag:$0x1] =	stream.linear.gather [hbm4b:s4+s2], $0x80, $0x38;
	[tilespmem:$0x11000] =	vst v63  }
0x3c1: {  	s4 =	sadd.s32 s10, s5;
	s5 =	sand.u32 $0x1FFFFFF0, s7;
	s7 =	spop (v2sf)  }
0x3c2: {  	[tilespmem:s28], [sflag:$0x1] =	stream.linear.gather [hbm4b:s4+s2], $0x80, $0x38;
	[tilespmem:$0x11000] =	vst v63  }
0x3c3: {  	s4 =	sadd.s32 s10, s5;
	s5 =	sand.u32 $0x1FFFFFF0, s7;
	s7 =	spop (v2sf)  }
0x3c4: {  	[tilespmem:s18], [sflag:$0x1] =	stream.linear.gather [hbm4b:s4+s2], $0x80, $0x38;
	[tilespmem:$0x11000] =	vst v63  }
0x3c5: {  	s4 =	sadd.s32 s10, s5;
	s5 =	sand.u32 $0x1FFFFFF0, s7;
	s7 =	spop (v2sf)  }
0x3c6: {  	[tilespmem:s17], [sflag:$0x1] =	stream.linear.gather [hbm4b:s4+s2], $0x80, $0x38;
	[tilespmem:$0x11000] =	vst v63  }
0x3c7: {  	s4 =	sadd.s32 s10, s5;
	s5 =	sand.u32 $0x1FFFFFF0, s7;
	s7 =	spop (v2sf)  }
0x3c8: {  	[tilespmem:s22], [sflag:$0x1] =	stream.linear.gather [hbm4b:s4+s2], $0x80, $0x38;
	[tilespmem:$0x11000] =	vst v63  }
0x3c9: {  	s4 =	sadd.s32 s10, s5;
	s5 =	sand.u32 $0x1FFFFFF0, s7;
	s7 =	spop (v2sf)  }
0x3ca: {  	[tilespmem:s23], [sflag:$0x1] =	stream.linear.gather [hbm4b:s4+s2], $0x80, $0x38;
	[tilespmem:$0x11000] =	vst v63  }
0x3cb: {  	s4 =	sadd.s32 s10, s5;
	s5 =	sand.u32 $0x1FFFFFF0, s7;
	s7 =	spop (v2sf)  }
0x3cc: {  	[tilespmem:s16], [sflag:$0x1] =	stream.linear.gather [hbm4b:s4+s2], $0x80, $0x38;
	[tilespmem:$0x11000] =	vst v63  }
0x3cd: {  	s4 =	sadd.s32 s10, s5;
	s5 =	sand.u32 $0x1FFFFFF0, s7;
	s7 =	spop (v2sf)  }
0x3ce: {  	[tilespmem:s15], [sflag:$0x1] =	stream.linear.gather [hbm4b:s4+s2], $0x80, $0x38;
	[tilespmem:$0x11000] =	vst v63  }
0x3cf: {  	s0 =	sadd.s32 $0x1700, s0;
	s4 =	sadd.s32 s10, s5;
	s5 =	sand.u32 $0x1FFFFFF0, s7  }
0x3d0: {  	[tilespmem:s0], [sflag:$0x1] =	stream.linear.gather [hbm4b:s4+s2], $0x80, $0x38;
	[tilespmem:$0x11000] =	vst v63  }
0x3d1: {  	p0 =	sne.s32 s12, $0x3E000;
	s0 =	sor.u32 $0x380, s26;
	s4 =	sadd.s32 s10, s5  }
0x3d2: {  	[tilespmem:s14], [sflag:$0x1] =	stream.linear.gather [hbm4b:s4+s2], $0x80, $0x38;
	[tilespmem:$0x11000] =	vst v63  }
0x3d3: {  	s26 =	smov.u32 s13;
	s4 =	smov.u32 s12;
	s12 =	sadd.s32 $0x2000, s12;
	v0 =	vld [tilespmem:s0+$0x0]  }
0x3d4: {  	_ =	sdelay $0x3  }
0x3d5: {  	v0 =	vshll.u32 v0, $0x4  }
0x3d6: {  	(v2sf) =	vpush v0, $0x1  }
0x3d7: {  	(v2sf) =	vpush v0, $0x0  }
0x3d8: {  	(v2sf) =	vpush v0, $0x2  }
0x3d9: {  	(v2sf) =	vpush v0, $0x3;
	_ =	sdelay $0x2  }
.Ltmp7:
0x3da: {  	(pc) =	sbr.rel @p0 .LBB2_16-.Ltmp7, $3  }
0x3db: {  	(v2sf) =	vpush v0, $0x4;
	_ =	sdelay $0x1  }
0x3dc: {  	(v2sf) =	vpush v0, $0x5  }
0x3dd: {  	s0 =	sshra.s32 s25, $0x2;
	s25 =	smov.u32 s4  }
0x3de: {  	_ =	sdelay $0x3  }
0x3df: {  	s1 =	spop (v2sf)  }
0x3e0: {  	s4 =	spop (v2sf)  }
0x3e1: {  	s4 =	sand.u32 $0x1FFFFFF0, s4  }
0x3e2: {  	s5 =	sadd.s32 $0x1000, s0;
	s29 =	spop (v2sf);
	(v2sf) =	vpush v0, $0x6;
	s4 =	sadd.s32 s10, s4  }
0x3e3: {  	[tilespmem:s5], [sflag:$0x1] =	stream.linear.gather [hbm4b:s4+s2], $0x80, $0x38;
	[tilespmem:$0x11000] =	vst v63  }
0x3e4: {  	s4 =	spop (v2sf);
	(v2sf) =	vpush v0, $0x7  }
0x3e5: {  	s1 =	sand.u32 $0x1FFFFFF0, s1  }
0x3e6: {  	s28 =	sadd.s32 $0x1080, s0;
	s1 =	sadd.s32 s10, s1  }
0x3e7: {  	[tilespmem:s28], [sflag:$0x1] =	stream.linear.gather [hbm4b:s1+s2], $0x80, $0x38;
	[tilespmem:$0x11000] =	vst v63  }
0x3e8: {  	s1 =	sand.u32 $0x1FFFFFF0, s29  }
0x3e9: {  	s30 =	sadd.s32 $0x1100, s0;
	s1 =	sadd.s32 s10, s1;
	s7 =	spop (v2sf)  }
0x3ea: {  	(v2sf) =	vpush v0, $0x8;
	[tilespmem:s30], [sflag:$0x1] =	stream.linear.gather [hbm4b:s1+s2], $0x80, $0x38;
	[tilespmem:$0x11000] =	vst v63  }
0x3eb: {  	s1 =	sand.u32 $0x1FFFFFF0, s4  }
0x3ec: {  	s5 =	sadd.s32 $0x1180, s0;
	s1 =	sadd.s32 s10, s1;
	s12 =	spop (v2sf);
	(v2sf) =	vpush v0, $0x9  }
0x3ed: {  	[tilespmem:s5], [sflag:$0x1] =	stream.linear.gather [hbm4b:s1+s2], $0x80, $0x38;
	[tilespmem:$0x11000] =	vst v63  }
0x3ee: {  	s1 =	sand.u32 $0x1FFFFFF0, s7  }
0x3ef: {  	s11 =	sadd.s32 $0x1200, s0;
	s1 =	sadd.s32 s10, s1  }
0x3f0: {  	[tilespmem:s11], [sflag:$0x1] =	stream.linear.gather [hbm4b:s1+s2], $0x80, $0x38;
	[tilespmem:$0x11000] =	vst v63  }
0x3f1: {  	s14 =	spop (v2sf);
	(v2sf) =	vpush v0, $0xA  }
0x3f2: {  	s1 =	sand.u32 $0x1FFFFFF0, s12  }
0x3f3: {  	s13 =	sadd.s32 $0x1280, s0;
	s1 =	sadd.s32 s10, s1;
	s16 =	spop (v2sf);
	(v2sf) =	vpush v0, $0xB  }
0x3f4: {  	[tilespmem:s13], [sflag:$0x1] =	stream.linear.gather [hbm4b:s1+s2], $0x80, $0x38;
	[tilespmem:$0x11000] =	vst v63  }
0x3f5: {  	s1 =	sand.u32 $0x1FFFFFF0, s14  }
0x3f6: {  	s15 =	sadd.s32 $0x1300, s0;
	s1 =	sadd.s32 s10, s1  }
0x3f7: {  	[tilespmem:s15], [sflag:$0x1] =	stream.linear.gather [hbm4b:s1+s2], $0x80, $0x38;
	[tilespmem:$0x11000] =	vst v63  }
0x3f8: {  	s1 =	sand.u32 $0x1FFFFFF0, s16  }
0x3f9: {  	s17 =	sadd.s32 $0x1380, s0;
	s1 =	sadd.s32 s10, s1;
	s18 =	spop (v2sf);
	(v2sf) =	vpush v0, $0xC  }
0x3fa: {  	[tilespmem:s17], [sflag:$0x1] =	stream.linear.gather [hbm4b:s1+s2], $0x80, $0x38;
	[tilespmem:$0x11000] =	vst v63  }
0x3fb: {  	s20 =	spop (v2sf);
	(v2sf) =	vpush v0, $0xD  }
0x3fc: {  	s1 =	sand.u32 $0x1FFFFFF0, s18  }
0x3fd: {  	s19 =	sadd.s32 $0x1400, s0;
	s1 =	sadd.s32 s10, s1  }
0x3fe: {  	[tilespmem:s19], [sflag:$0x1] =	stream.linear.gather [hbm4b:s1+s2], $0x80, $0x38;
	[tilespmem:$0x11000] =	vst v63  }
0x3ff: {  	s1 =	sand.u32 $0x1FFFFFF0, s20  }
0x400: {  	s21 =	sadd.s32 $0x1480, s0;
	s1 =	sadd.s32 s10, s1;
	s22 =	spop (v2sf);
	(v2sf) =	vpush v0, $0xE  }
0x401: {  	[tilespmem:s21], [sflag:$0x1] =	stream.linear.gather [hbm4b:s1+s2], $0x80, $0x38;
	[tilespmem:$0x11000] =	vst v63  }
0x402: {  	s1 =	sand.u32 $0x1FFFFFF0, s22;
	s24 =	spop (v2sf);
	(v2sf) =	vpush v0, $0xF  }
0x403: {  	s23 =	sadd.s32 $0x1500, s0;
	s1 =	sadd.s32 s10, s1  }
0x404: {  	[tilespmem:s23], [sflag:$0x1] =	stream.linear.gather [hbm4b:s1+s2], $0x80, $0x38;
	[tilespmem:$0x11000] =	vst v63  }
0x405: {  	s1 =	sand.u32 $0x1FFFFFF0, s24  }
0x406: {  	s28 =	sadd.s32 $0x1580, s0;
	s1 =	sadd.s32 s10, s1  }
0x407: {  	[tilespmem:s28], [sflag:$0x1] =	stream.linear.gather [hbm4b:s1+s2], $0x80, $0x38;
	[tilespmem:$0x11000] =	vst v63  }
0x408: {  	s29 =	spop (v2sf)  }
0x409: {  	s1 =	sand.u32 $0x1FFFFFF0, s29  }
0x40a: {  	s30 =	sadd.s32 $0x1600, s0;
	s1 =	sadd.s32 s10, s1;
	s5 =	spop (v2sf)  }
0x40b: {  	[tilespmem:s30], [sflag:$0x1] =	stream.linear.gather [hbm4b:s1+s2], $0x80, $0x38;
	[tilespmem:$0x11000] =	vst v63  }
0x40c: {  	s1 =	sand.u32 $0x1FFFFFF0, s5  }
0x40d: {  	s7 =	sadd.s32 $0x1680, s0;
	s1 =	sadd.s32 s10, s1  }
0x40e: {  	[tilespmem:s7], [sflag:$0x1] =	stream.linear.gather [hbm4b:s1+s2], $0x80, $0x38;
	[tilespmem:$0x11000] =	vst v63  }
0x40f: {  	s11 =	spop (v2sf)  }
0x410: {  	s1 =	sand.u32 $0x1FFFFFF0, s11  }
0x411: {  	s12 =	sadd.s32 $0x1700, s0;
	s1 =	sadd.s32 s10, s1;
	s13 =	spop (v2sf)  }
0x412: {  	[tilespmem:s12], [sflag:$0x1] =	stream.linear.gather [hbm4b:s1+s2], $0x80, $0x38;
	[tilespmem:$0x11000] =	vst v63  }
0x413: {  	s1 =	sand.u32 $0x1FFFFFF0, s13  }
0x414: {  	s14 =	sadd.s32 $0x1780, s0;
	s15 =	sor.u32 $0x380, s26;
	s1 =	sadd.s32 s10, s1  }
0x415: {  	[tilespmem:s14], [sflag:$0x1] =	stream.linear.gather [hbm4b:s1+s2], $0x80, $0x38;
	[tilespmem:$0x11000] =	vst v63  }
0x416: {  	v63 =	vld [tilespmem:s15+$0x0];
	_ =	sdelay $0x4  }
0x417: {  	v0 =	vshll.u32 v63, $0x4  }
0x418: {  	(v2sf) =	vpush v0, $0x1;
	_ =	sdelay $0x1  }
0x419: {  	(v2sf) =	vpush v0, $0x0;
	_ =	sdelay $0x1  }
0x41a: {  	(v2sf) =	vpush v0, $0x2;
	_ =	sdelay $0x2  }
0x41b: {  	(v2sf) =	vpush v0, $0x3;
	_ =	sdelay $0x7  }
0x41c: {  	s16 =	spop (v2sf);
	(v2sf) =	vpush v0, $0x4;
	_ =	sdelay $0x1  }
0x41d: {  	s17 =	spop (v2sf);
	(v2sf) =	vpush v0, $0x5;
	_ =	sdelay $0x1  }
0x41e: {  	s20 =	spop (v2sf);
	(v2sf) =	vpush v0, $0x6;
	_ =	sdelay $0x2  }
0x41f: {  	s0 =	sshra.s32 s25, $0x2;
	s4 =	sand.u32 $0x1FFFFFF0, s17;
	s22 =	spop (v2sf);
	(v2sf) =	vpush v0, $0x7  }
0x420: {  	s18 =	sadd.s32 $0x1000, s0;
	s1 =	sand.u32 $0x1FFFFFF0, s16;
	s4 =	sadd.s32 s10, s4  }
0x421: {  	[tilespmem:s18], [sflag:$0x1] =	stream.linear.gather [hbm4b:s4+s2], $0x80, $0x38;
	[tilespmem:$0x11000] =	vst v63  }
0x422: {  	s19 =	sadd.s32 $0x1080, s0;
	s1 =	sadd.s32 s10, s1  }
0x423: {  	[tilespmem:s19], [sflag:$0x1] =	stream.linear.gather [hbm4b:s1+s2], $0x80, $0x38;
	[tilespmem:$0x11000] =	vst v63  }
0x424: {  	s1 =	sand.u32 $0x1FFFFFF0, s20  }
0x425: {  	s21 =	sadd.s32 $0x1100, s0;
	s1 =	sadd.s32 s10, s1  }
0x426: {  	[tilespmem:s21], [sflag:$0x1] =	stream.linear.gather [hbm4b:s1+s2], $0x80, $0x38;
	[tilespmem:$0x11000] =	vst v63  }
0x427: {  	s24 =	spop (v2sf);
	(v2sf) =	vpush v0, $0x8  }
0x428: {  	s1 =	sand.u32 $0x1FFFFFF0, s22  }
0x429: {  	s23 =	sadd.s32 $0x1180, s0;
	s1 =	sadd.s32 s10, s1;
	s26 =	spop (v2sf);
	(v2sf) =	vpush v0, $0x9  }
0x42a: {  	[tilespmem:s23], [sflag:$0x1] =	stream.linear.gather [hbm4b:s1+s2], $0x80, $0x38;
	[tilespmem:$0x11000] =	vst v63  }
0x42b: {  	s1 =	sand.u32 $0x1FFFFFF0, s24;
	s29 =	spop (v2sf);
	(v2sf) =	vpush v0, $0xA  }
0x42c: {  	s25 =	sadd.s32 $0x1200, s0;
	s1 =	sadd.s32 s10, s1  }
0x42d: {  	[tilespmem:s25], [sflag:$0x1] =	stream.linear.gather [hbm4b:s1+s2], $0x80, $0x38;
	[tilespmem:$0x11000] =	vst v63  }
0x42e: {  	s4 =	spop (v2sf);
	(v2sf) =	vpush v0, $0xB  }
0x42f: {  	s1 =	sand.u32 $0x1FFFFFF0, s26  }
0x430: {  	s28 =	sadd.s32 $0x1280, s0;
	s1 =	sadd.s32 s10, s1  }
0x431: {  	[tilespmem:s28], [sflag:$0x1] =	stream.linear.gather [hbm4b:s1+s2], $0x80, $0x38;
	[tilespmem:$0x11000] =	vst v63  }
0x432: {  	s1 =	sand.u32 $0x1FFFFFF0, s29  }
0x433: {  	s30 =	sadd.s32 $0x1300, s0;
	s1 =	sadd.s32 s10, s1  }
0x434: {  	[tilespmem:s30], [sflag:$0x1] =	stream.linear.gather [hbm4b:s1+s2], $0x80, $0x38;
	[tilespmem:$0x11000] =	vst v63  }
0x435: {  	s1 =	sand.u32 $0x1FFFFFF0, s4  }
0x436: {  	s5 =	sadd.s32 $0x1380, s0;
	s1 =	sadd.s32 s10, s1;
	s7 =	spop (v2sf);
	(v2sf) =	vpush v0, $0xC  }
0x437: {  	[tilespmem:s5], [sflag:$0x1] =	stream.linear.gather [hbm4b:s1+s2], $0x80, $0x38;
	[tilespmem:$0x11000] =	vst v63  }
0x438: {  	s12 =	spop (v2sf);
	(v2sf) =	vpush v0, $0xD  }
0x439: {  	s1 =	sand.u32 $0x1FFFFFF0, s7  }
0x43a: {  	s11 =	sadd.s32 $0x1400, s0;
	s1 =	sadd.s32 s10, s1;
	s14 =	spop (v2sf)  }
0x43b: {  	(v2sf) =	vpush v0, $0xE;
	[tilespmem:s11], [sflag:$0x1] =	stream.linear.gather [hbm4b:s1+s2], $0x80, $0x38;
	[tilespmem:$0x11000] =	vst v63  }
0x43c: {  	s1 =	sand.u32 $0x1FFFFFF0, s12  }
0x43d: {  	s13 =	sadd.s32 $0x1480, s0;
	s16 =	spop (v2sf);
	s1 =	sadd.s32 s10, s1  }
0x43e: {  	(v2sf) =	vpush v0, $0xF;
	[tilespmem:s13], [sflag:$0x1] =	stream.linear.gather [hbm4b:s1+s2], $0x80, $0x38;
	[tilespmem:$0x11000] =	vst v63  }
0x43f: {  	s1 =	sand.u32 $0x1FFFFFF0, s14  }
0x440: {  	s15 =	sadd.s32 $0x1500, s0;
	s1 =	sadd.s32 s10, s1  }
0x441: {  	[tilespmem:s15], [sflag:$0x1] =	stream.linear.gather [hbm4b:s1+s2], $0x80, $0x38;
	[tilespmem:$0x11000] =	vst v63  }
0x442: {  	s1 =	sand.u32 $0x1FFFFFF0, s16  }
0x443: {  	s17 =	sadd.s32 $0x1580, s0;
	s1 =	sadd.s32 s10, s1  }
0x444: {  	[tilespmem:s17], [sflag:$0x1] =	stream.linear.gather [hbm4b:s1+s2], $0x80, $0x38;
	[tilespmem:$0x11000] =	vst v63  }
0x445: {  	s18 =	spop (v2sf)  }
0x446: {  	s1 =	sand.u32 $0x1FFFFFF0, s18  }
0x447: {  	s19 =	sadd.s32 $0x1600, s0;
	s20 =	spop (v2sf);
	s1 =	sadd.s32 s10, s1  }
0x448: {  	[tilespmem:s19], [sflag:$0x1] =	stream.linear.gather [hbm4b:s1+s2], $0x80, $0x38;
	[tilespmem:$0x11000] =	vst v63  }
0x449: {  	s1 =	sand.u32 $0x1FFFFFF0, s20  }
0x44a: {  	s21 =	sadd.s32 $0x1680, s0;
	s22 =	spop (v2sf);
	s1 =	sadd.s32 s10, s1  }
0x44b: {  	[tilespmem:s21], [sflag:$0x1] =	stream.linear.gather [hbm4b:s1+s2], $0x80, $0x38;
	[tilespmem:$0x11000] =	vst v63  }
0x44c: {  	s1 =	sand.u32 $0x1FFFFFF0, s22  }
0x44d: {  	s23 =	sadd.s32 $0x1700, s0;
	s24 =	spop (v2sf);
	s1 =	sadd.s32 s10, s1  }
0x44e: {  	[tilespmem:s23], [sflag:$0x1] =	stream.linear.gather [hbm4b:s1+s2], $0x80, $0x38;
	[tilespmem:$0x11000] =	vst v63  }
0x44f: {  	s1 =	sand.u32 $0x1FFFFFF0, s24  }
0x450: {  	s0 =	sadd.s32 $0x1780, s0;
	s25 =	simm.s32 $0x1;
	s1 =	sadd.s32 s10, s1  }
0x451: {  	[tilespmem:s0], [sflag:$0x1] =	stream.linear.gather [hbm4b:s1+s2], $0x80, $0x38;
	[tilespmem:$0x11000] =	vst v63  }
0x452: {  	_ =	swait.ge [sflag:s25], $0x10000  }
0x453: {  	[sflag:s25] =	ssyncset.done $0x0  }
0x454: {  	s28 =	simm.s32 $0x1000;
	s26 =	rddreg [dreg:$0xd];
	[sflag:s25] =	ssyncadd.s32 $0xFFFF0000  }
0x455: {  	[hbm4b:s26+s2] =	stream.linear.scatter [tilespmem:s28], [sflag:$0x2], $0x10000, $0x38;
	[tilespmem:$0x11000] =	vst v63  }
0x456: {  	_ =	swait.ge [sflag:s31], $0x10000  }
0x457: {  	s29 =	rddreg [dreg:$0xf]  }
0x458: {  	s30 =	rddreg [dreg:$0xe];
	s1 =	sadd.s32 $0x1, s29  }
0x459: {  	p0 =	sne.s32 s1, s30  }
.Ltmp8:
0x45a: {  	_ = 	snop;
	(pc) =	sbr.rel @p0 .LBB2_1-.Ltmp8, $3  }
0x45b: {  	_ =	sdelay $0x1  }
0x45c: {  	[sflag:s31] =	ssyncset.done $0x0  }
0x45d: {  	[sflag:s31] =	ssyncadd.s32 $0xFFFF0000  }
0x45e: {  	_ =	sfence.sel $0x180000  }
0x45f: {  	[bflag:$0x0] =	sbarrier.arrive $0xFFFF  }
0x460: {  	_ =	strace $0x90000047  }
0x461: {  	s0 =	stileid.u32;
	[bflag:$0x2] =	sbarrier.arrive $0xFFFF  }
0x462: {  	p0 =	sne.s32 s0, $0x0;
	s0 =	rddreg [dreg:$0x1]  }
0x463: {  	s0 =	sadd.s32 @!p0 $0x100000, s0  }
0x464: {  	[sflag:s0] =	ssyncadd.tile.s32 @!p0 $0x1;
	_ =	shalt  }
.Lfunc_end2:
_tile_overlayer_lowered:
.L_overlay_start_2:
0x465: {  	(tag) =	ssettag $0x2  }
0x466: {  	s0 =	rddreg [dreg:$0x0];
	s2 =	stileid.u32  }
0x467: {  	s1 =	rddreg [dreg:$0x1];
	p0 =	sne.s32 s2, $0x0  }
0x468: {  	s3 =	rddreg [dreg:$0x2];
	[bflag:$0x3] =	sbarrier.arrive $0xFFFF;
	s2 =	simm.s32 @!p0 $0x1C02  }
0x469: {  	[timem:s3], [sflag:s2] =	dma.local @!p0 [hbm:s0], s1  }
0x46a: {  	s0 =	simm.s32 @!p0 $0x2  }
0x46b: {  	_ =	swait.ge @!p0 [sflag:s0], s1  }
0x46c: {  	s1 =	ssub.s32 @!p0 $0x0, s1;
	[sflag:s0] =	ssyncset.done @!p0 $0x0  }
0x46d: {  	[sflag:s0] =	ssyncadd.s32 @!p0 s1  }
0x46e: {  	[bflag:$0x3] =	sbarrier.arrive $0xFFFF  }
0x46f: {  	_ =	shalt  }

</sc_bundles>
